<compile_context>
chip_gen: v7x
topology: tpu7x:2x2x1
jax: 0.10.2.dev20260603
libtpu: 0.0.44.dev20260713+nightly
codegen_flags: <defaults>
</compile_context>

<pallas_src>
import dataclasses
import functools

import jax
import jax.numpy as jnp
from jax import lax
from jax.experimental import pallas as pl
from jax.experimental.pallas import tpu as pltpu
from jax.experimental.pallas import tpu_sc as plsc

N = 10000
E = 320000
D_IN = 128
H = 32
C = 16

NC = 2
NS = 16
L = 16
NW = NC * NS
BLK = 128
NBLK = 80
PERW = NBLK * BLK
EPAD = NW * PERW
KG = 8
NGRP = NBLK // KG
NP = 10240
DEG_ROWS = NP // L
DR_SUB = DEG_ROWS // NS
NP_SUB = NP // NS

_mesh = plsc.VectorSubcoreMesh(core_axis_name="c", subcore_axis_name="s")

_sc_params = pltpu.CompilerParams()
if "needs_layout_passes" in pltpu.CompilerParams.__dataclass_fields__:
    _sc_params = dataclasses.replace(_sc_params, needs_layout_passes=False)
if "use_tc_tiling_on_sc" in pltpu.CompilerParams.__dataclass_fields__:
    _sc_params = dataclasses.replace(_sc_params, use_tc_tiling_on_sc=False)


def _deg_body(dst_hbm, iota_hbm, z_hbm, out_hbm, dflat, hist, ibuf, deg_sh):
    c = lax.axis_index("c")
    s = lax.axis_index("s")
    w = s * NC + c
    pltpu.sync_copy(z_hbm, hist)
    pltpu.sync_copy(z_hbm.at[pl.ds(s * DR_SUB, DR_SUB)],
                    deg_sh.at[pl.ds(s * DR_SUB, DR_SUB)])
    pltpu.sync_copy(dst_hbm.at[w], dflat)
    plsc.subcore_barrier()

    ones = jnp.ones((L,), jnp.float32)

    @pl.loop(0, PERW // L)
    def _vecs(j):
        idx = dflat[pl.ds(j * L, L)]
        row = jnp.right_shift(idx, 4)
        lane = jnp.bitwise_and(idx, 15)
        plsc.addupdate_scatter(hist, [row, lane], ones)

    @pl.loop(0, DEG_ROWS // BLK)
    def _merge(k):
        pltpu.sync_copy(iota_hbm.at[pl.ds(k * BLK, BLK)], ibuf)
        pltpu.sync_copy(hist.at[pl.ds(k * BLK, BLK)], deg_sh.at[ibuf], add=True)

    plsc.subcore_barrier()
    pltpu.sync_copy(deg_sh.at[pl.ds(s * DR_SUB, DR_SUB)],
                    out_hbm.at[c, pl.ds(s * DR_SUB, DR_SUB)])


_deg_pass = pl.kernel(
    _deg_body,
    out_type=jax.ShapeDtypeStruct((NC, DEG_ROWS, L), jnp.float32),
    mesh=_mesh,
    scratch_types=[
        pltpu.VMEM((PERW,), jnp.int32),
        pltpu.VMEM((DEG_ROWS, L), jnp.float32),
        pltpu.VMEM((BLK,), jnp.int32),
        pltpu.VMEM_SHARED((DEG_ROWS, L), jnp.float32),
    ],
    compiler_params=_sc_params,
)


def _edge_body(g_hbm, src_hbm, dst_hbm, z_hbm, out_hbm,
               srcb, dstb, rows_a, rows_b, g_sh, acc_sh, gsem_a, gsem_b,
               ssem_a, ssem_b):
    c = lax.axis_index("c")
    s = lax.axis_index("s")
    w = s * NC + c
    pltpu.sync_copy(z_hbm.at[pl.ds(s * NP_SUB, NP_SUB)],
                    acc_sh.at[pl.ds(s * NP_SUB, NP_SUB)])
    pltpu.sync_copy(g_hbm.at[pl.ds(s * NP_SUB, NP_SUB)],
                    g_sh.at[pl.ds(s * NP_SUB, NP_SUB)])
    pltpu.sync_copy(src_hbm.at[w], srcb)
    pltpu.sync_copy(dst_hbm.at[w], dstb)
    plsc.subcore_barrier()

    def fire_gathers(grp, rows, sem):
        for j in range(KG):
            pltpu.async_copy(g_sh.at[srcb.at[grp * KG + j]],
                             rows.at[pl.ds(j * BLK, BLK)], sem)

    def fire_scatters(grp, rows, sem):
        for j in range(KG):
            pltpu.async_copy(rows.at[pl.ds(j * BLK, BLK)],
                             acc_sh.at[dstb.at[grp * KG + j]], sem, add=True)

    def drain(ref, sem):
        pltpu.make_async_copy(z_hbm.at[pl.ds(0, KG * BLK)], ref, sem).wait()

    fire_gathers(0, rows_a, gsem_a)

    @pl.loop(0, NGRP // 2)
    def _pairs(t):
        ga = 2 * t
        gb = 2 * t + 1
        drain(rows_a, gsem_a)
        fire_gathers(gb, rows_b, gsem_b)
        fire_scatters(ga, rows_a, ssem_a)
        drain(rows_b, gsem_b)
        drain(rows_a, ssem_a)

        @pl.when(t < NGRP // 2 - 1)
        def _prefetch():
            fire_gathers(ga + 2, rows_a, gsem_a)

        fire_scatters(gb, rows_b, ssem_b)
        drain(rows_b, ssem_b)

    plsc.subcore_barrier()
    pltpu.sync_copy(acc_sh.at[pl.ds(s * NP_SUB, NP_SUB)],
                    out_hbm.at[c, pl.ds(s * NP_SUB, NP_SUB)])


_edge_pass = pl.kernel(
    _edge_body,
    out_type=jax.ShapeDtypeStruct((NC, NP, H), jnp.float32),
    mesh=_mesh,
    scratch_types=[
        pltpu.VMEM((NBLK, BLK), jnp.int32),
        pltpu.VMEM((NBLK, BLK), jnp.int32),
        pltpu.VMEM((KG * BLK, H), jnp.float32),
        pltpu.VMEM((KG * BLK, H), jnp.float32),
        pltpu.VMEM_SHARED((NP, H), jnp.float32),
        pltpu.VMEM_SHARED((NP, H), jnp.float32),
        pltpu.SemaphoreType.DMA,
        pltpu.SemaphoreType.DMA,
        pltpu.SemaphoreType.DMA,
        pltpu.SemaphoreType.DMA,
    ],
    compiler_params=_sc_params,
)


def _mm_body(x_ref, w_ref, o_ref):
    o_ref[...] = jnp.dot(x_ref[...], w_ref[...],
                         preferred_element_type=jnp.float32)


def _tc_mm(x, w):
    return pl.pallas_call(
        _mm_body,
        out_shape=jax.ShapeDtypeStruct((x.shape[0], w.shape[1]), jnp.float32),
    )(x, w)


def _scale_body(u_ref, d0_ref, d1_ref, g1_ref, dinv_ref):
    deg = d0_ref[...] + d1_ref[...] + 1.0
    dinv = lax.rsqrt(deg)
    dinv_ref[...] = dinv
    g1_ref[...] = u_ref[:, :H] * dinv[:N, :]


def _tc_scale(u, d0, d1):
    return pl.pallas_call(
        _scale_body,
        out_shape=(jax.ShapeDtypeStruct((N, H), jnp.float32),
                   jax.ShapeDtypeStruct((NP, 1), jnp.float32)),
    )(u, d0, d1)


def _layer_body(a0_ref, a1_ref, g1_ref, dinv_ref, u_ref, b_ref, w2_ref,
                g2_ref, v2_ref):
    dv = dinv_ref[:N, :]
    h1 = jnp.maximum(
        (a0_ref[:N, :] + a1_ref[:N, :] + g1_ref[...]) * dv
        + u_ref[:, H:] + b_ref[...], 0.0)
    v = jnp.dot(h1, w2_ref[...], preferred_element_type=jnp.float32)
    g2_ref[...] = v[:, :H] * dv
    v2_ref[...] = v[:, H:]


def _tc_layer(a0, a1, g1, dinv, u, b, w2):
    return pl.pallas_call(
        _layer_body,
        out_shape=(jax.ShapeDtypeStruct((N, H), jnp.float32),
                   jax.ShapeDtypeStruct((N, H), jnp.float32)),
    )(a0, a1, g1, dinv, u, b, w2)


def _final_body(a0_ref, a1_ref, g2_ref, dinv_ref, v2_ref, b_ref, cw_ref,
                cb_ref, o_ref):
    dv = dinv_ref[:N, :]
    h2 = jnp.maximum(
        (a0_ref[:N, :] + a1_ref[:N, :] + g2_ref[...]) * dv
        + v2_ref[...] + b_ref[...], 0.0)
    sm = jnp.sum(h2, axis=0, keepdims=True) * (1.0 / N)
    o_ref[...] = jnp.dot(sm, cw_ref[...],
                         preferred_element_type=jnp.float32) + cb_ref[...]


def _tc_final(a0, a1, g2, dinv, v2, b, cw, cb):
    return pl.pallas_call(
        _final_body,
        out_shape=jax.ShapeDtypeStruct((1, C), jnp.float32),
    )(a0, a1, g2, dinv, v2, b, cw, cb)


def kernel(x, edge_index, W1, b1, S1w, S1b, W2, b2, S2w, S2b, Cw, Cb):
    src = edge_index[0]
    dst = edge_index[1]
    npad = PERW - E // NW
    pad_src = jnp.full((NW, npad), N, dtype=edge_index.dtype)
    pad_dst = jnp.broadcast_to(N + jnp.arange(npad, dtype=edge_index.dtype),
                               (NW, npad))
    srcp = jnp.concatenate([src.reshape(NW, E // NW), pad_src],
                           axis=1).reshape(NW, NBLK, BLK)
    dstp = jnp.concatenate([dst.reshape(NW, E // NW), pad_dst],
                           axis=1).reshape(NW, NBLK, BLK)
    dstf = dstp.reshape(NW, PERW)
    iota = jnp.arange(DEG_ROWS, dtype=jnp.int32)
    zdeg = jnp.zeros((DEG_ROWS, L), jnp.float32)
    zacc = jnp.zeros((NP, H), jnp.float32)

    degp = _deg_pass(dstf, iota, zdeg)
    u = _tc_mm(x, jnp.concatenate([W1, S1w], axis=1))

    d2 = degp.reshape(NC, NP, 1)
    g1, dinv = _tc_scale(u, d2[0], d2[1])
    g1p = jnp.pad(g1, ((0, NP - N), (0, 0)))
    acc1 = _edge_pass(g1p, srcp, dstp, zacc)

    g2, v2 = _tc_layer(acc1[0], acc1[1], g1, dinv, u,
                       (b1 + S1b).reshape(1, H),
                       jnp.concatenate([W2, S2w], axis=1))
    g2p = jnp.pad(g2, ((0, NP - N), (0, 0)))
    acc2 = _edge_pass(g2p, srcp, dstp, zacc)

    return _tc_final(acc2[0], acc2[1], g2, dinv, v2,
                     (b2 + S2b).reshape(1, H), Cw, Cb.reshape(1, C))

# --- scband reference (transcript-rebuilt; emitter-appended) ---
"""Pipeline reference for scband-flat-model-3521873183179 (READ-ONLY COPY).

The authoritative reference and input builder live on the scoring server;
editing this copy changes nothing except your own understanding.
"""

import jax, jax.numpy as jnp
import numpy as np

N = 10000
E = 320000
D_IN = 128
H = 32
C = 16


def gcn_conv(x, edge_index, W, b):
    # PyG-style GCNConv: h = X W; out = D^-1/2 (A+I) D^-1/2 h + b
    src = edge_index[0]
    dst = edge_index[1]
    loop = jnp.arange(N, dtype=src.dtype)
    src = jnp.concatenate([src, loop])
    dst = jnp.concatenate([dst, loop])
    h = x @ W
    deg = jax.ops.segment_sum(jnp.ones_like(dst, dtype=h.dtype), dst, num_segments=N)
    dinv = jnp.where(deg > 0, 1.0 / jnp.sqrt(deg), 0.0)
    norm = dinv[src] * dinv[dst]
    msg = h[src] * norm[:, None]
    out = jax.ops.segment_sum(msg, dst, num_segments=N)
    return out + b


def setup_inputs(seed: int = 0) -> dict:
    key = jax.random.key(seed)
    ks = jax.random.split(key, 12)
    x = jax.random.normal(ks[0], (N, D_IN), dtype=jnp.float32)
    edge_index = jax.random.randint(ks[1], (2, E), 0, N, dtype=jnp.int32)
    W1 = jax.random.normal(ks[2], (D_IN, H), dtype=jnp.float32) * 0.05
    b1 = jnp.zeros((H,), dtype=jnp.float32)
    S1w = jax.random.normal(ks[3], (D_IN, H), dtype=jnp.float32) * 0.05
    S1b = jnp.zeros((H,), dtype=jnp.float32)
    W2 = jax.random.normal(ks[4], (H, H), dtype=jnp.float32) * 0.05
    b2 = jnp.zeros((H,), dtype=jnp.float32)
    S2w = jax.random.normal(ks[5], (H, H), dtype=jnp.float32) * 0.05
    S2b = jnp.zeros((H,), dtype=jnp.float32)
    Cw = jax.random.normal(ks[6], (H, C), dtype=jnp.float32) * 0.05
    Cb = jnp.zeros((C,), dtype=jnp.float32)
    return {"x": x, "edge_index": edge_index, "W1": W1, "b1": b1, "S1w": S1w, "S1b": S1b, "W2": W2, "b2": b2, "S2w": S2w, "S2b": S2b, "Cw": Cw, "Cb": Cb}


def reference(x, edge_index, W1, b1, S1w, S1b, W2, b2, S2w, S2b, Cw, Cb):
    h = jax.nn.relu(gcn_conv(x, edge_index, W1, b1) + x @ S1w + S1b)
    h = jax.nn.relu(gcn_conv(h, edge_index, W2, b2) + h @ S2w + S2b)
    x_avg = jnp.mean(h, axis=0, keepdims=True)
    out = x_avg @ Cw + Cb
    return out

if __name__ == "__main__":
    import jax
    _d = setup_inputs()
    print(jax.jit(kernel)(*tuple(_d.values())))

</pallas_src>

<mosaic_0001>
#map = affine_map<(d0, d1) -> (0, 0)>
#map1 = affine_map<(d0, d1) -> (0)>
#map2 = affine_map<(d0, d1) -> (0, 0, 0)>
module attributes {stable_mosaic.version = 14 : i64} {
  func.func @_deg_body(%arg0: i32, %arg1: i32, %arg2: memref<32x10240xi32, #tpu.memory_space<hbm>>, %arg3: memref<640xi32, #tpu.memory_space<hbm>>, %arg4: memref<640x16xf32, #tpu.memory_space<hbm>>, %arg5: memref<2x640x16xf32, #tpu.memory_space<hbm>>, %arg6: memref<10240xi32, #tpu.memory_space<vmem>>, %arg7: memref<640x16xf32, #tpu.memory_space<vmem>>, %arg8: memref<128xi32, #tpu.memory_space<vmem>>, %arg9: memref<640x16xf32, #tpu.memory_space<vmem_shared>>) attributes {dimension_semantics = [#tpu.dimension_semantics<core_parallel>, #tpu.dimension_semantics<subcore_parallel>], iteration_bounds = array<i64: 2, 16>, scalar_prefetch = 0 : i64, scratch_operands = 4 : i64, tpu.core_type = #tpu.core_type<sc_vector_subcore>, window_params = [{transform_indices = #map}, {transform_indices = #map1}, {transform_indices = #map}, {transform_indices = #map2}]} {
    %mul3A = arith.constant 2 : i32
    %mul3A_0 = arith.muli %arg1, %mul3A : i32
    %add3A = arith.addi %mul3A_0, %arg0 : i32
    "tpu.region"() ({
      %run_scoped3A = tpu.sem_alloc : memref<!tpu.dma_semaphore, #tpu.memory_space<semaphore_mem>>
      tpu.enqueue_dma source(%arg4 : memref<640x16xf32, #tpu.memory_space<hbm>>) target(%arg7 : memref<640x16xf32, #tpu.memory_space<vmem>>) target_semaphore(%run_scoped3A : memref<!tpu.dma_semaphore, #tpu.memory_space<semaphore_mem>>)
      tpu.wait_dma2 semaphore(%run_scoped3A : memref<!tpu.dma_semaphore, #tpu.memory_space<semaphore_mem>>) src(%arg4 : memref<640x16xf32, #tpu.memory_space<hbm>>) dst(%arg7 : memref<640x16xf32, #tpu.memory_space<vmem>>)
      tpu.yield
    }) : () -> ()
    %mul3A_1 = arith.constant 40 : i32
    %mul3A_2 = arith.muli %arg1, %mul3A_1 : i32
    %mul3A_3 = arith.constant 40 : i32
    %mul3A_4 = arith.muli %arg1, %mul3A_3 : i32
    "tpu.region"() ({
      %run_scoped3A = tpu.sem_alloc : memref<!tpu.dma_semaphore, #tpu.memory_space<semaphore_mem>>
      %dma_start3A = arith.constant 0 : i32
      %dma_start3A_20 = tpu.memref_slice %arg9[%mul3A_4, %dma_start3A] : memref<640x16xf32, #tpu.memory_space<vmem_shared>> -> memref<40x16xf32, #tpu.memory_space<vmem_shared>>
      %dma_start3A_21 = arith.constant 0 : i32
      %dma_start3A_22 = tpu.memref_slice %arg4[%mul3A_2, %dma_start3A_21] : memref<640x16xf32, #tpu.memory_space<hbm>> -> memref<40x16xf32, #tpu.memory_space<hbm>>
      tpu.enqueue_dma source(%dma_start3A_22 : memref<40x16xf32, #tpu.memory_space<hbm>>) target(%dma_start3A_20 : memref<40x16xf32, #tpu.memory_space<vmem_shared>>) target_semaphore(%run_scoped3A : memref<!tpu.dma_semaphore, #tpu.memory_space<semaphore_mem>>)
      %dma_wait3A = arith.constant 0 : i32
      %dma_wait3A_23 = tpu.memref_slice %arg9[%mul3A_4, %dma_wait3A] : memref<640x16xf32, #tpu.memory_space<vmem_shared>> -> memref<40x16xf32, #tpu.memory_space<vmem_shared>>
      %dma_wait3A_24 = arith.constant 0 : i32
      %dma_wait3A_25 = tpu.memref_slice %arg4[%mul3A_2, %dma_wait3A_24] : memref<640x16xf32, #tpu.memory_space<hbm>> -> memref<40x16xf32, #tpu.memory_space<hbm>>
      tpu.wait_dma2 semaphore(%run_scoped3A : memref<!tpu.dma_semaphore, #tpu.memory_space<semaphore_mem>>) src(%dma_wait3A_25 : memref<40x16xf32, #tpu.memory_space<hbm>>) dst(%dma_wait3A_23 : memref<40x16xf32, #tpu.memory_space<vmem_shared>>)
      tpu.yield
    }) : () -> ()
    "tpu.region"() ({
      %run_scoped3A = tpu.sem_alloc : memref<!tpu.dma_semaphore, #tpu.memory_space<semaphore_mem>>
      %dma_start3A = arith.constant 0 : i32
      %dma_start3A_20 = tpu.memref_slice %arg2[%add3A, %dma_start3A] : memref<32x10240xi32, #tpu.memory_space<hbm>> -> memref<1x10240xi32, #tpu.memory_space<hbm>>
      %dma_start3A_21 = tpu.memref_squeeze %dma_start3A_20 : memref<1x10240xi32, #tpu.memory_space<hbm>> -> memref<10240xi32, #tpu.memory_space<hbm>>
      %dma_start3A_22 = arith.constant 0 : i32
      %dma_start3A_23 = tpu.memref_slice %arg2[%add3A, %dma_start3A_22] : memref<32x10240xi32, #tpu.memory_space<hbm>> -> memref<1x10240xi32, #tpu.memory_space<hbm>>
      %dma_start3A_24 = tpu.memref_squeeze %dma_start3A_23 : memref<1x10240xi32, #tpu.memory_space<hbm>> -> memref<10240xi32, #tpu.memory_space<hbm>>
      tpu.enqueue_dma source(%dma_start3A_24 : memref<10240xi32, #tpu.memory_space<hbm>>) target(%arg6 : memref<10240xi32, #tpu.memory_space<vmem>>) target_semaphore(%run_scoped3A : memref<!tpu.dma_semaphore, #tpu.memory_space<semaphore_mem>>)
      %dma_wait3A = arith.constant 0 : i32
      %dma_wait3A_25 = tpu.memref_slice %arg2[%add3A, %dma_wait3A] : memref<32x10240xi32, #tpu.memory_space<hbm>> -> memref<1x10240xi32, #tpu.memory_space<hbm>>
      %dma_wait3A_26 = tpu.memref_squeeze %dma_wait3A_25 : memref<1x10240xi32, #tpu.memory_space<hbm>> -> memref<10240xi32, #tpu.memory_space<hbm>>
      %dma_wait3A_27 = arith.constant 0 : i32
      %dma_wait3A_28 = tpu.memref_slice %arg2[%add3A, %dma_wait3A_27] : memref<32x10240xi32, #tpu.memory_space<hbm>> -> memref<1x10240xi32, #tpu.memory_space<hbm>>
      %dma_wait3A_29 = tpu.memref_squeeze %dma_wait3A_28 : memref<1x10240xi32, #tpu.memory_space<hbm>> -> memref<10240xi32, #tpu.memory_space<hbm>>
      tpu.wait_dma2 semaphore(%run_scoped3A : memref<!tpu.dma_semaphore, #tpu.memory_space<semaphore_mem>>) src(%dma_wait3A_29 : memref<10240xi32, #tpu.memory_space<hbm>>) dst(%arg6 : memref<10240xi32, #tpu.memory_space<vmem>>)
      tpu.yield
    }) : () -> ()
    %barrier3A = arith.constant 0 : index
    tpu.barrier barrier_id(%barrier3A)
    %broadcast_in_dim3A = arith.constant 1.000000e+00 : f32
    %broadcast_in_dim3A_5 = vector.broadcast %broadcast_in_dim3A : f32 to vector<16xf32>
    %scan3A = arith.constant 0 : i32
    %scan3A_6 = arith.constant 640 : i32
    %scan3A_7 = arith.addi %scan3A, %scan3A_6 : i32
    %scan3A_8 = arith.constant 1 : i32
    scf.for %scan3A_20 = %scan3A to %scan3A_7 step %scan3A_8  : i32 {
      %mul3A_21 = arith.constant 1 : i32
      %mul3A_22 = arith.muli %scan3A_20, %mul3A_21 : i32
      %add3A_23 = arith.constant 0 : i32
      %add3A_24 = arith.addi %add3A_23, %mul3A_22 : i32
      %mul3A_25 = arith.constant 16 : i32
      %mul3A_26 = arith.muli %add3A_24, %mul3A_25 : i32
      %get3A = arith.index_cast %mul3A_26 : i32 to index
      %get3A_27 = tpu.vector_load %arg6[%get3A] {strides = array<i32>} : memref<10240xi32, #tpu.memory_space<vmem>>, vector<16xi32>,
      %shift_right_arithmetic3A = arith.constant 4 : i32
      %shift_right_arithmetic3A_28 = vector.broadcast %shift_right_arithmetic3A : i32 to vector<16xi32>
      %shift_right_arithmetic3A_29 = arith.shrsi %get3A_27, %shift_right_arithmetic3A_28 : vector<16xi32>
      %and3A = arith.constant 15 : i32
      %and3A_30 = vector.broadcast %and3A : i32 to vector<16xi32>
      %and3A_31 = arith.andi %get3A_27, %and3A_30 : vector<16xi32>
      tpu.vector_store_idx %arg7[%shift_right_arithmetic3A_29, %and3A_31], %broadcast_in_dim3A_5 {add = true} : memref<640x16xf32, #tpu.memory_space<vmem>>[vector<16xi32>, vector<16xi32>], vector<16xf32>,
    }
    %scan3A_9 = arith.constant 640 : i32
    %scan3A_10 = arith.constant 0 : i32
    %scan3A_11 = arith.constant 5 : i32
    %scan3A_12 = arith.addi %scan3A_10, %scan3A_11 : i32
    %scan3A_13 = arith.constant 1 : i32
    scf.for %scan3A_20 = %scan3A_10 to %scan3A_12 step %scan3A_13  : i32 {
      %mul3A_21 = arith.constant 1 : i32
      %mul3A_22 = arith.muli %scan3A_20, %mul3A_21 : i32
      %add3A_23 = arith.constant 0 : i32
      %add3A_24 = arith.addi %add3A_23, %mul3A_22 : i32
      %mul3A_25 = arith.constant 128 : i32
      %mul3A_26 = arith.muli %add3A_24, %mul3A_25 : i32
      "tpu.region"() ({
        %run_scoped3A = tpu.sem_alloc : memref<!tpu.dma_semaphore, #tpu.memory_space<semaphore_mem>>
        %dma_start3A = tpu.memref_slice %arg3[%mul3A_26] : memref<640xi32, #tpu.memory_space<hbm>> -> memref<128xi32, #tpu.memory_space<hbm>>
        %dma_start3A_29 = tpu.memref_slice %arg3[%mul3A_26] : memref<640xi32, #tpu.memory_space<hbm>> -> memref<128xi32, #tpu.memory_space<hbm>>
        tpu.enqueue_dma source(%dma_start3A_29 : memref<128xi32, #tpu.memory_space<hbm>>) target(%arg8 : memref<128xi32, #tpu.memory_space<vmem>>) target_semaphore(%run_scoped3A : memref<!tpu.dma_semaphore, #tpu.memory_space<semaphore_mem>>)
        %dma_wait3A = tpu.memref_slice %arg3[%mul3A_26] : memref<640xi32, #tpu.memory_space<hbm>> -> memref<128xi32, #tpu.memory_space<hbm>>
        %dma_wait3A_30 = tpu.memref_slice %arg3[%mul3A_26] : memref<640xi32, #tpu.memory_space<hbm>> -> memref<128xi32, #tpu.memory_space<hbm>>
        tpu.wait_dma2 semaphore(%run_scoped3A : memref<!tpu.dma_semaphore, #tpu.memory_space<semaphore_mem>>) src(%dma_wait3A_30 : memref<128xi32, #tpu.memory_space<hbm>>) dst(%arg8 : memref<128xi32, #tpu.memory_space<vmem>>)
        tpu.yield
      }) : () -> ()
      %mul3A_27 = arith.constant 128 : i32
      %mul3A_28 = arith.muli %add3A_24, %mul3A_27 : i32
      "tpu.region"() ({
        %run_scoped3A = tpu.sem_alloc : memref<!tpu.dma_semaphore, #tpu.memory_space<semaphore_mem>>
        %dma_start3A = arith.constant 0 : i32
        %dma_start3A_29 = tpu.memref_slice %arg7[%mul3A_28, %dma_start3A] : memref<640x16xf32, #tpu.memory_space<vmem>> -> memref<128x16xf32, #tpu.memory_space<vmem>>
        %dma_start3A_30 = arith.constant 0 : i32
        %dma_start3A_31 = arith.constant 0 : i32
        %dma_start3A_32 = tpu.memref_slice %arg9[%dma_start3A_30, %dma_start3A_31] : memref<640x16xf32, #tpu.memory_space<vmem_shared>> -> memref<640x16xf32, #tpu.memory_space<vmem_shared>>
        tpu.enqueue_indirect_dma source(%dma_start3A_29 : memref<128x16xf32, #tpu.memory_space<vmem>>) target(%dma_start3A_32 : memref<640x16xf32, #tpu.memory_space<vmem_shared>>) offsets(%arg8 : memref<128xi32, #tpu.memory_space<vmem>>) semaphore(%run_scoped3A : memref<!tpu.dma_semaphore, #tpu.memory_space<semaphore_mem>>) {add = true}
        %dma_wait3A = arith.constant 0 : i32
        %dma_wait3A_33 = tpu.memref_slice %arg7[%mul3A_28, %dma_wait3A] : memref<640x16xf32, #tpu.memory_space<vmem>> -> memref<128x16xf32, #tpu.memory_space<vmem>>
        %dma_wait3A_34 = arith.constant 0 : i32
        %dma_wait3A_35 = arith.constant 0 : i32
        %dma_wait3A_36 = tpu.memref_slice %arg9[%dma_wait3A_34, %dma_wait3A_35] : memref<640x16xf32, #tpu.memory_space<vmem_shared>> -> memref<640x16xf32, #tpu.memory_space<vmem_shared>>
        tpu.wait_indirect_dma semaphore(%run_scoped3A : memref<!tpu.dma_semaphore, #tpu.memory_space<semaphore_mem>>) src(%dma_wait3A_33 : memref<128x16xf32, #tpu.memory_space<vmem>>) dst(%dma_wait3A_36 : memref<640x16xf32, #tpu.memory_space<vmem_shared>>)
        tpu.yield
      }) : () -> ()
    }
    %scan3A_14 = arith.constant 5 : i32
    %barrier3A_15 = arith.constant 0 : index
    tpu.barrier barrier_id(%barrier3A_15)
    %mul3A_16 = arith.constant 40 : i32
    %mul3A_17 = arith.muli %arg1, %mul3A_16 : i32
    %mul3A_18 = arith.constant 40 : i32
    %mul3A_19 = arith.muli %arg1, %mul3A_18 : i32
    "tpu.region"() ({
      %run_scoped3A = tpu.sem_alloc : memref<!tpu.dma_semaphore, #tpu.memory_space<semaphore_mem>>
      %dma_start3A = arith.constant 0 : i32
      %dma_start3A_20 = tpu.memref_slice %arg5[%arg0, %mul3A_19, %dma_start3A] : memref<2x640x16xf32, #tpu.memory_space<hbm>> -> memref<1x40x16xf32, #tpu.memory_space<hbm>>
      %dma_start3A_21 = tpu.memref_squeeze %dma_start3A_20 : memref<1x40x16xf32, #tpu.memory_space<hbm>> -> memref<40x16xf32, #tpu.memory_space<hbm>>
      %dma_start3A_22 = arith.constant 0 : i32
      %dma_start3A_23 = tpu.memref_slice %arg9[%mul3A_17, %dma_start3A_22] : memref<640x16xf32, #tpu.memory_space<vmem_shared>> -> memref<40x16xf32, #tpu.memory_space<vmem_shared>>
      tpu.enqueue_dma source(%dma_start3A_23 : memref<40x16xf32, #tpu.memory_space<vmem_shared>>) target(%dma_start3A_21 : memref<40x16xf32, #tpu.memory_space<hbm>>) target_semaphore(%run_scoped3A : memref<!tpu.dma_semaphore, #tpu.memory_space<semaphore_mem>>)
      %dma_wait3A = arith.constant 0 : i32
      %dma_wait3A_24 = tpu.memref_slice %arg5[%arg0, %mul3A_19, %dma_wait3A] : memref<2x640x16xf32, #tpu.memory_space<hbm>> -> memref<1x40x16xf32, #tpu.memory_space<hbm>>
      %dma_wait3A_25 = tpu.memref_squeeze %dma_wait3A_24 : memref<1x40x16xf32, #tpu.memory_space<hbm>> -> memref<40x16xf32, #tpu.memory_space<hbm>>
      %dma_wait3A_26 = arith.constant 0 : i32
      %dma_wait3A_27 = tpu.memref_slice %arg9[%mul3A_17, %dma_wait3A_26] : memref<640x16xf32, #tpu.memory_space<vmem_shared>> -> memref<40x16xf32, #tpu.memory_space<vmem_shared>>
      tpu.wait_dma2 semaphore(%run_scoped3A : memref<!tpu.dma_semaphore, #tpu.memory_space<semaphore_mem>>) src(%dma_wait3A_27 : memref<40x16xf32, #tpu.memory_space<vmem_shared>>) dst(%dma_wait3A_25 : memref<40x16xf32, #tpu.memory_space<hbm>>)
      tpu.yield
    }) : () -> ()
    return
  }
}

#map = affine_map<(d0, d1) -> (0, 0)>
#map1 = affine_map<(d0, d1) -> (0, 0, 0)>
module attributes {stable_mosaic.version = 14 : i64} {
  func.func @_edge_body(%arg0: i32, %arg1: i32, %arg2: memref<10240x32xf32, #tpu.memory_space<hbm>>, %arg3: memref<32x80x128xi32, #tpu.memory_space<hbm>>, %arg4: memref<32x80x128xi32, #tpu.memory_space<hbm>>, %arg5: memref<10240x32xf32, #tpu.memory_space<hbm>>, %arg6: memref<2x10240x32xf32, #tpu.memory_space<hbm>>, %arg7: memref<80x128xi32, #tpu.memory_space<vmem>>, %arg8: memref<80x128xi32, #tpu.memory_space<vmem>>, %arg9: memref<1024x32xf32, #tpu.memory_space<vmem>>, %arg10: memref<1024x32xf32, #tpu.memory_space<vmem>>, %arg11: memref<10240x32xf32, #tpu.memory_space<vmem_shared>>, %arg12: memref<10240x32xf32, #tpu.memory_space<vmem_shared>>, %arg13: memref<!tpu.dma_semaphore, #tpu.memory_space<semaphore_mem>>, %arg14: memref<!tpu.dma_semaphore, #tpu.memory_space<semaphore_mem>>, %arg15: memref<!tpu.dma_semaphore, #tpu.memory_space<semaphore_mem>>, %arg16: memref<!tpu.dma_semaphore, #tpu.memory_space<semaphore_mem>>) attributes {dimension_semantics = [#tpu.dimension_semantics<core_parallel>, #tpu.dimension_semantics<subcore_parallel>], iteration_bounds = array<i64: 2, 16>, scalar_prefetch = 0 : i64, scratch_operands = 10 : i64, tpu.core_type = #tpu.core_type<sc_vector_subcore>, window_params = [{transform_indices = #map}, {transform_indices = #map1}, {transform_indices = #map1}, {transform_indices = #map}, {transform_indices = #map1}]} {
    %mul3A = arith.constant 2 : i32
    %mul3A_0 = arith.muli %arg1, %mul3A : i32
    %add3A = arith.addi %mul3A_0, %arg0 : i32
    %mul3A_1 = arith.constant 640 : i32
    %mul3A_2 = arith.muli %arg1, %mul3A_1 : i32
    %mul3A_3 = arith.constant 640 : i32
    %mul3A_4 = arith.muli %arg1, %mul3A_3 : i32
    "tpu.region"() ({
      %run_scoped3A = tpu.sem_alloc : memref<!tpu.dma_semaphore, #tpu.memory_space<semaphore_mem>>
      %dma_start3A_97 = arith.constant 0 : i32
      %dma_start3A_98 = tpu.memref_slice %arg12[%mul3A_4, %dma_start3A_97] : memref<10240x32xf32, #tpu.memory_space<vmem_shared>> -> memref<640x32xf32, #tpu.memory_space<vmem_shared>>
      %dma_start3A_99 = arith.constant 0 : i32
      %dma_start3A_100 = tpu.memref_slice %arg5[%mul3A_2, %dma_start3A_99] : memref<10240x32xf32, #tpu.memory_space<hbm>> -> memref<640x32xf32, #tpu.memory_space<hbm>>
      tpu.enqueue_dma source(%dma_start3A_100 : memref<640x32xf32, #tpu.memory_space<hbm>>) target(%dma_start3A_98 : memref<640x32xf32, #tpu.memory_space<vmem_shared>>) target_semaphore(%run_scoped3A : memref<!tpu.dma_semaphore, #tpu.memory_space<semaphore_mem>>)
      %dma_wait3A = arith.constant 0 : i32
      %dma_wait3A_101 = tpu.memref_slice %arg12[%mul3A_4, %dma_wait3A] : memref<10240x32xf32, #tpu.memory_space<vmem_shared>> -> memref<640x32xf32, #tpu.memory_space<vmem_shared>>
      %dma_wait3A_102 = arith.constant 0 : i32
      %dma_wait3A_103 = tpu.memref_slice %arg5[%mul3A_2, %dma_wait3A_102] : memref<10240x32xf32, #tpu.memory_space<hbm>> -> memref<640x32xf32, #tpu.memory_space<hbm>>
      tpu.wait_dma2 semaphore(%run_scoped3A : memref<!tpu.dma_semaphore, #tpu.memory_space<semaphore_mem>>) src(%dma_wait3A_103 : memref<640x32xf32, #tpu.memory_space<hbm>>) dst(%dma_wait3A_101 : memref<640x32xf32, #tpu.memory_space<vmem_shared>>)
      tpu.yield
    }) : () -> ()
    %mul3A_5 = arith.constant 640 : i32
    %mul3A_6 = arith.muli %arg1, %mul3A_5 : i32
    %mul3A_7 = arith.constant 640 : i32
    %mul3A_8 = arith.muli %arg1, %mul3A_7 : i32
    "tpu.region"() ({
      %run_scoped3A = tpu.sem_alloc : memref<!tpu.dma_semaphore, #tpu.memory_space<semaphore_mem>>
      %dma_start3A_97 = arith.constant 0 : i32
      %dma_start3A_98 = tpu.memref_slice %arg11[%mul3A_8, %dma_start3A_97] : memref<10240x32xf32, #tpu.memory_space<vmem_shared>> -> memref<640x32xf32, #tpu.memory_space<vmem_shared>>
      %dma_start3A_99 = arith.constant 0 : i32
      %dma_start3A_100 = tpu.memref_slice %arg2[%mul3A_6, %dma_start3A_99] : memref<10240x32xf32, #tpu.memory_space<hbm>> -> memref<640x32xf32, #tpu.memory_space<hbm>>
      tpu.enqueue_dma source(%dma_start3A_100 : memref<640x32xf32, #tpu.memory_space<hbm>>) target(%dma_start3A_98 : memref<640x32xf32, #tpu.memory_space<vmem_shared>>) target_semaphore(%run_scoped3A : memref<!tpu.dma_semaphore, #tpu.memory_space<semaphore_mem>>)
      %dma_wait3A = arith.constant 0 : i32
      %dma_wait3A_101 = tpu.memref_slice %arg11[%mul3A_8, %dma_wait3A] : memref<10240x32xf32, #tpu.memory_space<vmem_shared>> -> memref<640x32xf32, #tpu.memory_space<vmem_shared>>
      %dma_wait3A_102 = arith.constant 0 : i32
      %dma_wait3A_103 = tpu.memref_slice %arg2[%mul3A_6, %dma_wait3A_102] : memref<10240x32xf32, #tpu.memory_space<hbm>> -> memref<640x32xf32, #tpu.memory_space<hbm>>
      tpu.wait_dma2 semaphore(%run_scoped3A : memref<!tpu.dma_semaphore, #tpu.memory_space<semaphore_mem>>) src(%dma_wait3A_103 : memref<640x32xf32, #tpu.memory_space<hbm>>) dst(%dma_wait3A_101 : memref<640x32xf32, #tpu.memory_space<vmem_shared>>)
      tpu.yield
    }) : () -> ()
    "tpu.region"() ({
      %run_scoped3A = tpu.sem_alloc : memref<!tpu.dma_semaphore, #tpu.memory_space<semaphore_mem>>
      %dma_start3A_97 = arith.constant 0 : i32
      %dma_start3A_98 = arith.constant 0 : i32
      %dma_start3A_99 = tpu.memref_slice %arg3[%add3A, %dma_start3A_97, %dma_start3A_98] : memref<32x80x128xi32, #tpu.memory_space<hbm>> -> memref<1x80x128xi32, #tpu.memory_space<hbm>>
      %dma_start3A_100 = tpu.memref_squeeze %dma_start3A_99 : memref<1x80x128xi32, #tpu.memory_space<hbm>> -> memref<80x128xi32, #tpu.memory_space<hbm>>
      %dma_start3A_101 = arith.constant 0 : i32
      %dma_start3A_102 = arith.constant 0 : i32
      %dma_start3A_103 = tpu.memref_slice %arg3[%add3A, %dma_start3A_101, %dma_start3A_102] : memref<32x80x128xi32, #tpu.memory_space<hbm>> -> memref<1x80x128xi32, #tpu.memory_space<hbm>>
      %dma_start3A_104 = tpu.memref_squeeze %dma_start3A_103 : memref<1x80x128xi32, #tpu.memory_space<hbm>> -> memref<80x128xi32, #tpu.memory_space<hbm>>
      tpu.enqueue_dma source(%dma_start3A_104 : memref<80x128xi32, #tpu.memory_space<hbm>>) target(%arg7 : memref<80x128xi32, #tpu.memory_space<vmem>>) target_semaphore(%run_scoped3A : memref<!tpu.dma_semaphore, #tpu.memory_space<semaphore_mem>>)
      %dma_wait3A = arith.constant 0 : i32
      %dma_wait3A_105 = arith.constant 0 : i32
      %dma_wait3A_106 = tpu.memref_slice %arg3[%add3A, %dma_wait3A, %dma_wait3A_105] : memref<32x80x128xi32, #tpu.memory_space<hbm>> -> memref<1x80x128xi32, #tpu.memory_space<hbm>>
      %dma_wait3A_107 = tpu.memref_squeeze %dma_wait3A_106 : memref<1x80x128xi32, #tpu.memory_space<hbm>> -> memref<80x128xi32, #tpu.memory_space<hbm>>
      %dma_wait3A_108 = arith.constant 0 : i32
      %dma_wait3A_109 = arith.constant 0 : i32
      %dma_wait3A_110 = tpu.memref_slice %arg3[%add3A, %dma_wait3A_108, %dma_wait3A_109] : memref<32x80x128xi32, #tpu.memory_space<hbm>> -> memref<1x80x128xi32, #tpu.memory_space<hbm>>
      %dma_wait3A_111 = tpu.memref_squeeze %dma_wait3A_110 : memref<1x80x128xi32, #tpu.memory_space<hbm>> -> memref<80x128xi32, #tpu.memory_space<hbm>>
      tpu.wait_dma2 semaphore(%run_scoped3A : memref<!tpu.dma_semaphore, #tpu.memory_space<semaphore_mem>>) src(%dma_wait3A_111 : memref<80x128xi32, #tpu.memory_space<hbm>>) dst(%arg7 : memref<80x128xi32, #tpu.memory_space<vmem>>)
      tpu.yield
    }) : () -> ()
    "tpu.region"() ({
      %run_scoped3A = tpu.sem_alloc : memref<!tpu.dma_semaphore, #tpu.memory_space<semaphore_mem>>
      %dma_start3A_97 = arith.constant 0 : i32
      %dma_start3A_98 = arith.constant 0 : i32
      %dma_start3A_99 = tpu.memref_slice %arg4[%add3A, %dma_start3A_97, %dma_start3A_98] : memref<32x80x128xi32, #tpu.memory_space<hbm>> -> memref<1x80x128xi32, #tpu.memory_space<hbm>>
      %dma_start3A_100 = tpu.memref_squeeze %dma_start3A_99 : memref<1x80x128xi32, #tpu.memory_space<hbm>> -> memref<80x128xi32, #tpu.memory_space<hbm>>
      %dma_start3A_101 = arith.constant 0 : i32
      %dma_start3A_102 = arith.constant 0 : i32
      %dma_start3A_103 = tpu.memref_slice %arg4[%add3A, %dma_start3A_101, %dma_start3A_102] : memref<32x80x128xi32, #tpu.memory_space<hbm>> -> memref<1x80x128xi32, #tpu.memory_space<hbm>>
      %dma_start3A_104 = tpu.memref_squeeze %dma_start3A_103 : memref<1x80x128xi32, #tpu.memory_space<hbm>> -> memref<80x128xi32, #tpu.memory_space<hbm>>
      tpu.enqueue_dma source(%dma_start3A_104 : memref<80x128xi32, #tpu.memory_space<hbm>>) target(%arg8 : memref<80x128xi32, #tpu.memory_space<vmem>>) target_semaphore(%run_scoped3A : memref<!tpu.dma_semaphore, #tpu.memory_space<semaphore_mem>>)
      %dma_wait3A = arith.constant 0 : i32
      %dma_wait3A_105 = arith.constant 0 : i32
      %dma_wait3A_106 = tpu.memref_slice %arg4[%add3A, %dma_wait3A, %dma_wait3A_105] : memref<32x80x128xi32, #tpu.memory_space<hbm>> -> memref<1x80x128xi32, #tpu.memory_space<hbm>>
      %dma_wait3A_107 = tpu.memref_squeeze %dma_wait3A_106 : memref<1x80x128xi32, #tpu.memory_space<hbm>> -> memref<80x128xi32, #tpu.memory_space<hbm>>
      %dma_wait3A_108 = arith.constant 0 : i32
      %dma_wait3A_109 = arith.constant 0 : i32
      %dma_wait3A_110 = tpu.memref_slice %arg4[%add3A, %dma_wait3A_108, %dma_wait3A_109] : memref<32x80x128xi32, #tpu.memory_space<hbm>> -> memref<1x80x128xi32, #tpu.memory_space<hbm>>
      %dma_wait3A_111 = tpu.memref_squeeze %dma_wait3A_110 : memref<1x80x128xi32, #tpu.memory_space<hbm>> -> memref<80x128xi32, #tpu.memory_space<hbm>>
      tpu.wait_dma2 semaphore(%run_scoped3A : memref<!tpu.dma_semaphore, #tpu.memory_space<semaphore_mem>>) src(%dma_wait3A_111 : memref<80x128xi32, #tpu.memory_space<hbm>>) dst(%arg8 : memref<80x128xi32, #tpu.memory_space<vmem>>)
      tpu.yield
    }) : () -> ()
    %barrier3A = arith.constant 0 : index
    tpu.barrier barrier_id(%barrier3A)
    %dma_start3A = arith.constant 0 : i32
    %dma_start3A_9 = arith.constant 0 : i32
    %dma_start3A_10 = arith.constant 0 : i32
    %dma_start3A_11 = tpu.memref_slice %arg9[%dma_start3A_9, %dma_start3A_10] : memref<1024x32xf32, #tpu.memory_space<vmem>> -> memref<128x32xf32, #tpu.memory_space<vmem>>
    %dma_start3A_12 = arith.constant 0 : i32
    %dma_start3A_13 = tpu.memref_slice %arg7[%dma_start3A, %dma_start3A_12] : memref<80x128xi32, #tpu.memory_space<vmem>> -> memref<1x128xi32, #tpu.memory_space<vmem>>
    %dma_start3A_14 = tpu.memref_squeeze %dma_start3A_13 : memref<1x128xi32, #tpu.memory_space<vmem>> -> memref<128xi32, #tpu.memory_space<vmem>>
    %dma_start3A_15 = arith.constant 0 : i32
    %dma_start3A_16 = arith.constant 0 : i32
    %dma_start3A_17 = tpu.memref_slice %arg11[%dma_start3A_15, %dma_start3A_16] : memref<10240x32xf32, #tpu.memory_space<vmem_shared>> -> memref<10240x32xf32, #tpu.memory_space<vmem_shared>>
    tpu.enqueue_indirect_dma source(%dma_start3A_17 : memref<10240x32xf32, #tpu.memory_space<vmem_shared>>) target(%dma_start3A_11 : memref<128x32xf32, #tpu.memory_space<vmem>>) offsets(%dma_start3A_14 : memref<128xi32, #tpu.memory_space<vmem>>) semaphore(%arg13 : memref<!tpu.dma_semaphore, #tpu.memory_space<semaphore_mem>>)
    %dma_start3A_18 = arith.constant 1 : i32
    %dma_start3A_19 = arith.constant 128 : i32
    %dma_start3A_20 = arith.constant 0 : i32
    %dma_start3A_21 = tpu.memref_slice %arg9[%dma_start3A_19, %dma_start3A_20] : memref<1024x32xf32, #tpu.memory_space<vmem>> -> memref<128x32xf32, #tpu.memory_space<vmem>>
    %dma_start3A_22 = arith.constant 0 : i32
    %dma_start3A_23 = tpu.memref_slice %arg7[%dma_start3A_18, %dma_start3A_22] : memref<80x128xi32, #tpu.memory_space<vmem>> -> memref<1x128xi32, #tpu.memory_space<vmem>>
    %dma_start3A_24 = tpu.memref_squeeze %dma_start3A_23 : memref<1x128xi32, #tpu.memory_space<vmem>> -> memref<128xi32, #tpu.memory_space<vmem>>
    %dma_start3A_25 = arith.constant 0 : i32
    %dma_start3A_26 = arith.constant 0 : i32
    %dma_start3A_27 = tpu.memref_slice %arg11[%dma_start3A_25, %dma_start3A_26] : memref<10240x32xf32, #tpu.memory_space<vmem_shared>> -> memref<10240x32xf32, #tpu.memory_space<vmem_shared>>
    tpu.enqueue_indirect_dma source(%dma_start3A_27 : memref<10240x32xf32, #tpu.memory_space<vmem_shared>>) target(%dma_start3A_21 : memref<128x32xf32, #tpu.memory_space<vmem>>) offsets(%dma_start3A_24 : memref<128xi32, #tpu.memory_space<vmem>>) semaphore(%arg13 : memref<!tpu.dma_semaphore, #tpu.memory_space<semaphore_mem>>)
    %dma_start3A_28 = arith.constant 2 : i32
    %dma_start3A_29 = arith.constant 256 : i32
    %dma_start3A_30 = arith.constant 0 : i32
    %dma_start3A_31 = tpu.memref_slice %arg9[%dma_start3A_29, %dma_start3A_30] : memref<1024x32xf32, #tpu.memory_space<vmem>> -> memref<128x32xf32, #tpu.memory_space<vmem>>
    %dma_start3A_32 = arith.constant 0 : i32
    %dma_start3A_33 = tpu.memref_slice %arg7[%dma_start3A_28, %dma_start3A_32] : memref<80x128xi32, #tpu.memory_space<vmem>> -> memref<1x128xi32, #tpu.memory_space<vmem>>
    %dma_start3A_34 = tpu.memref_squeeze %dma_start3A_33 : memref<1x128xi32, #tpu.memory_space<vmem>> -> memref<128xi32, #tpu.memory_space<vmem>>
    %dma_start3A_35 = arith.constant 0 : i32
    %dma_start3A_36 = arith.constant 0 : i32
    %dma_start3A_37 = tpu.memref_slice %arg11[%dma_start3A_35, %dma_start3A_36] : memref<10240x32xf32, #tpu.memory_space<vmem_shared>> -> memref<10240x32xf32, #tpu.memory_space<vmem_shared>>
    tpu.enqueue_indirect_dma source(%dma_start3A_37 : memref<10240x32xf32, #tpu.memory_space<vmem_shared>>) target(%dma_start3A_31 : memref<128x32xf32, #tpu.memory_space<vmem>>) offsets(%dma_start3A_34 : memref<128xi32, #tpu.memory_space<vmem>>) semaphore(%arg13 : memref<!tpu.dma_semaphore, #tpu.memory_space<semaphore_mem>>)
    %dma_start3A_38 = arith.constant 3 : i32
    %dma_start3A_39 = arith.constant 384 : i32
    %dma_start3A_40 = arith.constant 0 : i32
    %dma_start3A_41 = tpu.memref_slice %arg9[%dma_start3A_39, %dma_start3A_40] : memref<1024x32xf32, #tpu.memory_space<vmem>> -> memref<128x32xf32, #tpu.memory_space<vmem>>
    %dma_start3A_42 = arith.constant 0 : i32
    %dma_start3A_43 = tpu.memref_slice %arg7[%dma_start3A_38, %dma_start3A_42] : memref<80x128xi32, #tpu.memory_space<vmem>> -> memref<1x128xi32, #tpu.memory_space<vmem>>
    %dma_start3A_44 = tpu.memref_squeeze %dma_start3A_43 : memref<1x128xi32, #tpu.memory_space<vmem>> -> memref<128xi32, #tpu.memory_space<vmem>>
    %dma_start3A_45 = arith.constant 0 : i32
    %dma_start3A_46 = arith.constant 0 : i32
    %dma_start3A_47 = tpu.memref_slice %arg11[%dma_start3A_45, %dma_start3A_46] : memref<10240x32xf32, #tpu.memory_space<vmem_shared>> -> memref<10240x32xf32, #tpu.memory_space<vmem_shared>>
    tpu.enqueue_indirect_dma source(%dma_start3A_47 : memref<10240x32xf32, #tpu.memory_space<vmem_shared>>) target(%dma_start3A_41 : memref<128x32xf32, #tpu.memory_space<vmem>>) offsets(%dma_start3A_44 : memref<128xi32, #tpu.memory_space<vmem>>) semaphore(%arg13 : memref<!tpu.dma_semaphore, #tpu.memory_space<semaphore_mem>>)
    %dma_start3A_48 = arith.constant 4 : i32
    %dma_start3A_49 = arith.constant 512 : i32
    %dma_start3A_50 = arith.constant 0 : i32
    %dma_start3A_51 = tpu.memref_slice %arg9[%dma_start3A_49, %dma_start3A_50] : memref<1024x32xf32, #tpu.memory_space<vmem>> -> memref<128x32xf32, #tpu.memory_space<vmem>>
    %dma_start3A_52 = arith.constant 0 : i32
    %dma_start3A_53 = tpu.memref_slice %arg7[%dma_start3A_48, %dma_start3A_52] : memref<80x128xi32, #tpu.memory_space<vmem>> -> memref<1x128xi32, #tpu.memory_space<vmem>>
    %dma_start3A_54 = tpu.memref_squeeze %dma_start3A_53 : memref<1x128xi32, #tpu.memory_space<vmem>> -> memref<128xi32, #tpu.memory_space<vmem>>
    %dma_start3A_55 = arith.constant 0 : i32
    %dma_start3A_56 = arith.constant 0 : i32
    %dma_start3A_57 = tpu.memref_slice %arg11[%dma_start3A_55, %dma_start3A_56] : memref<10240x32xf32, #tpu.memory_space<vmem_shared>> -> memref<10240x32xf32, #tpu.memory_space<vmem_shared>>
    tpu.enqueue_indirect_dma source(%dma_start3A_57 : memref<10240x32xf32, #tpu.memory_space<vmem_shared>>) target(%dma_start3A_51 : memref<128x32xf32, #tpu.memory_space<vmem>>) offsets(%dma_start3A_54 : memref<128xi32, #tpu.memory_space<vmem>>) semaphore(%arg13 : memref<!tpu.dma_semaphore, #tpu.memory_space<semaphore_mem>>)
    %dma_start3A_58 = arith.constant 5 : i32
    %dma_start3A_59 = arith.constant 640 : i32
    %dma_start3A_60 = arith.constant 0 : i32
    %dma_start3A_61 = tpu.memref_slice %arg9[%dma_start3A_59, %dma_start3A_60] : memref<1024x32xf32, #tpu.memory_space<vmem>> -> memref<128x32xf32, #tpu.memory_space<vmem>>
    %dma_start3A_62 = arith.constant 0 : i32
    %dma_start3A_63 = tpu.memref_slice %arg7[%dma_start3A_58, %dma_start3A_62] : memref<80x128xi32, #tpu.memory_space<vmem>> -> memref<1x128xi32, #tpu.memory_space<vmem>>
    %dma_start3A_64 = tpu.memref_squeeze %dma_start3A_63 : memref<1x128xi32, #tpu.memory_space<vmem>> -> memref<128xi32, #tpu.memory_space<vmem>>
    %dma_start3A_65 = arith.constant 0 : i32
    %dma_start3A_66 = arith.constant 0 : i32
    %dma_start3A_67 = tpu.memref_slice %arg11[%dma_start3A_65, %dma_start3A_66] : memref<10240x32xf32, #tpu.memory_space<vmem_shared>> -> memref<10240x32xf32, #tpu.memory_space<vmem_shared>>
    tpu.enqueue_indirect_dma source(%dma_start3A_67 : memref<10240x32xf32, #tpu.memory_space<vmem_shared>>) target(%dma_start3A_61 : memref<128x32xf32, #tpu.memory_space<vmem>>) offsets(%dma_start3A_64 : memref<128xi32, #tpu.memory_space<vmem>>) semaphore(%arg13 : memref<!tpu.dma_semaphore, #tpu.memory_space<semaphore_mem>>)
    %dma_start3A_68 = arith.constant 6 : i32
    %dma_start3A_69 = arith.constant 768 : i32
    %dma_start3A_70 = arith.constant 0 : i32
    %dma_start3A_71 = tpu.memref_slice %arg9[%dma_start3A_69, %dma_start3A_70] : memref<1024x32xf32, #tpu.memory_space<vmem>> -> memref<128x32xf32, #tpu.memory_space<vmem>>
    %dma_start3A_72 = arith.constant 0 : i32
    %dma_start3A_73 = tpu.memref_slice %arg7[%dma_start3A_68, %dma_start3A_72] : memref<80x128xi32, #tpu.memory_space<vmem>> -> memref<1x128xi32, #tpu.memory_space<vmem>>
    %dma_start3A_74 = tpu.memref_squeeze %dma_start3A_73 : memref<1x128xi32, #tpu.memory_space<vmem>> -> memref<128xi32, #tpu.memory_space<vmem>>
    %dma_start3A_75 = arith.constant 0 : i32
    %dma_start3A_76 = arith.constant 0 : i32
    %dma_start3A_77 = tpu.memref_slice %arg11[%dma_start3A_75, %dma_start3A_76] : memref<10240x32xf32, #tpu.memory_space<vmem_shared>> -> memref<10240x32xf32, #tpu.memory_space<vmem_shared>>
    tpu.enqueue_indirect_dma source(%dma_start3A_77 : memref<10240x32xf32, #tpu.memory_space<vmem_shared>>) target(%dma_start3A_71 : memref<128x32xf32, #tpu.memory_space<vmem>>) offsets(%dma_start3A_74 : memref<128xi32, #tpu.memory_space<vmem>>) semaphore(%arg13 : memref<!tpu.dma_semaphore, #tpu.memory_space<semaphore_mem>>)
    %dma_start3A_78 = arith.constant 7 : i32
    %dma_start3A_79 = arith.constant 896 : i32
    %dma_start3A_80 = arith.constant 0 : i32
    %dma_start3A_81 = tpu.memref_slice %arg9[%dma_start3A_79, %dma_start3A_80] : memref<1024x32xf32, #tpu.memory_space<vmem>> -> memref<128x32xf32, #tpu.memory_space<vmem>>
    %dma_start3A_82 = arith.constant 0 : i32
    %dma_start3A_83 = tpu.memref_slice %arg7[%dma_start3A_78, %dma_start3A_82] : memref<80x128xi32, #tpu.memory_space<vmem>> -> memref<1x128xi32, #tpu.memory_space<vmem>>
    %dma_start3A_84 = tpu.memref_squeeze %dma_start3A_83 : memref<1x128xi32, #tpu.memory_space<vmem>> -> memref<128xi32, #tpu.memory_space<vmem>>
    %dma_start3A_85 = arith.constant 0 : i32
    %dma_start3A_86 = arith.constant 0 : i32
    %dma_start3A_87 = tpu.memref_slice %arg11[%dma_start3A_85, %dma_start3A_86] : memref<10240x32xf32, #tpu.memory_space<vmem_shared>> -> memref<10240x32xf32, #tpu.memory_space<vmem_shared>>
    tpu.enqueue_indirect_dma source(%dma_start3A_87 : memref<10240x32xf32, #tpu.memory_space<vmem_shared>>) target(%dma_start3A_81 : memref<128x32xf32, #tpu.memory_space<vmem>>) offsets(%dma_start3A_84 : memref<128xi32, #tpu.memory_space<vmem>>) semaphore(%arg13 : memref<!tpu.dma_semaphore, #tpu.memory_space<semaphore_mem>>)
    %scan3A = arith.constant 0 : i32
    %scan3A_88 = arith.constant 5 : i32
    %scan3A_89 = arith.addi %scan3A, %scan3A_88 : i32
    %scan3A_90 = arith.constant 1 : i32
    scf.for %scan3A_97 = %scan3A to %scan3A_89 step %scan3A_90  : i32 {
      %mul3A_98 = arith.constant 1 : i32
      %mul3A_99 = arith.muli %scan3A_97, %mul3A_98 : i32
      %add3A_100 = arith.constant 0 : i32
      %add3A_101 = arith.addi %add3A_100, %mul3A_99 : i32
      %mul3A_102 = arith.constant 2 : i32
      %mul3A_103 = arith.muli %mul3A_102, %add3A_101 : i32
      %mul3A_104 = arith.constant 2 : i32
      %mul3A_105 = arith.muli %mul3A_104, %add3A_101 : i32
      %add3A_106 = arith.constant 1 : i32
      %add3A_107 = arith.addi %mul3A_105, %add3A_106 : i32
      %dma_wait3A = arith.constant 0 : i32
      %dma_wait3A_108 = arith.constant 0 : i32
      %dma_wait3A_109 = tpu.memref_slice %arg5[%dma_wait3A, %dma_wait3A_108] : memref<10240x32xf32, #tpu.memory_space<hbm>> -> memref<1024x32xf32, #tpu.memory_space<hbm>>
      %dma_wait3A_110 = arith.constant 0 : i32
      %dma_wait3A_111 = arith.constant 0 : i32
      %dma_wait3A_112 = tpu.memref_slice %arg5[%dma_wait3A_110, %dma_wait3A_111] : memref<10240x32xf32, #tpu.memory_space<hbm>> -> memref<1024x32xf32, #tpu.memory_space<hbm>>
      tpu.wait_dma2 semaphore(%arg13 : memref<!tpu.dma_semaphore, #tpu.memory_space<semaphore_mem>>) src(%dma_wait3A_112 : memref<1024x32xf32, #tpu.memory_space<hbm>>) dst(%arg9 : memref<1024x32xf32, #tpu.memory_space<vmem>>)
      %mul3A_113 = arith.constant 8 : i32
      %mul3A_114 = arith.muli %add3A_107, %mul3A_113 : i32
      %add3A_115 = arith.constant 0 : i32
      %add3A_116 = arith.addi %mul3A_114, %add3A_115 : i32
      %dma_start3A_117 = arith.constant 0 : i32
      %dma_start3A_118 = arith.constant 0 : i32
      %dma_start3A_119 = tpu.memref_slice %arg10[%dma_start3A_117, %dma_start3A_118] : memref<1024x32xf32, #tpu.memory_space<vmem>> -> memref<128x32xf32, #tpu.memory_space<vmem>>
      %dma_start3A_120 = arith.constant 0 : i32
      %dma_start3A_121 = tpu.memref_slice %arg7[%add3A_116, %dma_start3A_120] : memref<80x128xi32, #tpu.memory_space<vmem>> -> memref<1x128xi32, #tpu.memory_space<vmem>>
      %dma_start3A_122 = tpu.memref_squeeze %dma_start3A_121 : memref<1x128xi32, #tpu.memory_space<vmem>> -> memref<128xi32, #tpu.memory_space<vmem>>
      %dma_start3A_123 = arith.constant 0 : i32
      %dma_start3A_124 = arith.constant 0 : i32
      %dma_start3A_125 = tpu.memref_slice %arg11[%dma_start3A_123, %dma_start3A_124] : memref<10240x32xf32, #tpu.memory_space<vmem_shared>> -> memref<10240x32xf32, #tpu.memory_space<vmem_shared>>
      tpu.enqueue_indirect_dma source(%dma_start3A_125 : memref<10240x32xf32, #tpu.memory_space<vmem_shared>>) target(%dma_start3A_119 : memref<128x32xf32, #tpu.memory_space<vmem>>) offsets(%dma_start3A_122 : memref<128xi32, #tpu.memory_space<vmem>>) semaphore(%arg14 : memref<!tpu.dma_semaphore, #tpu.memory_space<semaphore_mem>>)
      %mul3A_126 = arith.constant 8 : i32
      %mul3A_127 = arith.muli %add3A_107, %mul3A_126 : i32
      %add3A_128 = arith.constant 1 : i32
      %add3A_129 = arith.addi %mul3A_127, %add3A_128 : i32
      %dma_start3A_130 = arith.constant 128 : i32
      %dma_start3A_131 = arith.constant 0 : i32
      %dma_start3A_132 = tpu.memref_slice %arg10[%dma_start3A_130, %dma_start3A_131] : memref<1024x32xf32, #tpu.memory_space<vmem>> -> memref<128x32xf32, #tpu.memory_space<vmem>>
      %dma_start3A_133 = arith.constant 0 : i32
      %dma_start3A_134 = tpu.memref_slice %arg7[%add3A_129, %dma_start3A_133] : memref<80x128xi32, #tpu.memory_space<vmem>> -> memref<1x128xi32, #tpu.memory_space<vmem>>
      %dma_start3A_135 = tpu.memref_squeeze %dma_start3A_134 : memref<1x128xi32, #tpu.memory_space<vmem>> -> memref<128xi32, #tpu.memory_space<vmem>>
      %dma_start3A_136 = arith.constant 0 : i32
      %dma_start3A_137 = arith.constant 0 : i32
      %dma_start3A_138 = tpu.memref_slice %arg11[%dma_start3A_136, %dma_start3A_137] : memref<10240x32xf32, #tpu.memory_space<vmem_shared>> -> memref<10240x32xf32, #tpu.memory_space<vmem_shared>>
      tpu.enqueue_indirect_dma source(%dma_start3A_138 : memref<10240x32xf32, #tpu.memory_space<vmem_shared>>) target(%dma_start3A_132 : memref<128x32xf32, #tpu.memory_space<vmem>>) offsets(%dma_start3A_135 : memref<128xi32, #tpu.memory_space<vmem>>) semaphore(%arg14 : memref<!tpu.dma_semaphore, #tpu.memory_space<semaphore_mem>>)
      %mul3A_139 = arith.constant 8 : i32
      %mul3A_140 = arith.muli %add3A_107, %mul3A_139 : i32
      %add3A_141 = arith.constant 2 : i32
      %add3A_142 = arith.addi %mul3A_140, %add3A_141 : i32
      %dma_start3A_143 = arith.constant 256 : i32
      %dma_start3A_144 = arith.constant 0 : i32
      %dma_start3A_145 = tpu.memref_slice %arg10[%dma_start3A_143, %dma_start3A_144] : memref<1024x32xf32, #tpu.memory_space<vmem>> -> memref<128x32xf32, #tpu.memory_space<vmem>>
      %dma_start3A_146 = arith.constant 0 : i32
      %dma_start3A_147 = tpu.memref_slice %arg7[%add3A_142, %dma_start3A_146] : memref<80x128xi32, #tpu.memory_space<vmem>> -> memref<1x128xi32, #tpu.memory_space<vmem>>
      %dma_start3A_148 = tpu.memref_squeeze %dma_start3A_147 : memref<1x128xi32, #tpu.memory_space<vmem>> -> memref<128xi32, #tpu.memory_space<vmem>>
      %dma_start3A_149 = arith.constant 0 : i32
      %dma_start3A_150 = arith.constant 0 : i32
      %dma_start3A_151 = tpu.memref_slice %arg11[%dma_start3A_149, %dma_start3A_150] : memref<10240x32xf32, #tpu.memory_space<vmem_shared>> -> memref<10240x32xf32, #tpu.memory_space<vmem_shared>>
      tpu.enqueue_indirect_dma source(%dma_start3A_151 : memref<10240x32xf32, #tpu.memory_space<vmem_shared>>) target(%dma_start3A_145 : memref<128x32xf32, #tpu.memory_space<vmem>>) offsets(%dma_start3A_148 : memref<128xi32, #tpu.memory_space<vmem>>) semaphore(%arg14 : memref<!tpu.dma_semaphore, #tpu.memory_space<semaphore_mem>>)
      %mul3A_152 = arith.constant 8 : i32
      %mul3A_153 = arith.muli %add3A_107, %mul3A_152 : i32
      %add3A_154 = arith.constant 3 : i32
      %add3A_155 = arith.addi %mul3A_153, %add3A_154 : i32
      %dma_start3A_156 = arith.constant 384 : i32
      %dma_start3A_157 = arith.constant 0 : i32
      %dma_start3A_158 = tpu.memref_slice %arg10[%dma_start3A_156, %dma_start3A_157] : memref<1024x32xf32, #tpu.memory_space<vmem>> -> memref<128x32xf32, #tpu.memory_space<vmem>>
      %dma_start3A_159 = arith.constant 0 : i32
      %dma_start3A_160 = tpu.memref_slice %arg7[%add3A_155, %dma_start3A_159] : memref<80x128xi32, #tpu.memory_space<vmem>> -> memref<1x128xi32, #tpu.memory_space<vmem>>
      %dma_start3A_161 = tpu.memref_squeeze %dma_start3A_160 : memref<1x128xi32, #tpu.memory_space<vmem>> -> memref<128xi32, #tpu.memory_space<vmem>>
      %dma_start3A_162 = arith.constant 0 : i32
      %dma_start3A_163 = arith.constant 0 : i32
      %dma_start3A_164 = tpu.memref_slice %arg11[%dma_start3A_162, %dma_start3A_163] : memref<10240x32xf32, #tpu.memory_space<vmem_shared>> -> memref<10240x32xf32, #tpu.memory_space<vmem_shared>>
      tpu.enqueue_indirect_dma source(%dma_start3A_164 : memref<10240x32xf32, #tpu.memory_space<vmem_shared>>) target(%dma_start3A_158 : memref<128x32xf32, #tpu.memory_space<vmem>>) offsets(%dma_start3A_161 : memref<128xi32, #tpu.memory_space<vmem>>) semaphore(%arg14 : memref<!tpu.dma_semaphore, #tpu.memory_space<semaphore_mem>>)
      %mul3A_165 = arith.constant 8 : i32
      %mul3A_166 = arith.muli %add3A_107, %mul3A_165 : i32
      %add3A_167 = arith.constant 4 : i32
      %add3A_168 = arith.addi %mul3A_166, %add3A_167 : i32
      %dma_start3A_169 = arith.constant 512 : i32
      %dma_start3A_170 = arith.constant 0 : i32
      %dma_start3A_171 = tpu.memref_slice %arg10[%dma_start3A_169, %dma_start3A_170] : memref<1024x32xf32, #tpu.memory_space<vmem>> -> memref<128x32xf32, #tpu.memory_space<vmem>>
      %dma_start3A_172 = arith.constant 0 : i32
      %dma_start3A_173 = tpu.memref_slice %arg7[%add3A_168, %dma_start3A_172] : memref<80x128xi32, #tpu.memory_space<vmem>> -> memref<1x128xi32, #tpu.memory_space<vmem>>
      %dma_start3A_174 = tpu.memref_squeeze %dma_start3A_173 : memref<1x128xi32, #tpu.memory_space<vmem>> -> memref<128xi32, #tpu.memory_space<vmem>>
      %dma_start3A_175 = arith.constant 0 : i32
      %dma_start3A_176 = arith.constant 0 : i32
      %dma_start3A_177 = tpu.memref_slice %arg11[%dma_start3A_175, %dma_start3A_176] : memref<10240x32xf32, #tpu.memory_space<vmem_shared>> -> memref<10240x32xf32, #tpu.memory_space<vmem_shared>>
      tpu.enqueue_indirect_dma source(%dma_start3A_177 : memref<10240x32xf32, #tpu.memory_space<vmem_shared>>) target(%dma_start3A_171 : memref<128x32xf32, #tpu.memory_space<vmem>>) offsets(%dma_start3A_174 : memref<128xi32, #tpu.memory_space<vmem>>) semaphore(%arg14 : memref<!tpu.dma_semaphore, #tpu.memory_space<semaphore_mem>>)
      %mul3A_178 = arith.constant 8 : i32
      %mul3A_179 = arith.muli %add3A_107, %mul3A_178 : i32
      %add3A_180 = arith.constant 5 : i32
      %add3A_181 = arith.addi %mul3A_179, %add3A_180 : i32
      %dma_start3A_182 = arith.constant 640 : i32
      %dma_start3A_183 = arith.constant 0 : i32
      %dma_start3A_184 = tpu.memref_slice %arg10[%dma_start3A_182, %dma_start3A_183] : memref<1024x32xf32, #tpu.memory_space<vmem>> -> memref<128x32xf32, #tpu.memory_space<vmem>>
      %dma_start3A_185 = arith.constant 0 : i32
      %dma_start3A_186 = tpu.memref_slice %arg7[%add3A_181, %dma_start3A_185] : memref<80x128xi32, #tpu.memory_space<vmem>> -> memref<1x128xi32, #tpu.memory_space<vmem>>
      %dma_start3A_187 = tpu.memref_squeeze %dma_start3A_186 : memref<1x128xi32, #tpu.memory_space<vmem>> -> memref<128xi32, #tpu.memory_space<vmem>>
      %dma_start3A_188 = arith.constant 0 : i32
      %dma_start3A_189 = arith.constant 0 : i32
      %dma_start3A_190 = tpu.memref_slice %arg11[%dma_start3A_188, %dma_start3A_189] : memref<10240x32xf32, #tpu.memory_space<vmem_shared>> -> memref<10240x32xf32, #tpu.memory_space<vmem_shared>>
      tpu.enqueue_indirect_dma source(%dma_start3A_190 : memref<10240x32xf32, #tpu.memory_space<vmem_shared>>) target(%dma_start3A_184 : memref<128x32xf32, #tpu.memory_space<vmem>>) offsets(%dma_start3A_187 : memref<128xi32, #tpu.memory_space<vmem>>) semaphore(%arg14 : memref<!tpu.dma_semaphore, #tpu.memory_space<semaphore_mem>>)
      %mul3A_191 = arith.constant 8 : i32
      %mul3A_192 = arith.muli %add3A_107, %mul3A_191 : i32
      %add3A_193 = arith.constant 6 : i32
      %add3A_194 = arith.addi %mul3A_192, %add3A_193 : i32
      %dma_start3A_195 = arith.constant 768 : i32
      %dma_start3A_196 = arith.constant 0 : i32
      %dma_start3A_197 = tpu.memref_slice %arg10[%dma_start3A_195, %dma_start3A_196] : memref<1024x32xf32, #tpu.memory_space<vmem>> -> memref<128x32xf32, #tpu.memory_space<vmem>>
      %dma_start3A_198 = arith.constant 0 : i32
      %dma_start3A_199 = tpu.memref_slice %arg7[%add3A_194, %dma_start3A_198] : memref<80x128xi32, #tpu.memory_space<vmem>> -> memref<1x128xi32, #tpu.memory_space<vmem>>
      %dma_start3A_200 = tpu.memref_squeeze %dma_start3A_199 : memref<1x128xi32, #tpu.memory_space<vmem>> -> memref<128xi32, #tpu.memory_space<vmem>>
      %dma_start3A_201 = arith.constant 0 : i32
      %dma_start3A_202 = arith.constant 0 : i32
      %dma_start3A_203 = tpu.memref_slice %arg11[%dma_start3A_201, %dma_start3A_202] : memref<10240x32xf32, #tpu.memory_space<vmem_shared>> -> memref<10240x32xf32, #tpu.memory_space<vmem_shared>>
      tpu.enqueue_indirect_dma source(%dma_start3A_203 : memref<10240x32xf32, #tpu.memory_space<vmem_shared>>) target(%dma_start3A_197 : memref<128x32xf32, #tpu.memory_space<vmem>>) offsets(%dma_start3A_200 : memref<128xi32, #tpu.memory_space<vmem>>) semaphore(%arg14 : memref<!tpu.dma_semaphore, #tpu.memory_space<semaphore_mem>>)
      %mul3A_204 = arith.constant 8 : i32
      %mul3A_205 = arith.muli %add3A_107, %mul3A_204 : i32
      %add3A_206 = arith.constant 7 : i32
      %add3A_207 = arith.addi %mul3A_205, %add3A_206 : i32
      %dma_start3A_208 = arith.constant 896 : i32
      %dma_start3A_209 = arith.constant 0 : i32
      %dma_start3A_210 = tpu.memref_slice %arg10[%dma_start3A_208, %dma_start3A_209] : memref<1024x32xf32, #tpu.memory_space<vmem>> -> memref<128x32xf32, #tpu.memory_space<vmem>>
      %dma_start3A_211 = arith.constant 0 : i32
      %dma_start3A_212 = tpu.memref_slice %arg7[%add3A_207, %dma_start3A_211] : memref<80x128xi32, #tpu.memory_space<vmem>> -> memref<1x128xi32, #tpu.memory_space<vmem>>
      %dma_start3A_213 = tpu.memref_squeeze %dma_start3A_212 : memref<1x128xi32, #tpu.memory_space<vmem>> -> memref<128xi32, #tpu.memory_space<vmem>>
      %dma_start3A_214 = arith.constant 0 : i32
      %dma_start3A_215 = arith.constant 0 : i32
      %dma_start3A_216 = tpu.memref_slice %arg11[%dma_start3A_214, %dma_start3A_215] : memref<10240x32xf32, #tpu.memory_space<vmem_shared>> -> memref<10240x32xf32, #tpu.memory_space<vmem_shared>>
      tpu.enqueue_indirect_dma source(%dma_start3A_216 : memref<10240x32xf32, #tpu.memory_space<vmem_shared>>) target(%dma_start3A_210 : memref<128x32xf32, #tpu.memory_space<vmem>>) offsets(%dma_start3A_213 : memref<128xi32, #tpu.memory_space<vmem>>) semaphore(%arg14 : memref<!tpu.dma_semaphore, #tpu.memory_space<semaphore_mem>>)
      %mul3A_217 = arith.constant 8 : i32
      %mul3A_218 = arith.muli %mul3A_103, %mul3A_217 : i32
      %add3A_219 = arith.constant 0 : i32
      %add3A_220 = arith.addi %mul3A_218, %add3A_219 : i32
      %dma_start3A_221 = arith.constant 0 : i32
      %dma_start3A_222 = arith.constant 0 : i32
      %dma_start3A_223 = tpu.memref_slice %arg9[%dma_start3A_221, %dma_start3A_222] : memref<1024x32xf32, #tpu.memory_space<vmem>> -> memref<128x32xf32, #tpu.memory_space<vmem>>
      %dma_start3A_224 = arith.constant 0 : i32
      %dma_start3A_225 = tpu.memref_slice %arg8[%add3A_220, %dma_start3A_224] : memref<80x128xi32, #tpu.memory_space<vmem>> -> memref<1x128xi32, #tpu.memory_space<vmem>>
      %dma_start3A_226 = tpu.memref_squeeze %dma_start3A_225 : memref<1x128xi32, #tpu.memory_space<vmem>> -> memref<128xi32, #tpu.memory_space<vmem>>
      %dma_start3A_227 = arith.constant 0 : i32
      %dma_start3A_228 = arith.constant 0 : i32
      %dma_start3A_229 = tpu.memref_slice %arg12[%dma_start3A_227, %dma_start3A_228] : memref<10240x32xf32, #tpu.memory_space<vmem_shared>> -> memref<10240x32xf32, #tpu.memory_space<vmem_shared>>
      tpu.enqueue_indirect_dma source(%dma_start3A_223 : memref<128x32xf32, #tpu.memory_space<vmem>>) target(%dma_start3A_229 : memref<10240x32xf32, #tpu.memory_space<vmem_shared>>) offsets(%dma_start3A_226 : memref<128xi32, #tpu.memory_space<vmem>>) semaphore(%arg15 : memref<!tpu.dma_semaphore, #tpu.memory_space<semaphore_mem>>) {add = true}
      %mul3A_230 = arith.constant 8 : i32
      %mul3A_231 = arith.muli %mul3A_103, %mul3A_230 : i32
      %add3A_232 = arith.constant 1 : i32
      %add3A_233 = arith.addi %mul3A_231, %add3A_232 : i32
      %dma_start3A_234 = arith.constant 128 : i32
      %dma_start3A_235 = arith.constant 0 : i32
      %dma_start3A_236 = tpu.memref_slice %arg9[%dma_start3A_234, %dma_start3A_235] : memref<1024x32xf32, #tpu.memory_space<vmem>> -> memref<128x32xf32, #tpu.memory_space<vmem>>
      %dma_start3A_237 = arith.constant 0 : i32
      %dma_start3A_238 = tpu.memref_slice %arg8[%add3A_233, %dma_start3A_237] : memref<80x128xi32, #tpu.memory_space<vmem>> -> memref<1x128xi32, #tpu.memory_space<vmem>>
      %dma_start3A_239 = tpu.memref_squeeze %dma_start3A_238 : memref<1x128xi32, #tpu.memory_space<vmem>> -> memref<128xi32, #tpu.memory_space<vmem>>
      %dma_start3A_240 = arith.constant 0 : i32
      %dma_start3A_241 = arith.constant 0 : i32
      %dma_start3A_242 = tpu.memref_slice %arg12[%dma_start3A_240, %dma_start3A_241] : memref<10240x32xf32, #tpu.memory_space<vmem_shared>> -> memref<10240x32xf32, #tpu.memory_space<vmem_shared>>
      tpu.enqueue_indirect_dma source(%dma_start3A_236 : memref<128x32xf32, #tpu.memory_space<vmem>>) target(%dma_start3A_242 : memref<10240x32xf32, #tpu.memory_space<vmem_shared>>) offsets(%dma_start3A_239 : memref<128xi32, #tpu.memory_space<vmem>>) semaphore(%arg15 : memref<!tpu.dma_semaphore, #tpu.memory_space<semaphore_mem>>) {add = true}
      %mul3A_243 = arith.constant 8 : i32
      %mul3A_244 = arith.muli %mul3A_103, %mul3A_243 : i32
      %add3A_245 = arith.constant 2 : i32
      %add3A_246 = arith.addi %mul3A_244, %add3A_245 : i32
      %dma_start3A_247 = arith.constant 256 : i32
      %dma_start3A_248 = arith.constant 0 : i32
      %dma_start3A_249 = tpu.memref_slice %arg9[%dma_start3A_247, %dma_start3A_248] : memref<1024x32xf32, #tpu.memory_space<vmem>> -> memref<128x32xf32, #tpu.memory_space<vmem>>
      %dma_start3A_250 = arith.constant 0 : i32
      %dma_start3A_251 = tpu.memref_slice %arg8[%add3A_246, %dma_start3A_250] : memref<80x128xi32, #tpu.memory_space<vmem>> -> memref<1x128xi32, #tpu.memory_space<vmem>>
      %dma_start3A_252 = tpu.memref_squeeze %dma_start3A_251 : memref<1x128xi32, #tpu.memory_space<vmem>> -> memref<128xi32, #tpu.memory_space<vmem>>
      %dma_start3A_253 = arith.constant 0 : i32
      %dma_start3A_254 = arith.constant 0 : i32
      %dma_start3A_255 = tpu.memref_slice %arg12[%dma_start3A_253, %dma_start3A_254] : memref<10240x32xf32, #tpu.memory_space<vmem_shared>> -> memref<10240x32xf32, #tpu.memory_space<vmem_shared>>
      tpu.enqueue_indirect_dma source(%dma_start3A_249 : memref<128x32xf32, #tpu.memory_space<vmem>>) target(%dma_start3A_255 : memref<10240x32xf32, #tpu.memory_space<vmem_shared>>) offsets(%dma_start3A_252 : memref<128xi32, #tpu.memory_space<vmem>>) semaphore(%arg15 : memref<!tpu.dma_semaphore, #tpu.memory_space<semaphore_mem>>) {add = true}
      %mul3A_256 = arith.constant 8 : i32
      %mul3A_257 = arith.muli %mul3A_103, %mul3A_256 : i32
      %add3A_258 = arith.constant 3 : i32
      %add3A_259 = arith.addi %mul3A_257, %add3A_258 : i32
      %dma_start3A_260 = arith.constant 384 : i32
      %dma_start3A_261 = arith.constant 0 : i32
      %dma_start3A_262 = tpu.memref_slice %arg9[%dma_start3A_260, %dma_start3A_261] : memref<1024x32xf32, #tpu.memory_space<vmem>> -> memref<128x32xf32, #tpu.memory_space<vmem>>
      %dma_start3A_263 = arith.constant 0 : i32
      %dma_start3A_264 = tpu.memref_slice %arg8[%add3A_259, %dma_start3A_263] : memref<80x128xi32, #tpu.memory_space<vmem>> -> memref<1x128xi32, #tpu.memory_space<vmem>>
      %dma_start3A_265 = tpu.memref_squeeze %dma_start3A_264 : memref<1x128xi32, #tpu.memory_space<vmem>> -> memref<128xi32, #tpu.memory_space<vmem>>
      %dma_start3A_266 = arith.constant 0 : i32
      %dma_start3A_267 = arith.constant 0 : i32
      %dma_start3A_268 = tpu.memref_slice %arg12[%dma_start3A_266, %dma_start3A_267] : memref<10240x32xf32, #tpu.memory_space<vmem_shared>> -> memref<10240x32xf32, #tpu.memory_space<vmem_shared>>
      tpu.enqueue_indirect_dma source(%dma_start3A_262 : memref<128x32xf32, #tpu.memory_space<vmem>>) target(%dma_start3A_268 : memref<10240x32xf32, #tpu.memory_space<vmem_shared>>) offsets(%dma_start3A_265 : memref<128xi32, #tpu.memory_space<vmem>>) semaphore(%arg15 : memref<!tpu.dma_semaphore, #tpu.memory_space<semaphore_mem>>) {add = true}
      %mul3A_269 = arith.constant 8 : i32
      %mul3A_270 = arith.muli %mul3A_103, %mul3A_269 : i32
      %add3A_271 = arith.constant 4 : i32
      %add3A_272 = arith.addi %mul3A_270, %add3A_271 : i32
      %dma_start3A_273 = arith.constant 512 : i32
      %dma_start3A_274 = arith.constant 0 : i32
      %dma_start3A_275 = tpu.memref_slice %arg9[%dma_start3A_273, %dma_start3A_274] : memref<1024x32xf32, #tpu.memory_space<vmem>> -> memref<128x32xf32, #tpu.memory_space<vmem>>
      %dma_start3A_276 = arith.constant 0 : i32
      %dma_start3A_277 = tpu.memref_slice %arg8[%add3A_272, %dma_start3A_276] : memref<80x128xi32, #tpu.memory_space<vmem>> -> memref<1x128xi32, #tpu.memory_space<vmem>>
      %dma_start3A_278 = tpu.memref_squeeze %dma_start3A_277 : memref<1x128xi32, #tpu.memory_space<vmem>> -> memref<128xi32, #tpu.memory_space<vmem>>
      %dma_start3A_279 = arith.constant 0 : i32
      %dma_start3A_280 = arith.constant 0 : i32
      %dma_start3A_281 = tpu.memref_slice %arg12[%dma_start3A_279, %dma_start3A_280] : memref<10240x32xf32, #tpu.memory_space<vmem_shared>> -> memref<10240x32xf32, #tpu.memory_space<vmem_shared>>
      tpu.enqueue_indirect_dma source(%dma_start3A_275 : memref<128x32xf32, #tpu.memory_space<vmem>>) target(%dma_start3A_281 : memref<10240x32xf32, #tpu.memory_space<vmem_shared>>) offsets(%dma_start3A_278 : memref<128xi32, #tpu.memory_space<vmem>>) semaphore(%arg15 : memref<!tpu.dma_semaphore, #tpu.memory_space<semaphore_mem>>) {add = true}
      %mul3A_282 = arith.constant 8 : i32
      %mul3A_283 = arith.muli %mul3A_103, %mul3A_282 : i32
      %add3A_284 = arith.constant 5 : i32
      %add3A_285 = arith.addi %mul3A_283, %add3A_284 : i32
      %dma_start3A_286 = arith.constant 640 : i32
      %dma_start3A_287 = arith.constant 0 : i32
      %dma_start3A_288 = tpu.memref_slice %arg9[%dma_start3A_286, %dma_start3A_287] : memref<1024x32xf32, #tpu.memory_space<vmem>> -> memref<128x32xf32, #tpu.memory_space<vmem>>
      %dma_start3A_289 = arith.constant 0 : i32
      %dma_start3A_290 = tpu.memref_slice %arg8[%add3A_285, %dma_start3A_289] : memref<80x128xi32, #tpu.memory_space<vmem>> -> memref<1x128xi32, #tpu.memory_space<vmem>>
      %dma_start3A_291 = tpu.memref_squeeze %dma_start3A_290 : memref<1x128xi32, #tpu.memory_space<vmem>> -> memref<128xi32, #tpu.memory_space<vmem>>
      %dma_start3A_292 = arith.constant 0 : i32
      %dma_start3A_293 = arith.constant 0 : i32
      %dma_start3A_294 = tpu.memref_slice %arg12[%dma_start3A_292, %dma_start3A_293] : memref<10240x32xf32, #tpu.memory_space<vmem_shared>> -> memref<10240x32xf32, #tpu.memory_space<vmem_shared>>
      tpu.enqueue_indirect_dma source(%dma_start3A_288 : memref<128x32xf32, #tpu.memory_space<vmem>>) target(%dma_start3A_294 : memref<10240x32xf32, #tpu.memory_space<vmem_shared>>) offsets(%dma_start3A_291 : memref<128xi32, #tpu.memory_space<vmem>>) semaphore(%arg15 : memref<!tpu.dma_semaphore, #tpu.memory_space<semaphore_mem>>) {add = true}
      %mul3A_295 = arith.constant 8 : i32
      %mul3A_296 = arith.muli %mul3A_103, %mul3A_295 : i32
      %add3A_297 = arith.constant 6 : i32
      %add3A_298 = arith.addi %mul3A_296, %add3A_297 : i32
      %dma_start3A_299 = arith.constant 768 : i32
      %dma_start3A_300 = arith.constant 0 : i32
      %dma_start3A_301 = tpu.memref_slice %arg9[%dma_start3A_299, %dma_start3A_300] : memref<1024x32xf32, #tpu.memory_space<vmem>> -> memref<128x32xf32, #tpu.memory_space<vmem>>
      %dma_start3A_302 = arith.constant 0 : i32
      %dma_start3A_303 = tpu.memref_slice %arg8[%add3A_298, %dma_start3A_302] : memref<80x128xi32, #tpu.memory_space<vmem>> -> memref<1x128xi32, #tpu.memory_space<vmem>>
      %dma_start3A_304 = tpu.memref_squeeze %dma_start3A_303 : memref<1x128xi32, #tpu.memory_space<vmem>> -> memref<128xi32, #tpu.memory_space<vmem>>
      %dma_start3A_305 = arith.constant 0 : i32
      %dma_start3A_306 = arith.constant 0 : i32
      %dma_start3A_307 = tpu.memref_slice %arg12[%dma_start3A_305, %dma_start3A_306] : memref<10240x32xf32, #tpu.memory_space<vmem_shared>> -> memref<10240x32xf32, #tpu.memory_space<vmem_shared>>
      tpu.enqueue_indirect_dma source(%dma_start3A_301 : memref<128x32xf32, #tpu.memory_space<vmem>>) target(%dma_start3A_307 : memref<10240x32xf32, #tpu.memory_space<vmem_shared>>) offsets(%dma_start3A_304 : memref<128xi32, #tpu.memory_space<vmem>>) semaphore(%arg15 : memref<!tpu.dma_semaphore, #tpu.memory_space<semaphore_mem>>) {add = true}
      %mul3A_308 = arith.constant 8 : i32
      %mul3A_309 = arith.muli %mul3A_103, %mul3A_308 : i32
      %add3A_310 = arith.constant 7 : i32
      %add3A_311 = arith.addi %mul3A_309, %add3A_310 : i32
      %dma_start3A_312 = arith.constant 896 : i32
      %dma_start3A_313 = arith.constant 0 : i32
      %dma_start3A_314 = tpu.memref_slice %arg9[%dma_start3A_312, %dma_start3A_313] : memref<1024x32xf32, #tpu.memory_space<vmem>> -> memref<128x32xf32, #tpu.memory_space<vmem>>
      %dma_start3A_315 = arith.constant 0 : i32
      %dma_start3A_316 = tpu.memref_slice %arg8[%add3A_311, %dma_start3A_315] : memref<80x128xi32, #tpu.memory_space<vmem>> -> memref<1x128xi32, #tpu.memory_space<vmem>>
      %dma_start3A_317 = tpu.memref_squeeze %dma_start3A_316 : memref<1x128xi32, #tpu.memory_space<vmem>> -> memref<128xi32, #tpu.memory_space<vmem>>
      %dma_start3A_318 = arith.constant 0 : i32
      %dma_start3A_319 = arith.constant 0 : i32
      %dma_start3A_320 = tpu.memref_slice %arg12[%dma_start3A_318, %dma_start3A_319] : memref<10240x32xf32, #tpu.memory_space<vmem_shared>> -> memref<10240x32xf32, #tpu.memory_space<vmem_shared>>
      tpu.enqueue_indirect_dma source(%dma_start3A_314 : memref<128x32xf32, #tpu.memory_space<vmem>>) target(%dma_start3A_320 : memref<10240x32xf32, #tpu.memory_space<vmem_shared>>) offsets(%dma_start3A_317 : memref<128xi32, #tpu.memory_space<vmem>>) semaphore(%arg15 : memref<!tpu.dma_semaphore, #tpu.memory_space<semaphore_mem>>) {add = true}
      %dma_wait3A_321 = arith.constant 0 : i32
      %dma_wait3A_322 = arith.constant 0 : i32
      %dma_wait3A_323 = tpu.memref_slice %arg5[%dma_wait3A_321, %dma_wait3A_322] : memref<10240x32xf32, #tpu.memory_space<hbm>> -> memref<1024x32xf32, #tpu.memory_space<hbm>>
      %dma_wait3A_324 = arith.constant 0 : i32
      %dma_wait3A_325 = arith.constant 0 : i32
      %dma_wait3A_326 = tpu.memref_slice %arg5[%dma_wait3A_324, %dma_wait3A_325] : memref<10240x32xf32, #tpu.memory_space<hbm>> -> memref<1024x32xf32, #tpu.memory_space<hbm>>
      tpu.wait_dma2 semaphore(%arg14 : memref<!tpu.dma_semaphore, #tpu.memory_space<semaphore_mem>>) src(%dma_wait3A_326 : memref<1024x32xf32, #tpu.memory_space<hbm>>) dst(%arg10 : memref<1024x32xf32, #tpu.memory_space<vmem>>)
      %dma_wait3A_327 = arith.constant 0 : i32
      %dma_wait3A_328 = arith.constant 0 : i32
      %dma_wait3A_329 = tpu.memref_slice %arg5[%dma_wait3A_327, %dma_wait3A_328] : memref<10240x32xf32, #tpu.memory_space<hbm>> -> memref<1024x32xf32, #tpu.memory_space<hbm>>
      %dma_wait3A_330 = arith.constant 0 : i32
      %dma_wait3A_331 = arith.constant 0 : i32
      %dma_wait3A_332 = tpu.memref_slice %arg5[%dma_wait3A_330, %dma_wait3A_331] : memref<10240x32xf32, #tpu.memory_space<hbm>> -> memref<1024x32xf32, #tpu.memory_space<hbm>>
      tpu.wait_dma2 semaphore(%arg15 : memref<!tpu.dma_semaphore, #tpu.memory_space<semaphore_mem>>) src(%dma_wait3A_332 : memref<1024x32xf32, #tpu.memory_space<hbm>>) dst(%arg9 : memref<1024x32xf32, #tpu.memory_space<vmem>>)
      %lt3A = arith.constant 4 : i32
      %lt3A_333 = arith.cmpi slt, %add3A_101, %lt3A : i32
      %convert_element_type3A = arith.extui %lt3A_333 : i1 to i32
      %cond3A = arith.constant 0 : i32
      %cond3A_334 = arith.cmpi ne, %convert_element_type3A, %cond3A : i32
      scf.if %cond3A_334 {
        %add3A_445 = arith.constant 2 : i32
        %add3A_446 = arith.addi %mul3A_103, %add3A_445 : i32
        %mul3A_447 = arith.constant 8 : i32
        %mul3A_448 = arith.muli %add3A_446, %mul3A_447 : i32
        %add3A_449 = arith.constant 0 : i32
        %add3A_450 = arith.addi %mul3A_448, %add3A_449 : i32
        %dma_start3A_451 = arith.constant 0 : i32
        %dma_start3A_452 = arith.constant 0 : i32
        %dma_start3A_453 = tpu.memref_slice %arg9[%dma_start3A_451, %dma_start3A_452] : memref<1024x32xf32, #tpu.memory_space<vmem>> -> memref<128x32xf32, #tpu.memory_space<vmem>>
        %dma_start3A_454 = arith.constant 0 : i32
        %dma_start3A_455 = tpu.memref_slice %arg7[%add3A_450, %dma_start3A_454] : memref<80x128xi32, #tpu.memory_space<vmem>> -> memref<1x128xi32, #tpu.memory_space<vmem>>
        %dma_start3A_456 = tpu.memref_squeeze %dma_start3A_455 : memref<1x128xi32, #tpu.memory_space<vmem>> -> memref<128xi32, #tpu.memory_space<vmem>>
        %dma_start3A_457 = arith.constant 0 : i32
        %dma_start3A_458 = arith.constant 0 : i32
        %dma_start3A_459 = tpu.memref_slice %arg11[%dma_start3A_457, %dma_start3A_458] : memref<10240x32xf32, #tpu.memory_space<vmem_shared>> -> memref<10240x32xf32, #tpu.memory_space<vmem_shared>>
        tpu.enqueue_indirect_dma source(%dma_start3A_459 : memref<10240x32xf32, #tpu.memory_space<vmem_shared>>) target(%dma_start3A_453 : memref<128x32xf32, #tpu.memory_space<vmem>>) offsets(%dma_start3A_456 : memref<128xi32, #tpu.memory_space<vmem>>) semaphore(%arg13 : memref<!tpu.dma_semaphore, #tpu.memory_space<semaphore_mem>>)
        %mul3A_460 = arith.constant 8 : i32
        %mul3A_461 = arith.muli %add3A_446, %mul3A_460 : i32
        %add3A_462 = arith.constant 1 : i32
        %add3A_463 = arith.addi %mul3A_461, %add3A_462 : i32
        %dma_start3A_464 = arith.constant 128 : i32
        %dma_start3A_465 = arith.constant 0 : i32
        %dma_start3A_466 = tpu.memref_slice %arg9[%dma_start3A_464, %dma_start3A_465] : memref<1024x32xf32, #tpu.memory_space<vmem>> -> memref<128x32xf32, #tpu.memory_space<vmem>>
        %dma_start3A_467 = arith.constant 0 : i32
        %dma_start3A_468 = tpu.memref_slice %arg7[%add3A_463, %dma_start3A_467] : memref<80x128xi32, #tpu.memory_space<vmem>> -> memref<1x128xi32, #tpu.memory_space<vmem>>
        %dma_start3A_469 = tpu.memref_squeeze %dma_start3A_468 : memref<1x128xi32, #tpu.memory_space<vmem>> -> memref<128xi32, #tpu.memory_space<vmem>>
        %dma_start3A_470 = arith.constant 0 : i32
        %dma_start3A_471 = arith.constant 0 : i32
        %dma_start3A_472 = tpu.memref_slice %arg11[%dma_start3A_470, %dma_start3A_471] : memref<10240x32xf32, #tpu.memory_space<vmem_shared>> -> memref<10240x32xf32, #tpu.memory_space<vmem_shared>>
        tpu.enqueue_indirect_dma source(%dma_start3A_472 : memref<10240x32xf32, #tpu.memory_space<vmem_shared>>) target(%dma_start3A_466 : memref<128x32xf32, #tpu.memory_space<vmem>>) offsets(%dma_start3A_469 : memref<128xi32, #tpu.memory_space<vmem>>) semaphore(%arg13 : memref<!tpu.dma_semaphore, #tpu.memory_space<semaphore_mem>>)
        %mul3A_473 = arith.constant 8 : i32
        %mul3A_474 = arith.muli %add3A_446, %mul3A_473 : i32
        %add3A_475 = arith.constant 2 : i32
        %add3A_476 = arith.addi %mul3A_474, %add3A_475 : i32
        %dma_start3A_477 = arith.constant 256 : i32
        %dma_start3A_478 = arith.constant 0 : i32
        %dma_start3A_479 = tpu.memref_slice %arg9[%dma_start3A_477, %dma_start3A_478] : memref<1024x32xf32, #tpu.memory_space<vmem>> -> memref<128x32xf32, #tpu.memory_space<vmem>>
        %dma_start3A_480 = arith.constant 0 : i32
        %dma_start3A_481 = tpu.memref_slice %arg7[%add3A_476, %dma_start3A_480] : memref<80x128xi32, #tpu.memory_space<vmem>> -> memref<1x128xi32, #tpu.memory_space<vmem>>
        %dma_start3A_482 = tpu.memref_squeeze %dma_start3A_481 : memref<1x128xi32, #tpu.memory_space<vmem>> -> memref<128xi32, #tpu.memory_space<vmem>>
        %dma_start3A_483 = arith.constant 0 : i32
        %dma_start3A_484 = arith.constant 0 : i32
        %dma_start3A_485 = tpu.memref_slice %arg11[%dma_start3A_483, %dma_start3A_484] : memref<10240x32xf32, #tpu.memory_space<vmem_shared>> -> memref<10240x32xf32, #tpu.memory_space<vmem_shared>>
        tpu.enqueue_indirect_dma source(%dma_start3A_485 : memref<10240x32xf32, #tpu.memory_space<vmem_shared>>) target(%dma_start3A_479 : memref<128x32xf32, #tpu.memory_space<vmem>>) offsets(%dma_start3A_482 : memref<128xi32, #tpu.memory_space<vmem>>) semaphore(%arg13 : memref<!tpu.dma_semaphore, #tpu.memory_space<semaphore_mem>>)
        %mul3A_486 = arith.constant 8 : i32
        %mul3A_487 = arith.muli %add3A_446, %mul3A_486 : i32
        %add3A_488 = arith.constant 3 : i32
        %add3A_489 = arith.addi %mul3A_487, %add3A_488 : i32
        %dma_start3A_490 = arith.constant 384 : i32
        %dma_start3A_491 = arith.constant 0 : i32
        %dma_start3A_492 = tpu.memref_slice %arg9[%dma_start3A_490, %dma_start3A_491] : memref<1024x32xf32, #tpu.memory_space<vmem>> -> memref<128x32xf32, #tpu.memory_space<vmem>>
        %dma_start3A_493 = arith.constant 0 : i32
        %dma_start3A_494 = tpu.memref_slice %arg7[%add3A_489, %dma_start3A_493] : memref<80x128xi32, #tpu.memory_space<vmem>> -> memref<1x128xi32, #tpu.memory_space<vmem>>
        %dma_start3A_495 = tpu.memref_squeeze %dma_start3A_494 : memref<1x128xi32, #tpu.memory_space<vmem>> -> memref<128xi32, #tpu.memory_space<vmem>>
        %dma_start3A_496 = arith.constant 0 : i32
        %dma_start3A_497 = arith.constant 0 : i32
        %dma_start3A_498 = tpu.memref_slice %arg11[%dma_start3A_496, %dma_start3A_497] : memref<10240x32xf32, #tpu.memory_space<vmem_shared>> -> memref<10240x32xf32, #tpu.memory_space<vmem_shared>>
        tpu.enqueue_indirect_dma source(%dma_start3A_498 : memref<10240x32xf32, #tpu.memory_space<vmem_shared>>) target(%dma_start3A_492 : memref<128x32xf32, #tpu.memory_space<vmem>>) offsets(%dma_start3A_495 : memref<128xi32, #tpu.memory_space<vmem>>) semaphore(%arg13 : memref<!tpu.dma_semaphore, #tpu.memory_space<semaphore_mem>>)
        %mul3A_499 = arith.constant 8 : i32
        %mul3A_500 = arith.muli %add3A_446, %mul3A_499 : i32
        %add3A_501 = arith.constant 4 : i32
        %add3A_502 = arith.addi %mul3A_500, %add3A_501 : i32
        %dma_start3A_503 = arith.constant 512 : i32
        %dma_start3A_504 = arith.constant 0 : i32
        %dma_start3A_505 = tpu.memref_slice %arg9[%dma_start3A_503, %dma_start3A_504] : memref<1024x32xf32, #tpu.memory_space<vmem>> -> memref<128x32xf32, #tpu.memory_space<vmem>>
        %dma_start3A_506 = arith.constant 0 : i32
        %dma_start3A_507 = tpu.memref_slice %arg7[%add3A_502, %dma_start3A_506] : memref<80x128xi32, #tpu.memory_space<vmem>> -> memref<1x128xi32, #tpu.memory_space<vmem>>
        %dma_start3A_508 = tpu.memref_squeeze %dma_start3A_507 : memref<1x128xi32, #tpu.memory_space<vmem>> -> memref<128xi32, #tpu.memory_space<vmem>>
        %dma_start3A_509 = arith.constant 0 : i32
        %dma_start3A_510 = arith.constant 0 : i32
        %dma_start3A_511 = tpu.memref_slice %arg11[%dma_start3A_509, %dma_start3A_510] : memref<10240x32xf32, #tpu.memory_space<vmem_shared>> -> memref<10240x32xf32, #tpu.memory_space<vmem_shared>>
        tpu.enqueue_indirect_dma source(%dma_start3A_511 : memref<10240x32xf32, #tpu.memory_space<vmem_shared>>) target(%dma_start3A_505 : memref<128x32xf32, #tpu.memory_space<vmem>>) offsets(%dma_start3A_508 : memref<128xi32, #tpu.memory_space<vmem>>) semaphore(%arg13 : memref<!tpu.dma_semaphore, #tpu.memory_space<semaphore_mem>>)
        %mul3A_512 = arith.constant 8 : i32
        %mul3A_513 = arith.muli %add3A_446, %mul3A_512 : i32
        %add3A_514 = arith.constant 5 : i32
        %add3A_515 = arith.addi %mul3A_513, %add3A_514 : i32
        %dma_start3A_516 = arith.constant 640 : i32
        %dma_start3A_517 = arith.constant 0 : i32
        %dma_start3A_518 = tpu.memref_slice %arg9[%dma_start3A_516, %dma_start3A_517] : memref<1024x32xf32, #tpu.memory_space<vmem>> -> memref<128x32xf32, #tpu.memory_space<vmem>>
        %dma_start3A_519 = arith.constant 0 : i32
        %dma_start3A_520 = tpu.memref_slice %arg7[%add3A_515, %dma_start3A_519] : memref<80x128xi32, #tpu.memory_space<vmem>> -> memref<1x128xi32, #tpu.memory_space<vmem>>
        %dma_start3A_521 = tpu.memref_squeeze %dma_start3A_520 : memref<1x128xi32, #tpu.memory_space<vmem>> -> memref<128xi32, #tpu.memory_space<vmem>>
        %dma_start3A_522 = arith.constant 0 : i32
        %dma_start3A_523 = arith.constant 0 : i32
        %dma_start3A_524 = tpu.memref_slice %arg11[%dma_start3A_522, %dma_start3A_523] : memref<10240x32xf32, #tpu.memory_space<vmem_shared>> -> memref<10240x32xf32, #tpu.memory_space<vmem_shared>>
        tpu.enqueue_indirect_dma source(%dma_start3A_524 : memref<10240x32xf32, #tpu.memory_space<vmem_shared>>) target(%dma_start3A_518 : memref<128x32xf32, #tpu.memory_space<vmem>>) offsets(%dma_start3A_521 : memref<128xi32, #tpu.memory_space<vmem>>) semaphore(%arg13 : memref<!tpu.dma_semaphore, #tpu.memory_space<semaphore_mem>>)
        %mul3A_525 = arith.constant 8 : i32
        %mul3A_526 = arith.muli %add3A_446, %mul3A_525 : i32
        %add3A_527 = arith.constant 6 : i32
        %add3A_528 = arith.addi %mul3A_526, %add3A_527 : i32
        %dma_start3A_529 = arith.constant 768 : i32
        %dma_start3A_530 = arith.constant 0 : i32
        %dma_start3A_531 = tpu.memref_slice %arg9[%dma_start3A_529, %dma_start3A_530] : memref<1024x32xf32, #tpu.memory_space<vmem>> -> memref<128x32xf32, #tpu.memory_space<vmem>>
        %dma_start3A_532 = arith.constant 0 : i32
        %dma_start3A_533 = tpu.memref_slice %arg7[%add3A_528, %dma_start3A_532] : memref<80x128xi32, #tpu.memory_space<vmem>> -> memref<1x128xi32, #tpu.memory_space<vmem>>
        %dma_start3A_534 = tpu.memref_squeeze %dma_start3A_533 : memref<1x128xi32, #tpu.memory_space<vmem>> -> memref<128xi32, #tpu.memory_space<vmem>>
        %dma_start3A_535 = arith.constant 0 : i32
        %dma_start3A_536 = arith.constant 0 : i32
        %dma_start3A_537 = tpu.memref_slice %arg11[%dma_start3A_535, %dma_start3A_536] : memref<10240x32xf32, #tpu.memory_space<vmem_shared>> -> memref<10240x32xf32, #tpu.memory_space<vmem_shared>>
        tpu.enqueue_indirect_dma source(%dma_start3A_537 : memref<10240x32xf32, #tpu.memory_space<vmem_shared>>) target(%dma_start3A_531 : memref<128x32xf32, #tpu.memory_space<vmem>>) offsets(%dma_start3A_534 : memref<128xi32, #tpu.memory_space<vmem>>) semaphore(%arg13 : memref<!tpu.dma_semaphore, #tpu.memory_space<semaphore_mem>>)
        %mul3A_538 = arith.constant 8 : i32
        %mul3A_539 = arith.muli %add3A_446, %mul3A_538 : i32
        %add3A_540 = arith.constant 7 : i32
        %add3A_541 = arith.addi %mul3A_539, %add3A_540 : i32
        %dma_start3A_542 = arith.constant 896 : i32
        %dma_start3A_543 = arith.constant 0 : i32
        %dma_start3A_544 = tpu.memref_slice %arg9[%dma_start3A_542, %dma_start3A_543] : memref<1024x32xf32, #tpu.memory_space<vmem>> -> memref<128x32xf32, #tpu.memory_space<vmem>>
        %dma_start3A_545 = arith.constant 0 : i32
        %dma_start3A_546 = tpu.memref_slice %arg7[%add3A_541, %dma_start3A_545] : memref<80x128xi32, #tpu.memory_space<vmem>> -> memref<1x128xi32, #tpu.memory_space<vmem>>
        %dma_start3A_547 = tpu.memref_squeeze %dma_start3A_546 : memref<1x128xi32, #tpu.memory_space<vmem>> -> memref<128xi32, #tpu.memory_space<vmem>>
        %dma_start3A_548 = arith.constant 0 : i32
        %dma_start3A_549 = arith.constant 0 : i32
        %dma_start3A_550 = tpu.memref_slice %arg11[%dma_start3A_548, %dma_start3A_549] : memref<10240x32xf32, #tpu.memory_space<vmem_shared>> -> memref<10240x32xf32, #tpu.memory_space<vmem_shared>>
        tpu.enqueue_indirect_dma source(%dma_start3A_550 : memref<10240x32xf32, #tpu.memory_space<vmem_shared>>) target(%dma_start3A_544 : memref<128x32xf32, #tpu.memory_space<vmem>>) offsets(%dma_start3A_547 : memref<128xi32, #tpu.memory_space<vmem>>) semaphore(%arg13 : memref<!tpu.dma_semaphore, #tpu.memory_space<semaphore_mem>>)
      } else {
      }
      %mul3A_335 = arith.constant 8 : i32
      %mul3A_336 = arith.muli %add3A_107, %mul3A_335 : i32
      %add3A_337 = arith.constant 0 : i32
      %add3A_338 = arith.addi %mul3A_336, %add3A_337 : i32
      %dma_start3A_339 = arith.constant 0 : i32
      %dma_start3A_340 = arith.constant 0 : i32
      %dma_start3A_341 = tpu.memref_slice %arg10[%dma_start3A_339, %dma_start3A_340] : memref<1024x32xf32, #tpu.memory_space<vmem>> -> memref<128x32xf32, #tpu.memory_space<vmem>>
      %dma_start3A_342 = arith.constant 0 : i32
      %dma_start3A_343 = tpu.memref_slice %arg8[%add3A_338, %dma_start3A_342] : memref<80x128xi32, #tpu.memory_space<vmem>> -> memref<1x128xi32, #tpu.memory_space<vmem>>
      %dma_start3A_344 = tpu.memref_squeeze %dma_start3A_343 : memref<1x128xi32, #tpu.memory_space<vmem>> -> memref<128xi32, #tpu.memory_space<vmem>>
      %dma_start3A_345 = arith.constant 0 : i32
      %dma_start3A_346 = arith.constant 0 : i32
      %dma_start3A_347 = tpu.memref_slice %arg12[%dma_start3A_345, %dma_start3A_346] : memref<10240x32xf32, #tpu.memory_space<vmem_shared>> -> memref<10240x32xf32, #tpu.memory_space<vmem_shared>>
      tpu.enqueue_indirect_dma source(%dma_start3A_341 : memref<128x32xf32, #tpu.memory_space<vmem>>) target(%dma_start3A_347 : memref<10240x32xf32, #tpu.memory_space<vmem_shared>>) offsets(%dma_start3A_344 : memref<128xi32, #tpu.memory_space<vmem>>) semaphore(%arg16 : memref<!tpu.dma_semaphore, #tpu.memory_space<semaphore_mem>>) {add = true}
      %mul3A_348 = arith.constant 8 : i32
      %mul3A_349 = arith.muli %add3A_107, %mul3A_348 : i32
      %add3A_350 = arith.constant 1 : i32
      %add3A_351 = arith.addi %mul3A_349, %add3A_350 : i32
      %dma_start3A_352 = arith.constant 128 : i32
      %dma_start3A_353 = arith.constant 0 : i32
      %dma_start3A_354 = tpu.memref_slice %arg10[%dma_start3A_352, %dma_start3A_353] : memref<1024x32xf32, #tpu.memory_space<vmem>> -> memref<128x32xf32, #tpu.memory_space<vmem>>
      %dma_start3A_355 = arith.constant 0 : i32
      %dma_start3A_356 = tpu.memref_slice %arg8[%add3A_351, %dma_start3A_355] : memref<80x128xi32, #tpu.memory_space<vmem>> -> memref<1x128xi32, #tpu.memory_space<vmem>>
      %dma_start3A_357 = tpu.memref_squeeze %dma_start3A_356 : memref<1x128xi32, #tpu.memory_space<vmem>> -> memref<128xi32, #tpu.memory_space<vmem>>
      %dma_start3A_358 = arith.constant 0 : i32
      %dma_start3A_359 = arith.constant 0 : i32
      %dma_start3A_360 = tpu.memref_slice %arg12[%dma_start3A_358, %dma_start3A_359] : memref<10240x32xf32, #tpu.memory_space<vmem_shared>> -> memref<10240x32xf32, #tpu.memory_space<vmem_shared>>
      tpu.enqueue_indirect_dma source(%dma_start3A_354 : memref<128x32xf32, #tpu.memory_space<vmem>>) target(%dma_start3A_360 : memref<10240x32xf32, #tpu.memory_space<vmem_shared>>) offsets(%dma_start3A_357 : memref<128xi32, #tpu.memory_space<vmem>>) semaphore(%arg16 : memref<!tpu.dma_semaphore, #tpu.memory_space<semaphore_mem>>) {add = true}
      %mul3A_361 = arith.constant 8 : i32
      %mul3A_362 = arith.muli %add3A_107, %mul3A_361 : i32
      %add3A_363 = arith.constant 2 : i32
      %add3A_364 = arith.addi %mul3A_362, %add3A_363 : i32
      %dma_start3A_365 = arith.constant 256 : i32
      %dma_start3A_366 = arith.constant 0 : i32
      %dma_start3A_367 = tpu.memref_slice %arg10[%dma_start3A_365, %dma_start3A_366] : memref<1024x32xf32, #tpu.memory_space<vmem>> -> memref<128x32xf32, #tpu.memory_space<vmem>>
      %dma_start3A_368 = arith.constant 0 : i32
      %dma_start3A_369 = tpu.memref_slice %arg8[%add3A_364, %dma_start3A_368] : memref<80x128xi32, #tpu.memory_space<vmem>> -> memref<1x128xi32, #tpu.memory_space<vmem>>
      %dma_start3A_370 = tpu.memref_squeeze %dma_start3A_369 : memref<1x128xi32, #tpu.memory_space<vmem>> -> memref<128xi32, #tpu.memory_space<vmem>>
      %dma_start3A_371 = arith.constant 0 : i32
      %dma_start3A_372 = arith.constant 0 : i32
      %dma_start3A_373 = tpu.memref_slice %arg12[%dma_start3A_371, %dma_start3A_372] : memref<10240x32xf32, #tpu.memory_space<vmem_shared>> -> memref<10240x32xf32, #tpu.memory_space<vmem_shared>>
      tpu.enqueue_indirect_dma source(%dma_start3A_367 : memref<128x32xf32, #tpu.memory_space<vmem>>) target(%dma_start3A_373 : memref<10240x32xf32, #tpu.memory_space<vmem_shared>>) offsets(%dma_start3A_370 : memref<128xi32, #tpu.memory_space<vmem>>) semaphore(%arg16 : memref<!tpu.dma_semaphore, #tpu.memory_space<semaphore_mem>>) {add = true}
      %mul3A_374 = arith.constant 8 : i32
      %mul3A_375 = arith.muli %add3A_107, %mul3A_374 : i32
      %add3A_376 = arith.constant 3 : i32
      %add3A_377 = arith.addi %mul3A_375, %add3A_376 : i32
      %dma_start3A_378 = arith.constant 384 : i32
      %dma_start3A_379 = arith.constant 0 : i32
      %dma_start3A_380 = tpu.memref_slice %arg10[%dma_start3A_378, %dma_start3A_379] : memref<1024x32xf32, #tpu.memory_space<vmem>> -> memref<128x32xf32, #tpu.memory_space<vmem>>
      %dma_start3A_381 = arith.constant 0 : i32
      %dma_start3A_382 = tpu.memref_slice %arg8[%add3A_377, %dma_start3A_381] : memref<80x128xi32, #tpu.memory_space<vmem>> -> memref<1x128xi32, #tpu.memory_space<vmem>>
      %dma_start3A_383 = tpu.memref_squeeze %dma_start3A_382 : memref<1x128xi32, #tpu.memory_space<vmem>> -> memref<128xi32, #tpu.memory_space<vmem>>
      %dma_start3A_384 = arith.constant 0 : i32
      %dma_start3A_385 = arith.constant 0 : i32
      %dma_start3A_386 = tpu.memref_slice %arg12[%dma_start3A_384, %dma_start3A_385] : memref<10240x32xf32, #tpu.memory_space<vmem_shared>> -> memref<10240x32xf32, #tpu.memory_space<vmem_shared>>
      tpu.enqueue_indirect_dma source(%dma_start3A_380 : memref<128x32xf32, #tpu.memory_space<vmem>>) target(%dma_start3A_386 : memref<10240x32xf32, #tpu.memory_space<vmem_shared>>) offsets(%dma_start3A_383 : memref<128xi32, #tpu.memory_space<vmem>>) semaphore(%arg16 : memref<!tpu.dma_semaphore, #tpu.memory_space<semaphore_mem>>) {add = true}
      %mul3A_387 = arith.constant 8 : i32
      %mul3A_388 = arith.muli %add3A_107, %mul3A_387 : i32
      %add3A_389 = arith.constant 4 : i32
      %add3A_390 = arith.addi %mul3A_388, %add3A_389 : i32
      %dma_start3A_391 = arith.constant 512 : i32
      %dma_start3A_392 = arith.constant 0 : i32
      %dma_start3A_393 = tpu.memref_slice %arg10[%dma_start3A_391, %dma_start3A_392] : memref<1024x32xf32, #tpu.memory_space<vmem>> -> memref<128x32xf32, #tpu.memory_space<vmem>>
      %dma_start3A_394 = arith.constant 0 : i32
      %dma_start3A_395 = tpu.memref_slice %arg8[%add3A_390, %dma_start3A_394] : memref<80x128xi32, #tpu.memory_space<vmem>> -> memref<1x128xi32, #tpu.memory_space<vmem>>
      %dma_start3A_396 = tpu.memref_squeeze %dma_start3A_395 : memref<1x128xi32, #tpu.memory_space<vmem>> -> memref<128xi32, #tpu.memory_space<vmem>>
      %dma_start3A_397 = arith.constant 0 : i32
      %dma_start3A_398 = arith.constant 0 : i32
      %dma_start3A_399 = tpu.memref_slice %arg12[%dma_start3A_397, %dma_start3A_398] : memref<10240x32xf32, #tpu.memory_space<vmem_shared>> -> memref<10240x32xf32, #tpu.memory_space<vmem_shared>>
      tpu.enqueue_indirect_dma source(%dma_start3A_393 : memref<128x32xf32, #tpu.memory_space<vmem>>) target(%dma_start3A_399 : memref<10240x32xf32, #tpu.memory_space<vmem_shared>>) offsets(%dma_start3A_396 : memref<128xi32, #tpu.memory_space<vmem>>) semaphore(%arg16 : memref<!tpu.dma_semaphore, #tpu.memory_space<semaphore_mem>>) {add = true}
      %mul3A_400 = arith.constant 8 : i32
      %mul3A_401 = arith.muli %add3A_107, %mul3A_400 : i32
      %add3A_402 = arith.constant 5 : i32
      %add3A_403 = arith.addi %mul3A_401, %add3A_402 : i32
      %dma_start3A_404 = arith.constant 640 : i32
      %dma_start3A_405 = arith.constant 0 : i32
      %dma_start3A_406 = tpu.memref_slice %arg10[%dma_start3A_404, %dma_start3A_405] : memref<1024x32xf32, #tpu.memory_space<vmem>> -> memref<128x32xf32, #tpu.memory_space<vmem>>
      %dma_start3A_407 = arith.constant 0 : i32
      %dma_start3A_408 = tpu.memref_slice %arg8[%add3A_403, %dma_start3A_407] : memref<80x128xi32, #tpu.memory_space<vmem>> -> memref<1x128xi32, #tpu.memory_space<vmem>>
      %dma_start3A_409 = tpu.memref_squeeze %dma_start3A_408 : memref<1x128xi32, #tpu.memory_space<vmem>> -> memref<128xi32, #tpu.memory_space<vmem>>
      %dma_start3A_410 = arith.constant 0 : i32
      %dma_start3A_411 = arith.constant 0 : i32
      %dma_start3A_412 = tpu.memref_slice %arg12[%dma_start3A_410, %dma_start3A_411] : memref<10240x32xf32, #tpu.memory_space<vmem_shared>> -> memref<10240x32xf32, #tpu.memory_space<vmem_shared>>
      tpu.enqueue_indirect_dma source(%dma_start3A_406 : memref<128x32xf32, #tpu.memory_space<vmem>>) target(%dma_start3A_412 : memref<10240x32xf32, #tpu.memory_space<vmem_shared>>) offsets(%dma_start3A_409 : memref<128xi32, #tpu.memory_space<vmem>>) semaphore(%arg16 : memref<!tpu.dma_semaphore, #tpu.memory_space<semaphore_mem>>) {add = true}
      %mul3A_413 = arith.constant 8 : i32
      %mul3A_414 = arith.muli %add3A_107, %mul3A_413 : i32
      %add3A_415 = arith.constant 6 : i32
      %add3A_416 = arith.addi %mul3A_414, %add3A_415 : i32
      %dma_start3A_417 = arith.constant 768 : i32
      %dma_start3A_418 = arith.constant 0 : i32
      %dma_start3A_419 = tpu.memref_slice %arg10[%dma_start3A_417, %dma_start3A_418] : memref<1024x32xf32, #tpu.memory_space<vmem>> -> memref<128x32xf32, #tpu.memory_space<vmem>>
      %dma_start3A_420 = arith.constant 0 : i32
      %dma_start3A_421 = tpu.memref_slice %arg8[%add3A_416, %dma_start3A_420] : memref<80x128xi32, #tpu.memory_space<vmem>> -> memref<1x128xi32, #tpu.memory_space<vmem>>
      %dma_start3A_422 = tpu.memref_squeeze %dma_start3A_421 : memref<1x128xi32, #tpu.memory_space<vmem>> -> memref<128xi32, #tpu.memory_space<vmem>>
      %dma_start3A_423 = arith.constant 0 : i32
      %dma_start3A_424 = arith.constant 0 : i32
      %dma_start3A_425 = tpu.memref_slice %arg12[%dma_start3A_423, %dma_start3A_424] : memref<10240x32xf32, #tpu.memory_space<vmem_shared>> -> memref<10240x32xf32, #tpu.memory_space<vmem_shared>>
      tpu.enqueue_indirect_dma source(%dma_start3A_419 : memref<128x32xf32, #tpu.memory_space<vmem>>) target(%dma_start3A_425 : memref<10240x32xf32, #tpu.memory_space<vmem_shared>>) offsets(%dma_start3A_422 : memref<128xi32, #tpu.memory_space<vmem>>) semaphore(%arg16 : memref<!tpu.dma_semaphore, #tpu.memory_space<semaphore_mem>>) {add = true}
      %mul3A_426 = arith.constant 8 : i32
      %mul3A_427 = arith.muli %add3A_107, %mul3A_426 : i32
      %add3A_428 = arith.constant 7 : i32
      %add3A_429 = arith.addi %mul3A_427, %add3A_428 : i32
      %dma_start3A_430 = arith.constant 896 : i32
      %dma_start3A_431 = arith.constant 0 : i32
      %dma_start3A_432 = tpu.memref_slice %arg10[%dma_start3A_430, %dma_start3A_431] : memref<1024x32xf32, #tpu.memory_space<vmem>> -> memref<128x32xf32, #tpu.memory_space<vmem>>
      %dma_start3A_433 = arith.constant 0 : i32
      %dma_start3A_434 = tpu.memref_slice %arg8[%add3A_429, %dma_start3A_433] : memref<80x128xi32, #tpu.memory_space<vmem>> -> memref<1x128xi32, #tpu.memory_space<vmem>>
      %dma_start3A_435 = tpu.memref_squeeze %dma_start3A_434 : memref<1x128xi32, #tpu.memory_space<vmem>> -> memref<128xi32, #tpu.memory_space<vmem>>
      %dma_start3A_436 = arith.constant 0 : i32
      %dma_start3A_437 = arith.constant 0 : i32
      %dma_start3A_438 = tpu.memref_slice %arg12[%dma_start3A_436, %dma_start3A_437] : memref<10240x32xf32, #tpu.memory_space<vmem_shared>> -> memref<10240x32xf32, #tpu.memory_space<vmem_shared>>
      tpu.enqueue_indirect_dma source(%dma_start3A_432 : memref<128x32xf32, #tpu.memory_space<vmem>>) target(%dma_start3A_438 : memref<10240x32xf32, #tpu.memory_space<vmem_shared>>) offsets(%dma_start3A_435 : memref<128xi32, #tpu.memory_space<vmem>>) semaphore(%arg16 : memref<!tpu.dma_semaphore, #tpu.memory_space<semaphore_mem>>) {add = true}
      %dma_wait3A_439 = arith.constant 0 : i32
      %dma_wait3A_440 = arith.constant 0 : i32
      %dma_wait3A_441 = tpu.memref_slice %arg5[%dma_wait3A_439, %dma_wait3A_440] : memref<10240x32xf32, #tpu.memory_space<hbm>> -> memref<1024x32xf32, #tpu.memory_space<hbm>>
      %dma_wait3A_442 = arith.constant 0 : i32
      %dma_wait3A_443 = arith.constant 0 : i32
      %dma_wait3A_444 = tpu.memref_slice %arg5[%dma_wait3A_442, %dma_wait3A_443] : memref<10240x32xf32, #tpu.memory_space<hbm>> -> memref<1024x32xf32, #tpu.memory_space<hbm>>
      tpu.wait_dma2 semaphore(%arg16 : memref<!tpu.dma_semaphore, #tpu.memory_space<semaphore_mem>>) src(%dma_wait3A_444 : memref<1024x32xf32, #tpu.memory_space<hbm>>) dst(%arg10 : memref<1024x32xf32, #tpu.memory_space<vmem>>)
    }
    %scan3A_91 = arith.constant 5 : i32
    %barrier3A_92 = arith.constant 0 : index
    tpu.barrier barrier_id(%barrier3A_92)
    %mul3A_93 = arith.constant 640 : i32
    %mul3A_94 = arith.muli %arg1, %mul3A_93 : i32
    %mul3A_95 = arith.constant 640 : i32
    %mul3A_96 = arith.muli %arg1, %mul3A_95 : i32
    "tpu.region"() ({
      %run_scoped3A = tpu.sem_alloc : memref<!tpu.dma_semaphore, #tpu.memory_space<semaphore_mem>>
      %dma_start3A_97 = arith.constant 0 : i32
      %dma_start3A_98 = tpu.memref_slice %arg6[%arg0, %mul3A_96, %dma_start3A_97] : memref<2x10240x32xf32, #tpu.memory_space<hbm>> -> memref<1x640x32xf32, #tpu.memory_space<hbm>>
      %dma_start3A_99 = tpu.memref_squeeze %dma_start3A_98 : memref<1x640x32xf32, #tpu.memory_space<hbm>> -> memref<640x32xf32, #tpu.memory_space<hbm>>
      %dma_start3A_100 = arith.constant 0 : i32
      %dma_start3A_101 = tpu.memref_slice %arg12[%mul3A_94, %dma_start3A_100] : memref<10240x32xf32, #tpu.memory_space<vmem_shared>> -> memref<640x32xf32, #tpu.memory_space<vmem_shared>>
      tpu.enqueue_dma source(%dma_start3A_101 : memref<640x32xf32, #tpu.memory_space<vmem_shared>>) target(%dma_start3A_99 : memref<640x32xf32, #tpu.memory_space<hbm>>) target_semaphore(%run_scoped3A : memref<!tpu.dma_semaphore, #tpu.memory_space<semaphore_mem>>)
      %dma_wait3A = arith.constant 0 : i32
      %dma_wait3A_102 = tpu.memref_slice %arg6[%arg0, %mul3A_96, %dma_wait3A] : memref<2x10240x32xf32, #tpu.memory_space<hbm>> -> memref<1x640x32xf32, #tpu.memory_space<hbm>>
      %dma_wait3A_103 = tpu.memref_squeeze %dma_wait3A_102 : memref<1x640x32xf32, #tpu.memory_space<hbm>> -> memref<640x32xf32, #tpu.memory_space<hbm>>
      %dma_wait3A_104 = arith.constant 0 : i32
      %dma_wait3A_105 = tpu.memref_slice %arg12[%mul3A_94, %dma_wait3A_104] : memref<10240x32xf32, #tpu.memory_space<vmem_shared>> -> memref<640x32xf32, #tpu.memory_space<vmem_shared>>
      tpu.wait_dma2 semaphore(%run_scoped3A : memref<!tpu.dma_semaphore, #tpu.memory_space<semaphore_mem>>) src(%dma_wait3A_105 : memref<640x32xf32, #tpu.memory_space<vmem_shared>>) dst(%dma_wait3A_103 : memref<640x32xf32, #tpu.memory_space<hbm>>)
      tpu.yield
    }) : () -> ()
    return
  }
}

#map = affine_map<(d0, d1) -> (0, 0)>
#map1 = affine_map<(d0, d1) -> (0, 0, 0)>
module attributes {stable_mosaic.version = 14 : i64} {
  func.func @_edge_body(%arg0: i32, %arg1: i32, %arg2: memref<10240x32xf32, #tpu.memory_space<hbm>>, %arg3: memref<32x80x128xi32, #tpu.memory_space<hbm>>, %arg4: memref<32x80x128xi32, #tpu.memory_space<hbm>>, %arg5: memref<10240x32xf32, #tpu.memory_space<hbm>>, %arg6: memref<2x10240x32xf32, #tpu.memory_space<hbm>>, %arg7: memref<80x128xi32, #tpu.memory_space<vmem>>, %arg8: memref<80x128xi32, #tpu.memory_space<vmem>>, %arg9: memref<1024x32xf32, #tpu.memory_space<vmem>>, %arg10: memref<1024x32xf32, #tpu.memory_space<vmem>>, %arg11: memref<10240x32xf32, #tpu.memory_space<vmem_shared>>, %arg12: memref<10240x32xf32, #tpu.memory_space<vmem_shared>>, %arg13: memref<!tpu.dma_semaphore, #tpu.memory_space<semaphore_mem>>, %arg14: memref<!tpu.dma_semaphore, #tpu.memory_space<semaphore_mem>>, %arg15: memref<!tpu.dma_semaphore, #tpu.memory_space<semaphore_mem>>, %arg16: memref<!tpu.dma_semaphore, #tpu.memory_space<semaphore_mem>>) attributes {dimension_semantics = [#tpu.dimension_semantics<core_parallel>, #tpu.dimension_semantics<subcore_parallel>], iteration_bounds = array<i64: 2, 16>, scalar_prefetch = 0 : i64, scratch_operands = 10 : i64, tpu.core_type = #tpu.core_type<sc_vector_subcore>, window_params = [{transform_indices = #map}, {transform_indices = #map1}, {transform_indices = #map1}, {transform_indices = #map}, {transform_indices = #map1}]} {
    %mul3A = arith.constant 2 : i32
    %mul3A_0 = arith.muli %arg1, %mul3A : i32
    %add3A = arith.addi %mul3A_0, %arg0 : i32
    %mul3A_1 = arith.constant 640 : i32
    %mul3A_2 = arith.muli %arg1, %mul3A_1 : i32
    %mul3A_3 = arith.constant 640 : i32
    %mul3A_4 = arith.muli %arg1, %mul3A_3 : i32
    "tpu.region"() ({
      %run_scoped3A = tpu.sem_alloc : memref<!tpu.dma_semaphore, #tpu.memory_space<semaphore_mem>>
      %dma_start3A_97 = arith.constant 0 : i32
      %dma_start3A_98 = tpu.memref_slice %arg12[%mul3A_4, %dma_start3A_97] : memref<10240x32xf32, #tpu.memory_space<vmem_shared>> -> memref<640x32xf32, #tpu.memory_space<vmem_shared>>
      %dma_start3A_99 = arith.constant 0 : i32
      %dma_start3A_100 = tpu.memref_slice %arg5[%mul3A_2, %dma_start3A_99] : memref<10240x32xf32, #tpu.memory_space<hbm>> -> memref<640x32xf32, #tpu.memory_space<hbm>>
      tpu.enqueue_dma source(%dma_start3A_100 : memref<640x32xf32, #tpu.memory_space<hbm>>) target(%dma_start3A_98 : memref<640x32xf32, #tpu.memory_space<vmem_shared>>) target_semaphore(%run_scoped3A : memref<!tpu.dma_semaphore, #tpu.memory_space<semaphore_mem>>)
      %dma_wait3A = arith.constant 0 : i32
      %dma_wait3A_101 = tpu.memref_slice %arg12[%mul3A_4, %dma_wait3A] : memref<10240x32xf32, #tpu.memory_space<vmem_shared>> -> memref<640x32xf32, #tpu.memory_space<vmem_shared>>
      %dma_wait3A_102 = arith.constant 0 : i32
      %dma_wait3A_103 = tpu.memref_slice %arg5[%mul3A_2, %dma_wait3A_102] : memref<10240x32xf32, #tpu.memory_space<hbm>> -> memref<640x32xf32, #tpu.memory_space<hbm>>
      tpu.wait_dma2 semaphore(%run_scoped3A : memref<!tpu.dma_semaphore, #tpu.memory_space<semaphore_mem>>) src(%dma_wait3A_103 : memref<640x32xf32, #tpu.memory_space<hbm>>) dst(%dma_wait3A_101 : memref<640x32xf32, #tpu.memory_space<vmem_shared>>)
      tpu.yield
    }) : () -> ()
    %mul3A_5 = arith.constant 640 : i32
    %mul3A_6 = arith.muli %arg1, %mul3A_5 : i32
    %mul3A_7 = arith.constant 640 : i32
    %mul3A_8 = arith.muli %arg1, %mul3A_7 : i32
    "tpu.region"() ({
      %run_scoped3A = tpu.sem_alloc : memref<!tpu.dma_semaphore, #tpu.memory_space<semaphore_mem>>
      %dma_start3A_97 = arith.constant 0 : i32
      %dma_start3A_98 = tpu.memref_slice %arg11[%mul3A_8, %dma_start3A_97] : memref<10240x32xf32, #tpu.memory_space<vmem_shared>> -> memref<640x32xf32, #tpu.memory_space<vmem_shared>>
      %dma_start3A_99 = arith.constant 0 : i32
      %dma_start3A_100 = tpu.memref_slice %arg2[%mul3A_6, %dma_start3A_99] : memref<10240x32xf32, #tpu.memory_space<hbm>> -> memref<640x32xf32, #tpu.memory_space<hbm>>
      tpu.enqueue_dma source(%dma_start3A_100 : memref<640x32xf32, #tpu.memory_space<hbm>>) target(%dma_start3A_98 : memref<640x32xf32, #tpu.memory_space<vmem_shared>>) target_semaphore(%run_scoped3A : memref<!tpu.dma_semaphore, #tpu.memory_space<semaphore_mem>>)
      %dma_wait3A = arith.constant 0 : i32
      %dma_wait3A_101 = tpu.memref_slice %arg11[%mul3A_8, %dma_wait3A] : memref<10240x32xf32, #tpu.memory_space<vmem_shared>> -> memref<640x32xf32, #tpu.memory_space<vmem_shared>>
      %dma_wait3A_102 = arith.constant 0 : i32
      %dma_wait3A_103 = tpu.memref_slice %arg2[%mul3A_6, %dma_wait3A_102] : memref<10240x32xf32, #tpu.memory_space<hbm>> -> memref<640x32xf32, #tpu.memory_space<hbm>>
      tpu.wait_dma2 semaphore(%run_scoped3A : memref<!tpu.dma_semaphore, #tpu.memory_space<semaphore_mem>>) src(%dma_wait3A_103 : memref<640x32xf32, #tpu.memory_space<hbm>>) dst(%dma_wait3A_101 : memref<640x32xf32, #tpu.memory_space<vmem_shared>>)
      tpu.yield
    }) : () -> ()
    "tpu.region"() ({
      %run_scoped3A = tpu.sem_alloc : memref<!tpu.dma_semaphore, #tpu.memory_space<semaphore_mem>>
      %dma_start3A_97 = arith.constant 0 : i32
      %dma_start3A_98 = arith.constant 0 : i32
      %dma_start3A_99 = tpu.memref_slice %arg3[%add3A, %dma_start3A_97, %dma_start3A_98] : memref<32x80x128xi32, #tpu.memory_space<hbm>> -> memref<1x80x128xi32, #tpu.memory_space<hbm>>
      %dma_start3A_100 = tpu.memref_squeeze %dma_start3A_99 : memref<1x80x128xi32, #tpu.memory_space<hbm>> -> memref<80x128xi32, #tpu.memory_space<hbm>>
      %dma_start3A_101 = arith.constant 0 : i32
      %dma_start3A_102 = arith.constant 0 : i32
      %dma_start3A_103 = tpu.memref_slice %arg3[%add3A, %dma_start3A_101, %dma_start3A_102] : memref<32x80x128xi32, #tpu.memory_space<hbm>> -> memref<1x80x128xi32, #tpu.memory_space<hbm>>
      %dma_start3A_104 = tpu.memref_squeeze %dma_start3A_103 : memref<1x80x128xi32, #tpu.memory_space<hbm>> -> memref<80x128xi32, #tpu.memory_space<hbm>>
      tpu.enqueue_dma source(%dma_start3A_104 : memref<80x128xi32, #tpu.memory_space<hbm>>) target(%arg7 : memref<80x128xi32, #tpu.memory_space<vmem>>) target_semaphore(%run_scoped3A : memref<!tpu.dma_semaphore, #tpu.memory_space<semaphore_mem>>)
      %dma_wait3A = arith.constant 0 : i32
      %dma_wait3A_105 = arith.constant 0 : i32
      %dma_wait3A_106 = tpu.memref_slice %arg3[%add3A, %dma_wait3A, %dma_wait3A_105] : memref<32x80x128xi32, #tpu.memory_space<hbm>> -> memref<1x80x128xi32, #tpu.memory_space<hbm>>
      %dma_wait3A_107 = tpu.memref_squeeze %dma_wait3A_106 : memref<1x80x128xi32, #tpu.memory_space<hbm>> -> memref<80x128xi32, #tpu.memory_space<hbm>>
      %dma_wait3A_108 = arith.constant 0 : i32
      %dma_wait3A_109 = arith.constant 0 : i32
      %dma_wait3A_110 = tpu.memref_slice %arg3[%add3A, %dma_wait3A_108, %dma_wait3A_109] : memref<32x80x128xi32, #tpu.memory_space<hbm>> -> memref<1x80x128xi32, #tpu.memory_space<hbm>>
      %dma_wait3A_111 = tpu.memref_squeeze %dma_wait3A_110 : memref<1x80x128xi32, #tpu.memory_space<hbm>> -> memref<80x128xi32, #tpu.memory_space<hbm>>
      tpu.wait_dma2 semaphore(%run_scoped3A : memref<!tpu.dma_semaphore, #tpu.memory_space<semaphore_mem>>) src(%dma_wait3A_111 : memref<80x128xi32, #tpu.memory_space<hbm>>) dst(%arg7 : memref<80x128xi32, #tpu.memory_space<vmem>>)
      tpu.yield
    }) : () -> ()
    "tpu.region"() ({
      %run_scoped3A = tpu.sem_alloc : memref<!tpu.dma_semaphore, #tpu.memory_space<semaphore_mem>>
      %dma_start3A_97 = arith.constant 0 : i32
      %dma_start3A_98 = arith.constant 0 : i32
      %dma_start3A_99 = tpu.memref_slice %arg4[%add3A, %dma_start3A_97, %dma_start3A_98] : memref<32x80x128xi32, #tpu.memory_space<hbm>> -> memref<1x80x128xi32, #tpu.memory_space<hbm>>
      %dma_start3A_100 = tpu.memref_squeeze %dma_start3A_99 : memref<1x80x128xi32, #tpu.memory_space<hbm>> -> memref<80x128xi32, #tpu.memory_space<hbm>>
      %dma_start3A_101 = arith.constant 0 : i32
      %dma_start3A_102 = arith.constant 0 : i32
      %dma_start3A_103 = tpu.memref_slice %arg4[%add3A, %dma_start3A_101, %dma_start3A_102] : memref<32x80x128xi32, #tpu.memory_space<hbm>> -> memref<1x80x128xi32, #tpu.memory_space<hbm>>
      %dma_start3A_104 = tpu.memref_squeeze %dma_start3A_103 : memref<1x80x128xi32, #tpu.memory_space<hbm>> -> memref<80x128xi32, #tpu.memory_space<hbm>>
      tpu.enqueue_dma source(%dma_start3A_104 : memref<80x128xi32, #tpu.memory_space<hbm>>) target(%arg8 : memref<80x128xi32, #tpu.memory_space<vmem>>) target_semaphore(%run_scoped3A : memref<!tpu.dma_semaphore, #tpu.memory_space<semaphore_mem>>)
      %dma_wait3A = arith.constant 0 : i32
      %dma_wait3A_105 = arith.constant 0 : i32
      %dma_wait3A_106 = tpu.memref_slice %arg4[%add3A, %dma_wait3A, %dma_wait3A_105] : memref<32x80x128xi32, #tpu.memory_space<hbm>> -> memref<1x80x128xi32, #tpu.memory_space<hbm>>
      %dma_wait3A_107 = tpu.memref_squeeze %dma_wait3A_106 : memref<1x80x128xi32, #tpu.memory_space<hbm>> -> memref<80x128xi32, #tpu.memory_space<hbm>>
      %dma_wait3A_108 = arith.constant 0 : i32
      %dma_wait3A_109 = arith.constant 0 : i32
      %dma_wait3A_110 = tpu.memref_slice %arg4[%add3A, %dma_wait3A_108, %dma_wait3A_109] : memref<32x80x128xi32, #tpu.memory_space<hbm>> -> memref<1x80x128xi32, #tpu.memory_space<hbm>>
      %dma_wait3A_111 = tpu.memref_squeeze %dma_wait3A_110 : memref<1x80x128xi32, #tpu.memory_space<hbm>> -> memref<80x128xi32, #tpu.memory_space<hbm>>
      tpu.wait_dma2 semaphore(%run_scoped3A : memref<!tpu.dma_semaphore, #tpu.memory_space<semaphore_mem>>) src(%dma_wait3A_111 : memref<80x128xi32, #tpu.memory_space<hbm>>) dst(%arg8 : memref<80x128xi32, #tpu.memory_space<vmem>>)
      tpu.yield
    }) : () -> ()
    %barrier3A = arith.constant 0 : index
    tpu.barrier barrier_id(%barrier3A)
    %dma_start3A = arith.constant 0 : i32
    %dma_start3A_9 = arith.constant 0 : i32
    %dma_start3A_10 = arith.constant 0 : i32
    %dma_start3A_11 = tpu.memref_slice %arg9[%dma_start3A_9, %dma_start3A_10] : memref<1024x32xf32, #tpu.memory_space<vmem>> -> memref<128x32xf32, #tpu.memory_space<vmem>>
    %dma_start3A_12 = arith.constant 0 : i32
    %dma_start3A_13 = tpu.memref_slice %arg7[%dma_start3A, %dma_start3A_12] : memref<80x128xi32, #tpu.memory_space<vmem>> -> memref<1x128xi32, #tpu.memory_space<vmem>>
    %dma_start3A_14 = tpu.memref_squeeze %dma_start3A_13 : memref<1x128xi32, #tpu.memory_space<vmem>> -> memref<128xi32, #tpu.memory_space<vmem>>
    %dma_start3A_15 = arith.constant 0 : i32
    %dma_start3A_16 = arith.constant 0 : i32
    %dma_start3A_17 = tpu.memref_slice %arg11[%dma_start3A_15, %dma_start3A_16] : memref<10240x32xf32, #tpu.memory_space<vmem_shared>> -> memref<10240x32xf32, #tpu.memory_space<vmem_shared>>
    tpu.enqueue_indirect_dma source(%dma_start3A_17 : memref<10240x32xf32, #tpu.memory_space<vmem_shared>>) target(%dma_start3A_11 : memref<128x32xf32, #tpu.memory_space<vmem>>) offsets(%dma_start3A_14 : memref<128xi32, #tpu.memory_space<vmem>>) semaphore(%arg13 : memref<!tpu.dma_semaphore, #tpu.memory_space<semaphore_mem>>)
    %dma_start3A_18 = arith.constant 1 : i32
    %dma_start3A_19 = arith.constant 128 : i32
    %dma_start3A_20 = arith.constant 0 : i32
    %dma_start3A_21 = tpu.memref_slice %arg9[%dma_start3A_19, %dma_start3A_20] : memref<1024x32xf32, #tpu.memory_space<vmem>> -> memref<128x32xf32, #tpu.memory_space<vmem>>
    %dma_start3A_22 = arith.constant 0 : i32
    %dma_start3A_23 = tpu.memref_slice %arg7[%dma_start3A_18, %dma_start3A_22] : memref<80x128xi32, #tpu.memory_space<vmem>> -> memref<1x128xi32, #tpu.memory_space<vmem>>
    %dma_start3A_24 = tpu.memref_squeeze %dma_start3A_23 : memref<1x128xi32, #tpu.memory_space<vmem>> -> memref<128xi32, #tpu.memory_space<vmem>>
    %dma_start3A_25 = arith.constant 0 : i32
    %dma_start3A_26 = arith.constant 0 : i32
    %dma_start3A_27 = tpu.memref_slice %arg11[%dma_start3A_25, %dma_start3A_26] : memref<10240x32xf32, #tpu.memory_space<vmem_shared>> -> memref<10240x32xf32, #tpu.memory_space<vmem_shared>>
    tpu.enqueue_indirect_dma source(%dma_start3A_27 : memref<10240x32xf32, #tpu.memory_space<vmem_shared>>) target(%dma_start3A_21 : memref<128x32xf32, #tpu.memory_space<vmem>>) offsets(%dma_start3A_24 : memref<128xi32, #tpu.memory_space<vmem>>) semaphore(%arg13 : memref<!tpu.dma_semaphore, #tpu.memory_space<semaphore_mem>>)
    %dma_start3A_28 = arith.constant 2 : i32
    %dma_start3A_29 = arith.constant 256 : i32
    %dma_start3A_30 = arith.constant 0 : i32
    %dma_start3A_31 = tpu.memref_slice %arg9[%dma_start3A_29, %dma_start3A_30] : memref<1024x32xf32, #tpu.memory_space<vmem>> -> memref<128x32xf32, #tpu.memory_space<vmem>>
    %dma_start3A_32 = arith.constant 0 : i32
    %dma_start3A_33 = tpu.memref_slice %arg7[%dma_start3A_28, %dma_start3A_32] : memref<80x128xi32, #tpu.memory_space<vmem>> -> memref<1x128xi32, #tpu.memory_space<vmem>>
    %dma_start3A_34 = tpu.memref_squeeze %dma_start3A_33 : memref<1x128xi32, #tpu.memory_space<vmem>> -> memref<128xi32, #tpu.memory_space<vmem>>
    %dma_start3A_35 = arith.constant 0 : i32
    %dma_start3A_36 = arith.constant 0 : i32
    %dma_start3A_37 = tpu.memref_slice %arg11[%dma_start3A_35, %dma_start3A_36] : memref<10240x32xf32, #tpu.memory_space<vmem_shared>> -> memref<10240x32xf32, #tpu.memory_space<vmem_shared>>
    tpu.enqueue_indirect_dma source(%dma_start3A_37 : memref<10240x32xf32, #tpu.memory_space<vmem_shared>>) target(%dma_start3A_31 : memref<128x32xf32, #tpu.memory_space<vmem>>) offsets(%dma_start3A_34 : memref<128xi32, #tpu.memory_space<vmem>>) semaphore(%arg13 : memref<!tpu.dma_semaphore, #tpu.memory_space<semaphore_mem>>)
    %dma_start3A_38 = arith.constant 3 : i32
    %dma_start3A_39 = arith.constant 384 : i32
    %dma_start3A_40 = arith.constant 0 : i32
    %dma_start3A_41 = tpu.memref_slice %arg9[%dma_start3A_39, %dma_start3A_40] : memref<1024x32xf32, #tpu.memory_space<vmem>> -> memref<128x32xf32, #tpu.memory_space<vmem>>
    %dma_start3A_42 = arith.constant 0 : i32
    %dma_start3A_43 = tpu.memref_slice %arg7[%dma_start3A_38, %dma_start3A_42] : memref<80x128xi32, #tpu.memory_space<vmem>> -> memref<1x128xi32, #tpu.memory_space<vmem>>
    %dma_start3A_44 = tpu.memref_squeeze %dma_start3A_43 : memref<1x128xi32, #tpu.memory_space<vmem>> -> memref<128xi32, #tpu.memory_space<vmem>>
    %dma_start3A_45 = arith.constant 0 : i32
    %dma_start3A_46 = arith.constant 0 : i32
    %dma_start3A_47 = tpu.memref_slice %arg11[%dma_start3A_45, %dma_start3A_46] : memref<10240x32xf32, #tpu.memory_space<vmem_shared>> -> memref<10240x32xf32, #tpu.memory_space<vmem_shared>>
    tpu.enqueue_indirect_dma source(%dma_start3A_47 : memref<10240x32xf32, #tpu.memory_space<vmem_shared>>) target(%dma_start3A_41 : memref<128x32xf32, #tpu.memory_space<vmem>>) offsets(%dma_start3A_44 : memref<128xi32, #tpu.memory_space<vmem>>) semaphore(%arg13 : memref<!tpu.dma_semaphore, #tpu.memory_space<semaphore_mem>>)
    %dma_start3A_48 = arith.constant 4 : i32
    %dma_start3A_49 = arith.constant 512 : i32
    %dma_start3A_50 = arith.constant 0 : i32
    %dma_start3A_51 = tpu.memref_slice %arg9[%dma_start3A_49, %dma_start3A_50] : memref<1024x32xf32, #tpu.memory_space<vmem>> -> memref<128x32xf32, #tpu.memory_space<vmem>>
    %dma_start3A_52 = arith.constant 0 : i32
    %dma_start3A_53 = tpu.memref_slice %arg7[%dma_start3A_48, %dma_start3A_52] : memref<80x128xi32, #tpu.memory_space<vmem>> -> memref<1x128xi32, #tpu.memory_space<vmem>>
    %dma_start3A_54 = tpu.memref_squeeze %dma_start3A_53 : memref<1x128xi32, #tpu.memory_space<vmem>> -> memref<128xi32, #tpu.memory_space<vmem>>
    %dma_start3A_55 = arith.constant 0 : i32
    %dma_start3A_56 = arith.constant 0 : i32
    %dma_start3A_57 = tpu.memref_slice %arg11[%dma_start3A_55, %dma_start3A_56] : memref<10240x32xf32, #tpu.memory_space<vmem_shared>> -> memref<10240x32xf32, #tpu.memory_space<vmem_shared>>
    tpu.enqueue_indirect_dma source(%dma_start3A_57 : memref<10240x32xf32, #tpu.memory_space<vmem_shared>>) target(%dma_start3A_51 : memref<128x32xf32, #tpu.memory_space<vmem>>) offsets(%dma_start3A_54 : memref<128xi32, #tpu.memory_space<vmem>>) semaphore(%arg13 : memref<!tpu.dma_semaphore, #tpu.memory_space<semaphore_mem>>)
    %dma_start3A_58 = arith.constant 5 : i32
    %dma_start3A_59 = arith.constant 640 : i32
    %dma_start3A_60 = arith.constant 0 : i32
    %dma_start3A_61 = tpu.memref_slice %arg9[%dma_start3A_59, %dma_start3A_60] : memref<1024x32xf32, #tpu.memory_space<vmem>> -> memref<128x32xf32, #tpu.memory_space<vmem>>
    %dma_start3A_62 = arith.constant 0 : i32
    %dma_start3A_63 = tpu.memref_slice %arg7[%dma_start3A_58, %dma_start3A_62] : memref<80x128xi32, #tpu.memory_space<vmem>> -> memref<1x128xi32, #tpu.memory_space<vmem>>
    %dma_start3A_64 = tpu.memref_squeeze %dma_start3A_63 : memref<1x128xi32, #tpu.memory_space<vmem>> -> memref<128xi32, #tpu.memory_space<vmem>>
    %dma_start3A_65 = arith.constant 0 : i32
    %dma_start3A_66 = arith.constant 0 : i32
    %dma_start3A_67 = tpu.memref_slice %arg11[%dma_start3A_65, %dma_start3A_66] : memref<10240x32xf32, #tpu.memory_space<vmem_shared>> -> memref<10240x32xf32, #tpu.memory_space<vmem_shared>>
    tpu.enqueue_indirect_dma source(%dma_start3A_67 : memref<10240x32xf32, #tpu.memory_space<vmem_shared>>) target(%dma_start3A_61 : memref<128x32xf32, #tpu.memory_space<vmem>>) offsets(%dma_start3A_64 : memref<128xi32, #tpu.memory_space<vmem>>) semaphore(%arg13 : memref<!tpu.dma_semaphore, #tpu.memory_space<semaphore_mem>>)
    %dma_start3A_68 = arith.constant 6 : i32
    %dma_start3A_69 = arith.constant 768 : i32
    %dma_start3A_70 = arith.constant 0 : i32
    %dma_start3A_71 = tpu.memref_slice %arg9[%dma_start3A_69, %dma_start3A_70] : memref<1024x32xf32, #tpu.memory_space<vmem>> -> memref<128x32xf32, #tpu.memory_space<vmem>>
    %dma_start3A_72 = arith.constant 0 : i32
    %dma_start3A_73 = tpu.memref_slice %arg7[%dma_start3A_68, %dma_start3A_72] : memref<80x128xi32, #tpu.memory_space<vmem>> -> memref<1x128xi32, #tpu.memory_space<vmem>>
    %dma_start3A_74 = tpu.memref_squeeze %dma_start3A_73 : memref<1x128xi32, #tpu.memory_space<vmem>> -> memref<128xi32, #tpu.memory_space<vmem>>
    %dma_start3A_75 = arith.constant 0 : i32
    %dma_start3A_76 = arith.constant 0 : i32
    %dma_start3A_77 = tpu.memref_slice %arg11[%dma_start3A_75, %dma_start3A_76] : memref<10240x32xf32, #tpu.memory_space<vmem_shared>> -> memref<10240x32xf32, #tpu.memory_space<vmem_shared>>
    tpu.enqueue_indirect_dma source(%dma_start3A_77 : memref<10240x32xf32, #tpu.memory_space<vmem_shared>>) target(%dma_start3A_71 : memref<128x32xf32, #tpu.memory_space<vmem>>) offsets(%dma_start3A_74 : memref<128xi32, #tpu.memory_space<vmem>>) semaphore(%arg13 : memref<!tpu.dma_semaphore, #tpu.memory_space<semaphore_mem>>)
    %dma_start3A_78 = arith.constant 7 : i32
    %dma_start3A_79 = arith.constant 896 : i32
    %dma_start3A_80 = arith.constant 0 : i32
    %dma_start3A_81 = tpu.memref_slice %arg9[%dma_start3A_79, %dma_start3A_80] : memref<1024x32xf32, #tpu.memory_space<vmem>> -> memref<128x32xf32, #tpu.memory_space<vmem>>
    %dma_start3A_82 = arith.constant 0 : i32
    %dma_start3A_83 = tpu.memref_slice %arg7[%dma_start3A_78, %dma_start3A_82] : memref<80x128xi32, #tpu.memory_space<vmem>> -> memref<1x128xi32, #tpu.memory_space<vmem>>
    %dma_start3A_84 = tpu.memref_squeeze %dma_start3A_83 : memref<1x128xi32, #tpu.memory_space<vmem>> -> memref<128xi32, #tpu.memory_space<vmem>>
    %dma_start3A_85 = arith.constant 0 : i32
    %dma_start3A_86 = arith.constant 0 : i32
    %dma_start3A_87 = tpu.memref_slice %arg11[%dma_start3A_85, %dma_start3A_86] : memref<10240x32xf32, #tpu.memory_space<vmem_shared>> -> memref<10240x32xf32, #tpu.memory_space<vmem_shared>>
    tpu.enqueue_indirect_dma source(%dma_start3A_87 : memref<10240x32xf32, #tpu.memory_space<vmem_shared>>) target(%dma_start3A_81 : memref<128x32xf32, #tpu.memory_space<vmem>>) offsets(%dma_start3A_84 : memref<128xi32, #tpu.memory_space<vmem>>) semaphore(%arg13 : memref<!tpu.dma_semaphore, #tpu.memory_space<semaphore_mem>>)
    %scan3A = arith.constant 0 : i32
    %scan3A_88 = arith.constant 5 : i32
    %scan3A_89 = arith.addi %scan3A, %scan3A_88 : i32
    %scan3A_90 = arith.constant 1 : i32
    scf.for %scan3A_97 = %scan3A to %scan3A_89 step %scan3A_90  : i32 {
      %mul3A_98 = arith.constant 1 : i32
      %mul3A_99 = arith.muli %scan3A_97, %mul3A_98 : i32
      %add3A_100 = arith.constant 0 : i32
      %add3A_101 = arith.addi %add3A_100, %mul3A_99 : i32
      %mul3A_102 = arith.constant 2 : i32
      %mul3A_103 = arith.muli %mul3A_102, %add3A_101 : i32
      %mul3A_104 = arith.constant 2 : i32
      %mul3A_105 = arith.muli %mul3A_104, %add3A_101 : i32
      %add3A_106 = arith.constant 1 : i32
      %add3A_107 = arith.addi %mul3A_105, %add3A_106 : i32
      %dma_wait3A = arith.constant 0 : i32
      %dma_wait3A_108 = arith.constant 0 : i32
      %dma_wait3A_109 = tpu.memref_slice %arg5[%dma_wait3A, %dma_wait3A_108] : memref<10240x32xf32, #tpu.memory_space<hbm>> -> memref<1024x32xf32, #tpu.memory_space<hbm>>
      %dma_wait3A_110 = arith.constant 0 : i32
      %dma_wait3A_111 = arith.constant 0 : i32
      %dma_wait3A_112 = tpu.memref_slice %arg5[%dma_wait3A_110, %dma_wait3A_111] : memref<10240x32xf32, #tpu.memory_space<hbm>> -> memref<1024x32xf32, #tpu.memory_space<hbm>>
      tpu.wait_dma2 semaphore(%arg13 : memref<!tpu.dma_semaphore, #tpu.memory_space<semaphore_mem>>) src(%dma_wait3A_112 : memref<1024x32xf32, #tpu.memory_space<hbm>>) dst(%arg9 : memref<1024x32xf32, #tpu.memory_space<vmem>>)
      %mul3A_113 = arith.constant 8 : i32
      %mul3A_114 = arith.muli %add3A_107, %mul3A_113 : i32
      %add3A_115 = arith.constant 0 : i32
      %add3A_116 = arith.addi %mul3A_114, %add3A_115 : i32
      %dma_start3A_117 = arith.constant 0 : i32
      %dma_start3A_118 = arith.constant 0 : i32
      %dma_start3A_119 = tpu.memref_slice %arg10[%dma_start3A_117, %dma_start3A_118] : memref<1024x32xf32, #tpu.memory_space<vmem>> -> memref<128x32xf32, #tpu.memory_space<vmem>>
      %dma_start3A_120 = arith.constant 0 : i32
      %dma_start3A_121 = tpu.memref_slice %arg7[%add3A_116, %dma_start3A_120] : memref<80x128xi32, #tpu.memory_space<vmem>> -> memref<1x128xi32, #tpu.memory_space<vmem>>
      %dma_start3A_122 = tpu.memref_squeeze %dma_start3A_121 : memref<1x128xi32, #tpu.memory_space<vmem>> -> memref<128xi32, #tpu.memory_space<vmem>>
      %dma_start3A_123 = arith.constant 0 : i32
      %dma_start3A_124 = arith.constant 0 : i32
      %dma_start3A_125 = tpu.memref_slice %arg11[%dma_start3A_123, %dma_start3A_124] : memref<10240x32xf32, #tpu.memory_space<vmem_shared>> -> memref<10240x32xf32, #tpu.memory_space<vmem_shared>>
      tpu.enqueue_indirect_dma source(%dma_start3A_125 : memref<10240x32xf32, #tpu.memory_space<vmem_shared>>) target(%dma_start3A_119 : memref<128x32xf32, #tpu.memory_space<vmem>>) offsets(%dma_start3A_122 : memref<128xi32, #tpu.memory_space<vmem>>) semaphore(%arg14 : memref<!tpu.dma_semaphore, #tpu.memory_space<semaphore_mem>>)
      %mul3A_126 = arith.constant 8 : i32
      %mul3A_127 = arith.muli %add3A_107, %mul3A_126 : i32
      %add3A_128 = arith.constant 1 : i32
      %add3A_129 = arith.addi %mul3A_127, %add3A_128 : i32
      %dma_start3A_130 = arith.constant 128 : i32
      %dma_start3A_131 = arith.constant 0 : i32
      %dma_start3A_132 = tpu.memref_slice %arg10[%dma_start3A_130, %dma_start3A_131] : memref<1024x32xf32, #tpu.memory_space<vmem>> -> memref<128x32xf32, #tpu.memory_space<vmem>>
      %dma_start3A_133 = arith.constant 0 : i32
      %dma_start3A_134 = tpu.memref_slice %arg7[%add3A_129, %dma_start3A_133] : memref<80x128xi32, #tpu.memory_space<vmem>> -> memref<1x128xi32, #tpu.memory_space<vmem>>
      %dma_start3A_135 = tpu.memref_squeeze %dma_start3A_134 : memref<1x128xi32, #tpu.memory_space<vmem>> -> memref<128xi32, #tpu.memory_space<vmem>>
      %dma_start3A_136 = arith.constant 0 : i32
      %dma_start3A_137 = arith.constant 0 : i32
      %dma_start3A_138 = tpu.memref_slice %arg11[%dma_start3A_136, %dma_start3A_137] : memref<10240x32xf32, #tpu.memory_space<vmem_shared>> -> memref<10240x32xf32, #tpu.memory_space<vmem_shared>>
      tpu.enqueue_indirect_dma source(%dma_start3A_138 : memref<10240x32xf32, #tpu.memory_space<vmem_shared>>) target(%dma_start3A_132 : memref<128x32xf32, #tpu.memory_space<vmem>>) offsets(%dma_start3A_135 : memref<128xi32, #tpu.memory_space<vmem>>) semaphore(%arg14 : memref<!tpu.dma_semaphore, #tpu.memory_space<semaphore_mem>>)
      %mul3A_139 = arith.constant 8 : i32
      %mul3A_140 = arith.muli %add3A_107, %mul3A_139 : i32
      %add3A_141 = arith.constant 2 : i32
      %add3A_142 = arith.addi %mul3A_140, %add3A_141 : i32
      %dma_start3A_143 = arith.constant 256 : i32
      %dma_start3A_144 = arith.constant 0 : i32
      %dma_start3A_145 = tpu.memref_slice %arg10[%dma_start3A_143, %dma_start3A_144] : memref<1024x32xf32, #tpu.memory_space<vmem>> -> memref<128x32xf32, #tpu.memory_space<vmem>>
      %dma_start3A_146 = arith.constant 0 : i32
      %dma_start3A_147 = tpu.memref_slice %arg7[%add3A_142, %dma_start3A_146] : memref<80x128xi32, #tpu.memory_space<vmem>> -> memref<1x128xi32, #tpu.memory_space<vmem>>
      %dma_start3A_148 = tpu.memref_squeeze %dma_start3A_147 : memref<1x128xi32, #tpu.memory_space<vmem>> -> memref<128xi32, #tpu.memory_space<vmem>>
      %dma_start3A_149 = arith.constant 0 : i32
      %dma_start3A_150 = arith.constant 0 : i32
      %dma_start3A_151 = tpu.memref_slice %arg11[%dma_start3A_149, %dma_start3A_150] : memref<10240x32xf32, #tpu.memory_space<vmem_shared>> -> memref<10240x32xf32, #tpu.memory_space<vmem_shared>>
      tpu.enqueue_indirect_dma source(%dma_start3A_151 : memref<10240x32xf32, #tpu.memory_space<vmem_shared>>) target(%dma_start3A_145 : memref<128x32xf32, #tpu.memory_space<vmem>>) offsets(%dma_start3A_148 : memref<128xi32, #tpu.memory_space<vmem>>) semaphore(%arg14 : memref<!tpu.dma_semaphore, #tpu.memory_space<semaphore_mem>>)
      %mul3A_152 = arith.constant 8 : i32
      %mul3A_153 = arith.muli %add3A_107, %mul3A_152 : i32
      %add3A_154 = arith.constant 3 : i32
      %add3A_155 = arith.addi %mul3A_153, %add3A_154 : i32
      %dma_start3A_156 = arith.constant 384 : i32
      %dma_start3A_157 = arith.constant 0 : i32
      %dma_start3A_158 = tpu.memref_slice %arg10[%dma_start3A_156, %dma_start3A_157] : memref<1024x32xf32, #tpu.memory_space<vmem>> -> memref<128x32xf32, #tpu.memory_space<vmem>>
      %dma_start3A_159 = arith.constant 0 : i32
      %dma_start3A_160 = tpu.memref_slice %arg7[%add3A_155, %dma_start3A_159] : memref<80x128xi32, #tpu.memory_space<vmem>> -> memref<1x128xi32, #tpu.memory_space<vmem>>
      %dma_start3A_161 = tpu.memref_squeeze %dma_start3A_160 : memref<1x128xi32, #tpu.memory_space<vmem>> -> memref<128xi32, #tpu.memory_space<vmem>>
      %dma_start3A_162 = arith.constant 0 : i32
      %dma_start3A_163 = arith.constant 0 : i32
      %dma_start3A_164 = tpu.memref_slice %arg11[%dma_start3A_162, %dma_start3A_163] : memref<10240x32xf32, #tpu.memory_space<vmem_shared>> -> memref<10240x32xf32, #tpu.memory_space<vmem_shared>>
      tpu.enqueue_indirect_dma source(%dma_start3A_164 : memref<10240x32xf32, #tpu.memory_space<vmem_shared>>) target(%dma_start3A_158 : memref<128x32xf32, #tpu.memory_space<vmem>>) offsets(%dma_start3A_161 : memref<128xi32, #tpu.memory_space<vmem>>) semaphore(%arg14 : memref<!tpu.dma_semaphore, #tpu.memory_space<semaphore_mem>>)
      %mul3A_165 = arith.constant 8 : i32
      %mul3A_166 = arith.muli %add3A_107, %mul3A_165 : i32
      %add3A_167 = arith.constant 4 : i32
      %add3A_168 = arith.addi %mul3A_166, %add3A_167 : i32
      %dma_start3A_169 = arith.constant 512 : i32
      %dma_start3A_170 = arith.constant 0 : i32
      %dma_start3A_171 = tpu.memref_slice %arg10[%dma_start3A_169, %dma_start3A_170] : memref<1024x32xf32, #tpu.memory_space<vmem>> -> memref<128x32xf32, #tpu.memory_space<vmem>>
      %dma_start3A_172 = arith.constant 0 : i32
      %dma_start3A_173 = tpu.memref_slice %arg7[%add3A_168, %dma_start3A_172] : memref<80x128xi32, #tpu.memory_space<vmem>> -> memref<1x128xi32, #tpu.memory_space<vmem>>
      %dma_start3A_174 = tpu.memref_squeeze %dma_start3A_173 : memref<1x128xi32, #tpu.memory_space<vmem>> -> memref<128xi32, #tpu.memory_space<vmem>>
      %dma_start3A_175 = arith.constant 0 : i32
      %dma_start3A_176 = arith.constant 0 : i32
      %dma_start3A_177 = tpu.memref_slice %arg11[%dma_start3A_175, %dma_start3A_176] : memref<10240x32xf32, #tpu.memory_space<vmem_shared>> -> memref<10240x32xf32, #tpu.memory_space<vmem_shared>>
      tpu.enqueue_indirect_dma source(%dma_start3A_177 : memref<10240x32xf32, #tpu.memory_space<vmem_shared>>) target(%dma_start3A_171 : memref<128x32xf32, #tpu.memory_space<vmem>>) offsets(%dma_start3A_174 : memref<128xi32, #tpu.memory_space<vmem>>) semaphore(%arg14 : memref<!tpu.dma_semaphore, #tpu.memory_space<semaphore_mem>>)
      %mul3A_178 = arith.constant 8 : i32
      %mul3A_179 = arith.muli %add3A_107, %mul3A_178 : i32
      %add3A_180 = arith.constant 5 : i32
      %add3A_181 = arith.addi %mul3A_179, %add3A_180 : i32
      %dma_start3A_182 = arith.constant 640 : i32
      %dma_start3A_183 = arith.constant 0 : i32
      %dma_start3A_184 = tpu.memref_slice %arg10[%dma_start3A_182, %dma_start3A_183] : memref<1024x32xf32, #tpu.memory_space<vmem>> -> memref<128x32xf32, #tpu.memory_space<vmem>>
      %dma_start3A_185 = arith.constant 0 : i32
      %dma_start3A_186 = tpu.memref_slice %arg7[%add3A_181, %dma_start3A_185] : memref<80x128xi32, #tpu.memory_space<vmem>> -> memref<1x128xi32, #tpu.memory_space<vmem>>
      %dma_start3A_187 = tpu.memref_squeeze %dma_start3A_186 : memref<1x128xi32, #tpu.memory_space<vmem>> -> memref<128xi32, #tpu.memory_space<vmem>>
      %dma_start3A_188 = arith.constant 0 : i32
      %dma_start3A_189 = arith.constant 0 : i32
      %dma_start3A_190 = tpu.memref_slice %arg11[%dma_start3A_188, %dma_start3A_189] : memref<10240x32xf32, #tpu.memory_space<vmem_shared>> -> memref<10240x32xf32, #tpu.memory_space<vmem_shared>>
      tpu.enqueue_indirect_dma source(%dma_start3A_190 : memref<10240x32xf32, #tpu.memory_space<vmem_shared>>) target(%dma_start3A_184 : memref<128x32xf32, #tpu.memory_space<vmem>>) offsets(%dma_start3A_187 : memref<128xi32, #tpu.memory_space<vmem>>) semaphore(%arg14 : memref<!tpu.dma_semaphore, #tpu.memory_space<semaphore_mem>>)
      %mul3A_191 = arith.constant 8 : i32
      %mul3A_192 = arith.muli %add3A_107, %mul3A_191 : i32
      %add3A_193 = arith.constant 6 : i32
      %add3A_194 = arith.addi %mul3A_192, %add3A_193 : i32
      %dma_start3A_195 = arith.constant 768 : i32
      %dma_start3A_196 = arith.constant 0 : i32
      %dma_start3A_197 = tpu.memref_slice %arg10[%dma_start3A_195, %dma_start3A_196] : memref<1024x32xf32, #tpu.memory_space<vmem>> -> memref<128x32xf32, #tpu.memory_space<vmem>>
      %dma_start3A_198 = arith.constant 0 : i32
      %dma_start3A_199 = tpu.memref_slice %arg7[%add3A_194, %dma_start3A_198] : memref<80x128xi32, #tpu.memory_space<vmem>> -> memref<1x128xi32, #tpu.memory_space<vmem>>
      %dma_start3A_200 = tpu.memref_squeeze %dma_start3A_199 : memref<1x128xi32, #tpu.memory_space<vmem>> -> memref<128xi32, #tpu.memory_space<vmem>>
      %dma_start3A_201 = arith.constant 0 : i32
      %dma_start3A_202 = arith.constant 0 : i32
      %dma_start3A_203 = tpu.memref_slice %arg11[%dma_start3A_201, %dma_start3A_202] : memref<10240x32xf32, #tpu.memory_space<vmem_shared>> -> memref<10240x32xf32, #tpu.memory_space<vmem_shared>>
      tpu.enqueue_indirect_dma source(%dma_start3A_203 : memref<10240x32xf32, #tpu.memory_space<vmem_shared>>) target(%dma_start3A_197 : memref<128x32xf32, #tpu.memory_space<vmem>>) offsets(%dma_start3A_200 : memref<128xi32, #tpu.memory_space<vmem>>) semaphore(%arg14 : memref<!tpu.dma_semaphore, #tpu.memory_space<semaphore_mem>>)
      %mul3A_204 = arith.constant 8 : i32
      %mul3A_205 = arith.muli %add3A_107, %mul3A_204 : i32
      %add3A_206 = arith.constant 7 : i32
      %add3A_207 = arith.addi %mul3A_205, %add3A_206 : i32
      %dma_start3A_208 = arith.constant 896 : i32
      %dma_start3A_209 = arith.constant 0 : i32
      %dma_start3A_210 = tpu.memref_slice %arg10[%dma_start3A_208, %dma_start3A_209] : memref<1024x32xf32, #tpu.memory_space<vmem>> -> memref<128x32xf32, #tpu.memory_space<vmem>>
      %dma_start3A_211 = arith.constant 0 : i32
      %dma_start3A_212 = tpu.memref_slice %arg7[%add3A_207, %dma_start3A_211] : memref<80x128xi32, #tpu.memory_space<vmem>> -> memref<1x128xi32, #tpu.memory_space<vmem>>
      %dma_start3A_213 = tpu.memref_squeeze %dma_start3A_212 : memref<1x128xi32, #tpu.memory_space<vmem>> -> memref<128xi32, #tpu.memory_space<vmem>>
      %dma_start3A_214 = arith.constant 0 : i32
      %dma_start3A_215 = arith.constant 0 : i32
      %dma_start3A_216 = tpu.memref_slice %arg11[%dma_start3A_214, %dma_start3A_215] : memref<10240x32xf32, #tpu.memory_space<vmem_shared>> -> memref<10240x32xf32, #tpu.memory_space<vmem_shared>>
      tpu.enqueue_indirect_dma source(%dma_start3A_216 : memref<10240x32xf32, #tpu.memory_space<vmem_shared>>) target(%dma_start3A_210 : memref<128x32xf32, #tpu.memory_space<vmem>>) offsets(%dma_start3A_213 : memref<128xi32, #tpu.memory_space<vmem>>) semaphore(%arg14 : memref<!tpu.dma_semaphore, #tpu.memory_space<semaphore_mem>>)
      %mul3A_217 = arith.constant 8 : i32
      %mul3A_218 = arith.muli %mul3A_103, %mul3A_217 : i32
      %add3A_219 = arith.constant 0 : i32
      %add3A_220 = arith.addi %mul3A_218, %add3A_219 : i32
      %dma_start3A_221 = arith.constant 0 : i32
      %dma_start3A_222 = arith.constant 0 : i32
      %dma_start3A_223 = tpu.memref_slice %arg9[%dma_start3A_221, %dma_start3A_222] : memref<1024x32xf32, #tpu.memory_space<vmem>> -> memref<128x32xf32, #tpu.memory_space<vmem>>
      %dma_start3A_224 = arith.constant 0 : i32
      %dma_start3A_225 = tpu.memref_slice %arg8[%add3A_220, %dma_start3A_224] : memref<80x128xi32, #tpu.memory_space<vmem>> -> memref<1x128xi32, #tpu.memory_space<vmem>>
      %dma_start3A_226 = tpu.memref_squeeze %dma_start3A_225 : memref<1x128xi32, #tpu.memory_space<vmem>> -> memref<128xi32, #tpu.memory_space<vmem>>
      %dma_start3A_227 = arith.constant 0 : i32
      %dma_start3A_228 = arith.constant 0 : i32
      %dma_start3A_229 = tpu.memref_slice %arg12[%dma_start3A_227, %dma_start3A_228] : memref<10240x32xf32, #tpu.memory_space<vmem_shared>> -> memref<10240x32xf32, #tpu.memory_space<vmem_shared>>
      tpu.enqueue_indirect_dma source(%dma_start3A_223 : memref<128x32xf32, #tpu.memory_space<vmem>>) target(%dma_start3A_229 : memref<10240x32xf32, #tpu.memory_space<vmem_shared>>) offsets(%dma_start3A_226 : memref<128xi32, #tpu.memory_space<vmem>>) semaphore(%arg15 : memref<!tpu.dma_semaphore, #tpu.memory_space<semaphore_mem>>) {add = true}
      %mul3A_230 = arith.constant 8 : i32
      %mul3A_231 = arith.muli %mul3A_103, %mul3A_230 : i32
      %add3A_232 = arith.constant 1 : i32
      %add3A_233 = arith.addi %mul3A_231, %add3A_232 : i32
      %dma_start3A_234 = arith.constant 128 : i32
      %dma_start3A_235 = arith.constant 0 : i32
      %dma_start3A_236 = tpu.memref_slice %arg9[%dma_start3A_234, %dma_start3A_235] : memref<1024x32xf32, #tpu.memory_space<vmem>> -> memref<128x32xf32, #tpu.memory_space<vmem>>
      %dma_start3A_237 = arith.constant 0 : i32
      %dma_start3A_238 = tpu.memref_slice %arg8[%add3A_233, %dma_start3A_237] : memref<80x128xi32, #tpu.memory_space<vmem>> -> memref<1x128xi32, #tpu.memory_space<vmem>>
      %dma_start3A_239 = tpu.memref_squeeze %dma_start3A_238 : memref<1x128xi32, #tpu.memory_space<vmem>> -> memref<128xi32, #tpu.memory_space<vmem>>
      %dma_start3A_240 = arith.constant 0 : i32
      %dma_start3A_241 = arith.constant 0 : i32
      %dma_start3A_242 = tpu.memref_slice %arg12[%dma_start3A_240, %dma_start3A_241] : memref<10240x32xf32, #tpu.memory_space<vmem_shared>> -> memref<10240x32xf32, #tpu.memory_space<vmem_shared>>
      tpu.enqueue_indirect_dma source(%dma_start3A_236 : memref<128x32xf32, #tpu.memory_space<vmem>>) target(%dma_start3A_242 : memref<10240x32xf32, #tpu.memory_space<vmem_shared>>) offsets(%dma_start3A_239 : memref<128xi32, #tpu.memory_space<vmem>>) semaphore(%arg15 : memref<!tpu.dma_semaphore, #tpu.memory_space<semaphore_mem>>) {add = true}
      %mul3A_243 = arith.constant 8 : i32
      %mul3A_244 = arith.muli %mul3A_103, %mul3A_243 : i32
      %add3A_245 = arith.constant 2 : i32
      %add3A_246 = arith.addi %mul3A_244, %add3A_245 : i32
      %dma_start3A_247 = arith.constant 256 : i32
      %dma_start3A_248 = arith.constant 0 : i32
      %dma_start3A_249 = tpu.memref_slice %arg9[%dma_start3A_247, %dma_start3A_248] : memref<1024x32xf32, #tpu.memory_space<vmem>> -> memref<128x32xf32, #tpu.memory_space<vmem>>
      %dma_start3A_250 = arith.constant 0 : i32
      %dma_start3A_251 = tpu.memref_slice %arg8[%add3A_246, %dma_start3A_250] : memref<80x128xi32, #tpu.memory_space<vmem>> -> memref<1x128xi32, #tpu.memory_space<vmem>>
      %dma_start3A_252 = tpu.memref_squeeze %dma_start3A_251 : memref<1x128xi32, #tpu.memory_space<vmem>> -> memref<128xi32, #tpu.memory_space<vmem>>
      %dma_start3A_253 = arith.constant 0 : i32
      %dma_start3A_254 = arith.constant 0 : i32
      %dma_start3A_255 = tpu.memref_slice %arg12[%dma_start3A_253, %dma_start3A_254] : memref<10240x32xf32, #tpu.memory_space<vmem_shared>> -> memref<10240x32xf32, #tpu.memory_space<vmem_shared>>
      tpu.enqueue_indirect_dma source(%dma_start3A_249 : memref<128x32xf32, #tpu.memory_space<vmem>>) target(%dma_start3A_255 : memref<10240x32xf32, #tpu.memory_space<vmem_shared>>) offsets(%dma_start3A_252 : memref<128xi32, #tpu.memory_space<vmem>>) semaphore(%arg15 : memref<!tpu.dma_semaphore, #tpu.memory_space<semaphore_mem>>) {add = true}
      %mul3A_256 = arith.constant 8 : i32
      %mul3A_257 = arith.muli %mul3A_103, %mul3A_256 : i32
      %add3A_258 = arith.constant 3 : i32
      %add3A_259 = arith.addi %mul3A_257, %add3A_258 : i32
      %dma_start3A_260 = arith.constant 384 : i32
      %dma_start3A_261 = arith.constant 0 : i32
      %dma_start3A_262 = tpu.memref_slice %arg9[%dma_start3A_260, %dma_start3A_261] : memref<1024x32xf32, #tpu.memory_space<vmem>> -> memref<128x32xf32, #tpu.memory_space<vmem>>
      %dma_start3A_263 = arith.constant 0 : i32
      %dma_start3A_264 = tpu.memref_slice %arg8[%add3A_259, %dma_start3A_263] : memref<80x128xi32, #tpu.memory_space<vmem>> -> memref<1x128xi32, #tpu.memory_space<vmem>>
      %dma_start3A_265 = tpu.memref_squeeze %dma_start3A_264 : memref<1x128xi32, #tpu.memory_space<vmem>> -> memref<128xi32, #tpu.memory_space<vmem>>
      %dma_start3A_266 = arith.constant 0 : i32
      %dma_start3A_267 = arith.constant 0 : i32
      %dma_start3A_268 = tpu.memref_slice %arg12[%dma_start3A_266, %dma_start3A_267] : memref<10240x32xf32, #tpu.memory_space<vmem_shared>> -> memref<10240x32xf32, #tpu.memory_space<vmem_shared>>
      tpu.enqueue_indirect_dma source(%dma_start3A_262 : memref<128x32xf32, #tpu.memory_space<vmem>>) target(%dma_start3A_268 : memref<10240x32xf32, #tpu.memory_space<vmem_shared>>) offsets(%dma_start3A_265 : memref<128xi32, #tpu.memory_space<vmem>>) semaphore(%arg15 : memref<!tpu.dma_semaphore, #tpu.memory_space<semaphore_mem>>) {add = true}
      %mul3A_269 = arith.constant 8 : i32
      %mul3A_270 = arith.muli %mul3A_103, %mul3A_269 : i32
      %add3A_271 = arith.constant 4 : i32
      %add3A_272 = arith.addi %mul3A_270, %add3A_271 : i32
      %dma_start3A_273 = arith.constant 512 : i32
      %dma_start3A_274 = arith.constant 0 : i32
      %dma_start3A_275 = tpu.memref_slice %arg9[%dma_start3A_273, %dma_start3A_274] : memref<1024x32xf32, #tpu.memory_space<vmem>> -> memref<128x32xf32, #tpu.memory_space<vmem>>
      %dma_start3A_276 = arith.constant 0 : i32
      %dma_start3A_277 = tpu.memref_slice %arg8[%add3A_272, %dma_start3A_276] : memref<80x128xi32, #tpu.memory_space<vmem>> -> memref<1x128xi32, #tpu.memory_space<vmem>>
      %dma_start3A_278 = tpu.memref_squeeze %dma_start3A_277 : memref<1x128xi32, #tpu.memory_space<vmem>> -> memref<128xi32, #tpu.memory_space<vmem>>
      %dma_start3A_279 = arith.constant 0 : i32
      %dma_start3A_280 = arith.constant 0 : i32
      %dma_start3A_281 = tpu.memref_slice %arg12[%dma_start3A_279, %dma_start3A_280] : memref<10240x32xf32, #tpu.memory_space<vmem_shared>> -> memref<10240x32xf32, #tpu.memory_space<vmem_shared>>
      tpu.enqueue_indirect_dma source(%dma_start3A_275 : memref<128x32xf32, #tpu.memory_space<vmem>>) target(%dma_start3A_281 : memref<10240x32xf32, #tpu.memory_space<vmem_shared>>) offsets(%dma_start3A_278 : memref<128xi32, #tpu.memory_space<vmem>>) semaphore(%arg15 : memref<!tpu.dma_semaphore, #tpu.memory_space<semaphore_mem>>) {add = true}
      %mul3A_282 = arith.constant 8 : i32
      %mul3A_283 = arith.muli %mul3A_103, %mul3A_282 : i32
      %add3A_284 = arith.constant 5 : i32
      %add3A_285 = arith.addi %mul3A_283, %add3A_284 : i32
      %dma_start3A_286 = arith.constant 640 : i32
      %dma_start3A_287 = arith.constant 0 : i32
      %dma_start3A_288 = tpu.memref_slice %arg9[%dma_start3A_286, %dma_start3A_287] : memref<1024x32xf32, #tpu.memory_space<vmem>> -> memref<128x32xf32, #tpu.memory_space<vmem>>
      %dma_start3A_289 = arith.constant 0 : i32
      %dma_start3A_290 = tpu.memref_slice %arg8[%add3A_285, %dma_start3A_289] : memref<80x128xi32, #tpu.memory_space<vmem>> -> memref<1x128xi32, #tpu.memory_space<vmem>>
      %dma_start3A_291 = tpu.memref_squeeze %dma_start3A_290 : memref<1x128xi32, #tpu.memory_space<vmem>> -> memref<128xi32, #tpu.memory_space<vmem>>
      %dma_start3A_292 = arith.constant 0 : i32
      %dma_start3A_293 = arith.constant 0 : i32
      %dma_start3A_294 = tpu.memref_slice %arg12[%dma_start3A_292, %dma_start3A_293] : memref<10240x32xf32, #tpu.memory_space<vmem_shared>> -> memref<10240x32xf32, #tpu.memory_space<vmem_shared>>
      tpu.enqueue_indirect_dma source(%dma_start3A_288 : memref<128x32xf32, #tpu.memory_space<vmem>>) target(%dma_start3A_294 : memref<10240x32xf32, #tpu.memory_space<vmem_shared>>) offsets(%dma_start3A_291 : memref<128xi32, #tpu.memory_space<vmem>>) semaphore(%arg15 : memref<!tpu.dma_semaphore, #tpu.memory_space<semaphore_mem>>) {add = true}
      %mul3A_295 = arith.constant 8 : i32
      %mul3A_296 = arith.muli %mul3A_103, %mul3A_295 : i32
      %add3A_297 = arith.constant 6 : i32
      %add3A_298 = arith.addi %mul3A_296, %add3A_297 : i32
      %dma_start3A_299 = arith.constant 768 : i32
      %dma_start3A_300 = arith.constant 0 : i32
      %dma_start3A_301 = tpu.memref_slice %arg9[%dma_start3A_299, %dma_start3A_300] : memref<1024x32xf32, #tpu.memory_space<vmem>> -> memref<128x32xf32, #tpu.memory_space<vmem>>
      %dma_start3A_302 = arith.constant 0 : i32
      %dma_start3A_303 = tpu.memref_slice %arg8[%add3A_298, %dma_start3A_302] : memref<80x128xi32, #tpu.memory_space<vmem>> -> memref<1x128xi32, #tpu.memory_space<vmem>>
      %dma_start3A_304 = tpu.memref_squeeze %dma_start3A_303 : memref<1x128xi32, #tpu.memory_space<vmem>> -> memref<128xi32, #tpu.memory_space<vmem>>
      %dma_start3A_305 = arith.constant 0 : i32
      %dma_start3A_306 = arith.constant 0 : i32
      %dma_start3A_307 = tpu.memref_slice %arg12[%dma_start3A_305, %dma_start3A_306] : memref<10240x32xf32, #tpu.memory_space<vmem_shared>> -> memref<10240x32xf32, #tpu.memory_space<vmem_shared>>
      tpu.enqueue_indirect_dma source(%dma_start3A_301 : memref<128x32xf32, #tpu.memory_space<vmem>>) target(%dma_start3A_307 : memref<10240x32xf32, #tpu.memory_space<vmem_shared>>) offsets(%dma_start3A_304 : memref<128xi32, #tpu.memory_space<vmem>>) semaphore(%arg15 : memref<!tpu.dma_semaphore, #tpu.memory_space<semaphore_mem>>) {add = true}
      %mul3A_308 = arith.constant 8 : i32
      %mul3A_309 = arith.muli %mul3A_103, %mul3A_308 : i32
      %add3A_310 = arith.constant 7 : i32
      %add3A_311 = arith.addi %mul3A_309, %add3A_310 : i32
      %dma_start3A_312 = arith.constant 896 : i32
      %dma_start3A_313 = arith.constant 0 : i32
      %dma_start3A_314 = tpu.memref_slice %arg9[%dma_start3A_312, %dma_start3A_313] : memref<1024x32xf32, #tpu.memory_space<vmem>> -> memref<128x32xf32, #tpu.memory_space<vmem>>
      %dma_start3A_315 = arith.constant 0 : i32
      %dma_start3A_316 = tpu.memref_slice %arg8[%add3A_311, %dma_start3A_315] : memref<80x128xi32, #tpu.memory_space<vmem>> -> memref<1x128xi32, #tpu.memory_space<vmem>>
      %dma_start3A_317 = tpu.memref_squeeze %dma_start3A_316 : memref<1x128xi32, #tpu.memory_space<vmem>> -> memref<128xi32, #tpu.memory_space<vmem>>
      %dma_start3A_318 = arith.constant 0 : i32
      %dma_start3A_319 = arith.constant 0 : i32
      %dma_start3A_320 = tpu.memref_slice %arg12[%dma_start3A_318, %dma_start3A_319] : memref<10240x32xf32, #tpu.memory_space<vmem_shared>> -> memref<10240x32xf32, #tpu.memory_space<vmem_shared>>
      tpu.enqueue_indirect_dma source(%dma_start3A_314 : memref<128x32xf32, #tpu.memory_space<vmem>>) target(%dma_start3A_320 : memref<10240x32xf32, #tpu.memory_space<vmem_shared>>) offsets(%dma_start3A_317 : memref<128xi32, #tpu.memory_space<vmem>>) semaphore(%arg15 : memref<!tpu.dma_semaphore, #tpu.memory_space<semaphore_mem>>) {add = true}
      %dma_wait3A_321 = arith.constant 0 : i32
      %dma_wait3A_322 = arith.constant 0 : i32
      %dma_wait3A_323 = tpu.memref_slice %arg5[%dma_wait3A_321, %dma_wait3A_322] : memref<10240x32xf32, #tpu.memory_space<hbm>> -> memref<1024x32xf32, #tpu.memory_space<hbm>>
      %dma_wait3A_324 = arith.constant 0 : i32
      %dma_wait3A_325 = arith.constant 0 : i32
      %dma_wait3A_326 = tpu.memref_slice %arg5[%dma_wait3A_324, %dma_wait3A_325] : memref<10240x32xf32, #tpu.memory_space<hbm>> -> memref<1024x32xf32, #tpu.memory_space<hbm>>
      tpu.wait_dma2 semaphore(%arg14 : memref<!tpu.dma_semaphore, #tpu.memory_space<semaphore_mem>>) src(%dma_wait3A_326 : memref<1024x32xf32, #tpu.memory_space<hbm>>) dst(%arg10 : memref<1024x32xf32, #tpu.memory_space<vmem>>)
      %dma_wait3A_327 = arith.constant 0 : i32
      %dma_wait3A_328 = arith.constant 0 : i32
      %dma_wait3A_329 = tpu.memref_slice %arg5[%dma_wait3A_327, %dma_wait3A_328] : memref<10240x32xf32, #tpu.memory_space<hbm>> -> memref<1024x32xf32, #tpu.memory_space<hbm>>
      %dma_wait3A_330 = arith.constant 0 : i32
      %dma_wait3A_331 = arith.constant 0 : i32
      %dma_wait3A_332 = tpu.memref_slice %arg5[%dma_wait3A_330, %dma_wait3A_331] : memref<10240x32xf32, #tpu.memory_space<hbm>> -> memref<1024x32xf32, #tpu.memory_space<hbm>>
      tpu.wait_dma2 semaphore(%arg15 : memref<!tpu.dma_semaphore, #tpu.memory_space<semaphore_mem>>) src(%dma_wait3A_332 : memref<1024x32xf32, #tpu.memory_space<hbm>>) dst(%arg9 : memref<1024x32xf32, #tpu.memory_space<vmem>>)
      %lt3A = arith.constant 4 : i32
      %lt3A_333 = arith.cmpi slt, %add3A_101, %lt3A : i32
      %convert_element_type3A = arith.extui %lt3A_333 : i1 to i32
      %cond3A = arith.constant 0 : i32
      %cond3A_334 = arith.cmpi ne, %convert_element_type3A, %cond3A : i32
      scf.if %cond3A_334 {
        %add3A_445 = arith.constant 2 : i32
        %add3A_446 = arith.addi %mul3A_103, %add3A_445 : i32
        %mul3A_447 = arith.constant 8 : i32
        %mul3A_448 = arith.muli %add3A_446, %mul3A_447 : i32
        %add3A_449 = arith.constant 0 : i32
        %add3A_450 = arith.addi %mul3A_448, %add3A_449 : i32
        %dma_start3A_451 = arith.constant 0 : i32
        %dma_start3A_452 = arith.constant 0 : i32
        %dma_start3A_453 = tpu.memref_slice %arg9[%dma_start3A_451, %dma_start3A_452] : memref<1024x32xf32, #tpu.memory_space<vmem>> -> memref<128x32xf32, #tpu.memory_space<vmem>>
        %dma_start3A_454 = arith.constant 0 : i32
        %dma_start3A_455 = tpu.memref_slice %arg7[%add3A_450, %dma_start3A_454] : memref<80x128xi32, #tpu.memory_space<vmem>> -> memref<1x128xi32, #tpu.memory_space<vmem>>
        %dma_start3A_456 = tpu.memref_squeeze %dma_start3A_455 : memref<1x128xi32, #tpu.memory_space<vmem>> -> memref<128xi32, #tpu.memory_space<vmem>>
        %dma_start3A_457 = arith.constant 0 : i32
        %dma_start3A_458 = arith.constant 0 : i32
        %dma_start3A_459 = tpu.memref_slice %arg11[%dma_start3A_457, %dma_start3A_458] : memref<10240x32xf32, #tpu.memory_space<vmem_shared>> -> memref<10240x32xf32, #tpu.memory_space<vmem_shared>>
        tpu.enqueue_indirect_dma source(%dma_start3A_459 : memref<10240x32xf32, #tpu.memory_space<vmem_shared>>) target(%dma_start3A_453 : memref<128x32xf32, #tpu.memory_space<vmem>>) offsets(%dma_start3A_456 : memref<128xi32, #tpu.memory_space<vmem>>) semaphore(%arg13 : memref<!tpu.dma_semaphore, #tpu.memory_space<semaphore_mem>>)
        %mul3A_460 = arith.constant 8 : i32
        %mul3A_461 = arith.muli %add3A_446, %mul3A_460 : i32
        %add3A_462 = arith.constant 1 : i32
        %add3A_463 = arith.addi %mul3A_461, %add3A_462 : i32
        %dma_start3A_464 = arith.constant 128 : i32
        %dma_start3A_465 = arith.constant 0 : i32
        %dma_start3A_466 = tpu.memref_slice %arg9[%dma_start3A_464, %dma_start3A_465] : memref<1024x32xf32, #tpu.memory_space<vmem>> -> memref<128x32xf32, #tpu.memory_space<vmem>>
        %dma_start3A_467 = arith.constant 0 : i32
        %dma_start3A_468 = tpu.memref_slice %arg7[%add3A_463, %dma_start3A_467] : memref<80x128xi32, #tpu.memory_space<vmem>> -> memref<1x128xi32, #tpu.memory_space<vmem>>
        %dma_start3A_469 = tpu.memref_squeeze %dma_start3A_468 : memref<1x128xi32, #tpu.memory_space<vmem>> -> memref<128xi32, #tpu.memory_space<vmem>>
        %dma_start3A_470 = arith.constant 0 : i32
        %dma_start3A_471 = arith.constant 0 : i32
        %dma_start3A_472 = tpu.memref_slice %arg11[%dma_start3A_470, %dma_start3A_471] : memref<10240x32xf32, #tpu.memory_space<vmem_shared>> -> memref<10240x32xf32, #tpu.memory_space<vmem_shared>>
        tpu.enqueue_indirect_dma source(%dma_start3A_472 : memref<10240x32xf32, #tpu.memory_space<vmem_shared>>) target(%dma_start3A_466 : memref<128x32xf32, #tpu.memory_space<vmem>>) offsets(%dma_start3A_469 : memref<128xi32, #tpu.memory_space<vmem>>) semaphore(%arg13 : memref<!tpu.dma_semaphore, #tpu.memory_space<semaphore_mem>>)
        %mul3A_473 = arith.constant 8 : i32
        %mul3A_474 = arith.muli %add3A_446, %mul3A_473 : i32
        %add3A_475 = arith.constant 2 : i32
        %add3A_476 = arith.addi %mul3A_474, %add3A_475 : i32
        %dma_start3A_477 = arith.constant 256 : i32
        %dma_start3A_478 = arith.constant 0 : i32
        %dma_start3A_479 = tpu.memref_slice %arg9[%dma_start3A_477, %dma_start3A_478] : memref<1024x32xf32, #tpu.memory_space<vmem>> -> memref<128x32xf32, #tpu.memory_space<vmem>>
        %dma_start3A_480 = arith.constant 0 : i32
        %dma_start3A_481 = tpu.memref_slice %arg7[%add3A_476, %dma_start3A_480] : memref<80x128xi32, #tpu.memory_space<vmem>> -> memref<1x128xi32, #tpu.memory_space<vmem>>
        %dma_start3A_482 = tpu.memref_squeeze %dma_start3A_481 : memref<1x128xi32, #tpu.memory_space<vmem>> -> memref<128xi32, #tpu.memory_space<vmem>>
        %dma_start3A_483 = arith.constant 0 : i32
        %dma_start3A_484 = arith.constant 0 : i32
        %dma_start3A_485 = tpu.memref_slice %arg11[%dma_start3A_483, %dma_start3A_484] : memref<10240x32xf32, #tpu.memory_space<vmem_shared>> -> memref<10240x32xf32, #tpu.memory_space<vmem_shared>>
        tpu.enqueue_indirect_dma source(%dma_start3A_485 : memref<10240x32xf32, #tpu.memory_space<vmem_shared>>) target(%dma_start3A_479 : memref<128x32xf32, #tpu.memory_space<vmem>>) offsets(%dma_start3A_482 : memref<128xi32, #tpu.memory_space<vmem>>) semaphore(%arg13 : memref<!tpu.dma_semaphore, #tpu.memory_space<semaphore_mem>>)
        %mul3A_486 = arith.constant 8 : i32
        %mul3A_487 = arith.muli %add3A_446, %mul3A_486 : i32
        %add3A_488 = arith.constant 3 : i32
        %add3A_489 = arith.addi %mul3A_487, %add3A_488 : i32
        %dma_start3A_490 = arith.constant 384 : i32
        %dma_start3A_491 = arith.constant 0 : i32
        %dma_start3A_492 = tpu.memref_slice %arg9[%dma_start3A_490, %dma_start3A_491] : memref<1024x32xf32, #tpu.memory_space<vmem>> -> memref<128x32xf32, #tpu.memory_space<vmem>>
        %dma_start3A_493 = arith.constant 0 : i32
        %dma_start3A_494 = tpu.memref_slice %arg7[%add3A_489, %dma_start3A_493] : memref<80x128xi32, #tpu.memory_space<vmem>> -> memref<1x128xi32, #tpu.memory_space<vmem>>
        %dma_start3A_495 = tpu.memref_squeeze %dma_start3A_494 : memref<1x128xi32, #tpu.memory_space<vmem>> -> memref<128xi32, #tpu.memory_space<vmem>>
        %dma_start3A_496 = arith.constant 0 : i32
        %dma_start3A_497 = arith.constant 0 : i32
        %dma_start3A_498 = tpu.memref_slice %arg11[%dma_start3A_496, %dma_start3A_497] : memref<10240x32xf32, #tpu.memory_space<vmem_shared>> -> memref<10240x32xf32, #tpu.memory_space<vmem_shared>>
        tpu.enqueue_indirect_dma source(%dma_start3A_498 : memref<10240x32xf32, #tpu.memory_space<vmem_shared>>) target(%dma_start3A_492 : memref<128x32xf32, #tpu.memory_space<vmem>>) offsets(%dma_start3A_495 : memref<128xi32, #tpu.memory_space<vmem>>) semaphore(%arg13 : memref<!tpu.dma_semaphore, #tpu.memory_space<semaphore_mem>>)
        %mul3A_499 = arith.constant 8 : i32
        %mul3A_500 = arith.muli %add3A_446, %mul3A_499 : i32
        %add3A_501 = arith.constant 4 : i32
        %add3A_502 = arith.addi %mul3A_500, %add3A_501 : i32
        %dma_start3A_503 = arith.constant 512 : i32
        %dma_start3A_504 = arith.constant 0 : i32
        %dma_start3A_505 = tpu.memref_slice %arg9[%dma_start3A_503, %dma_start3A_504] : memref<1024x32xf32, #tpu.memory_space<vmem>> -> memref<128x32xf32, #tpu.memory_space<vmem>>
        %dma_start3A_506 = arith.constant 0 : i32
        %dma_start3A_507 = tpu.memref_slice %arg7[%add3A_502, %dma_start3A_506] : memref<80x128xi32, #tpu.memory_space<vmem>> -> memref<1x128xi32, #tpu.memory_space<vmem>>
        %dma_start3A_508 = tpu.memref_squeeze %dma_start3A_507 : memref<1x128xi32, #tpu.memory_space<vmem>> -> memref<128xi32, #tpu.memory_space<vmem>>
        %dma_start3A_509 = arith.constant 0 : i32
        %dma_start3A_510 = arith.constant 0 : i32
        %dma_start3A_511 = tpu.memref_slice %arg11[%dma_start3A_509, %dma_start3A_510] : memref<10240x32xf32, #tpu.memory_space<vmem_shared>> -> memref<10240x32xf32, #tpu.memory_space<vmem_shared>>
        tpu.enqueue_indirect_dma source(%dma_start3A_511 : memref<10240x32xf32, #tpu.memory_space<vmem_shared>>) target(%dma_start3A_505 : memref<128x32xf32, #tpu.memory_space<vmem>>) offsets(%dma_start3A_508 : memref<128xi32, #tpu.memory_space<vmem>>) semaphore(%arg13 : memref<!tpu.dma_semaphore, #tpu.memory_space<semaphore_mem>>)
        %mul3A_512 = arith.constant 8 : i32
        %mul3A_513 = arith.muli %add3A_446, %mul3A_512 : i32
        %add3A_514 = arith.constant 5 : i32
        %add3A_515 = arith.addi %mul3A_513, %add3A_514 : i32
        %dma_start3A_516 = arith.constant 640 : i32
        %dma_start3A_517 = arith.constant 0 : i32
        %dma_start3A_518 = tpu.memref_slice %arg9[%dma_start3A_516, %dma_start3A_517] : memref<1024x32xf32, #tpu.memory_space<vmem>> -> memref<128x32xf32, #tpu.memory_space<vmem>>
        %dma_start3A_519 = arith.constant 0 : i32
        %dma_start3A_520 = tpu.memref_slice %arg7[%add3A_515, %dma_start3A_519] : memref<80x128xi32, #tpu.memory_space<vmem>> -> memref<1x128xi32, #tpu.memory_space<vmem>>
        %dma_start3A_521 = tpu.memref_squeeze %dma_start3A_520 : memref<1x128xi32, #tpu.memory_space<vmem>> -> memref<128xi32, #tpu.memory_space<vmem>>
        %dma_start3A_522 = arith.constant 0 : i32
        %dma_start3A_523 = arith.constant 0 : i32
        %dma_start3A_524 = tpu.memref_slice %arg11[%dma_start3A_522, %dma_start3A_523] : memref<10240x32xf32, #tpu.memory_space<vmem_shared>> -> memref<10240x32xf32, #tpu.memory_space<vmem_shared>>
        tpu.enqueue_indirect_dma source(%dma_start3A_524 : memref<10240x32xf32, #tpu.memory_space<vmem_shared>>) target(%dma_start3A_518 : memref<128x32xf32, #tpu.memory_space<vmem>>) offsets(%dma_start3A_521 : memref<128xi32, #tpu.memory_space<vmem>>) semaphore(%arg13 : memref<!tpu.dma_semaphore, #tpu.memory_space<semaphore_mem>>)
        %mul3A_525 = arith.constant 8 : i32
        %mul3A_526 = arith.muli %add3A_446, %mul3A_525 : i32
        %add3A_527 = arith.constant 6 : i32
        %add3A_528 = arith.addi %mul3A_526, %add3A_527 : i32
        %dma_start3A_529 = arith.constant 768 : i32
        %dma_start3A_530 = arith.constant 0 : i32
        %dma_start3A_531 = tpu.memref_slice %arg9[%dma_start3A_529, %dma_start3A_530] : memref<1024x32xf32, #tpu.memory_space<vmem>> -> memref<128x32xf32, #tpu.memory_space<vmem>>
        %dma_start3A_532 = arith.constant 0 : i32
        %dma_start3A_533 = tpu.memref_slice %arg7[%add3A_528, %dma_start3A_532] : memref<80x128xi32, #tpu.memory_space<vmem>> -> memref<1x128xi32, #tpu.memory_space<vmem>>
        %dma_start3A_534 = tpu.memref_squeeze %dma_start3A_533 : memref<1x128xi32, #tpu.memory_space<vmem>> -> memref<128xi32, #tpu.memory_space<vmem>>
        %dma_start3A_535 = arith.constant 0 : i32
        %dma_start3A_536 = arith.constant 0 : i32
        %dma_start3A_537 = tpu.memref_slice %arg11[%dma_start3A_535, %dma_start3A_536] : memref<10240x32xf32, #tpu.memory_space<vmem_shared>> -> memref<10240x32xf32, #tpu.memory_space<vmem_shared>>
        tpu.enqueue_indirect_dma source(%dma_start3A_537 : memref<10240x32xf32, #tpu.memory_space<vmem_shared>>) target(%dma_start3A_531 : memref<128x32xf32, #tpu.memory_space<vmem>>) offsets(%dma_start3A_534 : memref<128xi32, #tpu.memory_space<vmem>>) semaphore(%arg13 : memref<!tpu.dma_semaphore, #tpu.memory_space<semaphore_mem>>)
        %mul3A_538 = arith.constant 8 : i32
        %mul3A_539 = arith.muli %add3A_446, %mul3A_538 : i32
        %add3A_540 = arith.constant 7 : i32
        %add3A_541 = arith.addi %mul3A_539, %add3A_540 : i32
        %dma_start3A_542 = arith.constant 896 : i32
        %dma_start3A_543 = arith.constant 0 : i32
        %dma_start3A_544 = tpu.memref_slice %arg9[%dma_start3A_542, %dma_start3A_543] : memref<1024x32xf32, #tpu.memory_space<vmem>> -> memref<128x32xf32, #tpu.memory_space<vmem>>
        %dma_start3A_545 = arith.constant 0 : i32
        %dma_start3A_546 = tpu.memref_slice %arg7[%add3A_541, %dma_start3A_545] : memref<80x128xi32, #tpu.memory_space<vmem>> -> memref<1x128xi32, #tpu.memory_space<vmem>>
        %dma_start3A_547 = tpu.memref_squeeze %dma_start3A_546 : memref<1x128xi32, #tpu.memory_space<vmem>> -> memref<128xi32, #tpu.memory_space<vmem>>
        %dma_start3A_548 = arith.constant 0 : i32
        %dma_start3A_549 = arith.constant 0 : i32
        %dma_start3A_550 = tpu.memref_slice %arg11[%dma_start3A_548, %dma_start3A_549] : memref<10240x32xf32, #tpu.memory_space<vmem_shared>> -> memref<10240x32xf32, #tpu.memory_space<vmem_shared>>
        tpu.enqueue_indirect_dma source(%dma_start3A_550 : memref<10240x32xf32, #tpu.memory_space<vmem_shared>>) target(%dma_start3A_544 : memref<128x32xf32, #tpu.memory_space<vmem>>) offsets(%dma_start3A_547 : memref<128xi32, #tpu.memory_space<vmem>>) semaphore(%arg13 : memref<!tpu.dma_semaphore, #tpu.memory_space<semaphore_mem>>)
      } else {
      }
      %mul3A_335 = arith.constant 8 : i32
      %mul3A_336 = arith.muli %add3A_107, %mul3A_335 : i32
      %add3A_337 = arith.constant 0 : i32
      %add3A_338 = arith.addi %mul3A_336, %add3A_337 : i32
      %dma_start3A_339 = arith.constant 0 : i32
      %dma_start3A_340 = arith.constant 0 : i32
      %dma_start3A_341 = tpu.memref_slice %arg10[%dma_start3A_339, %dma_start3A_340] : memref<1024x32xf32, #tpu.memory_space<vmem>> -> memref<128x32xf32, #tpu.memory_space<vmem>>
      %dma_start3A_342 = arith.constant 0 : i32
      %dma_start3A_343 = tpu.memref_slice %arg8[%add3A_338, %dma_start3A_342] : memref<80x128xi32, #tpu.memory_space<vmem>> -> memref<1x128xi32, #tpu.memory_space<vmem>>
      %dma_start3A_344 = tpu.memref_squeeze %dma_start3A_343 : memref<1x128xi32, #tpu.memory_space<vmem>> -> memref<128xi32, #tpu.memory_space<vmem>>
      %dma_start3A_345 = arith.constant 0 : i32
      %dma_start3A_346 = arith.constant 0 : i32
      %dma_start3A_347 = tpu.memref_slice %arg12[%dma_start3A_345, %dma_start3A_346] : memref<10240x32xf32, #tpu.memory_space<vmem_shared>> -> memref<10240x32xf32, #tpu.memory_space<vmem_shared>>
      tpu.enqueue_indirect_dma source(%dma_start3A_341 : memref<128x32xf32, #tpu.memory_space<vmem>>) target(%dma_start3A_347 : memref<10240x32xf32, #tpu.memory_space<vmem_shared>>) offsets(%dma_start3A_344 : memref<128xi32, #tpu.memory_space<vmem>>) semaphore(%arg16 : memref<!tpu.dma_semaphore, #tpu.memory_space<semaphore_mem>>) {add = true}
      %mul3A_348 = arith.constant 8 : i32
      %mul3A_349 = arith.muli %add3A_107, %mul3A_348 : i32
      %add3A_350 = arith.constant 1 : i32
      %add3A_351 = arith.addi %mul3A_349, %add3A_350 : i32
      %dma_start3A_352 = arith.constant 128 : i32
      %dma_start3A_353 = arith.constant 0 : i32
      %dma_start3A_354 = tpu.memref_slice %arg10[%dma_start3A_352, %dma_start3A_353] : memref<1024x32xf32, #tpu.memory_space<vmem>> -> memref<128x32xf32, #tpu.memory_space<vmem>>
      %dma_start3A_355 = arith.constant 0 : i32
      %dma_start3A_356 = tpu.memref_slice %arg8[%add3A_351, %dma_start3A_355] : memref<80x128xi32, #tpu.memory_space<vmem>> -> memref<1x128xi32, #tpu.memory_space<vmem>>
      %dma_start3A_357 = tpu.memref_squeeze %dma_start3A_356 : memref<1x128xi32, #tpu.memory_space<vmem>> -> memref<128xi32, #tpu.memory_space<vmem>>
      %dma_start3A_358 = arith.constant 0 : i32
      %dma_start3A_359 = arith.constant 0 : i32
      %dma_start3A_360 = tpu.memref_slice %arg12[%dma_start3A_358, %dma_start3A_359] : memref<10240x32xf32, #tpu.memory_space<vmem_shared>> -> memref<10240x32xf32, #tpu.memory_space<vmem_shared>>
      tpu.enqueue_indirect_dma source(%dma_start3A_354 : memref<128x32xf32, #tpu.memory_space<vmem>>) target(%dma_start3A_360 : memref<10240x32xf32, #tpu.memory_space<vmem_shared>>) offsets(%dma_start3A_357 : memref<128xi32, #tpu.memory_space<vmem>>) semaphore(%arg16 : memref<!tpu.dma_semaphore, #tpu.memory_space<semaphore_mem>>) {add = true}
      %mul3A_361 = arith.constant 8 : i32
      %mul3A_362 = arith.muli %add3A_107, %mul3A_361 : i32
      %add3A_363 = arith.constant 2 : i32
      %add3A_364 = arith.addi %mul3A_362, %add3A_363 : i32
      %dma_start3A_365 = arith.constant 256 : i32
      %dma_start3A_366 = arith.constant 0 : i32
      %dma_start3A_367 = tpu.memref_slice %arg10[%dma_start3A_365, %dma_start3A_366] : memref<1024x32xf32, #tpu.memory_space<vmem>> -> memref<128x32xf32, #tpu.memory_space<vmem>>
      %dma_start3A_368 = arith.constant 0 : i32
      %dma_start3A_369 = tpu.memref_slice %arg8[%add3A_364, %dma_start3A_368] : memref<80x128xi32, #tpu.memory_space<vmem>> -> memref<1x128xi32, #tpu.memory_space<vmem>>
      %dma_start3A_370 = tpu.memref_squeeze %dma_start3A_369 : memref<1x128xi32, #tpu.memory_space<vmem>> -> memref<128xi32, #tpu.memory_space<vmem>>
      %dma_start3A_371 = arith.constant 0 : i32
      %dma_start3A_372 = arith.constant 0 : i32
      %dma_start3A_373 = tpu.memref_slice %arg12[%dma_start3A_371, %dma_start3A_372] : memref<10240x32xf32, #tpu.memory_space<vmem_shared>> -> memref<10240x32xf32, #tpu.memory_space<vmem_shared>>
      tpu.enqueue_indirect_dma source(%dma_start3A_367 : memref<128x32xf32, #tpu.memory_space<vmem>>) target(%dma_start3A_373 : memref<10240x32xf32, #tpu.memory_space<vmem_shared>>) offsets(%dma_start3A_370 : memref<128xi32, #tpu.memory_space<vmem>>) semaphore(%arg16 : memref<!tpu.dma_semaphore, #tpu.memory_space<semaphore_mem>>) {add = true}
      %mul3A_374 = arith.constant 8 : i32
      %mul3A_375 = arith.muli %add3A_107, %mul3A_374 : i32
      %add3A_376 = arith.constant 3 : i32
      %add3A_377 = arith.addi %mul3A_375, %add3A_376 : i32
      %dma_start3A_378 = arith.constant 384 : i32
      %dma_start3A_379 = arith.constant 0 : i32
      %dma_start3A_380 = tpu.memref_slice %arg10[%dma_start3A_378, %dma_start3A_379] : memref<1024x32xf32, #tpu.memory_space<vmem>> -> memref<128x32xf32, #tpu.memory_space<vmem>>
      %dma_start3A_381 = arith.constant 0 : i32
      %dma_start3A_382 = tpu.memref_slice %arg8[%add3A_377, %dma_start3A_381] : memref<80x128xi32, #tpu.memory_space<vmem>> -> memref<1x128xi32, #tpu.memory_space<vmem>>
      %dma_start3A_383 = tpu.memref_squeeze %dma_start3A_382 : memref<1x128xi32, #tpu.memory_space<vmem>> -> memref<128xi32, #tpu.memory_space<vmem>>
      %dma_start3A_384 = arith.constant 0 : i32
      %dma_start3A_385 = arith.constant 0 : i32
      %dma_start3A_386 = tpu.memref_slice %arg12[%dma_start3A_384, %dma_start3A_385] : memref<10240x32xf32, #tpu.memory_space<vmem_shared>> -> memref<10240x32xf32, #tpu.memory_space<vmem_shared>>
      tpu.enqueue_indirect_dma source(%dma_start3A_380 : memref<128x32xf32, #tpu.memory_space<vmem>>) target(%dma_start3A_386 : memref<10240x32xf32, #tpu.memory_space<vmem_shared>>) offsets(%dma_start3A_383 : memref<128xi32, #tpu.memory_space<vmem>>) semaphore(%arg16 : memref<!tpu.dma_semaphore, #tpu.memory_space<semaphore_mem>>) {add = true}
      %mul3A_387 = arith.constant 8 : i32
      %mul3A_388 = arith.muli %add3A_107, %mul3A_387 : i32
      %add3A_389 = arith.constant 4 : i32
      %add3A_390 = arith.addi %mul3A_388, %add3A_389 : i32
      %dma_start3A_391 = arith.constant 512 : i32
      %dma_start3A_392 = arith.constant 0 : i32
      %dma_start3A_393 = tpu.memref_slice %arg10[%dma_start3A_391, %dma_start3A_392] : memref<1024x32xf32, #tpu.memory_space<vmem>> -> memref<128x32xf32, #tpu.memory_space<vmem>>
      %dma_start3A_394 = arith.constant 0 : i32
      %dma_start3A_395 = tpu.memref_slice %arg8[%add3A_390, %dma_start3A_394] : memref<80x128xi32, #tpu.memory_space<vmem>> -> memref<1x128xi32, #tpu.memory_space<vmem>>
      %dma_start3A_396 = tpu.memref_squeeze %dma_start3A_395 : memref<1x128xi32, #tpu.memory_space<vmem>> -> memref<128xi32, #tpu.memory_space<vmem>>
      %dma_start3A_397 = arith.constant 0 : i32
      %dma_start3A_398 = arith.constant 0 : i32
      %dma_start3A_399 = tpu.memref_slice %arg12[%dma_start3A_397, %dma_start3A_398] : memref<10240x32xf32, #tpu.memory_space<vmem_shared>> -> memref<10240x32xf32, #tpu.memory_space<vmem_shared>>
      tpu.enqueue_indirect_dma source(%dma_start3A_393 : memref<128x32xf32, #tpu.memory_space<vmem>>) target(%dma_start3A_399 : memref<10240x32xf32, #tpu.memory_space<vmem_shared>>) offsets(%dma_start3A_396 : memref<128xi32, #tpu.memory_space<vmem>>) semaphore(%arg16 : memref<!tpu.dma_semaphore, #tpu.memory_space<semaphore_mem>>) {add = true}
      %mul3A_400 = arith.constant 8 : i32
      %mul3A_401 = arith.muli %add3A_107, %mul3A_400 : i32
      %add3A_402 = arith.constant 5 : i32
      %add3A_403 = arith.addi %mul3A_401, %add3A_402 : i32
      %dma_start3A_404 = arith.constant 640 : i32
      %dma_start3A_405 = arith.constant 0 : i32
      %dma_start3A_406 = tpu.memref_slice %arg10[%dma_start3A_404, %dma_start3A_405] : memref<1024x32xf32, #tpu.memory_space<vmem>> -> memref<128x32xf32, #tpu.memory_space<vmem>>
      %dma_start3A_407 = arith.constant 0 : i32
      %dma_start3A_408 = tpu.memref_slice %arg8[%add3A_403, %dma_start3A_407] : memref<80x128xi32, #tpu.memory_space<vmem>> -> memref<1x128xi32, #tpu.memory_space<vmem>>
      %dma_start3A_409 = tpu.memref_squeeze %dma_start3A_408 : memref<1x128xi32, #tpu.memory_space<vmem>> -> memref<128xi32, #tpu.memory_space<vmem>>
      %dma_start3A_410 = arith.constant 0 : i32
      %dma_start3A_411 = arith.constant 0 : i32
      %dma_start3A_412 = tpu.memref_slice %arg12[%dma_start3A_410, %dma_start3A_411] : memref<10240x32xf32, #tpu.memory_space<vmem_shared>> -> memref<10240x32xf32, #tpu.memory_space<vmem_shared>>
      tpu.enqueue_indirect_dma source(%dma_start3A_406 : memref<128x32xf32, #tpu.memory_space<vmem>>) target(%dma_start3A_412 : memref<10240x32xf32, #tpu.memory_space<vmem_shared>>) offsets(%dma_start3A_409 : memref<128xi32, #tpu.memory_space<vmem>>) semaphore(%arg16 : memref<!tpu.dma_semaphore, #tpu.memory_space<semaphore_mem>>) {add = true}
      %mul3A_413 = arith.constant 8 : i32
      %mul3A_414 = arith.muli %add3A_107, %mul3A_413 : i32
      %add3A_415 = arith.constant 6 : i32
      %add3A_416 = arith.addi %mul3A_414, %add3A_415 : i32
      %dma_start3A_417 = arith.constant 768 : i32
      %dma_start3A_418 = arith.constant 0 : i32
      %dma_start3A_419 = tpu.memref_slice %arg10[%dma_start3A_417, %dma_start3A_418] : memref<1024x32xf32, #tpu.memory_space<vmem>> -> memref<128x32xf32, #tpu.memory_space<vmem>>
      %dma_start3A_420 = arith.constant 0 : i32
      %dma_start3A_421 = tpu.memref_slice %arg8[%add3A_416, %dma_start3A_420] : memref<80x128xi32, #tpu.memory_space<vmem>> -> memref<1x128xi32, #tpu.memory_space<vmem>>
      %dma_start3A_422 = tpu.memref_squeeze %dma_start3A_421 : memref<1x128xi32, #tpu.memory_space<vmem>> -> memref<128xi32, #tpu.memory_space<vmem>>
      %dma_start3A_423 = arith.constant 0 : i32
      %dma_start3A_424 = arith.constant 0 : i32
      %dma_start3A_425 = tpu.memref_slice %arg12[%dma_start3A_423, %dma_start3A_424] : memref<10240x32xf32, #tpu.memory_space<vmem_shared>> -> memref<10240x32xf32, #tpu.memory_space<vmem_shared>>
      tpu.enqueue_indirect_dma source(%dma_start3A_419 : memref<128x32xf32, #tpu.memory_space<vmem>>) target(%dma_start3A_425 : memref<10240x32xf32, #tpu.memory_space<vmem_shared>>) offsets(%dma_start3A_422 : memref<128xi32, #tpu.memory_space<vmem>>) semaphore(%arg16 : memref<!tpu.dma_semaphore, #tpu.memory_space<semaphore_mem>>) {add = true}
      %mul3A_426 = arith.constant 8 : i32
      %mul3A_427 = arith.muli %add3A_107, %mul3A_426 : i32
      %add3A_428 = arith.constant 7 : i32
      %add3A_429 = arith.addi %mul3A_427, %add3A_428 : i32
      %dma_start3A_430 = arith.constant 896 : i32
      %dma_start3A_431 = arith.constant 0 : i32
      %dma_start3A_432 = tpu.memref_slice %arg10[%dma_start3A_430, %dma_start3A_431] : memref<1024x32xf32, #tpu.memory_space<vmem>> -> memref<128x32xf32, #tpu.memory_space<vmem>>
      %dma_start3A_433 = arith.constant 0 : i32
      %dma_start3A_434 = tpu.memref_slice %arg8[%add3A_429, %dma_start3A_433] : memref<80x128xi32, #tpu.memory_space<vmem>> -> memref<1x128xi32, #tpu.memory_space<vmem>>
      %dma_start3A_435 = tpu.memref_squeeze %dma_start3A_434 : memref<1x128xi32, #tpu.memory_space<vmem>> -> memref<128xi32, #tpu.memory_space<vmem>>
      %dma_start3A_436 = arith.constant 0 : i32
      %dma_start3A_437 = arith.constant 0 : i32
      %dma_start3A_438 = tpu.memref_slice %arg12[%dma_start3A_436, %dma_start3A_437] : memref<10240x32xf32, #tpu.memory_space<vmem_shared>> -> memref<10240x32xf32, #tpu.memory_space<vmem_shared>>
      tpu.enqueue_indirect_dma source(%dma_start3A_432 : memref<128x32xf32, #tpu.memory_space<vmem>>) target(%dma_start3A_438 : memref<10240x32xf32, #tpu.memory_space<vmem_shared>>) offsets(%dma_start3A_435 : memref<128xi32, #tpu.memory_space<vmem>>) semaphore(%arg16 : memref<!tpu.dma_semaphore, #tpu.memory_space<semaphore_mem>>) {add = true}
      %dma_wait3A_439 = arith.constant 0 : i32
      %dma_wait3A_440 = arith.constant 0 : i32
      %dma_wait3A_441 = tpu.memref_slice %arg5[%dma_wait3A_439, %dma_wait3A_440] : memref<10240x32xf32, #tpu.memory_space<hbm>> -> memref<1024x32xf32, #tpu.memory_space<hbm>>
      %dma_wait3A_442 = arith.constant 0 : i32
      %dma_wait3A_443 = arith.constant 0 : i32
      %dma_wait3A_444 = tpu.memref_slice %arg5[%dma_wait3A_442, %dma_wait3A_443] : memref<10240x32xf32, #tpu.memory_space<hbm>> -> memref<1024x32xf32, #tpu.memory_space<hbm>>
      tpu.wait_dma2 semaphore(%arg16 : memref<!tpu.dma_semaphore, #tpu.memory_space<semaphore_mem>>) src(%dma_wait3A_444 : memref<1024x32xf32, #tpu.memory_space<hbm>>) dst(%arg10 : memref<1024x32xf32, #tpu.memory_space<vmem>>)
    }
    %scan3A_91 = arith.constant 5 : i32
    %barrier3A_92 = arith.constant 0 : index
    tpu.barrier barrier_id(%barrier3A_92)
    %mul3A_93 = arith.constant 640 : i32
    %mul3A_94 = arith.muli %arg1, %mul3A_93 : i32
    %mul3A_95 = arith.constant 640 : i32
    %mul3A_96 = arith.muli %arg1, %mul3A_95 : i32
    "tpu.region"() ({
      %run_scoped3A = tpu.sem_alloc : memref<!tpu.dma_semaphore, #tpu.memory_space<semaphore_mem>>
      %dma_start3A_97 = arith.constant 0 : i32
      %dma_start3A_98 = tpu.memref_slice %arg6[%arg0, %mul3A_96, %dma_start3A_97] : memref<2x10240x32xf32, #tpu.memory_space<hbm>> -> memref<1x640x32xf32, #tpu.memory_space<hbm>>
      %dma_start3A_99 = tpu.memref_squeeze %dma_start3A_98 : memref<1x640x32xf32, #tpu.memory_space<hbm>> -> memref<640x32xf32, #tpu.memory_space<hbm>>
      %dma_start3A_100 = arith.constant 0 : i32
      %dma_start3A_101 = tpu.memref_slice %arg12[%mul3A_94, %dma_start3A_100] : memref<10240x32xf32, #tpu.memory_space<vmem_shared>> -> memref<640x32xf32, #tpu.memory_space<vmem_shared>>
      tpu.enqueue_dma source(%dma_start3A_101 : memref<640x32xf32, #tpu.memory_space<vmem_shared>>) target(%dma_start3A_99 : memref<640x32xf32, #tpu.memory_space<hbm>>) target_semaphore(%run_scoped3A : memref<!tpu.dma_semaphore, #tpu.memory_space<semaphore_mem>>)
      %dma_wait3A = arith.constant 0 : i32
      %dma_wait3A_102 = tpu.memref_slice %arg6[%arg0, %mul3A_96, %dma_wait3A] : memref<2x10240x32xf32, #tpu.memory_space<hbm>> -> memref<1x640x32xf32, #tpu.memory_space<hbm>>
      %dma_wait3A_103 = tpu.memref_squeeze %dma_wait3A_102 : memref<1x640x32xf32, #tpu.memory_space<hbm>> -> memref<640x32xf32, #tpu.memory_space<hbm>>
      %dma_wait3A_104 = arith.constant 0 : i32
      %dma_wait3A_105 = tpu.memref_slice %arg12[%mul3A_94, %dma_wait3A_104] : memref<10240x32xf32, #tpu.memory_space<vmem_shared>> -> memref<640x32xf32, #tpu.memory_space<vmem_shared>>
      tpu.wait_dma2 semaphore(%run_scoped3A : memref<!tpu.dma_semaphore, #tpu.memory_space<semaphore_mem>>) src(%dma_wait3A_105 : memref<640x32xf32, #tpu.memory_space<vmem_shared>>) dst(%dma_wait3A_103 : memref<640x32xf32, #tpu.memory_space<hbm>>)
      tpu.yield
    }) : () -> ()
    return
  }
}

module attributes {stable_mosaic.version = 14 : i64} {
  func.func @_mm_body(%arg0: memref<10000x128xf32, #tpu.memory_space<vmem>>, %arg1: memref<128x64xf32, #tpu.memory_space<vmem>>, %arg2: memref<10000x64xf32, #tpu.memory_space<vmem>>) attributes {dimension_semantics = [], scalar_prefetch = 0 : i64, scratch_operands = 0 : i64, tpu.core_type = #tpu.core_type<tc>} {
    %get3A = arith.constant 0 : index
    %get3A_0 = arith.constant 0 : index
    %get3A_1 = vector.load %arg0[%get3A, %get3A_0] : memref<10000x128xf32, #tpu.memory_space<vmem>>, vector<10000x128xf32>
    %get3A_2 = arith.constant 0 : index
    %get3A_3 = arith.constant 0 : index
    %get3A_4 = vector.load %arg1[%get3A_2, %get3A_3] : memref<128x64xf32, #tpu.memory_space<vmem>>, vector<128x64xf32>
    %dot_general3A = arith.constant dense<0.000000e+00> : vector<10000x64xf32>
    %dot_general3A_5 = tpu.matmul %get3A_1, %get3A_4, %dot_general3A {dimension_numbers = #tpu.dot_dimension_numbers<[1], [0], [0], [1], [0, 0, 1, 1], [], []>, transpose_lhs_hint = false} : vector<10000x128xf32>, vector<128x64xf32>, vector<10000x64xf32> -> vector<10000x64xf32>
    %swap3A = arith.constant 0 : index
    %swap3A_6 = arith.constant 0 : index
    %swap3A_7 = vector.load %arg2[%swap3A, %swap3A_6] : memref<10000x64xf32, #tpu.memory_space<vmem>>, vector<10000x64xf32>
    tpu.vector_store %arg2[%swap3A, %swap3A_6], %dot_general3A_5 {strides = array<i32>} : memref<10000x64xf32, #tpu.memory_space<vmem>>, vector<10000x64xf32>,
    return
  }
}

module attributes {stable_mosaic.version = 14 : i64} {
  func.func @_scale_body(%arg0: memref<10000x64xf32, #tpu.memory_space<vmem>>, %arg1: memref<10240x1xf32, #tpu.memory_space<vmem>>, %arg2: memref<10240x1xf32, #tpu.memory_space<vmem>>, %arg3: memref<10000x32xf32, #tpu.memory_space<vmem>>, %arg4: memref<10240x1xf32, #tpu.memory_space<vmem>>) attributes {dimension_semantics = [], scalar_prefetch = 0 : i64, scratch_operands = 0 : i64, tpu.core_type = #tpu.core_type<tc>} {
    %get3A = arith.constant 0 : index
    %get3A_0 = arith.constant 0 : index
    %get3A_1 = vector.load %arg1[%get3A, %get3A_0] : memref<10240x1xf32, #tpu.memory_space<vmem>>, vector<10240x1xf32>
    %get3A_2 = arith.constant 0 : index
    %get3A_3 = arith.constant 0 : index
    %get3A_4 = vector.load %arg2[%get3A_2, %get3A_3] : memref<10240x1xf32, #tpu.memory_space<vmem>>, vector<10240x1xf32>
    %add3A = arith.addf %get3A_1, %get3A_4 : vector<10240x1xf32>
    %add3A_5 = arith.constant 1.000000e+00 : f32
    %add3A_6 = vector.broadcast %add3A_5 : f32 to vector<10240x1xf32>
    %add3A_7 = arith.addf %add3A, %add3A_6 : vector<10240x1xf32>
    %rsqrt3A = math.rsqrt %add3A_7 : vector<10240x1xf32>
    %swap3A = arith.constant 0 : index
    %swap3A_8 = arith.constant 0 : index
    %swap3A_9 = vector.load %arg4[%swap3A, %swap3A_8] : memref<10240x1xf32, #tpu.memory_space<vmem>>, vector<10240x1xf32>
    tpu.vector_store %arg4[%swap3A, %swap3A_8], %rsqrt3A {strides = array<i32>} : memref<10240x1xf32, #tpu.memory_space<vmem>>, vector<10240x1xf32>,
    %get3A_10 = arith.constant 0 : index
    %get3A_11 = arith.constant 0 : index
    %get3A_12 = vector.load %arg0[%get3A_10, %get3A_11] : memref<10000x64xf32, #tpu.memory_space<vmem>>, vector<10000x32xf32>
    %slice3A = vector.extract_strided_slice %rsqrt3A {offsets = [0, 0], sizes = [10000, 1], strides = [1, 1]} : vector<10240x1xf32> to vector<10000x1xf32>
    %mul3A = vector.broadcast %slice3A : vector<10000x1xf32> to vector<10000x32xf32>
    %mul3A_13 = arith.mulf %get3A_12, %mul3A : vector<10000x32xf32>
    %swap3A_14 = arith.constant 0 : index
    %swap3A_15 = arith.constant 0 : index
    %swap3A_16 = vector.load %arg3[%swap3A_14, %swap3A_15] : memref<10000x32xf32, #tpu.memory_space<vmem>>, vector<10000x32xf32>
    tpu.vector_store %arg3[%swap3A_14, %swap3A_15], %mul3A_13 {strides = array<i32>} : memref<10000x32xf32, #tpu.memory_space<vmem>>, vector<10000x32xf32>,
    return
  }
}

module attributes {stable_mosaic.version = 14 : i64} {
  func.func @_layer_body(%arg0: memref<10240x32xf32, #tpu.memory_space<vmem>>, %arg1: memref<10240x32xf32, #tpu.memory_space<vmem>>, %arg2: memref<10000x32xf32, #tpu.memory_space<vmem>>, %arg3: memref<10240x1xf32, #tpu.memory_space<vmem>>, %arg4: memref<10000x64xf32, #tpu.memory_space<vmem>>, %arg5: memref<1x32xf32, #tpu.memory_space<vmem>>, %arg6: memref<32x64xf32, #tpu.memory_space<vmem>>, %arg7: memref<10000x32xf32, #tpu.memory_space<vmem>>, %arg8: memref<10000x32xf32, #tpu.memory_space<vmem>>) attributes {dimension_semantics = [], scalar_prefetch = 0 : i64, scratch_operands = 0 : i64, tpu.core_type = #tpu.core_type<tc>} {
    %get3A = arith.constant 0 : index
    %get3A_0 = arith.constant 0 : index
    %get3A_1 = vector.load %arg3[%get3A, %get3A_0] : memref<10240x1xf32, #tpu.memory_space<vmem>>, vector<10000x1xf32>
    %get3A_2 = arith.constant 0 : index
    %get3A_3 = arith.constant 0 : index
    %get3A_4 = vector.load %arg0[%get3A_2, %get3A_3] : memref<10240x32xf32, #tpu.memory_space<vmem>>, vector<10000x32xf32>
    %get3A_5 = arith.constant 0 : index
    %get3A_6 = arith.constant 0 : index
    %get3A_7 = vector.load %arg1[%get3A_5, %get3A_6] : memref<10240x32xf32, #tpu.memory_space<vmem>>, vector<10000x32xf32>
    %add3A = arith.addf %get3A_4, %get3A_7 : vector<10000x32xf32>
    %get3A_8 = arith.constant 0 : index
    %get3A_9 = arith.constant 0 : index
    %get3A_10 = vector.load %arg2[%get3A_8, %get3A_9] : memref<10000x32xf32, #tpu.memory_space<vmem>>, vector<10000x32xf32>
    %add3A_11 = arith.addf %add3A, %get3A_10 : vector<10000x32xf32>
    %mul3A = vector.broadcast %get3A_1 : vector<10000x1xf32> to vector<10000x32xf32>
    %mul3A_12 = arith.mulf %add3A_11, %mul3A : vector<10000x32xf32>
    %get3A_13 = arith.constant 0 : index
    %get3A_14 = arith.constant 32 : index
    %get3A_15 = vector.load %arg4[%get3A_13, %get3A_14] : memref<10000x64xf32, #tpu.memory_space<vmem>>, vector<10000x32xf32>
    %add3A_16 = arith.addf %mul3A_12, %get3A_15 : vector<10000x32xf32>
    %get3A_17 = arith.constant 0 : index
    %get3A_18 = arith.constant 0 : index
    %get3A_19 = vector.load %arg5[%get3A_17, %get3A_18] : memref<1x32xf32, #tpu.memory_space<vmem>>, vector<1x32xf32>
    %add3A_20 = vector.broadcast %get3A_19 : vector<1x32xf32> to vector<10000x32xf32>
    %add3A_21 = arith.addf %add3A_16, %add3A_20 : vector<10000x32xf32>
    %max3A = arith.constant 0.000000e+00 : f32
    %max3A_22 = vector.broadcast %max3A : f32 to vector<10000x32xf32>
    %max3A_23 = arith.maximumf %add3A_21, %max3A_22 : vector<10000x32xf32>
    %get3A_24 = arith.constant 0 : index
    %get3A_25 = arith.constant 0 : index
    %get3A_26 = vector.load %arg6[%get3A_24, %get3A_25] : memref<32x64xf32, #tpu.memory_space<vmem>>, vector<32x64xf32>
    %dot_general3A = arith.constant dense<0.000000e+00> : vector<10000x64xf32>
    %dot_general3A_27 = tpu.matmul %max3A_23, %get3A_26, %dot_general3A {dimension_numbers = #tpu.dot_dimension_numbers<[1], [0], [0], [1], [0, 0, 1, 1], [], []>, transpose_lhs_hint = false} : vector<10000x32xf32>, vector<32x64xf32>, vector<10000x64xf32> -> vector<10000x64xf32>
    %slice3A = vector.extract_strided_slice %dot_general3A_27 {offsets = [0, 0], sizes = [10000, 32], strides = [1, 1]} : vector<10000x64xf32> to vector<10000x32xf32>
    %mul3A_28 = vector.broadcast %get3A_1 : vector<10000x1xf32> to vector<10000x32xf32>
    %mul3A_29 = arith.mulf %slice3A, %mul3A_28 : vector<10000x32xf32>
    %swap3A = arith.constant 0 : index
    %swap3A_30 = arith.constant 0 : index
    %swap3A_31 = vector.load %arg7[%swap3A, %swap3A_30] : memref<10000x32xf32, #tpu.memory_space<vmem>>, vector<10000x32xf32>
    tpu.vector_store %arg7[%swap3A, %swap3A_30], %mul3A_29 {strides = array<i32>} : memref<10000x32xf32, #tpu.memory_space<vmem>>, vector<10000x32xf32>,
    %slice3A_32 = vector.extract_strided_slice %dot_general3A_27 {offsets = [0, 32], sizes = [10000, 32], strides = [1, 1]} : vector<10000x64xf32> to vector<10000x32xf32>
    %swap3A_33 = arith.constant 0 : index
    %swap3A_34 = arith.constant 0 : index
    %swap3A_35 = vector.load %arg8[%swap3A_33, %swap3A_34] : memref<10000x32xf32, #tpu.memory_space<vmem>>, vector<10000x32xf32>
    tpu.vector_store %arg8[%swap3A_33, %swap3A_34], %slice3A_32 {strides = array<i32>} : memref<10000x32xf32, #tpu.memory_space<vmem>>, vector<10000x32xf32>,
    return
  }
}

module attributes {stable_mosaic.version = 14 : i64} {
  func.func @_final_body(%arg0: memref<10240x32xf32, #tpu.memory_space<vmem>>, %arg1: memref<10240x32xf32, #tpu.memory_space<vmem>>, %arg2: memref<10000x32xf32, #tpu.memory_space<vmem>>, %arg3: memref<10240x1xf32, #tpu.memory_space<vmem>>, %arg4: memref<10000x32xf32, #tpu.memory_space<vmem>>, %arg5: memref<1x32xf32, #tpu.memory_space<vmem>>, %arg6: memref<32x16xf32, #tpu.memory_space<vmem>>, %arg7: memref<1x16xf32, #tpu.memory_space<vmem>>, %arg8: memref<1x16xf32, #tpu.memory_space<vmem>>) attributes {dimension_semantics = [], scalar_prefetch = 0 : i64, scratch_operands = 0 : i64, tpu.core_type = #tpu.core_type<tc>} {
    %get3A = arith.constant 0 : index
    %get3A_0 = arith.constant 0 : index
    %get3A_1 = vector.load %arg3[%get3A, %get3A_0] : memref<10240x1xf32, #tpu.memory_space<vmem>>, vector<10000x1xf32>
    %get3A_2 = arith.constant 0 : index
    %get3A_3 = arith.constant 0 : index
    %get3A_4 = vector.load %arg0[%get3A_2, %get3A_3] : memref<10240x32xf32, #tpu.memory_space<vmem>>, vector<10000x32xf32>
    %get3A_5 = arith.constant 0 : index
    %get3A_6 = arith.constant 0 : index
    %get3A_7 = vector.load %arg1[%get3A_5, %get3A_6] : memref<10240x32xf32, #tpu.memory_space<vmem>>, vector<10000x32xf32>
    %add3A = arith.addf %get3A_4, %get3A_7 : vector<10000x32xf32>
    %get3A_8 = arith.constant 0 : index
    %get3A_9 = arith.constant 0 : index
    %get3A_10 = vector.load %arg2[%get3A_8, %get3A_9] : memref<10000x32xf32, #tpu.memory_space<vmem>>, vector<10000x32xf32>
    %add3A_11 = arith.addf %add3A, %get3A_10 : vector<10000x32xf32>
    %mul3A = vector.broadcast %get3A_1 : vector<10000x1xf32> to vector<10000x32xf32>
    %mul3A_12 = arith.mulf %add3A_11, %mul3A : vector<10000x32xf32>
    %get3A_13 = arith.constant 0 : index
    %get3A_14 = arith.constant 0 : index
    %get3A_15 = vector.load %arg4[%get3A_13, %get3A_14] : memref<10000x32xf32, #tpu.memory_space<vmem>>, vector<10000x32xf32>
    %add3A_16 = arith.addf %mul3A_12, %get3A_15 : vector<10000x32xf32>
    %get3A_17 = arith.constant 0 : index
    %get3A_18 = arith.constant 0 : index
    %get3A_19 = vector.load %arg5[%get3A_17, %get3A_18] : memref<1x32xf32, #tpu.memory_space<vmem>>, vector<1x32xf32>
    %add3A_20 = vector.broadcast %get3A_19 : vector<1x32xf32> to vector<10000x32xf32>
    %add3A_21 = arith.addf %add3A_16, %add3A_20 : vector<10000x32xf32>
    %max3A = arith.constant 0.000000e+00 : f32
    %max3A_22 = vector.broadcast %max3A : f32 to vector<10000x32xf32>
    %max3A_23 = arith.maximumf %add3A_21, %max3A_22 : vector<10000x32xf32>
    %reduce_sum3A = arith.constant dense<0.000000e+00> : vector<32xf32>
    %reduce_sum3A_24 = vector.multi_reduction <add>, %max3A_23, %reduce_sum3A [0] : vector<10000x32xf32> to vector<32xf32>
    %broadcast_in_dim3A = vector.shape_cast %reduce_sum3A_24 : vector<32xf32> to vector<1x32xf32>
    %mul3A_25 = arith.constant 9.99999974E-5 : f32
    %mul3A_26 = vector.broadcast %mul3A_25 : f32 to vector<1x32xf32>
    %mul3A_27 = arith.mulf %broadcast_in_dim3A, %mul3A_26 : vector<1x32xf32>
    %get3A_28 = arith.constant 0 : index
    %get3A_29 = arith.constant 0 : index
    %get3A_30 = vector.load %arg6[%get3A_28, %get3A_29] : memref<32x16xf32, #tpu.memory_space<vmem>>, vector<32x16xf32>
    %dot_general3A = arith.constant dense<0.000000e+00> : vector<1x16xf32>
    %dot_general3A_31 = tpu.matmul %mul3A_27, %get3A_30, %dot_general3A {dimension_numbers = #tpu.dot_dimension_numbers<[1], [0], [0], [1], [0, 0, 1, 1], [], []>, transpose_lhs_hint = false} : vector<1x32xf32>, vector<32x16xf32>, vector<1x16xf32> -> vector<1x16xf32>
    %get3A_32 = arith.constant 0 : index
    %get3A_33 = arith.constant 0 : index
    %get3A_34 = vector.load %arg7[%get3A_32, %get3A_33] : memref<1x16xf32, #tpu.memory_space<vmem>>, vector<1x16xf32>
    %add3A_35 = arith.addf %dot_general3A_31, %get3A_34 : vector<1x16xf32>
    %swap3A = arith.constant 0 : index
    %swap3A_36 = arith.constant 0 : index
    %swap3A_37 = vector.load %arg8[%swap3A, %swap3A_36] : memref<1x16xf32, #tpu.memory_space<vmem>>, vector<1x16xf32>
    tpu.vector_store %arg8[%swap3A, %swap3A_36], %add3A_35 {strides = array<i32>} : memref<1x16xf32, #tpu.memory_space<vmem>>, vector<1x16xf32>,
    return
  }
}

</mosaic_0001>

<sc_bundles>
// kernel: kernel.12.cloned.1.call-start
scs
__scs_entry_jumppad:
0x0: {  	(pc) =	sbr.rel $0x88, $3  }
0x1: {  	(tag) =	ssettag $0x0;
	lr =	simm.s32 $0x1  }
0x2: {  	[smem:$0x3F95] =	sst lr;
	_ =	strace $0xD0000000  }
0x3: {  	_ = 	snop  }
0x4: {  	_ = 	snop  }
0x5: {  	_ = 	snop  }
0x6: {  	_ = 	snop  }
0x7: {  	_ = 	snop  }
__scs_overlays_trampoline_lowered:
0x8: {  	[smem:$0x3FA4] =	sst s0  }
0x9: {  	[smem:$0x3FA5] =	sst s1  }
0xa: {  	[smem:$0x3FA6] =	sst s2  }
0xb: {  	[smem:$0x3FA7] =	sst s3  }
0xc: {  	[smem:$0x3FA8] =	sst s4  }
0xd: {  	[smem:$0x3FA9] =	sst s5  }
0xe: {  	[smem:$0x3FAA] =	sst s6  }
0xf: {  	[smem:$0x3FAB] =	sst s7  }
0x10: {  	[smem:$0x3FAC] =	sst s8  }
0x11: {  	[smem:$0x3FAD] =	sst s9;
	s0 =	simm.s32 @!p0 $0x0  }
0x12: {  	s1 =	sld [smem:$0x3F93];
	s0 =	simm.s32 @p0 $0x1  }
0x13: {  	[smem:$0x3FAE] =	sst s0;
	s0 =	simm.s32 @!p1 $0x0  }
0x14: {  	s2 =	sld [smem:$0x3F92];
	s0 =	simm.s32 @p1 $0x1  }
0x15: {  	[smem:$0x3FAF] =	sst s0;
	s0 =	simm.s32 @!p2 $0x0  }
0x16: {  	s3 =	sld [smem:$0x3FDB];
	s0 =	simm.s32 @p2 $0x1  }
0x17: {  	s4 =	simm.s32 $0x1BF5;
	[smem:$0x3FB1] =	sst s0  }
0x18: {  	s0 =	sld [smem:$0x3F94];
	_ =	swait.ge [sflag:s4], $0x0  }
0x19: {  	s7 =	sld [smem:$0x3F95]  }
0x1a: {  	s8 =	sadd.s32 $0xFFFFE003, lr  }
0x1b: {  	s9 =	sadd.s32 $0xFFFFFEF7, lr;
	s5 =	simm.s32 $0xFFFFFFFF;
	p2 =	slt.u32 s8, $0xFFFFF086  }
0x1c: {  	p1 =	slt.u32 s9, $0xF7A;
	s5 =	simm.s32 @!p2 $0x0  }
0x1d: {  	s5 =	simm.s32 @p1 $0x1;
	p0 =	seq.s32 s7, s2  }
0x1e: {  	s7 =	smul.u32 @!p0 $0xF7A, s2;
	p2 =	seq.s32 @!p0 s5, $0x0  }
0x1f: {  	s9 =	smul.u32 $0xF7A, s1;
	s8 =	simm.s32 @!p0 $0x1BF5;
	p2 =	por !p2, p0  }
0x20: {  	[sflag:s8] =	ssyncset.s32 @!p0 $0xFFFFF086;
	s6 =	sadd.s32 @!p0 s3, s7;
	s7 =	simm.s32 @!p0 $0x108  }
0x21: {  	s3 =	sadd.s32 s3, s9;
	s6 =	sadd.s32 @!p0 $0x88, s6;
	s7 =	simm.s32 @p2 $0x1082  }
0x22: {  	[simem:s7], [sflag:s8] =	dma.local @!p0 [hbm:s6], $0xF7A  }
0x23: {  	s9 =	sor.u32 $0xD0000000, s2;
	s6 =	simm.s32 $0x108;
	_ =	swait.ge @!p0 [sflag:s8], $0x0  }
0x24: {  	s3 =	sadd.s32 $0x88, s3;
	s6 =	simm.s32 @!p1 $0x1082;
	[sflag:s4] =	ssyncset.s32 $0xFFFFF086  }
0x25: {  	[simem:s6], [sflag:s4] =	dma.local [hbm:s3], $0xF7A  }
0x26: {  	[smem:$0x3F95] =	sst s1;
	(tag) =	ssettag s2;
	_ =	strace s9  }
0x27: {  	s1 =	sld [smem:$0x3FA5]  }
0x28: {  	s2 =	sld [smem:$0x3FA6]  }
0x29: {  	s4 =	sld [smem:$0x3FA8]  }
0x2a: {  	p0 =	seq.s32 s5, $0x0;
	s5 =	sld [smem:$0x3FA9]  }
0x2b: {  	s6 =	sld [smem:$0x3FAA]  }
0x2c: {  	s7 =	sld [smem:$0x3FAB]  }
0x2d: {  	s3 =	simm.s32 $0x108;
	s8 =	sld [smem:$0x3FAC]  }
0x2e: {  	s3 =	simm.s32 @!p0 $0x1082;
	s9 =	sld [smem:$0x3FAD]  }
0x2f: {  	lr =	sadd.s32 s0, s3;
	s0 =	sld [smem:$0x3FA4]  }
0x30: {  	s3 =	sld [smem:$0x3FA7]  }
0x31: {  	[smem:$0x3FB0] =	sst s10  }
0x32: {  	s10 =	sld [smem:$0x3FAE];
	_ =	sdelay $0x3  }
0x33: {  	p0 =	seq.s32 s10, $0x1;
	s10 =	sld [smem:$0x3FB0];
	_ =	sdelay $0x3  }
0x34: {  	[smem:$0x3FB0] =	sst s10  }
0x35: {  	s10 =	sld [smem:$0x3FAF];
	_ =	sdelay $0x3  }
0x36: {  	p1 =	seq.s32 s10, $0x1;
	s10 =	sld [smem:$0x3FB0];
	_ =	sdelay $0x3  }
0x37: {  	[smem:$0x3FB0] =	sst s10  }
0x38: {  	s10 =	sld [smem:$0x3FB1]  }
0x39: {  	_ = 	snop;
	(pc) =	sbr.ind lr, $3  }
0x3a: {  	_ = 	snop  }
0x3b: {  	_ = 	snop  }
0x3c: {  	p2 =	seq.s32 s10, $0x1;
	s10 =	sld [smem:$0x3FB0]  }
0x3d: {  	_ =	shalt  }
0x3e: {  	_ =	shalt  }
0x3f: {  	_ =	shalt  }
0x40: {  	_ =	shalt  }
0x41: {  	_ =	shalt  }
0x42: {  	_ =	shalt  }
0x43: {  	_ =	shalt  }
0x44: {  	_ =	shalt  }
0x45: {  	_ =	shalt  }
0x46: {  	_ =	shalt  }
0x47: {  	_ =	shalt  }
0x48: {  	_ =	shalt  }
0x49: {  	_ =	shalt  }
0x4a: {  	_ =	shalt  }
0x4b: {  	_ =	shalt  }
0x4c: {  	_ =	shalt  }
0x4d: {  	_ =	shalt  }
0x4e: {  	_ =	shalt  }
0x4f: {  	_ =	shalt  }
0x50: {  	_ =	shalt  }
0x51: {  	_ =	shalt  }
0x52: {  	_ =	shalt  }
0x53: {  	_ =	shalt  }
0x54: {  	_ =	shalt  }
0x55: {  	_ =	shalt  }
0x56: {  	_ =	shalt  }
0x57: {  	_ =	shalt  }
0x58: {  	_ =	shalt  }
0x59: {  	_ =	shalt  }
0x5a: {  	_ =	shalt  }
0x5b: {  	_ =	shalt  }
0x5c: {  	_ =	shalt  }
0x5d: {  	_ =	shalt  }
0x5e: {  	_ =	shalt  }
0x5f: {  	_ =	shalt  }
0x60: {  	_ =	shalt  }
0x61: {  	_ =	shalt  }
0x62: {  	_ =	shalt  }
0x63: {  	_ =	shalt  }
0x64: {  	_ =	shalt  }
0x65: {  	_ =	shalt  }
0x66: {  	_ =	shalt  }
0x67: {  	_ =	shalt  }
0x68: {  	_ =	shalt  }
0x69: {  	_ =	shalt  }
0x6a: {  	_ =	shalt  }
0x6b: {  	_ =	shalt  }
0x6c: {  	_ =	shalt  }
0x6d: {  	_ =	shalt  }
0x6e: {  	_ =	shalt  }
0x6f: {  	_ =	shalt  }
0x70: {  	_ =	shalt  }
0x71: {  	_ =	shalt  }
0x72: {  	_ =	shalt  }
0x73: {  	_ =	shalt  }
0x74: {  	_ =	shalt  }
0x75: {  	_ =	shalt  }
0x76: {  	_ =	shalt  }
0x77: {  	_ =	shalt  }
0x78: {  	_ =	shalt  }
0x79: {  	_ =	shalt  }
0x7a: {  	_ =	shalt  }
0x7b: {  	_ =	shalt  }
0x7c: {  	_ =	shalt  }
0x7d: {  	_ =	shalt  }
0x7e: {  	_ =	shalt  }
0x7f: {  	_ =	shalt  }
0x80: {  	_ =	shalt  }
0x81: {  	_ =	shalt  }
0x82: {  	_ =	shalt  }
0x83: {  	_ =	shalt  }
0x84: {  	_ =	shalt  }
0x85: {  	_ =	shalt  }
0x86: {  	_ =	shalt  }
0x87: {  	_ =	shalt  }
.Lfunc_end0:
.L_simem_size_0:
called_computation.1_lowered:
.L_overlay_start_0:
0x88: {  	s2 =	sld [smem:$0x3FD9]  }
0x89: {  	s3 =	sld [smem:$0x3FFE];
	_ =	sdelay $0x1  }
0x8a: {  	s1 =	srdreg.scid  }
0x8b: {  	s0 =	sand.u32 $0x1, s1  }
0x8c: {  	s16 =	sshll.u32 s0, $0xA;
	s2 =	sadd.s32 s3, s2  }
0x8d: {  	s2 =	sadd.s32 s2, s16  }
0x8e: {  	[smem:$0x3FBC] =	sst s2  }
0x8f: {  	_ = 	snop  }
0x90: {  	(tm) =	ssettm $0x1  }
0x91: {  	s17 =	sld [smem:$0x3FFB];
	_ =	sdelay $0x3  }
0x92: {  	_ =	strace s17  }
0x93: {  	s2 =	sld [smem:$0x3FFC];
	_ =	sdelay $0x3  }
0x94: {  	_ =	strace s2  }
0x95: {  	s2 =	sld [smem:$0x3FFD];
	_ =	sdelay $0x3  }
0x96: {  	_ =	strace s2  }
0x97: {  	_ =	strace $0x8FFFFFFF  }
0x98: {  	s18 =	sld [smem:$0x3FDB];
	_ =	sdelay $0x1  }
0x99: {  	s19 =	simm.s32 $_scs_section_size  }
0x9a: {  	s4 =	simm.s32 $_size__tile_overlayer_lowered;
	s5 =	simm.s32 $_tile_overlayer_lowered  }
0x9b: {  	s22 =	simm.s32 $0x1BFF;
	s21 =	sshll.u32 s5, $0x1;
	s2 =	sadd.s32 s19, s18  }
0x9c: {  	s6 =	simm.s32 $0x0;
	s20 =	sshll.u32 s4, $0x1;
	s4 =	sadd.s32 s21, s2  }
0x9d: {  	[timem:s6], [sflag:s22] =	dma.local [hbm:s4], s20  }
0x9e: {  	_ =	swait.ge [sflag:s22], s20  }
0x9f: {  	s3 =	ssub.s32 $0x0, s20;
	[sflag:s22] =	ssyncset.done $0x0  }
0xa0: {  	[sflag:s22] =	ssyncadd.s32 s3;
	_ =	sdelay $0x1  }
0xa1: {  	s23 =	simm.s32 $0x1B8B  }
0xa2: {  	_ =	swait.ge [sflag:s23], $0x1  }
0xa3: {  	[sflag:s23] =	ssyncset.done $0x0  }
0xa4: {  	s25 =	simm.s32 $0x1B8E;
	s24 =	sld [smem:$0x3FFE];
	[sflag:s23] =	ssyncadd.s32 $0xFFFFFFFF  }
0xa5: {  	s26 =	simm.s32 $execute0_lowered;
	[smem:$0x3FD2] =	sst s25  }
0xa6: {  	s4 =	sshll.u32 s26, $0x1;
	_ =	strace $0x80000049;
	[dreg:$0x1] =	wrdreg $0xFFFFFFFF  }
0xa7: {  	s28 =	simm.s32 $_size_execute0_lowered;
	s2 =	sadd.s32 s2, s4;
	[dreg:$0x0] =	wrdreg $0x0  }
0xa8: {  	s4 =	sshll.u32 s28, $0x1;
	[dreg:$0x2] =	wrdreg s2  }
0xa9: {  	[dreg:$0x3] =	wrdreg s4  }
0xaa: {  	[dreg:$0x4] =	wrdreg $0xC0  }
0xab: {  	_ =	task [dreg:s6], $0x5FFFF  }
0xac: {  	[dreg:$0x1] =	wrdreg $0xFFFFFFFF  }
0xad: {  	[dreg:$0x0] =	wrdreg $0x60  }
0xae: {  	[dreg:$0x2] =	wrdreg s24  }
0xaf: {  	[dreg:$0x3] =	wrdreg $0x1A0000  }
0xb0: {  	[dreg:$0x4] =	wrdreg $0x150000  }
0xb1: {  	[dreg:$0x5] =	wrdreg $0x9  }
0xb2: {  	_ =	task.clear_ibuf [dreg:s6], $0x6FFFF;
	_ =	strace $0x90000049  }
0xb3: {  	s29 =	simm.s32 $0x9;
	_ =	strace $0x8000004B  }
0xb4: {  	_ =	swait.ge [sflag:s29], $0x1  }
0xb5: {  	[sflag:s29] =	ssyncadd.s32 $0xFFFFFFFF  }
0xb6: {  	_ =	strace $0x9000004B  }
0xb7: {  	_ =	sfence  }
0xb8: {  	s30 =	sld [smem:$0x0];
	_ =	sdelay $0x2  }
0xb9: {  	s31 =	sshll.u32 s1, $0xD;
	s1 =	sshrl.u32 s1, $0x2  }
0xba: {  	s3 =	sand.u32 $0x4000, s31;
	s1 =	sadd.s32 s1, s30  }
0xbb: {  	s0 =	sor.u32 s3, s0;
	s1 =	sshll.u32 s1, $0x11  }
0xbc: {  	s0 =	sor.u32 s1, s0  }
0xbd: {  	s0 =	sadd.s32 $0x8F2B, s0  }
0xbe: {  	[sflag:s0] =	ssyncadd.remote.s32 $0x1  }
0xbf: {  	_ =	sfence.sel $0xFFFF  }
0xc0: {  	[dreg:$0x0] =	wrdreg $0xFFFFFFFF;
	(pc) =	sbr.abs _section_cstart, $3  }
0xc1: {  	[dreg:$0x1] =	wrdreg $0xFFFFFFFF  }
0xc2: {  	_ =	task.clear_ibuf [dreg:s6], $0x2FFFF;
	_ =	strace $0x9FFFFFFF  }
0xc3: {  	(tm) =	ssettm $0x7FFFFFFF  }
tec
execute0_lowered:
.L_overlay_start_1:
0x0: {  	(tag) =	ssettag $0x1  }
0x1: {  	s6 =	rddreg [dreg:$0x0]  }
0x2: {  	s0 =	stileid.u32;
	s1 =	srdreg.scid  }
0x3: {  	s2 =	rddreg [dreg:$0x1];
	s1 =	sand.u32 $0x1, s1;
	s4 =	sshll.u32 s0, $0x1  }
0x4: {  	s3 =	rddreg [dreg:$0x2];
	s7 =	sor.u32 s1, s4;
	s4 =	simm.s32 $0x0  }
0x5: {  	s12 =	simm.s32 $0x100;
	[smem:$0x7FF] =	sst s4  }
0x6: {  	s13 =	simm.s32 $0x180;
	_ =	strace $0x8000004A;
	[dreg:$0xa] =	wrdreg s12  }
0x7: {  	s14 =	simm.s32 $0x200;
	[dreg:$0xb] =	wrdreg s13  }
0x8: {  	s15 =	simm.s32 $0x280;
	[dreg:$0xc] =	wrdreg s14  }
0x9: {  	s16 =	simm.s32 $0x300;
	[dreg:$0xd] =	wrdreg s15  }
0xa: {  	s17 =	simm.s32 $0x380;
	[dreg:$0xe] =	wrdreg s16  }
0xb: {  	s18 =	simm.s32 $0x400;
	[dreg:$0xf] =	wrdreg s17  }
0xc: {  	s19 =	simm.s32 $0x480;
	[dreg:$0x10] =	wrdreg s18  }
0xd: {  	s20 =	simm.s32 $0x500;
	[dreg:$0x11] =	wrdreg s19  }
0xe: {  	s21 =	simm.s32 $0x580;
	[dreg:$0x12] =	wrdreg s20  }
0xf: {  	s22 =	simm.s32 $0x600;
	[dreg:$0x13] =	wrdreg s21  }
0x10: {  	s23 =	simm.s32 $0x680;
	[dreg:$0x14] =	wrdreg s22  }
0x11: {  	s24 =	simm.s32 $0x700;
	[dreg:$0x15] =	wrdreg s23  }
0x12: {  	s25 =	simm.s32 $0x780;
	[dreg:$0x16] =	wrdreg s24  }
0x13: {  	s26 =	simm.s32 $0x2880;
	[dreg:$0x17] =	wrdreg s25  }
0x14: {  	[dreg:$0x18] =	wrdreg s26;
	s12 =	simm.s32 $0x800  }
0x15: {  	s13 =	simm.s32 $0x880;
	[dreg:$0x1f] =	wrdreg s12  }
0x16: {  	s5 =	smul.u32 $0x5000, s0;
	s14 =	simm.s32 $0x900;
	[smem:$0x778] =	sst s13  }
0x17: {  	s15 =	simm.s32 $0x980;
	[smem:$0x779] =	sst s14  }
0x18: {  	s8 =	sshrl.u32 s5, $0x3;
	s16 =	simm.s32 $0xA00;
	[smem:$0x77A] =	sst s15  }
0x19: {  	s7 =	smul.u32 $0x500, s7;
	s17 =	simm.s32 $0xA80;
	[smem:$0x77B] =	sst s16  }
0x1a: {  	s8 =	sadd.s32 s8, s6;
	s18 =	simm.s32 $0xB00;
	[smem:$0x77C] =	sst s17  }
0x1b: {  	s9 =	smul.u32 $0x50000, s1;
	s10 =	sadd.s32 $0x49C00, s8;
	[smem:$0x77D] =	sst s18  }
0x1c: {  	s7 =	sadd.s32 s7, s6;
	s8 =	sadd.s32 $0x3FC00, s8;
	[dreg:$0x4] =	wrdreg s10  }
0x1d: {  	[dreg:$0x5] =	wrdreg s8;
	s31 =	sadd.s32 $0xDC00, s7  }
0x1e: {  	s9 =	sadd.s32 s5, s9;
	s7 =	sadd.s32 $0x2A00, s7;
	[dreg:$0x6] =	wrdreg s31  }
0x1f: {  	s9 =	sshrl.u32 s9, $0x3;
	s8 =	simm.s32 $0x2A00;
	[dreg:$0x7] =	wrdreg s7  }
0x20: {  	s6 =	sadd.s32 s9, s6;
	s9 =	simm.s32 $0x2A80;
	[dreg:$0x1b] =	wrdreg s8  }
0x21: {  	s10 =	sadd.s32 s5, s3;
	s6 =	sadd.s32 $0x53C00, s6;
	[dreg:$0x1c] =	wrdreg s9  }
0x22: {  	s11 =	sshrl.u32 s10, $0x3;
	[dreg:$0x8] =	wrdreg s6  }
0x23: {  	s31 =	simm.s32 $0x2900;
	[dreg:$0x9] =	wrdreg s11  }
0x24: {  	s7 =	simm.s32 $0x2980;
	[dreg:$0x19] =	wrdreg s31  }
0x25: {  	s10 =	simm.s32 $0x2B00;
	[dreg:$0x1a] =	wrdreg s7  }
0x26: {  	[dreg:$0x1d] =	wrdreg s10;
	s11 =	simm.s32 $0x2B80  }
0x27: {  	s19 =	simm.s32 $0xB80;
	[dreg:$0x1e] =	wrdreg s11  }
0x28: {  	s20 =	simm.s32 $0x2C00;
	[smem:$0x77E] =	sst s19  }
0x29: {  	s21 =	simm.s32 $0x2C80;
	[smem:$0x77F] =	sst s20  }
0x2a: {  	s22 =	simm.s32 $0x2D00;
	[smem:$0x780] =	sst s21  }
0x2b: {  	s23 =	simm.s32 $0x2D80;
	[smem:$0x781] =	sst s22  }
0x2c: {  	s24 =	simm.s32 $0x2E00;
	[smem:$0x782] =	sst s23  }
0x2d: {  	s25 =	simm.s32 $0x2E80;
	[smem:$0x783] =	sst s24  }
0x2e: {  	s26 =	simm.s32 $0x2F00;
	[smem:$0x784] =	sst s25  }
0x2f: {  	s31 =	simm.s32 $0x2F80;
	[smem:$0x785] =	sst s26  }
0x30: {  	s7 =	simm.s32 $0xC00;
	[smem:$0x786] =	sst s31  }
0x31: {  	s8 =	simm.s32 $0xC80;
	[smem:$0x787] =	sst s7  }
0x32: {  	s9 =	simm.s32 $0xD00;
	[smem:$0x788] =	sst s8  }
0x33: {  	s10 =	simm.s32 $0xD80;
	[smem:$0x789] =	sst s9  }
0x34: {  	s12 =	simm.s32 $0xE80;
	[smem:$0x78A] =	sst s10  }
0x35: {  	s13 =	simm.s32 $0xF00;
	[smem:$0x78C] =	sst s12  }
0x36: {  	s14 =	simm.s32 $0xF80;
	[smem:$0x78D] =	sst s13  }
0x37: {  	s15 =	simm.s32 $0x3000;
	[smem:$0x78E] =	sst s14  }
0x38: {  	s16 =	simm.s32 $0x3080;
	[smem:$0x78F] =	sst s15  }
0x39: {  	s17 =	simm.s32 $0x3100;
	[smem:$0x790] =	sst s16  }
0x3a: {  	s18 =	simm.s32 $0x3180;
	[smem:$0x791] =	sst s17  }
0x3b: {  	s11 =	simm.s32 $0xE00;
	[smem:$0x792] =	sst s18  }
0x3c: {  	s19 =	simm.s32 $0x3200;
	[smem:$0x78B] =	sst s11  }
0x3d: {  	s20 =	simm.s32 $0x3280;
	[smem:$0x793] =	sst s19  }
0x3e: {  	s21 =	simm.s32 $0x3300;
	[smem:$0x794] =	sst s20  }
0x3f: {  	s22 =	simm.s32 $0x3380;
	[smem:$0x795] =	sst s21  }
0x40: {  	s23 =	simm.s32 $0x1000;
	[smem:$0x796] =	sst s22  }
0x41: {  	s24 =	simm.s32 $0x1080;
	[smem:$0x797] =	sst s23  }
0x42: {  	s25 =	simm.s32 $0x1100;
	[smem:$0x798] =	sst s24  }
0x43: {  	s26 =	simm.s32 $0x1180;
	[smem:$0x799] =	sst s25  }
0x44: {  	s31 =	simm.s32 $0x1200;
	[smem:$0x79A] =	sst s26  }
0x45: {  	s7 =	simm.s32 $0x1280;
	[smem:$0x79B] =	sst s31  }
0x46: {  	s8 =	simm.s32 $0x1300;
	[smem:$0x79C] =	sst s7  }
0x47: {  	s9 =	simm.s32 $0x1380;
	[smem:$0x79D] =	sst s8  }
0x48: {  	s10 =	simm.s32 $0x3400;
	[smem:$0x79E] =	sst s9  }
0x49: {  	s12 =	simm.s32 $0x3500;
	[smem:$0x79F] =	sst s10  }
0x4a: {  	s13 =	simm.s32 $0x3580;
	[smem:$0x7A1] =	sst s12  }
0x4b: {  	s14 =	simm.s32 $0x3600;
	[smem:$0x7A2] =	sst s13  }
0x4c: {  	s15 =	simm.s32 $0x3680;
	[smem:$0x7A3] =	sst s14  }
0x4d: {  	s16 =	simm.s32 $0x3700;
	[smem:$0x7A4] =	sst s15  }
0x4e: {  	s17 =	simm.s32 $0x3780;
	[smem:$0x7A5] =	sst s16  }
0x4f: {  	s18 =	simm.s32 $0x1400;
	[smem:$0x7A6] =	sst s17  }
0x50: {  	s11 =	simm.s32 $0x3480;
	[smem:$0x7A7] =	sst s18  }
0x51: {  	s19 =	simm.s32 $0x1480;
	[smem:$0x7A0] =	sst s11  }
0x52: {  	s20 =	simm.s32 $0x1500;
	[smem:$0x7A8] =	sst s19  }
0x53: {  	s21 =	simm.s32 $0x1580;
	[smem:$0x7A9] =	sst s20  }
0x54: {  	s22 =	simm.s32 $0x1600;
	[smem:$0x7AA] =	sst s21  }
0x55: {  	s23 =	simm.s32 $0x1680;
	[smem:$0x7AB] =	sst s22  }
0x56: {  	s24 =	simm.s32 $0x1700;
	[smem:$0x7AC] =	sst s23  }
0x57: {  	s25 =	simm.s32 $0x1780;
	[smem:$0x7AD] =	sst s24  }
0x58: {  	s26 =	simm.s32 $0x3800;
	[smem:$0x7AE] =	sst s25  }
0x59: {  	s31 =	simm.s32 $0x3880;
	[smem:$0x7AF] =	sst s26  }
0x5a: {  	s7 =	simm.s32 $0x3900;
	[smem:$0x7B0] =	sst s31  }
0x5b: {  	s8 =	simm.s32 $0x3980;
	[smem:$0x7B1] =	sst s7  }
0x5c: {  	s9 =	simm.s32 $0x3A00;
	[smem:$0x7B2] =	sst s8  }
0x5d: {  	s10 =	simm.s32 $0x3A80;
	[smem:$0x7B3] =	sst s9  }
0x5e: {  	s12 =	simm.s32 $0x3B80;
	[smem:$0x7B4] =	sst s10  }
0x5f: {  	s13 =	simm.s32 $0x1800;
	[smem:$0x7B6] =	sst s12  }
0x60: {  	s14 =	simm.s32 $0x1880;
	[smem:$0x7B7] =	sst s13  }
0x61: {  	s15 =	simm.s32 $0x1900;
	[smem:$0x7B8] =	sst s14  }
0x62: {  	s16 =	simm.s32 $0x1980;
	[smem:$0x7B9] =	sst s15  }
0x63: {  	s17 =	simm.s32 $0x1A00;
	[smem:$0x7BA] =	sst s16  }
0x64: {  	s18 =	simm.s32 $0x1A80;
	[smem:$0x7BB] =	sst s17  }
0x65: {  	s11 =	simm.s32 $0x3B00;
	[smem:$0x7BC] =	sst s18  }
0x66: {  	s19 =	simm.s32 $0x1B00;
	[smem:$0x7B5] =	sst s11  }
0x67: {  	s20 =	simm.s32 $0x1B80;
	[smem:$0x7BD] =	sst s19  }
0x68: {  	s21 =	simm.s32 $0x3C00;
	[smem:$0x7BE] =	sst s20  }
0x69: {  	s22 =	simm.s32 $0x3C80;
	[smem:$0x7BF] =	sst s21  }
0x6a: {  	s23 =	simm.s32 $0x3D00;
	[smem:$0x7C0] =	sst s22  }
0x6b: {  	s24 =	simm.s32 $0x3D80;
	[smem:$0x7C1] =	sst s23  }
0x6c: {  	s25 =	simm.s32 $0x3E00;
	[smem:$0x7C2] =	sst s24  }
0x6d: {  	s26 =	simm.s32 $0x3E80;
	[smem:$0x7C3] =	sst s25  }
0x6e: {  	s31 =	simm.s32 $0x3F00;
	[smem:$0x7C4] =	sst s26  }
0x6f: {  	s7 =	simm.s32 $0x3F80;
	[smem:$0x7C5] =	sst s31  }
0x70: {  	s8 =	simm.s32 $0x1C00;
	[smem:$0x7C6] =	sst s7  }
0x71: {  	s9 =	simm.s32 $0x1C80;
	[smem:$0x7C7] =	sst s8  }
0x72: {  	s10 =	simm.s32 $0x1D00;
	[smem:$0x7C8] =	sst s9  }
0x73: {  	s12 =	simm.s32 $0x1E00;
	[smem:$0x7C9] =	sst s10  }
0x74: {  	s13 =	simm.s32 $0x1E80;
	[smem:$0x7CB] =	sst s12  }
0x75: {  	s14 =	simm.s32 $0x1F00;
	[smem:$0x7CC] =	sst s13  }
0x76: {  	s15 =	simm.s32 $0x1F80;
	[smem:$0x7CD] =	sst s14  }
0x77: {  	s16 =	simm.s32 $0x4000;
	[smem:$0x7CE] =	sst s15  }
0x78: {  	s17 =	simm.s32 $0x4080;
	[smem:$0x7CF] =	sst s16  }
0x79: {  	s18 =	simm.s32 $0x4100;
	[smem:$0x7D0] =	sst s17  }
0x7a: {  	s11 =	simm.s32 $0x1D80;
	[smem:$0x7D1] =	sst s18  }
0x7b: {  	s19 =	simm.s32 $0x4180;
	[smem:$0x7CA] =	sst s11  }
0x7c: {  	s20 =	simm.s32 $0x4200;
	[smem:$0x7D2] =	sst s19  }
0x7d: {  	s21 =	simm.s32 $0x4280;
	[smem:$0x7D3] =	sst s20  }
0x7e: {  	s22 =	simm.s32 $0x4300;
	[smem:$0x7D4] =	sst s21  }
0x7f: {  	s23 =	simm.s32 $0x4380;
	[smem:$0x7D5] =	sst s22  }
0x80: {  	s24 =	simm.s32 $0x2000;
	[smem:$0x7D6] =	sst s23  }
0x81: {  	s25 =	simm.s32 $0x2080;
	[smem:$0x7D7] =	sst s24  }
0x82: {  	s26 =	simm.s32 $0x2100;
	[smem:$0x7D8] =	sst s25  }
0x83: {  	s31 =	simm.s32 $0x2180;
	[smem:$0x7D9] =	sst s26  }
0x84: {  	s7 =	simm.s32 $0x2200;
	[smem:$0x7DA] =	sst s31  }
0x85: {  	s8 =	simm.s32 $0x2280;
	[smem:$0x7DB] =	sst s7  }
0x86: {  	s9 =	simm.s32 $0x2300;
	[smem:$0x7DC] =	sst s8  }
0x87: {  	s10 =	simm.s32 $0x2380;
	[smem:$0x7DD] =	sst s9  }
0x88: {  	s12 =	simm.s32 $0x4480;
	[smem:$0x7DE] =	sst s10  }
0x89: {  	s13 =	simm.s32 $0x4500;
	[smem:$0x7E0] =	sst s12  }
0x8a: {  	s14 =	simm.s32 $0x4580;
	[smem:$0x7E1] =	sst s13  }
0x8b: {  	s15 =	simm.s32 $0x4600;
	[smem:$0x7E2] =	sst s14  }
0x8c: {  	s16 =	simm.s32 $0x4680;
	[smem:$0x7E3] =	sst s15  }
0x8d: {  	s17 =	simm.s32 $0x4700;
	[smem:$0x7E4] =	sst s16  }
0x8e: {  	s18 =	simm.s32 $0x4780;
	[smem:$0x7E5] =	sst s17  }
0x8f: {  	s11 =	simm.s32 $0x4400;
	[smem:$0x7E6] =	sst s18  }
0x90: {  	s19 =	simm.s32 $0x2400;
	[smem:$0x7DF] =	sst s11  }
0x91: {  	s20 =	simm.s32 $0x2480;
	[smem:$0x7E7] =	sst s19  }
0x92: {  	s21 =	simm.s32 $0x2500;
	[smem:$0x7E8] =	sst s20  }
0x93: {  	s22 =	simm.s32 $0x2580;
	[smem:$0x7E9] =	sst s21  }
0x94: {  	s23 =	simm.s32 $0x2600;
	[smem:$0x7EA] =	sst s22  }
0x95: {  	s24 =	simm.s32 $0x2680;
	[smem:$0x7EB] =	sst s23  }
0x96: {  	s25 =	simm.s32 $0x2700;
	[smem:$0x7EC] =	sst s24  }
0x97: {  	s26 =	simm.s32 $0x2780;
	[smem:$0x7ED] =	sst s25  }
0x98: {  	s31 =	simm.s32 $0x4800;
	[smem:$0x7EE] =	sst s26  }
0x99: {  	s7 =	simm.s32 $0x4880;
	[smem:$0x7EF] =	sst s31  }
0x9a: {  	s8 =	simm.s32 $0x4900;
	[smem:$0x7F0] =	sst s7  }
0x9b: {  	s9 =	simm.s32 $0x4980;
	[smem:$0x7F1] =	sst s8  }
0x9c: {  	s10 =	simm.s32 $0x4A00;
	[smem:$0x7F2] =	sst s9  }
0x9d: {  	s12 =	simm.s32 $0x4B00;
	[smem:$0x7F3] =	sst s10  }
0x9e: {  	s13 =	simm.s32 $0x4B80;
	[smem:$0x7F5] =	sst s12  }
0x9f: {  	s14 =	simm.s32 $0x4C00;
	[smem:$0x7F6] =	sst s13  }
0xa0: {  	s15 =	simm.s32 $0x4C80;
	[smem:$0x7F7] =	sst s14  }
0xa1: {  	s16 =	simm.s32 $0x4D00;
	[smem:$0x7F8] =	sst s15  }
0xa2: {  	s17 =	simm.s32 $0x4D80;
	[smem:$0x7F9] =	sst s16  }
0xa3: {  	s18 =	simm.s32 $0x4E00;
	[smem:$0x7FA] =	sst s17  }
0xa4: {  	[smem:$0x7FB] =	sst s18  }
0xa5: {  	s6 =	simm.s32 $0x5;
	s11 =	simm.s32 $0x4A80;
	s22 =	rddreg [dreg:$0x4]  }
0xa6: {  	s19 =	sadd.s32 s5, s2;
	s21 =	simm.s32 $0x4E80;
	[smem:$0x7F4] =	sst s11  }
0xa7: {  	s20 =	sshll.u32 s0, $0x6;
	s23 =	simm.s32 $0x4F00;
	[smem:$0x7FC] =	sst s21  }
0xa8: {  	s5 =	sor.u32 $0x1C05, s20;
	s7 =	sshrl.u32 s19, $0x3;
	[smem:$0x7FD] =	sst s23  }
0xa9: {  	[spmem:s7], [sflag:s5] =	dma.local [hbm:s22], $0xA00  }
0xaa: {  	_ =	swait.ge [sflag:s6], $0xA00  }
0xab: {  	s24 =	rddreg [dreg:$0x5];
	[sflag:s6] =	ssyncset.done $0x0  }
0xac: {  	s25 =	rddreg [dreg:$0x9];
	[sflag:s6] =	ssyncadd.s32 $0xFFFFF600  }
0xad: {  	[spmem:s25], [sflag:s5] =	dma.local [hbm:s24], $0xA00  }
0xae: {  	_ =	swait.ge [sflag:s6], $0xA00  }
0xaf: {  	[sflag:s6] =	ssyncset.done $0x0  }
0xb0: {  	s26 =	rddreg [dreg:$0x6];
	[sflag:s6] =	ssyncadd.s32 $0xFFFFF600  }
0xb1: {  	[tilespmem:s4], [sflag:$0x5] =	stream.linear.gather [hbm4b:s26+s4], $0x2800, $0x38;
	[tilespmem:$0x1F000] =	vst v63  }
0xb2: {  	_ =	swait.ge [sflag:s6], $0x2800  }
0xb3: {  	[sflag:s6] =	ssyncset.done $0x0  }
0xb4: {  	s8 =	simm.s32 $0x2800;
	s31 =	rddreg [dreg:$0x7];
	[sflag:s6] =	ssyncadd.s32 $0xFFFFD800  }
0xb5: {  	[tilespmem:s8], [sflag:$0x5] =	stream.linear.gather [hbm4b:s31+s4], $0x2800, $0x38;
	[tilespmem:$0x1F000] =	vst v63  }
0xb6: {  	_ =	swait.ge [sflag:s6], $0x2800  }
0xb7: {  	[sflag:s6] =	ssyncset.done $0x0  }
0xb8: {  	[sflag:s6] =	ssyncadd.s32 $0xFFFFD800  }
0xb9: {  	s9 =	simm.s32 $0x80;
	s10 =	simm.s32 $0x5000;
	[bflag:$0x0] =	sbarrier.arrive $0xFFFF  }
0xba: {  	[tilespmem:s10], [sflag:$0x1] =	stream.indirect.gather [spmem:s3], $0x20, s4, s9, $0xb8;
	[tilespmem:$0x1F000] =	vst v63  }
0xbb: {  	s11 =	simm.s32 $0x6000  }
0xbc: {  	[tilespmem:s11], [sflag:$0x1] =	stream.indirect.gather [spmem:s3], $0x20, s9, s9, $0xb8;
	[tilespmem:$0x1F000] =	vst v63  }
0xbd: {  	s12 =	simm.s32 $0x7000;
	s13 =	rddreg [dreg:$0xa]  }
0xbe: {  	[tilespmem:s12], [sflag:$0x1] =	stream.indirect.gather [spmem:s3], $0x20, s13, s9, $0xb8;
	[tilespmem:$0x1F000] =	vst v63  }
0xbf: {  	s14 =	rddreg [dreg:$0xb];
	s13 =	simm.s32 $0x8000  }
0xc0: {  	[tilespmem:s13], [sflag:$0x1] =	stream.indirect.gather [spmem:s3], $0x20, s14, s9, $0xb8;
	[tilespmem:$0x1F000] =	vst v63  }
0xc1: {  	s15 =	rddreg [dreg:$0xc];
	s14 =	simm.s32 $0x9000  }
0xc2: {  	[tilespmem:s14], [sflag:$0x1] =	stream.indirect.gather [spmem:s3], $0x20, s15, s9, $0xb8;
	[tilespmem:$0x1F000] =	vst v63  }
0xc3: {  	s16 =	rddreg [dreg:$0xd];
	s15 =	simm.s32 $0xA000  }
0xc4: {  	[tilespmem:s15], [sflag:$0x1] =	stream.indirect.gather [spmem:s3], $0x20, s16, s9, $0xb8;
	[tilespmem:$0x1F000] =	vst v63  }
0xc5: {  	s17 =	rddreg [dreg:$0xe];
	s16 =	simm.s32 $0xB000  }
0xc6: {  	[tilespmem:s16], [sflag:$0x1] =	stream.indirect.gather [spmem:s3], $0x20, s17, s9, $0xb8;
	[tilespmem:$0x1F000] =	vst v63  }
0xc7: {  	s18 =	simm.s32 $0x1;
	s19 =	rddreg [dreg:$0xf];
	s17 =	simm.s32 $0xC000  }
0xc8: {  	[tilespmem:s17], [sflag:$0x1] =	stream.indirect.gather [spmem:s3], $0x20, s19, s9, $0xb8;
	[tilespmem:$0x1F000] =	vst v63  }
0xc9: {  	_ =	swait.ge [sflag:s18], $0x8000  }
0xca: {  	[sflag:s18] =	ssyncset.done $0x0  }
0xcb: {  	s19 =	simm.s32 $0xD000;
	s20 =	rddreg [dreg:$0x10];
	[sflag:s18] =	ssyncadd.s32 $0xFFFF8000  }
0xcc: {  	[tilespmem:s19], [sflag:$0x2] =	stream.indirect.gather [spmem:s3], $0x20, s20, s9, $0xb8;
	[tilespmem:$0x1F000] =	vst v63  }
0xcd: {  	s21 =	rddreg [dreg:$0x11];
	s20 =	simm.s32 $0xE000  }
0xce: {  	[tilespmem:s20], [sflag:$0x2] =	stream.indirect.gather [spmem:s3], $0x20, s21, s9, $0xb8;
	[tilespmem:$0x1F000] =	vst v63  }
0xcf: {  	s22 =	rddreg [dreg:$0x12];
	s21 =	simm.s32 $0xF000  }
0xd0: {  	[tilespmem:s21], [sflag:$0x2] =	stream.indirect.gather [spmem:s3], $0x20, s22, s9, $0xb8;
	[tilespmem:$0x1F000] =	vst v63  }
0xd1: {  	s23 =	rddreg [dreg:$0x13];
	s22 =	simm.s32 $0x10000  }
0xd2: {  	[tilespmem:s22], [sflag:$0x2] =	stream.indirect.gather [spmem:s3], $0x20, s23, s9, $0xb8;
	[tilespmem:$0x1F000] =	vst v63  }
0xd3: {  	s24 =	rddreg [dreg:$0x14];
	s23 =	simm.s32 $0x11000  }
0xd4: {  	[tilespmem:s23], [sflag:$0x2] =	stream.indirect.gather [spmem:s3], $0x20, s24, s9, $0xb8;
	[tilespmem:$0x1F000] =	vst v63  }
0xd5: {  	s25 =	rddreg [dreg:$0x15];
	s24 =	simm.s32 $0x12000  }
0xd6: {  	[tilespmem:s24], [sflag:$0x2] =	stream.indirect.gather [spmem:s3], $0x20, s25, s9, $0xb8;
	[tilespmem:$0x1F000] =	vst v63  }
0xd7: {  	s26 =	rddreg [dreg:$0x16];
	s25 =	simm.s32 $0x13000  }
0xd8: {  	[tilespmem:s25], [sflag:$0x2] =	stream.indirect.gather [spmem:s3], $0x20, s26, s9, $0xb8;
	[tilespmem:$0x1F000] =	vst v63  }
0xd9: {  	s28 =	rddreg [dreg:$0x17];
	s26 =	simm.s32 $0x14000  }
0xda: {  	[tilespmem:s26], [sflag:$0x2] =	stream.indirect.gather [spmem:s3], $0x20, s28, s9, $0xb8;
	[tilespmem:$0x1F000] =	vst v63  }
0xdb: {  	_ = 	snop  }
0xdc: {  	[spmem:s2] =	stream.indirect.scatter.add.f32 [tilespmem:s10], [sflag:$0x3], $0x20, s8, s9, $0xb8;
	[tilespmem:$0x1F000] =	vst v63  }
0xdd: {  	s28 =	rddreg [dreg:$0x18]  }
0xde: {  	[spmem:s2] =	stream.indirect.scatter.add.f32 [tilespmem:s11], [sflag:$0x3], $0x20, s28, s9, $0xb8;
	[tilespmem:$0x1F000] =	vst v63  }
0xdf: {  	s29 =	rddreg [dreg:$0x19]  }
0xe0: {  	[spmem:s2] =	stream.indirect.scatter.add.f32 [tilespmem:s12], [sflag:$0x3], $0x20, s29, s9, $0xb8;
	[tilespmem:$0x1F000] =	vst v63  }
0xe1: {  	s28 =	rddreg [dreg:$0x1a]  }
0xe2: {  	[spmem:s2] =	stream.indirect.scatter.add.f32 [tilespmem:s13], [sflag:$0x3], $0x20, s28, s9, $0xb8;
	[tilespmem:$0x1F000] =	vst v63  }
0xe3: {  	s29 =	rddreg [dreg:$0x1b]  }
0xe4: {  	[spmem:s2] =	stream.indirect.scatter.add.f32 [tilespmem:s14], [sflag:$0x3], $0x20, s29, s9, $0xb8;
	[tilespmem:$0x1F000] =	vst v63  }
0xe5: {  	s28 =	rddreg [dreg:$0x1c]  }
0xe6: {  	[spmem:s2] =	stream.indirect.scatter.add.f32 [tilespmem:s15], [sflag:$0x3], $0x20, s28, s9, $0xb8;
	[tilespmem:$0x1F000] =	vst v63  }
0xe7: {  	s29 =	rddreg [dreg:$0x1d]  }
0xe8: {  	[spmem:s2] =	stream.indirect.scatter.add.f32 [tilespmem:s16], [sflag:$0x3], $0x20, s29, s9, $0xb8;
	[tilespmem:$0x1F000] =	vst v63  }
0xe9: {  	s28 =	rddreg [dreg:$0x1e]  }
0xea: {  	[spmem:s2] =	stream.indirect.scatter.add.f32 [tilespmem:s17], [sflag:$0x3], $0x20, s28, s9, $0xb8;
	[tilespmem:$0x1F000] =	vst v63  }
0xeb: {  	s28 =	simm.s32 $0x2  }
0xec: {  	_ =	swait.ge [sflag:s28], $0x8000  }
0xed: {  	[sflag:s28] =	ssyncset.done $0x0  }
0xee: {  	s29 =	simm.s32 $0x3;
	[sflag:s28] =	ssyncadd.s32 $0xFFFF8000  }
0xef: {  	_ =	swait.ge [sflag:s29], $0x8000  }
0xf0: {  	s30 =	rddreg [dreg:$0x1f];
	[sflag:s29] =	ssyncset.done $0x0  }
0xf1: {  	s31 =	sld [smem:$0x778];
	[sflag:s29] =	ssyncadd.s32 $0xFFFF8000  }
0xf2: {  	[tilespmem:s10], [sflag:$0x1] =	stream.indirect.gather [spmem:s3], $0x20, s30, s9, $0xb8;
	[tilespmem:$0x1F000] =	vst v63  }
0xf3: {  	s30 =	sld [smem:$0x779]  }
0xf4: {  	[tilespmem:s11], [sflag:$0x1] =	stream.indirect.gather [spmem:s3], $0x20, s31, s9, $0xb8;
	[tilespmem:$0x1F000] =	vst v63  }
0xf5: {  	s0 =	sld [smem:$0x77A]  }
0xf6: {  	[tilespmem:s12], [sflag:$0x1] =	stream.indirect.gather [spmem:s3], $0x20, s30, s9, $0xb8;
	[tilespmem:$0x1F000] =	vst v63  }
0xf7: {  	s30 =	sld [smem:$0x77B]  }
0xf8: {  	[tilespmem:s13], [sflag:$0x1] =	stream.indirect.gather [spmem:s3], $0x20, s0, s9, $0xb8;
	[tilespmem:$0x1F000] =	vst v63  }
0xf9: {  	s0 =	sld [smem:$0x77C]  }
0xfa: {  	[tilespmem:s14], [sflag:$0x1] =	stream.indirect.gather [spmem:s3], $0x20, s30, s9, $0xb8;
	[tilespmem:$0x1F000] =	vst v63  }
0xfb: {  	s30 =	sld [smem:$0x77D]  }
0xfc: {  	[tilespmem:s15], [sflag:$0x1] =	stream.indirect.gather [spmem:s3], $0x20, s0, s9, $0xb8;
	[tilespmem:$0x1F000] =	vst v63  }
0xfd: {  	s0 =	sld [smem:$0x77E]  }
0xfe: {  	[tilespmem:s16], [sflag:$0x1] =	stream.indirect.gather [spmem:s3], $0x20, s30, s9, $0xb8;
	[tilespmem:$0x1F000] =	vst v63  }
0xff: {  	s30 =	sld [smem:$0x77F]  }
0x100: {  	[tilespmem:s17], [sflag:$0x1] =	stream.indirect.gather [spmem:s3], $0x20, s0, s9, $0xb8;
	[tilespmem:$0x1F000] =	vst v63  }
0x101: {  	s0 =	sld [smem:$0x780]  }
0x102: {  	[spmem:s2] =	stream.indirect.scatter.add.f32 [tilespmem:s19], [sflag:$0x4], $0x20, s30, s9, $0xb8;
	[tilespmem:$0x1F000] =	vst v63  }
0x103: {  	s30 =	sld [smem:$0x781]  }
0x104: {  	[spmem:s2] =	stream.indirect.scatter.add.f32 [tilespmem:s20], [sflag:$0x4], $0x20, s0, s9, $0xb8;
	[tilespmem:$0x1F000] =	vst v63  }
0x105: {  	s0 =	sld [smem:$0x782]  }
0x106: {  	[spmem:s2] =	stream.indirect.scatter.add.f32 [tilespmem:s21], [sflag:$0x4], $0x20, s30, s9, $0xb8;
	[tilespmem:$0x1F000] =	vst v63  }
0x107: {  	s30 =	sld [smem:$0x783]  }
0x108: {  	[spmem:s2] =	stream.indirect.scatter.add.f32 [tilespmem:s22], [sflag:$0x4], $0x20, s0, s9, $0xb8;
	[tilespmem:$0x1F000] =	vst v63  }
0x109: {  	s0 =	sld [smem:$0x784]  }
0x10a: {  	[spmem:s2] =	stream.indirect.scatter.add.f32 [tilespmem:s23], [sflag:$0x4], $0x20, s30, s9, $0xb8;
	[tilespmem:$0x1F000] =	vst v63  }
0x10b: {  	s30 =	sld [smem:$0x785]  }
0x10c: {  	[spmem:s2] =	stream.indirect.scatter.add.f32 [tilespmem:s24], [sflag:$0x4], $0x20, s0, s9, $0xb8;
	[tilespmem:$0x1F000] =	vst v63  }
0x10d: {  	s0 =	sld [smem:$0x786]  }
0x10e: {  	[spmem:s2] =	stream.indirect.scatter.add.f32 [tilespmem:s25], [sflag:$0x4], $0x20, s30, s9, $0xb8;
	[tilespmem:$0x1F000] =	vst v63  }
0x10f: {  	s30 =	simm.s32 $0x4  }
0x110: {  	[spmem:s2] =	stream.indirect.scatter.add.f32 [tilespmem:s26], [sflag:$0x4], $0x20, s0, s9, $0xb8;
	[tilespmem:$0x1F000] =	vst v63  }
0x111: {  	_ =	swait.ge [sflag:s30], $0x8000  }
0x112: {  	[sflag:s30] =	ssyncset.done $0x0  }
0x113: {  	[sflag:s30] =	ssyncadd.s32 $0xFFFF8000  }
0x114: {  	_ =	swait.ge [sflag:s18], $0x8000  }
0x115: {  	s31 =	sld [smem:$0x787]  }
0x116: {  	[sflag:s18] =	ssyncset.done $0x0  }
0x117: {  	s0 =	sld [smem:$0x788];
	[sflag:s18] =	ssyncadd.s32 $0xFFFF8000  }
0x118: {  	[tilespmem:s19], [sflag:$0x2] =	stream.indirect.gather [spmem:s3], $0x20, s31, s9, $0xb8;
	[tilespmem:$0x1F000] =	vst v63  }
0x119: {  	s31 =	sld [smem:$0x789]  }
0x11a: {  	[tilespmem:s20], [sflag:$0x2] =	stream.indirect.gather [spmem:s3], $0x20, s0, s9, $0xb8;
	[tilespmem:$0x1F000] =	vst v63  }
0x11b: {  	s0 =	sld [smem:$0x78A]  }
0x11c: {  	[tilespmem:s21], [sflag:$0x2] =	stream.indirect.gather [spmem:s3], $0x20, s31, s9, $0xb8;
	[tilespmem:$0x1F000] =	vst v63  }
0x11d: {  	s31 =	sld [smem:$0x78B]  }
0x11e: {  	[tilespmem:s22], [sflag:$0x2] =	stream.indirect.gather [spmem:s3], $0x20, s0, s9, $0xb8;
	[tilespmem:$0x1F000] =	vst v63  }
0x11f: {  	s0 =	sld [smem:$0x78C]  }
0x120: {  	[tilespmem:s23], [sflag:$0x2] =	stream.indirect.gather [spmem:s3], $0x20, s31, s9, $0xb8;
	[tilespmem:$0x1F000] =	vst v63  }
0x121: {  	s31 =	sld [smem:$0x78D]  }
0x122: {  	[tilespmem:s24], [sflag:$0x2] =	stream.indirect.gather [spmem:s3], $0x20, s0, s9, $0xb8;
	[tilespmem:$0x1F000] =	vst v63  }
0x123: {  	s0 =	sld [smem:$0x78E]  }
0x124: {  	[tilespmem:s25], [sflag:$0x2] =	stream.indirect.gather [spmem:s3], $0x20, s31, s9, $0xb8;
	[tilespmem:$0x1F000] =	vst v63  }
0x125: {  	s31 =	sld [smem:$0x78F]  }
0x126: {  	[tilespmem:s26], [sflag:$0x2] =	stream.indirect.gather [spmem:s3], $0x20, s0, s9, $0xb8;
	[tilespmem:$0x1F000] =	vst v63  }
0x127: {  	s0 =	sld [smem:$0x790]  }
0x128: {  	[spmem:s2] =	stream.indirect.scatter.add.f32 [tilespmem:s10], [sflag:$0x3], $0x20, s31, s9, $0xb8;
	[tilespmem:$0x1F000] =	vst v63  }
0x129: {  	s31 =	sld [smem:$0x791]  }
0x12a: {  	[spmem:s2] =	stream.indirect.scatter.add.f32 [tilespmem:s11], [sflag:$0x3], $0x20, s0, s9, $0xb8;
	[tilespmem:$0x1F000] =	vst v63  }
0x12b: {  	s0 =	sld [smem:$0x792]  }
0x12c: {  	[spmem:s2] =	stream.indirect.scatter.add.f32 [tilespmem:s12], [sflag:$0x3], $0x20, s31, s9, $0xb8;
	[tilespmem:$0x1F000] =	vst v63  }
0x12d: {  	s31 =	sld [smem:$0x793]  }
0x12e: {  	[spmem:s2] =	stream.indirect.scatter.add.f32 [tilespmem:s13], [sflag:$0x3], $0x20, s0, s9, $0xb8;
	[tilespmem:$0x1F000] =	vst v63  }
0x12f: {  	s0 =	sld [smem:$0x794]  }
0x130: {  	[spmem:s2] =	stream.indirect.scatter.add.f32 [tilespmem:s14], [sflag:$0x3], $0x20, s31, s9, $0xb8;
	[tilespmem:$0x1F000] =	vst v63  }
0x131: {  	s31 =	sld [smem:$0x795]  }
0x132: {  	[spmem:s2] =	stream.indirect.scatter.add.f32 [tilespmem:s15], [sflag:$0x3], $0x20, s0, s9, $0xb8;
	[tilespmem:$0x1F000] =	vst v63  }
0x133: {  	s0 =	sld [smem:$0x796]  }
0x134: {  	[spmem:s2] =	stream.indirect.scatter.add.f32 [tilespmem:s16], [sflag:$0x3], $0x20, s31, s9, $0xb8;
	[tilespmem:$0x1F000] =	vst v63  }
0x135: {  	_ = 	snop  }
0x136: {  	[spmem:s2] =	stream.indirect.scatter.add.f32 [tilespmem:s17], [sflag:$0x3], $0x20, s0, s9, $0xb8;
	[tilespmem:$0x1F000] =	vst v63  }
0x137: {  	_ =	swait.ge [sflag:s28], $0x8000  }
0x138: {  	[sflag:s28] =	ssyncset.done $0x0  }
0x139: {  	[sflag:s28] =	ssyncadd.s32 $0xFFFF8000  }
0x13a: {  	_ =	swait.ge [sflag:s29], $0x8000  }
0x13b: {  	s0 =	sld [smem:$0x797]  }
0x13c: {  	[sflag:s29] =	ssyncset.done $0x0  }
0x13d: {  	s31 =	sld [smem:$0x798];
	[sflag:s29] =	ssyncadd.s32 $0xFFFF8000  }
0x13e: {  	[tilespmem:s10], [sflag:$0x1] =	stream.indirect.gather [spmem:s3], $0x20, s0, s9, $0xb8;
	[tilespmem:$0x1F000] =	vst v63  }
0x13f: {  	s0 =	sld [smem:$0x799]  }
0x140: {  	[tilespmem:s11], [sflag:$0x1] =	stream.indirect.gather [spmem:s3], $0x20, s31, s9, $0xb8;
	[tilespmem:$0x1F000] =	vst v63  }
0x141: {  	s31 =	sld [smem:$0x79A]  }
0x142: {  	[tilespmem:s12], [sflag:$0x1] =	stream.indirect.gather [spmem:s3], $0x20, s0, s9, $0xb8;
	[tilespmem:$0x1F000] =	vst v63  }
0x143: {  	s0 =	sld [smem:$0x79B]  }
0x144: {  	[tilespmem:s13], [sflag:$0x1] =	stream.indirect.gather [spmem:s3], $0x20, s31, s9, $0xb8;
	[tilespmem:$0x1F000] =	vst v63  }
0x145: {  	s31 =	sld [smem:$0x79C]  }
0x146: {  	[tilespmem:s14], [sflag:$0x1] =	stream.indirect.gather [spmem:s3], $0x20, s0, s9, $0xb8;
	[tilespmem:$0x1F000] =	vst v63  }
0x147: {  	s0 =	sld [smem:$0x79D]  }
0x148: {  	[tilespmem:s15], [sflag:$0x1] =	stream.indirect.gather [spmem:s3], $0x20, s31, s9, $0xb8;
	[tilespmem:$0x1F000] =	vst v63  }
0x149: {  	s31 =	sld [smem:$0x79E]  }
0x14a: {  	[tilespmem:s16], [sflag:$0x1] =	stream.indirect.gather [spmem:s3], $0x20, s0, s9, $0xb8;
	[tilespmem:$0x1F000] =	vst v63  }
0x14b: {  	s0 =	sld [smem:$0x79F]  }
0x14c: {  	[tilespmem:s17], [sflag:$0x1] =	stream.indirect.gather [spmem:s3], $0x20, s31, s9, $0xb8;
	[tilespmem:$0x1F000] =	vst v63  }
0x14d: {  	s31 =	sld [smem:$0x7A0]  }
0x14e: {  	[spmem:s2] =	stream.indirect.scatter.add.f32 [tilespmem:s19], [sflag:$0x4], $0x20, s0, s9, $0xb8;
	[tilespmem:$0x1F000] =	vst v63  }
0x14f: {  	s0 =	sld [smem:$0x7A1]  }
0x150: {  	[spmem:s2] =	stream.indirect.scatter.add.f32 [tilespmem:s20], [sflag:$0x4], $0x20, s31, s9, $0xb8;
	[tilespmem:$0x1F000] =	vst v63  }
0x151: {  	s31 =	sld [smem:$0x7A2]  }
0x152: {  	[spmem:s2] =	stream.indirect.scatter.add.f32 [tilespmem:s21], [sflag:$0x4], $0x20, s0, s9, $0xb8;
	[tilespmem:$0x1F000] =	vst v63  }
0x153: {  	s0 =	sld [smem:$0x7A3]  }
0x154: {  	[spmem:s2] =	stream.indirect.scatter.add.f32 [tilespmem:s22], [sflag:$0x4], $0x20, s31, s9, $0xb8;
	[tilespmem:$0x1F000] =	vst v63  }
0x155: {  	s31 =	sld [smem:$0x7A4]  }
0x156: {  	[spmem:s2] =	stream.indirect.scatter.add.f32 [tilespmem:s23], [sflag:$0x4], $0x20, s0, s9, $0xb8;
	[tilespmem:$0x1F000] =	vst v63  }
0x157: {  	s0 =	sld [smem:$0x7A5]  }
0x158: {  	[spmem:s2] =	stream.indirect.scatter.add.f32 [tilespmem:s24], [sflag:$0x4], $0x20, s31, s9, $0xb8;
	[tilespmem:$0x1F000] =	vst v63  }
0x159: {  	s31 =	sld [smem:$0x7A6]  }
0x15a: {  	[spmem:s2] =	stream.indirect.scatter.add.f32 [tilespmem:s25], [sflag:$0x4], $0x20, s0, s9, $0xb8;
	[tilespmem:$0x1F000] =	vst v63  }
0x15b: {  	_ = 	snop  }
0x15c: {  	[spmem:s2] =	stream.indirect.scatter.add.f32 [tilespmem:s26], [sflag:$0x4], $0x20, s31, s9, $0xb8;
	[tilespmem:$0x1F000] =	vst v63  }
0x15d: {  	_ =	swait.ge [sflag:s30], $0x8000  }
0x15e: {  	[sflag:s30] =	ssyncset.done $0x0  }
0x15f: {  	[sflag:s30] =	ssyncadd.s32 $0xFFFF8000  }
0x160: {  	_ =	swait.ge [sflag:s18], $0x8000  }
0x161: {  	s0 =	sld [smem:$0x7A7]  }
0x162: {  	[sflag:s18] =	ssyncset.done $0x0  }
0x163: {  	s31 =	sld [smem:$0x7A8];
	[sflag:s18] =	ssyncadd.s32 $0xFFFF8000  }
0x164: {  	[tilespmem:s19], [sflag:$0x2] =	stream.indirect.gather [spmem:s3], $0x20, s0, s9, $0xb8;
	[tilespmem:$0x1F000] =	vst v63  }
0x165: {  	s0 =	sld [smem:$0x7A9]  }
0x166: {  	[tilespmem:s20], [sflag:$0x2] =	stream.indirect.gather [spmem:s3], $0x20, s31, s9, $0xb8;
	[tilespmem:$0x1F000] =	vst v63  }
0x167: {  	s31 =	sld [smem:$0x7AA]  }
0x168: {  	[tilespmem:s21], [sflag:$0x2] =	stream.indirect.gather [spmem:s3], $0x20, s0, s9, $0xb8;
	[tilespmem:$0x1F000] =	vst v63  }
0x169: {  	s0 =	sld [smem:$0x7AB]  }
0x16a: {  	[tilespmem:s22], [sflag:$0x2] =	stream.indirect.gather [spmem:s3], $0x20, s31, s9, $0xb8;
	[tilespmem:$0x1F000] =	vst v63  }
0x16b: {  	s31 =	sld [smem:$0x7AC]  }
0x16c: {  	[tilespmem:s23], [sflag:$0x2] =	stream.indirect.gather [spmem:s3], $0x20, s0, s9, $0xb8;
	[tilespmem:$0x1F000] =	vst v63  }
0x16d: {  	s0 =	sld [smem:$0x7AD]  }
0x16e: {  	[tilespmem:s24], [sflag:$0x2] =	stream.indirect.gather [spmem:s3], $0x20, s31, s9, $0xb8;
	[tilespmem:$0x1F000] =	vst v63  }
0x16f: {  	s31 =	sld [smem:$0x7AE]  }
0x170: {  	[tilespmem:s25], [sflag:$0x2] =	stream.indirect.gather [spmem:s3], $0x20, s0, s9, $0xb8;
	[tilespmem:$0x1F000] =	vst v63  }
0x171: {  	s0 =	sld [smem:$0x7AF]  }
0x172: {  	[tilespmem:s26], [sflag:$0x2] =	stream.indirect.gather [spmem:s3], $0x20, s31, s9, $0xb8;
	[tilespmem:$0x1F000] =	vst v63  }
0x173: {  	s31 =	sld [smem:$0x7B0]  }
0x174: {  	[spmem:s2] =	stream.indirect.scatter.add.f32 [tilespmem:s10], [sflag:$0x3], $0x20, s0, s9, $0xb8;
	[tilespmem:$0x1F000] =	vst v63  }
0x175: {  	s0 =	sld [smem:$0x7B1]  }
0x176: {  	[spmem:s2] =	stream.indirect.scatter.add.f32 [tilespmem:s11], [sflag:$0x3], $0x20, s31, s9, $0xb8;
	[tilespmem:$0x1F000] =	vst v63  }
0x177: {  	s31 =	sld [smem:$0x7B2]  }
0x178: {  	[spmem:s2] =	stream.indirect.scatter.add.f32 [tilespmem:s12], [sflag:$0x3], $0x20, s0, s9, $0xb8;
	[tilespmem:$0x1F000] =	vst v63  }
0x179: {  	s0 =	sld [smem:$0x7B3]  }
0x17a: {  	[spmem:s2] =	stream.indirect.scatter.add.f32 [tilespmem:s13], [sflag:$0x3], $0x20, s31, s9, $0xb8;
	[tilespmem:$0x1F000] =	vst v63  }
0x17b: {  	s31 =	sld [smem:$0x7B4]  }
0x17c: {  	[spmem:s2] =	stream.indirect.scatter.add.f32 [tilespmem:s14], [sflag:$0x3], $0x20, s0, s9, $0xb8;
	[tilespmem:$0x1F000] =	vst v63  }
0x17d: {  	s0 =	sld [smem:$0x7B5]  }
0x17e: {  	[spmem:s2] =	stream.indirect.scatter.add.f32 [tilespmem:s15], [sflag:$0x3], $0x20, s31, s9, $0xb8;
	[tilespmem:$0x1F000] =	vst v63  }
0x17f: {  	s31 =	sld [smem:$0x7B6]  }
0x180: {  	[spmem:s2] =	stream.indirect.scatter.add.f32 [tilespmem:s16], [sflag:$0x3], $0x20, s0, s9, $0xb8;
	[tilespmem:$0x1F000] =	vst v63  }
0x181: {  	_ = 	snop  }
0x182: {  	[spmem:s2] =	stream.indirect.scatter.add.f32 [tilespmem:s17], [sflag:$0x3], $0x20, s31, s9, $0xb8;
	[tilespmem:$0x1F000] =	vst v63  }
0x183: {  	_ =	swait.ge [sflag:s28], $0x8000  }
0x184: {  	[sflag:s28] =	ssyncset.done $0x0  }
0x185: {  	[sflag:s28] =	ssyncadd.s32 $0xFFFF8000  }
0x186: {  	_ =	swait.ge [sflag:s29], $0x8000  }
0x187: {  	s0 =	sld [smem:$0x7B7]  }
0x188: {  	[sflag:s29] =	ssyncset.done $0x0  }
0x189: {  	s31 =	sld [smem:$0x7B8];
	[sflag:s29] =	ssyncadd.s32 $0xFFFF8000  }
0x18a: {  	[tilespmem:s10], [sflag:$0x1] =	stream.indirect.gather [spmem:s3], $0x20, s0, s9, $0xb8;
	[tilespmem:$0x1F000] =	vst v63  }
0x18b: {  	s0 =	sld [smem:$0x7B9]  }
0x18c: {  	[tilespmem:s11], [sflag:$0x1] =	stream.indirect.gather [spmem:s3], $0x20, s31, s9, $0xb8;
	[tilespmem:$0x1F000] =	vst v63  }
0x18d: {  	s31 =	sld [smem:$0x7BA]  }
0x18e: {  	[tilespmem:s12], [sflag:$0x1] =	stream.indirect.gather [spmem:s3], $0x20, s0, s9, $0xb8;
	[tilespmem:$0x1F000] =	vst v63  }
0x18f: {  	s0 =	sld [smem:$0x7BB]  }
0x190: {  	[tilespmem:s13], [sflag:$0x1] =	stream.indirect.gather [spmem:s3], $0x20, s31, s9, $0xb8;
	[tilespmem:$0x1F000] =	vst v63  }
0x191: {  	s31 =	sld [smem:$0x7BC]  }
0x192: {  	[tilespmem:s14], [sflag:$0x1] =	stream.indirect.gather [spmem:s3], $0x20, s0, s9, $0xb8;
	[tilespmem:$0x1F000] =	vst v63  }
0x193: {  	s0 =	sld [smem:$0x7BD]  }
0x194: {  	[tilespmem:s15], [sflag:$0x1] =	stream.indirect.gather [spmem:s3], $0x20, s31, s9, $0xb8;
	[tilespmem:$0x1F000] =	vst v63  }
0x195: {  	s31 =	sld [smem:$0x7BE]  }
0x196: {  	[tilespmem:s16], [sflag:$0x1] =	stream.indirect.gather [spmem:s3], $0x20, s0, s9, $0xb8;
	[tilespmem:$0x1F000] =	vst v63  }
0x197: {  	s0 =	sld [smem:$0x7BF]  }
0x198: {  	[tilespmem:s17], [sflag:$0x1] =	stream.indirect.gather [spmem:s3], $0x20, s31, s9, $0xb8;
	[tilespmem:$0x1F000] =	vst v63  }
0x199: {  	s31 =	sld [smem:$0x7C0]  }
0x19a: {  	[spmem:s2] =	stream.indirect.scatter.add.f32 [tilespmem:s19], [sflag:$0x4], $0x20, s0, s9, $0xb8;
	[tilespmem:$0x1F000] =	vst v63  }
0x19b: {  	s0 =	sld [smem:$0x7C1]  }
0x19c: {  	[spmem:s2] =	stream.indirect.scatter.add.f32 [tilespmem:s20], [sflag:$0x4], $0x20, s31, s9, $0xb8;
	[tilespmem:$0x1F000] =	vst v63  }
0x19d: {  	s31 =	sld [smem:$0x7C2]  }
0x19e: {  	[spmem:s2] =	stream.indirect.scatter.add.f32 [tilespmem:s21], [sflag:$0x4], $0x20, s0, s9, $0xb8;
	[tilespmem:$0x1F000] =	vst v63  }
0x19f: {  	s0 =	sld [smem:$0x7C3]  }
0x1a0: {  	[spmem:s2] =	stream.indirect.scatter.add.f32 [tilespmem:s22], [sflag:$0x4], $0x20, s31, s9, $0xb8;
	[tilespmem:$0x1F000] =	vst v63  }
0x1a1: {  	s31 =	sld [smem:$0x7C4]  }
0x1a2: {  	[spmem:s2] =	stream.indirect.scatter.add.f32 [tilespmem:s23], [sflag:$0x4], $0x20, s0, s9, $0xb8;
	[tilespmem:$0x1F000] =	vst v63  }
0x1a3: {  	s0 =	sld [smem:$0x7C5]  }
0x1a4: {  	[spmem:s2] =	stream.indirect.scatter.add.f32 [tilespmem:s24], [sflag:$0x4], $0x20, s31, s9, $0xb8;
	[tilespmem:$0x1F000] =	vst v63  }
0x1a5: {  	s31 =	sld [smem:$0x7C6]  }
0x1a6: {  	[spmem:s2] =	stream.indirect.scatter.add.f32 [tilespmem:s25], [sflag:$0x4], $0x20, s0, s9, $0xb8;
	[tilespmem:$0x1F000] =	vst v63  }
0x1a7: {  	_ = 	snop  }
0x1a8: {  	[spmem:s2] =	stream.indirect.scatter.add.f32 [tilespmem:s26], [sflag:$0x4], $0x20, s31, s9, $0xb8;
	[tilespmem:$0x1F000] =	vst v63  }
0x1a9: {  	_ =	swait.ge [sflag:s30], $0x8000  }
0x1aa: {  	[sflag:s30] =	ssyncset.done $0x0  }
0x1ab: {  	[sflag:s30] =	ssyncadd.s32 $0xFFFF8000  }
0x1ac: {  	_ =	swait.ge [sflag:s18], $0x8000  }
0x1ad: {  	s0 =	sld [smem:$0x7C7]  }
0x1ae: {  	[sflag:s18] =	ssyncset.done $0x0  }
0x1af: {  	s31 =	sld [smem:$0x7C8];
	[sflag:s18] =	ssyncadd.s32 $0xFFFF8000  }
0x1b0: {  	[tilespmem:s19], [sflag:$0x2] =	stream.indirect.gather [spmem:s3], $0x20, s0, s9, $0xb8;
	[tilespmem:$0x1F000] =	vst v63  }
0x1b1: {  	s0 =	sld [smem:$0x7C9]  }
0x1b2: {  	[tilespmem:s20], [sflag:$0x2] =	stream.indirect.gather [spmem:s3], $0x20, s31, s9, $0xb8;
	[tilespmem:$0x1F000] =	vst v63  }
0x1b3: {  	s31 =	sld [smem:$0x7CA]  }
0x1b4: {  	[tilespmem:s21], [sflag:$0x2] =	stream.indirect.gather [spmem:s3], $0x20, s0, s9, $0xb8;
	[tilespmem:$0x1F000] =	vst v63  }
0x1b5: {  	s0 =	sld [smem:$0x7CB]  }
0x1b6: {  	[tilespmem:s22], [sflag:$0x2] =	stream.indirect.gather [spmem:s3], $0x20, s31, s9, $0xb8;
	[tilespmem:$0x1F000] =	vst v63  }
0x1b7: {  	s31 =	sld [smem:$0x7CC]  }
0x1b8: {  	[tilespmem:s23], [sflag:$0x2] =	stream.indirect.gather [spmem:s3], $0x20, s0, s9, $0xb8;
	[tilespmem:$0x1F000] =	vst v63  }
0x1b9: {  	s0 =	sld [smem:$0x7CD]  }
0x1ba: {  	[tilespmem:s24], [sflag:$0x2] =	stream.indirect.gather [spmem:s3], $0x20, s31, s9, $0xb8;
	[tilespmem:$0x1F000] =	vst v63  }
0x1bb: {  	s31 =	sld [smem:$0x7CE]  }
0x1bc: {  	[tilespmem:s25], [sflag:$0x2] =	stream.indirect.gather [spmem:s3], $0x20, s0, s9, $0xb8;
	[tilespmem:$0x1F000] =	vst v63  }
0x1bd: {  	s0 =	sld [smem:$0x7CF]  }
0x1be: {  	[tilespmem:s26], [sflag:$0x2] =	stream.indirect.gather [spmem:s3], $0x20, s31, s9, $0xb8;
	[tilespmem:$0x1F000] =	vst v63  }
0x1bf: {  	s31 =	sld [smem:$0x7D0]  }
0x1c0: {  	[spmem:s2] =	stream.indirect.scatter.add.f32 [tilespmem:s10], [sflag:$0x3], $0x20, s0, s9, $0xb8;
	[tilespmem:$0x1F000] =	vst v63  }
0x1c1: {  	s0 =	sld [smem:$0x7D1]  }
0x1c2: {  	[spmem:s2] =	stream.indirect.scatter.add.f32 [tilespmem:s11], [sflag:$0x3], $0x20, s31, s9, $0xb8;
	[tilespmem:$0x1F000] =	vst v63  }
0x1c3: {  	s31 =	sld [smem:$0x7D2]  }
0x1c4: {  	[spmem:s2] =	stream.indirect.scatter.add.f32 [tilespmem:s12], [sflag:$0x3], $0x20, s0, s9, $0xb8;
	[tilespmem:$0x1F000] =	vst v63  }
0x1c5: {  	s0 =	sld [smem:$0x7D3]  }
0x1c6: {  	[spmem:s2] =	stream.indirect.scatter.add.f32 [tilespmem:s13], [sflag:$0x3], $0x20, s31, s9, $0xb8;
	[tilespmem:$0x1F000] =	vst v63  }
0x1c7: {  	s31 =	sld [smem:$0x7D4]  }
0x1c8: {  	[spmem:s2] =	stream.indirect.scatter.add.f32 [tilespmem:s14], [sflag:$0x3], $0x20, s0, s9, $0xb8;
	[tilespmem:$0x1F000] =	vst v63  }
0x1c9: {  	s0 =	sld [smem:$0x7D5]  }
0x1ca: {  	[spmem:s2] =	stream.indirect.scatter.add.f32 [tilespmem:s15], [sflag:$0x3], $0x20, s31, s9, $0xb8;
	[tilespmem:$0x1F000] =	vst v63  }
0x1cb: {  	s31 =	sld [smem:$0x7D6]  }
0x1cc: {  	[spmem:s2] =	stream.indirect.scatter.add.f32 [tilespmem:s16], [sflag:$0x3], $0x20, s0, s9, $0xb8;
	[tilespmem:$0x1F000] =	vst v63  }
0x1cd: {  	_ = 	snop  }
0x1ce: {  	[spmem:s2] =	stream.indirect.scatter.add.f32 [tilespmem:s17], [sflag:$0x3], $0x20, s31, s9, $0xb8;
	[tilespmem:$0x1F000] =	vst v63  }
0x1cf: {  	_ =	swait.ge [sflag:s28], $0x8000  }
0x1d0: {  	[sflag:s28] =	ssyncset.done $0x0  }
0x1d1: {  	[sflag:s28] =	ssyncadd.s32 $0xFFFF8000  }
0x1d2: {  	_ =	swait.ge [sflag:s29], $0x8000  }
0x1d3: {  	s0 =	sld [smem:$0x7D7]  }
0x1d4: {  	[sflag:s29] =	ssyncset.done $0x0  }
0x1d5: {  	s31 =	sld [smem:$0x7D8];
	[sflag:s29] =	ssyncadd.s32 $0xFFFF8000  }
0x1d6: {  	[tilespmem:s10], [sflag:$0x1] =	stream.indirect.gather [spmem:s3], $0x20, s0, s9, $0xb8;
	[tilespmem:$0x1F000] =	vst v63  }
0x1d7: {  	s0 =	sld [smem:$0x7D9]  }
0x1d8: {  	[tilespmem:s11], [sflag:$0x1] =	stream.indirect.gather [spmem:s3], $0x20, s31, s9, $0xb8;
	[tilespmem:$0x1F000] =	vst v63  }
0x1d9: {  	s31 =	sld [smem:$0x7DA]  }
0x1da: {  	[tilespmem:s12], [sflag:$0x1] =	stream.indirect.gather [spmem:s3], $0x20, s0, s9, $0xb8;
	[tilespmem:$0x1F000] =	vst v63  }
0x1db: {  	s0 =	sld [smem:$0x7DB]  }
0x1dc: {  	[tilespmem:s13], [sflag:$0x1] =	stream.indirect.gather [spmem:s3], $0x20, s31, s9, $0xb8;
	[tilespmem:$0x1F000] =	vst v63  }
0x1dd: {  	s31 =	sld [smem:$0x7DC]  }
0x1de: {  	[tilespmem:s14], [sflag:$0x1] =	stream.indirect.gather [spmem:s3], $0x20, s0, s9, $0xb8;
	[tilespmem:$0x1F000] =	vst v63  }
0x1df: {  	s0 =	sld [smem:$0x7DD]  }
0x1e0: {  	[tilespmem:s15], [sflag:$0x1] =	stream.indirect.gather [spmem:s3], $0x20, s31, s9, $0xb8;
	[tilespmem:$0x1F000] =	vst v63  }
0x1e1: {  	s31 =	sld [smem:$0x7DE]  }
0x1e2: {  	[tilespmem:s16], [sflag:$0x1] =	stream.indirect.gather [spmem:s3], $0x20, s0, s9, $0xb8;
	[tilespmem:$0x1F000] =	vst v63  }
0x1e3: {  	s0 =	sld [smem:$0x7DF]  }
0x1e4: {  	[tilespmem:s17], [sflag:$0x1] =	stream.indirect.gather [spmem:s3], $0x20, s31, s9, $0xb8;
	[tilespmem:$0x1F000] =	vst v63  }
0x1e5: {  	s31 =	sld [smem:$0x7E0]  }
0x1e6: {  	[spmem:s2] =	stream.indirect.scatter.add.f32 [tilespmem:s19], [sflag:$0x4], $0x20, s0, s9, $0xb8;
	[tilespmem:$0x1F000] =	vst v63  }
0x1e7: {  	s0 =	sld [smem:$0x7E1]  }
0x1e8: {  	[spmem:s2] =	stream.indirect.scatter.add.f32 [tilespmem:s20], [sflag:$0x4], $0x20, s31, s9, $0xb8;
	[tilespmem:$0x1F000] =	vst v63  }
0x1e9: {  	s31 =	sld [smem:$0x7E2]  }
0x1ea: {  	[spmem:s2] =	stream.indirect.scatter.add.f32 [tilespmem:s21], [sflag:$0x4], $0x20, s0, s9, $0xb8;
	[tilespmem:$0x1F000] =	vst v63  }
0x1eb: {  	s0 =	sld [smem:$0x7E3]  }
0x1ec: {  	[spmem:s2] =	stream.indirect.scatter.add.f32 [tilespmem:s22], [sflag:$0x4], $0x20, s31, s9, $0xb8;
	[tilespmem:$0x1F000] =	vst v63  }
0x1ed: {  	s31 =	sld [smem:$0x7E4]  }
0x1ee: {  	[spmem:s2] =	stream.indirect.scatter.add.f32 [tilespmem:s23], [sflag:$0x4], $0x20, s0, s9, $0xb8;
	[tilespmem:$0x1F000] =	vst v63  }
0x1ef: {  	s0 =	sld [smem:$0x7E5]  }
0x1f0: {  	[spmem:s2] =	stream.indirect.scatter.add.f32 [tilespmem:s24], [sflag:$0x4], $0x20, s31, s9, $0xb8;
	[tilespmem:$0x1F000] =	vst v63  }
0x1f1: {  	s31 =	sld [smem:$0x7E6]  }
0x1f2: {  	[spmem:s2] =	stream.indirect.scatter.add.f32 [tilespmem:s25], [sflag:$0x4], $0x20, s0, s9, $0xb8;
	[tilespmem:$0x1F000] =	vst v63  }
0x1f3: {  	_ = 	snop  }
0x1f4: {  	[spmem:s2] =	stream.indirect.scatter.add.f32 [tilespmem:s26], [sflag:$0x4], $0x20, s31, s9, $0xb8;
	[tilespmem:$0x1F000] =	vst v63  }
0x1f5: {  	_ =	swait.ge [sflag:s30], $0x8000  }
0x1f6: {  	[sflag:s30] =	ssyncset.done $0x0  }
0x1f7: {  	[sflag:s30] =	ssyncadd.s32 $0xFFFF8000  }
0x1f8: {  	_ =	swait.ge [sflag:s18], $0x8000  }
0x1f9: {  	s0 =	sld [smem:$0x7E7]  }
0x1fa: {  	[sflag:s18] =	ssyncset.done $0x0  }
0x1fb: {  	s31 =	sld [smem:$0x7E8];
	[sflag:s18] =	ssyncadd.s32 $0xFFFF8000  }
0x1fc: {  	[tilespmem:s19], [sflag:$0x2] =	stream.indirect.gather [spmem:s3], $0x20, s0, s9, $0xb8;
	[tilespmem:$0x1F000] =	vst v63  }
0x1fd: {  	s0 =	sld [smem:$0x7E9]  }
0x1fe: {  	[tilespmem:s20], [sflag:$0x2] =	stream.indirect.gather [spmem:s3], $0x20, s31, s9, $0xb8;
	[tilespmem:$0x1F000] =	vst v63  }
0x1ff: {  	s31 =	sld [smem:$0x7EA]  }
0x200: {  	[tilespmem:s21], [sflag:$0x2] =	stream.indirect.gather [spmem:s3], $0x20, s0, s9, $0xb8;
	[tilespmem:$0x1F000] =	vst v63  }
0x201: {  	s0 =	sld [smem:$0x7EB]  }
0x202: {  	[tilespmem:s22], [sflag:$0x2] =	stream.indirect.gather [spmem:s3], $0x20, s31, s9, $0xb8;
	[tilespmem:$0x1F000] =	vst v63  }
0x203: {  	s31 =	sld [smem:$0x7EC]  }
0x204: {  	[tilespmem:s23], [sflag:$0x2] =	stream.indirect.gather [spmem:s3], $0x20, s0, s9, $0xb8;
	[tilespmem:$0x1F000] =	vst v63  }
0x205: {  	s0 =	sld [smem:$0x7ED]  }
0x206: {  	[tilespmem:s24], [sflag:$0x2] =	stream.indirect.gather [spmem:s3], $0x20, s31, s9, $0xb8;
	[tilespmem:$0x1F000] =	vst v63  }
0x207: {  	s31 =	sld [smem:$0x7EE]  }
0x208: {  	[tilespmem:s25], [sflag:$0x2] =	stream.indirect.gather [spmem:s3], $0x20, s0, s9, $0xb8;
	[tilespmem:$0x1F000] =	vst v63  }
0x209: {  	s0 =	sld [smem:$0x7EF]  }
0x20a: {  	[tilespmem:s26], [sflag:$0x2] =	stream.indirect.gather [spmem:s3], $0x20, s31, s9, $0xb8;
	[tilespmem:$0x1F000] =	vst v63  }
0x20b: {  	s31 =	sld [smem:$0x7F0]  }
0x20c: {  	[spmem:s2] =	stream.indirect.scatter.add.f32 [tilespmem:s10], [sflag:$0x3], $0x20, s0, s9, $0xb8;
	[tilespmem:$0x1F000] =	vst v63  }
0x20d: {  	s0 =	sld [smem:$0x7F1]  }
0x20e: {  	[spmem:s2] =	stream.indirect.scatter.add.f32 [tilespmem:s11], [sflag:$0x3], $0x20, s31, s9, $0xb8;
	[tilespmem:$0x1F000] =	vst v63  }
0x20f: {  	s31 =	sld [smem:$0x7F2]  }
0x210: {  	[spmem:s2] =	stream.indirect.scatter.add.f32 [tilespmem:s12], [sflag:$0x3], $0x20, s0, s9, $0xb8;
	[tilespmem:$0x1F000] =	vst v63  }
0x211: {  	s0 =	sld [smem:$0x7F3]  }
0x212: {  	[spmem:s2] =	stream.indirect.scatter.add.f32 [tilespmem:s13], [sflag:$0x3], $0x20, s31, s9, $0xb8;
	[tilespmem:$0x1F000] =	vst v63  }
0x213: {  	s31 =	sld [smem:$0x7F4]  }
0x214: {  	[spmem:s2] =	stream.indirect.scatter.add.f32 [tilespmem:s14], [sflag:$0x3], $0x20, s0, s9, $0xb8;
	[tilespmem:$0x1F000] =	vst v63  }
0x215: {  	s0 =	sld [smem:$0x7F5]  }
0x216: {  	[spmem:s2] =	stream.indirect.scatter.add.f32 [tilespmem:s15], [sflag:$0x3], $0x20, s31, s9, $0xb8;
	[tilespmem:$0x1F000] =	vst v63  }
0x217: {  	s31 =	sld [smem:$0x7F6]  }
0x218: {  	[spmem:s2] =	stream.indirect.scatter.add.f32 [tilespmem:s16], [sflag:$0x3], $0x20, s0, s9, $0xb8;
	[tilespmem:$0x1F000] =	vst v63  }
0x219: {  	_ = 	snop  }
0x21a: {  	[spmem:s2] =	stream.indirect.scatter.add.f32 [tilespmem:s17], [sflag:$0x3], $0x20, s31, s9, $0xb8;
	[tilespmem:$0x1F000] =	vst v63  }
0x21b: {  	_ =	swait.ge [sflag:s28], $0x8000  }
0x21c: {  	[sflag:s28] =	ssyncset.done $0x0  }
0x21d: {  	[sflag:s28] =	ssyncadd.s32 $0xFFFF8000  }
0x21e: {  	_ =	swait.ge [sflag:s29], $0x8000  }
0x21f: {  	s0 =	sld [smem:$0x7F7]  }
0x220: {  	[sflag:s29] =	ssyncset.done $0x0  }
0x221: {  	s31 =	sld [smem:$0x7F8];
	[sflag:s29] =	ssyncadd.s32 $0xFFFF8000  }
0x222: {  	[spmem:s2] =	stream.indirect.scatter.add.f32 [tilespmem:s19], [sflag:$0x4], $0x20, s0, s9, $0xb8;
	[tilespmem:$0x1F000] =	vst v63  }
0x223: {  	s0 =	sld [smem:$0x7F9]  }
0x224: {  	[spmem:s2] =	stream.indirect.scatter.add.f32 [tilespmem:s20], [sflag:$0x4], $0x20, s31, s9, $0xb8;
	[tilespmem:$0x1F000] =	vst v63  }
0x225: {  	s31 =	sld [smem:$0x7FA]  }
0x226: {  	[spmem:s2] =	stream.indirect.scatter.add.f32 [tilespmem:s21], [sflag:$0x4], $0x20, s0, s9, $0xb8;
	[tilespmem:$0x1F000] =	vst v63  }
0x227: {  	s0 =	sld [smem:$0x7FB]  }
0x228: {  	[spmem:s2] =	stream.indirect.scatter.add.f32 [tilespmem:s22], [sflag:$0x4], $0x20, s31, s9, $0xb8;
	[tilespmem:$0x1F000] =	vst v63  }
0x229: {  	s31 =	sld [smem:$0x7FC]  }
0x22a: {  	[spmem:s2] =	stream.indirect.scatter.add.f32 [tilespmem:s23], [sflag:$0x4], $0x20, s0, s9, $0xb8;
	[tilespmem:$0x1F000] =	vst v63  }
0x22b: {  	s0 =	sld [smem:$0x7FD]  }
0x22c: {  	[spmem:s2] =	stream.indirect.scatter.add.f32 [tilespmem:s24], [sflag:$0x4], $0x20, s31, s9, $0xb8;
	[tilespmem:$0x1F000] =	vst v63  }
0x22d: {  	_ = 	snop  }
0x22e: {  	[spmem:s2] =	stream.indirect.scatter.add.f32 [tilespmem:s25], [sflag:$0x4], $0x20, s0, s9, $0xb8;
	[tilespmem:$0x1F000] =	vst v63  }
0x22f: {  	s0 =	ssub.s32 $0x2, s1  }
0x230: {  	s31 =	simm.s32 $0x4F80;
	s1 =	sshrl.u32 s0, $0x1  }
0x231: {  	[spmem:s2] =	stream.indirect.scatter.add.f32 [tilespmem:s26], [sflag:$0x4], $0x20, s31, s9, $0xb8;
	[tilespmem:$0x1F000] =	vst v63  }
0x232: {  	s0 =	ssub.s32 s0, s1  }
0x233: {  	s0 =	smax.u32 s0, $0x1  }
0x234: {  	_ =	swait.ge [sflag:s30], $0x8000;
	p0 =	sne.s32 s0, $0x1  }
.Ltmp0:
0x235: {  	[sflag:s30] =	ssyncset.done $0x0;
	(pc) =	sbr.rel @!p0 .LBB2_2-.Ltmp0, $4  }
0x236: {  	[sflag:s30] =	ssyncadd.s32 $0xFFFF8000  }
0x237: {  	[bflag:$0x0] =	sbarrier.arrive $0xFFFF  }
0x238: {  	s1 =	sadd.s32 $0xFFFFFFFF, s0;
	s31 =	rddreg [dreg:$0x8]  }
0x239: {  	[hbm:s31], [sflag:s5] =	dma.local [spmem:s7], $0xA00  }
.LBB2_1:
0x23a: {  	_ =	swait.ge [sflag:s6], $0xA00  }
0x23b: {  	[sflag:s6] =	ssyncset.done $0x0  }
0x23c: {  	s0 =	rddreg [dreg:$0x4];
	[sflag:s6] =	ssyncadd.s32 $0xFFFFF600  }
0x23d: {  	[spmem:s7], [sflag:s5] =	dma.local [hbm:s0], $0xA00  }
0x23e: {  	_ =	swait.ge [sflag:s6], $0xA00  }
0x23f: {  	[sflag:s6] =	ssyncset.done $0x0;
	s0 =	rddreg [dreg:$0x5]  }
0x240: {  	s31 =	rddreg [dreg:$0x9];
	[sflag:s6] =	ssyncadd.s32 $0xFFFFF600  }
0x241: {  	[spmem:s31], [sflag:s5] =	dma.local [hbm:s0], $0xA00  }
0x242: {  	_ =	swait.ge [sflag:s6], $0xA00  }
0x243: {  	[sflag:s6] =	ssyncset.done $0x0  }
0x244: {  	s31 =	rddreg [dreg:$0x6];
	[sflag:s6] =	ssyncadd.s32 $0xFFFFF600  }
0x245: {  	[tilespmem:s4], [sflag:$0x5] =	stream.linear.gather [hbm4b:s31+s4], $0x2800, $0x38;
	[tilespmem:$0x1F000] =	vst v63  }
0x246: {  	_ =	swait.ge [sflag:s6], $0x2800  }
0x247: {  	[sflag:s6] =	ssyncset.done $0x0  }
0x248: {  	s31 =	rddreg [dreg:$0x7];
	[sflag:s6] =	ssyncadd.s32 $0xFFFFD800  }
0x249: {  	[tilespmem:s8], [sflag:$0x5] =	stream.linear.gather [hbm4b:s31+s4], $0x2800, $0x38;
	[tilespmem:$0x1F000] =	vst v63  }
0x24a: {  	_ =	swait.ge [sflag:s6], $0x2800  }
0x24b: {  	[sflag:s6] =	ssyncset.done $0x0  }
0x24c: {  	[sflag:s6] =	ssyncadd.s32 $0xFFFFD800  }
0x24d: {  	[bflag:$0x0] =	sbarrier.arrive $0xFFFF  }
0x24e: {  	[tilespmem:s10], [sflag:$0x1] =	stream.indirect.gather [spmem:s3], $0x20, s4, s9, $0xb8;
	[tilespmem:$0x1F000] =	vst v63  }
0x24f: {  	_ = 	snop  }
0x250: {  	[tilespmem:s11], [sflag:$0x1] =	stream.indirect.gather [spmem:s3], $0x20, s9, s9, $0xb8;
	[tilespmem:$0x1F000] =	vst v63  }
0x251: {  	s0 =	rddreg [dreg:$0xa]  }
0x252: {  	[tilespmem:s12], [sflag:$0x1] =	stream.indirect.gather [spmem:s3], $0x20, s0, s9, $0xb8;
	[tilespmem:$0x1F000] =	vst v63  }
0x253: {  	s31 =	rddreg [dreg:$0xb]  }
0x254: {  	[tilespmem:s13], [sflag:$0x1] =	stream.indirect.gather [spmem:s3], $0x20, s31, s9, $0xb8;
	[tilespmem:$0x1F000] =	vst v63  }
0x255: {  	s0 =	rddreg [dreg:$0xc]  }
0x256: {  	[tilespmem:s14], [sflag:$0x1] =	stream.indirect.gather [spmem:s3], $0x20, s0, s9, $0xb8;
	[tilespmem:$0x1F000] =	vst v63  }
0x257: {  	s31 =	rddreg [dreg:$0xd]  }
0x258: {  	[tilespmem:s15], [sflag:$0x1] =	stream.indirect.gather [spmem:s3], $0x20, s31, s9, $0xb8;
	[tilespmem:$0x1F000] =	vst v63  }
0x259: {  	s0 =	rddreg [dreg:$0xe]  }
0x25a: {  	[tilespmem:s16], [sflag:$0x1] =	stream.indirect.gather [spmem:s3], $0x20, s0, s9, $0xb8;
	[tilespmem:$0x1F000] =	vst v63  }
0x25b: {  	s31 =	rddreg [dreg:$0xf]  }
0x25c: {  	[tilespmem:s17], [sflag:$0x1] =	stream.indirect.gather [spmem:s3], $0x20, s31, s9, $0xb8;
	[tilespmem:$0x1F000] =	vst v63  }
0x25d: {  	_ =	swait.ge [sflag:s18], $0x8000  }
0x25e: {  	[sflag:s18] =	ssyncset.done $0x0  }
0x25f: {  	s0 =	rddreg [dreg:$0x10];
	[sflag:s18] =	ssyncadd.s32 $0xFFFF8000  }
0x260: {  	[tilespmem:s19], [sflag:$0x2] =	stream.indirect.gather [spmem:s3], $0x20, s0, s9, $0xb8;
	[tilespmem:$0x1F000] =	vst v63  }
0x261: {  	s31 =	rddreg [dreg:$0x11]  }
0x262: {  	[tilespmem:s20], [sflag:$0x2] =	stream.indirect.gather [spmem:s3], $0x20, s31, s9, $0xb8;
	[tilespmem:$0x1F000] =	vst v63  }
0x263: {  	s0 =	rddreg [dreg:$0x12]  }
0x264: {  	[tilespmem:s21], [sflag:$0x2] =	stream.indirect.gather [spmem:s3], $0x20, s0, s9, $0xb8;
	[tilespmem:$0x1F000] =	vst v63  }
0x265: {  	s31 =	rddreg [dreg:$0x13]  }
0x266: {  	[tilespmem:s22], [sflag:$0x2] =	stream.indirect.gather [spmem:s3], $0x20, s31, s9, $0xb8;
	[tilespmem:$0x1F000] =	vst v63  }
0x267: {  	s0 =	rddreg [dreg:$0x14]  }
0x268: {  	[tilespmem:s23], [sflag:$0x2] =	stream.indirect.gather [spmem:s3], $0x20, s0, s9, $0xb8;
	[tilespmem:$0x1F000] =	vst v63  }
0x269: {  	s31 =	rddreg [dreg:$0x15]  }
0x26a: {  	[tilespmem:s24], [sflag:$0x2] =	stream.indirect.gather [spmem:s3], $0x20, s31, s9, $0xb8;
	[tilespmem:$0x1F000] =	vst v63  }
0x26b: {  	s0 =	rddreg [dreg:$0x16]  }
0x26c: {  	[tilespmem:s25], [sflag:$0x2] =	stream.indirect.gather [spmem:s3], $0x20, s0, s9, $0xb8;
	[tilespmem:$0x1F000] =	vst v63  }
0x26d: {  	s31 =	rddreg [dreg:$0x17]  }
0x26e: {  	[tilespmem:s26], [sflag:$0x2] =	stream.indirect.gather [spmem:s3], $0x20, s31, s9, $0xb8;
	[tilespmem:$0x1F000] =	vst v63  }
0x26f: {  	_ = 	snop  }
0x270: {  	[spmem:s2] =	stream.indirect.scatter.add.f32 [tilespmem:s10], [sflag:$0x3], $0x20, s8, s9, $0xb8;
	[tilespmem:$0x1F000] =	vst v63  }
0x271: {  	s0 =	rddreg [dreg:$0x18]  }
0x272: {  	[spmem:s2] =	stream.indirect.scatter.add.f32 [tilespmem:s11], [sflag:$0x3], $0x20, s0, s9, $0xb8;
	[tilespmem:$0x1F000] =	vst v63  }
0x273: {  	s31 =	rddreg [dreg:$0x19]  }
0x274: {  	[spmem:s2] =	stream.indirect.scatter.add.f32 [tilespmem:s12], [sflag:$0x3], $0x20, s31, s9, $0xb8;
	[tilespmem:$0x1F000] =	vst v63  }
0x275: {  	s0 =	rddreg [dreg:$0x1a]  }
0x276: {  	[spmem:s2] =	stream.indirect.scatter.add.f32 [tilespmem:s13], [sflag:$0x3], $0x20, s0, s9, $0xb8;
	[tilespmem:$0x1F000] =	vst v63  }
0x277: {  	s31 =	rddreg [dreg:$0x1b]  }
0x278: {  	[spmem:s2] =	stream.indirect.scatter.add.f32 [tilespmem:s14], [sflag:$0x3], $0x20, s31, s9, $0xb8;
	[tilespmem:$0x1F000] =	vst v63  }
0x279: {  	s0 =	rddreg [dreg:$0x1c]  }
0x27a: {  	[spmem:s2] =	stream.indirect.scatter.add.f32 [tilespmem:s15], [sflag:$0x3], $0x20, s0, s9, $0xb8;
	[tilespmem:$0x1F000] =	vst v63  }
0x27b: {  	s31 =	rddreg [dreg:$0x1d]  }
0x27c: {  	[spmem:s2] =	stream.indirect.scatter.add.f32 [tilespmem:s16], [sflag:$0x3], $0x20, s31, s9, $0xb8;
	[tilespmem:$0x1F000] =	vst v63  }
0x27d: {  	s0 =	rddreg [dreg:$0x1e]  }
0x27e: {  	[spmem:s2] =	stream.indirect.scatter.add.f32 [tilespmem:s17], [sflag:$0x3], $0x20, s0, s9, $0xb8;
	[tilespmem:$0x1F000] =	vst v63  }
0x27f: {  	_ =	swait.ge [sflag:s28], $0x8000  }
0x280: {  	[sflag:s28] =	ssyncset.done $0x0  }
0x281: {  	[sflag:s28] =	ssyncadd.s32 $0xFFFF8000  }
0x282: {  	_ =	swait.ge [sflag:s29], $0x8000  }
0x283: {  	[sflag:s29] =	ssyncset.done $0x0;
	s0 =	rddreg [dreg:$0x1f]  }
0x284: {  	s31 =	sld [smem:$0x778];
	[sflag:s29] =	ssyncadd.s32 $0xFFFF8000  }
0x285: {  	[tilespmem:s10], [sflag:$0x1] =	stream.indirect.gather [spmem:s3], $0x20, s0, s9, $0xb8;
	[tilespmem:$0x1F000] =	vst v63  }
0x286: {  	s0 =	sld [smem:$0x779]  }
0x287: {  	[tilespmem:s11], [sflag:$0x1] =	stream.indirect.gather [spmem:s3], $0x20, s31, s9, $0xb8;
	[tilespmem:$0x1F000] =	vst v63  }
0x288: {  	s31 =	sld [smem:$0x77A]  }
0x289: {  	[tilespmem:s12], [sflag:$0x1] =	stream.indirect.gather [spmem:s3], $0x20, s0, s9, $0xb8;
	[tilespmem:$0x1F000] =	vst v63  }
0x28a: {  	s0 =	sld [smem:$0x77B]  }
0x28b: {  	[tilespmem:s13], [sflag:$0x1] =	stream.indirect.gather [spmem:s3], $0x20, s31, s9, $0xb8;
	[tilespmem:$0x1F000] =	vst v63  }
0x28c: {  	s31 =	sld [smem:$0x77C]  }
0x28d: {  	[tilespmem:s14], [sflag:$0x1] =	stream.indirect.gather [spmem:s3], $0x20, s0, s9, $0xb8;
	[tilespmem:$0x1F000] =	vst v63  }
0x28e: {  	s0 =	sld [smem:$0x77D]  }
0x28f: {  	[tilespmem:s15], [sflag:$0x1] =	stream.indirect.gather [spmem:s3], $0x20, s31, s9, $0xb8;
	[tilespmem:$0x1F000] =	vst v63  }
0x290: {  	s31 =	sld [smem:$0x77E]  }
0x291: {  	[tilespmem:s16], [sflag:$0x1] =	stream.indirect.gather [spmem:s3], $0x20, s0, s9, $0xb8;
	[tilespmem:$0x1F000] =	vst v63  }
0x292: {  	s0 =	sld [smem:$0x77F]  }
0x293: {  	[tilespmem:s17], [sflag:$0x1] =	stream.indirect.gather [spmem:s3], $0x20, s31, s9, $0xb8;
	[tilespmem:$0x1F000] =	vst v63  }
0x294: {  	s31 =	sld [smem:$0x780]  }
0x295: {  	[spmem:s2] =	stream.indirect.scatter.add.f32 [tilespmem:s19], [sflag:$0x4], $0x20, s0, s9, $0xb8;
	[tilespmem:$0x1F000] =	vst v63  }
0x296: {  	s0 =	sld [smem:$0x781]  }
0x297: {  	[spmem:s2] =	stream.indirect.scatter.add.f32 [tilespmem:s20], [sflag:$0x4], $0x20, s31, s9, $0xb8;
	[tilespmem:$0x1F000] =	vst v63  }
0x298: {  	s31 =	sld [smem:$0x782]  }
0x299: {  	[spmem:s2] =	stream.indirect.scatter.add.f32 [tilespmem:s21], [sflag:$0x4], $0x20, s0, s9, $0xb8;
	[tilespmem:$0x1F000] =	vst v63  }
0x29a: {  	s0 =	sld [smem:$0x783]  }
0x29b: {  	[spmem:s2] =	stream.indirect.scatter.add.f32 [tilespmem:s22], [sflag:$0x4], $0x20, s31, s9, $0xb8;
	[tilespmem:$0x1F000] =	vst v63  }
0x29c: {  	s31 =	sld [smem:$0x784]  }
0x29d: {  	[spmem:s2] =	stream.indirect.scatter.add.f32 [tilespmem:s23], [sflag:$0x4], $0x20, s0, s9, $0xb8;
	[tilespmem:$0x1F000] =	vst v63  }
0x29e: {  	s0 =	sld [smem:$0x785]  }
0x29f: {  	[spmem:s2] =	stream.indirect.scatter.add.f32 [tilespmem:s24], [sflag:$0x4], $0x20, s31, s9, $0xb8;
	[tilespmem:$0x1F000] =	vst v63  }
0x2a0: {  	s31 =	sld [smem:$0x786]  }
0x2a1: {  	[spmem:s2] =	stream.indirect.scatter.add.f32 [tilespmem:s25], [sflag:$0x4], $0x20, s0, s9, $0xb8;
	[tilespmem:$0x1F000] =	vst v63  }
0x2a2: {  	_ = 	snop  }
0x2a3: {  	[spmem:s2] =	stream.indirect.scatter.add.f32 [tilespmem:s26], [sflag:$0x4], $0x20, s31, s9, $0xb8;
	[tilespmem:$0x1F000] =	vst v63  }
0x2a4: {  	_ =	swait.ge [sflag:s30], $0x8000  }
0x2a5: {  	[sflag:s30] =	ssyncset.done $0x0  }
0x2a6: {  	[sflag:s30] =	ssyncadd.s32 $0xFFFF8000  }
0x2a7: {  	_ =	swait.ge [sflag:s18], $0x8000  }
0x2a8: {  	s0 =	sld [smem:$0x787]  }
0x2a9: {  	[sflag:s18] =	ssyncset.done $0x0  }
0x2aa: {  	s31 =	sld [smem:$0x788];
	[sflag:s18] =	ssyncadd.s32 $0xFFFF8000  }
0x2ab: {  	[tilespmem:s19], [sflag:$0x2] =	stream.indirect.gather [spmem:s3], $0x20, s0, s9, $0xb8;
	[tilespmem:$0x1F000] =	vst v63  }
0x2ac: {  	s0 =	sld [smem:$0x789]  }
0x2ad: {  	[tilespmem:s20], [sflag:$0x2] =	stream.indirect.gather [spmem:s3], $0x20, s31, s9, $0xb8;
	[tilespmem:$0x1F000] =	vst v63  }
0x2ae: {  	s31 =	sld [smem:$0x78A]  }
0x2af: {  	[tilespmem:s21], [sflag:$0x2] =	stream.indirect.gather [spmem:s3], $0x20, s0, s9, $0xb8;
	[tilespmem:$0x1F000] =	vst v63  }
0x2b0: {  	s0 =	sld [smem:$0x78B]  }
0x2b1: {  	[tilespmem:s22], [sflag:$0x2] =	stream.indirect.gather [spmem:s3], $0x20, s31, s9, $0xb8;
	[tilespmem:$0x1F000] =	vst v63  }
0x2b2: {  	s31 =	sld [smem:$0x78C]  }
0x2b3: {  	[tilespmem:s23], [sflag:$0x2] =	stream.indirect.gather [spmem:s3], $0x20, s0, s9, $0xb8;
	[tilespmem:$0x1F000] =	vst v63  }
0x2b4: {  	s0 =	sld [smem:$0x78D]  }
0x2b5: {  	[tilespmem:s24], [sflag:$0x2] =	stream.indirect.gather [spmem:s3], $0x20, s31, s9, $0xb8;
	[tilespmem:$0x1F000] =	vst v63  }
0x2b6: {  	s31 =	sld [smem:$0x78E]  }
0x2b7: {  	[tilespmem:s25], [sflag:$0x2] =	stream.indirect.gather [spmem:s3], $0x20, s0, s9, $0xb8;
	[tilespmem:$0x1F000] =	vst v63  }
0x2b8: {  	s0 =	sld [smem:$0x78F]  }
0x2b9: {  	[tilespmem:s26], [sflag:$0x2] =	stream.indirect.gather [spmem:s3], $0x20, s31, s9, $0xb8;
	[tilespmem:$0x1F000] =	vst v63  }
0x2ba: {  	s31 =	sld [smem:$0x790]  }
0x2bb: {  	[spmem:s2] =	stream.indirect.scatter.add.f32 [tilespmem:s10], [sflag:$0x3], $0x20, s0, s9, $0xb8;
	[tilespmem:$0x1F000] =	vst v63  }
0x2bc: {  	s0 =	sld [smem:$0x791]  }
0x2bd: {  	[spmem:s2] =	stream.indirect.scatter.add.f32 [tilespmem:s11], [sflag:$0x3], $0x20, s31, s9, $0xb8;
	[tilespmem:$0x1F000] =	vst v63  }
0x2be: {  	s31 =	sld [smem:$0x792]  }
0x2bf: {  	[spmem:s2] =	stream.indirect.scatter.add.f32 [tilespmem:s12], [sflag:$0x3], $0x20, s0, s9, $0xb8;
	[tilespmem:$0x1F000] =	vst v63  }
0x2c0: {  	s0 =	sld [smem:$0x793]  }
0x2c1: {  	[spmem:s2] =	stream.indirect.scatter.add.f32 [tilespmem:s13], [sflag:$0x3], $0x20, s31, s9, $0xb8;
	[tilespmem:$0x1F000] =	vst v63  }
0x2c2: {  	s31 =	sld [smem:$0x794]  }
0x2c3: {  	[spmem:s2] =	stream.indirect.scatter.add.f32 [tilespmem:s14], [sflag:$0x3], $0x20, s0, s9, $0xb8;
	[tilespmem:$0x1F000] =	vst v63  }
0x2c4: {  	s0 =	sld [smem:$0x795]  }
0x2c5: {  	[spmem:s2] =	stream.indirect.scatter.add.f32 [tilespmem:s15], [sflag:$0x3], $0x20, s31, s9, $0xb8;
	[tilespmem:$0x1F000] =	vst v63  }
0x2c6: {  	s31 =	sld [smem:$0x796]  }
0x2c7: {  	[spmem:s2] =	stream.indirect.scatter.add.f32 [tilespmem:s16], [sflag:$0x3], $0x20, s0, s9, $0xb8;
	[tilespmem:$0x1F000] =	vst v63  }
0x2c8: {  	_ = 	snop  }
0x2c9: {  	[spmem:s2] =	stream.indirect.scatter.add.f32 [tilespmem:s17], [sflag:$0x3], $0x20, s31, s9, $0xb8;
	[tilespmem:$0x1F000] =	vst v63  }
0x2ca: {  	_ =	swait.ge [sflag:s28], $0x8000  }
0x2cb: {  	[sflag:s28] =	ssyncset.done $0x0  }
0x2cc: {  	[sflag:s28] =	ssyncadd.s32 $0xFFFF8000  }
0x2cd: {  	_ =	swait.ge [sflag:s29], $0x8000  }
0x2ce: {  	s0 =	sld [smem:$0x797]  }
0x2cf: {  	[sflag:s29] =	ssyncset.done $0x0  }
0x2d0: {  	s31 =	sld [smem:$0x798];
	[sflag:s29] =	ssyncadd.s32 $0xFFFF8000  }
0x2d1: {  	[tilespmem:s10], [sflag:$0x1] =	stream.indirect.gather [spmem:s3], $0x20, s0, s9, $0xb8;
	[tilespmem:$0x1F000] =	vst v63  }
0x2d2: {  	s0 =	sld [smem:$0x799]  }
0x2d3: {  	[tilespmem:s11], [sflag:$0x1] =	stream.indirect.gather [spmem:s3], $0x20, s31, s9, $0xb8;
	[tilespmem:$0x1F000] =	vst v63  }
0x2d4: {  	s31 =	sld [smem:$0x79A]  }
0x2d5: {  	[tilespmem:s12], [sflag:$0x1] =	stream.indirect.gather [spmem:s3], $0x20, s0, s9, $0xb8;
	[tilespmem:$0x1F000] =	vst v63  }
0x2d6: {  	s0 =	sld [smem:$0x79B]  }
0x2d7: {  	[tilespmem:s13], [sflag:$0x1] =	stream.indirect.gather [spmem:s3], $0x20, s31, s9, $0xb8;
	[tilespmem:$0x1F000] =	vst v63  }
0x2d8: {  	s31 =	sld [smem:$0x79C]  }
0x2d9: {  	[tilespmem:s14], [sflag:$0x1] =	stream.indirect.gather [spmem:s3], $0x20, s0, s9, $0xb8;
	[tilespmem:$0x1F000] =	vst v63  }
0x2da: {  	s0 =	sld [smem:$0x79D]  }
0x2db: {  	[tilespmem:s15], [sflag:$0x1] =	stream.indirect.gather [spmem:s3], $0x20, s31, s9, $0xb8;
	[tilespmem:$0x1F000] =	vst v63  }
0x2dc: {  	s31 =	sld [smem:$0x79E]  }
0x2dd: {  	[tilespmem:s16], [sflag:$0x1] =	stream.indirect.gather [spmem:s3], $0x20, s0, s9, $0xb8;
	[tilespmem:$0x1F000] =	vst v63  }
0x2de: {  	s0 =	sld [smem:$0x79F]  }
0x2df: {  	[tilespmem:s17], [sflag:$0x1] =	stream.indirect.gather [spmem:s3], $0x20, s31, s9, $0xb8;
	[tilespmem:$0x1F000] =	vst v63  }
0x2e0: {  	s31 =	sld [smem:$0x7A0]  }
0x2e1: {  	[spmem:s2] =	stream.indirect.scatter.add.f32 [tilespmem:s19], [sflag:$0x4], $0x20, s0, s9, $0xb8;
	[tilespmem:$0x1F000] =	vst v63  }
0x2e2: {  	s0 =	sld [smem:$0x7A1]  }
0x2e3: {  	[spmem:s2] =	stream.indirect.scatter.add.f32 [tilespmem:s20], [sflag:$0x4], $0x20, s31, s9, $0xb8;
	[tilespmem:$0x1F000] =	vst v63  }
0x2e4: {  	s31 =	sld [smem:$0x7A2]  }
0x2e5: {  	[spmem:s2] =	stream.indirect.scatter.add.f32 [tilespmem:s21], [sflag:$0x4], $0x20, s0, s9, $0xb8;
	[tilespmem:$0x1F000] =	vst v63  }
0x2e6: {  	s0 =	sld [smem:$0x7A3]  }
0x2e7: {  	[spmem:s2] =	stream.indirect.scatter.add.f32 [tilespmem:s22], [sflag:$0x4], $0x20, s31, s9, $0xb8;
	[tilespmem:$0x1F000] =	vst v63  }
0x2e8: {  	s31 =	sld [smem:$0x7A4]  }
0x2e9: {  	[spmem:s2] =	stream.indirect.scatter.add.f32 [tilespmem:s23], [sflag:$0x4], $0x20, s0, s9, $0xb8;
	[tilespmem:$0x1F000] =	vst v63  }
0x2ea: {  	s0 =	sld [smem:$0x7A5]  }
0x2eb: {  	[spmem:s2] =	stream.indirect.scatter.add.f32 [tilespmem:s24], [sflag:$0x4], $0x20, s31, s9, $0xb8;
	[tilespmem:$0x1F000] =	vst v63  }
0x2ec: {  	s31 =	sld [smem:$0x7A6]  }
0x2ed: {  	[spmem:s2] =	stream.indirect.scatter.add.f32 [tilespmem:s25], [sflag:$0x4], $0x20, s0, s9, $0xb8;
	[tilespmem:$0x1F000] =	vst v63  }
0x2ee: {  	_ = 	snop  }
0x2ef: {  	[spmem:s2] =	stream.indirect.scatter.add.f32 [tilespmem:s26], [sflag:$0x4], $0x20, s31, s9, $0xb8;
	[tilespmem:$0x1F000] =	vst v63  }
0x2f0: {  	_ =	swait.ge [sflag:s30], $0x8000  }
0x2f1: {  	[sflag:s30] =	ssyncset.done $0x0  }
0x2f2: {  	[sflag:s30] =	ssyncadd.s32 $0xFFFF8000  }
0x2f3: {  	_ =	swait.ge [sflag:s18], $0x8000  }
0x2f4: {  	s0 =	sld [smem:$0x7A7]  }
0x2f5: {  	[sflag:s18] =	ssyncset.done $0x0  }
0x2f6: {  	s31 =	sld [smem:$0x7A8];
	[sflag:s18] =	ssyncadd.s32 $0xFFFF8000  }
0x2f7: {  	[tilespmem:s19], [sflag:$0x2] =	stream.indirect.gather [spmem:s3], $0x20, s0, s9, $0xb8;
	[tilespmem:$0x1F000] =	vst v63  }
0x2f8: {  	s0 =	sld [smem:$0x7A9]  }
0x2f9: {  	[tilespmem:s20], [sflag:$0x2] =	stream.indirect.gather [spmem:s3], $0x20, s31, s9, $0xb8;
	[tilespmem:$0x1F000] =	vst v63  }
0x2fa: {  	s31 =	sld [smem:$0x7AA]  }
0x2fb: {  	[tilespmem:s21], [sflag:$0x2] =	stream.indirect.gather [spmem:s3], $0x20, s0, s9, $0xb8;
	[tilespmem:$0x1F000] =	vst v63  }
0x2fc: {  	s0 =	sld [smem:$0x7AB]  }
0x2fd: {  	[tilespmem:s22], [sflag:$0x2] =	stream.indirect.gather [spmem:s3], $0x20, s31, s9, $0xb8;
	[tilespmem:$0x1F000] =	vst v63  }
0x2fe: {  	s31 =	sld [smem:$0x7AC]  }
0x2ff: {  	[tilespmem:s23], [sflag:$0x2] =	stream.indirect.gather [spmem:s3], $0x20, s0, s9, $0xb8;
	[tilespmem:$0x1F000] =	vst v63  }
0x300: {  	s0 =	sld [smem:$0x7AD]  }
0x301: {  	[tilespmem:s24], [sflag:$0x2] =	stream.indirect.gather [spmem:s3], $0x20, s31, s9, $0xb8;
	[tilespmem:$0x1F000] =	vst v63  }
0x302: {  	s31 =	sld [smem:$0x7AE]  }
0x303: {  	[tilespmem:s25], [sflag:$0x2] =	stream.indirect.gather [spmem:s3], $0x20, s0, s9, $0xb8;
	[tilespmem:$0x1F000] =	vst v63  }
0x304: {  	s0 =	sld [smem:$0x7AF]  }
0x305: {  	[tilespmem:s26], [sflag:$0x2] =	stream.indirect.gather [spmem:s3], $0x20, s31, s9, $0xb8;
	[tilespmem:$0x1F000] =	vst v63  }
0x306: {  	s31 =	sld [smem:$0x7B0]  }
0x307: {  	[spmem:s2] =	stream.indirect.scatter.add.f32 [tilespmem:s10], [sflag:$0x3], $0x20, s0, s9, $0xb8;
	[tilespmem:$0x1F000] =	vst v63  }
0x308: {  	s0 =	sld [smem:$0x7B1]  }
0x309: {  	[spmem:s2] =	stream.indirect.scatter.add.f32 [tilespmem:s11], [sflag:$0x3], $0x20, s31, s9, $0xb8;
	[tilespmem:$0x1F000] =	vst v63  }
0x30a: {  	s31 =	sld [smem:$0x7B2]  }
0x30b: {  	[spmem:s2] =	stream.indirect.scatter.add.f32 [tilespmem:s12], [sflag:$0x3], $0x20, s0, s9, $0xb8;
	[tilespmem:$0x1F000] =	vst v63  }
0x30c: {  	s0 =	sld [smem:$0x7B3]  }
0x30d: {  	[spmem:s2] =	stream.indirect.scatter.add.f32 [tilespmem:s13], [sflag:$0x3], $0x20, s31, s9, $0xb8;
	[tilespmem:$0x1F000] =	vst v63  }
0x30e: {  	s31 =	sld [smem:$0x7B4]  }
0x30f: {  	[spmem:s2] =	stream.indirect.scatter.add.f32 [tilespmem:s14], [sflag:$0x3], $0x20, s0, s9, $0xb8;
	[tilespmem:$0x1F000] =	vst v63  }
0x310: {  	s0 =	sld [smem:$0x7B5]  }
0x311: {  	[spmem:s2] =	stream.indirect.scatter.add.f32 [tilespmem:s15], [sflag:$0x3], $0x20, s31, s9, $0xb8;
	[tilespmem:$0x1F000] =	vst v63  }
0x312: {  	s31 =	sld [smem:$0x7B6]  }
0x313: {  	[spmem:s2] =	stream.indirect.scatter.add.f32 [tilespmem:s16], [sflag:$0x3], $0x20, s0, s9, $0xb8;
	[tilespmem:$0x1F000] =	vst v63  }
0x314: {  	_ = 	snop  }
0x315: {  	[spmem:s2] =	stream.indirect.scatter.add.f32 [tilespmem:s17], [sflag:$0x3], $0x20, s31, s9, $0xb8;
	[tilespmem:$0x1F000] =	vst v63  }
0x316: {  	_ =	swait.ge [sflag:s28], $0x8000  }
0x317: {  	[sflag:s28] =	ssyncset.done $0x0  }
0x318: {  	[sflag:s28] =	ssyncadd.s32 $0xFFFF8000  }
0x319: {  	_ =	swait.ge [sflag:s29], $0x8000  }
0x31a: {  	s0 =	sld [smem:$0x7B7]  }
0x31b: {  	[sflag:s29] =	ssyncset.done $0x0  }
0x31c: {  	s31 =	sld [smem:$0x7B8];
	[sflag:s29] =	ssyncadd.s32 $0xFFFF8000  }
0x31d: {  	[tilespmem:s10], [sflag:$0x1] =	stream.indirect.gather [spmem:s3], $0x20, s0, s9, $0xb8;
	[tilespmem:$0x1F000] =	vst v63  }
0x31e: {  	s0 =	sld [smem:$0x7B9]  }
0x31f: {  	[tilespmem:s11], [sflag:$0x1] =	stream.indirect.gather [spmem:s3], $0x20, s31, s9, $0xb8;
	[tilespmem:$0x1F000] =	vst v63  }
0x320: {  	s31 =	sld [smem:$0x7BA]  }
0x321: {  	[tilespmem:s12], [sflag:$0x1] =	stream.indirect.gather [spmem:s3], $0x20, s0, s9, $0xb8;
	[tilespmem:$0x1F000] =	vst v63  }
0x322: {  	s0 =	sld [smem:$0x7BB]  }
0x323: {  	[tilespmem:s13], [sflag:$0x1] =	stream.indirect.gather [spmem:s3], $0x20, s31, s9, $0xb8;
	[tilespmem:$0x1F000] =	vst v63  }
0x324: {  	s31 =	sld [smem:$0x7BC]  }
0x325: {  	[tilespmem:s14], [sflag:$0x1] =	stream.indirect.gather [spmem:s3], $0x20, s0, s9, $0xb8;
	[tilespmem:$0x1F000] =	vst v63  }
0x326: {  	s0 =	sld [smem:$0x7BD]  }
0x327: {  	[tilespmem:s15], [sflag:$0x1] =	stream.indirect.gather [spmem:s3], $0x20, s31, s9, $0xb8;
	[tilespmem:$0x1F000] =	vst v63  }
0x328: {  	s31 =	sld [smem:$0x7BE]  }
0x329: {  	[tilespmem:s16], [sflag:$0x1] =	stream.indirect.gather [spmem:s3], $0x20, s0, s9, $0xb8;
	[tilespmem:$0x1F000] =	vst v63  }
0x32a: {  	s0 =	sld [smem:$0x7BF]  }
0x32b: {  	[tilespmem:s17], [sflag:$0x1] =	stream.indirect.gather [spmem:s3], $0x20, s31, s9, $0xb8;
	[tilespmem:$0x1F000] =	vst v63  }
0x32c: {  	s31 =	sld [smem:$0x7C0]  }
0x32d: {  	[spmem:s2] =	stream.indirect.scatter.add.f32 [tilespmem:s19], [sflag:$0x4], $0x20, s0, s9, $0xb8;
	[tilespmem:$0x1F000] =	vst v63  }
0x32e: {  	s0 =	sld [smem:$0x7C1]  }
0x32f: {  	[spmem:s2] =	stream.indirect.scatter.add.f32 [tilespmem:s20], [sflag:$0x4], $0x20, s31, s9, $0xb8;
	[tilespmem:$0x1F000] =	vst v63  }
0x330: {  	s31 =	sld [smem:$0x7C2]  }
0x331: {  	[spmem:s2] =	stream.indirect.scatter.add.f32 [tilespmem:s21], [sflag:$0x4], $0x20, s0, s9, $0xb8;
	[tilespmem:$0x1F000] =	vst v63  }
0x332: {  	s0 =	sld [smem:$0x7C3]  }
0x333: {  	[spmem:s2] =	stream.indirect.scatter.add.f32 [tilespmem:s22], [sflag:$0x4], $0x20, s31, s9, $0xb8;
	[tilespmem:$0x1F000] =	vst v63  }
0x334: {  	s31 =	sld [smem:$0x7C4]  }
0x335: {  	[spmem:s2] =	stream.indirect.scatter.add.f32 [tilespmem:s23], [sflag:$0x4], $0x20, s0, s9, $0xb8;
	[tilespmem:$0x1F000] =	vst v63  }
0x336: {  	s0 =	sld [smem:$0x7C5]  }
0x337: {  	[spmem:s2] =	stream.indirect.scatter.add.f32 [tilespmem:s24], [sflag:$0x4], $0x20, s31, s9, $0xb8;
	[tilespmem:$0x1F000] =	vst v63  }
0x338: {  	s31 =	sld [smem:$0x7C6]  }
0x339: {  	[spmem:s2] =	stream.indirect.scatter.add.f32 [tilespmem:s25], [sflag:$0x4], $0x20, s0, s9, $0xb8;
	[tilespmem:$0x1F000] =	vst v63  }
0x33a: {  	_ = 	snop  }
0x33b: {  	[spmem:s2] =	stream.indirect.scatter.add.f32 [tilespmem:s26], [sflag:$0x4], $0x20, s31, s9, $0xb8;
	[tilespmem:$0x1F000] =	vst v63  }
0x33c: {  	_ =	swait.ge [sflag:s30], $0x8000  }
0x33d: {  	[sflag:s30] =	ssyncset.done $0x0  }
0x33e: {  	[sflag:s30] =	ssyncadd.s32 $0xFFFF8000  }
0x33f: {  	_ =	swait.ge [sflag:s18], $0x8000  }
0x340: {  	s0 =	sld [smem:$0x7C7]  }
0x341: {  	[sflag:s18] =	ssyncset.done $0x0  }
0x342: {  	s31 =	sld [smem:$0x7C8];
	[sflag:s18] =	ssyncadd.s32 $0xFFFF8000  }
0x343: {  	[tilespmem:s19], [sflag:$0x2] =	stream.indirect.gather [spmem:s3], $0x20, s0, s9, $0xb8;
	[tilespmem:$0x1F000] =	vst v63  }
0x344: {  	s0 =	sld [smem:$0x7C9]  }
0x345: {  	[tilespmem:s20], [sflag:$0x2] =	stream.indirect.gather [spmem:s3], $0x20, s31, s9, $0xb8;
	[tilespmem:$0x1F000] =	vst v63  }
0x346: {  	s31 =	sld [smem:$0x7CA]  }
0x347: {  	[tilespmem:s21], [sflag:$0x2] =	stream.indirect.gather [spmem:s3], $0x20, s0, s9, $0xb8;
	[tilespmem:$0x1F000] =	vst v63  }
0x348: {  	s0 =	sld [smem:$0x7CB]  }
0x349: {  	[tilespmem:s22], [sflag:$0x2] =	stream.indirect.gather [spmem:s3], $0x20, s31, s9, $0xb8;
	[tilespmem:$0x1F000] =	vst v63  }
0x34a: {  	s31 =	sld [smem:$0x7CC]  }
0x34b: {  	[tilespmem:s23], [sflag:$0x2] =	stream.indirect.gather [spmem:s3], $0x20, s0, s9, $0xb8;
	[tilespmem:$0x1F000] =	vst v63  }
0x34c: {  	s0 =	sld [smem:$0x7CD]  }
0x34d: {  	[tilespmem:s24], [sflag:$0x2] =	stream.indirect.gather [spmem:s3], $0x20, s31, s9, $0xb8;
	[tilespmem:$0x1F000] =	vst v63  }
0x34e: {  	s31 =	sld [smem:$0x7CE]  }
0x34f: {  	[tilespmem:s25], [sflag:$0x2] =	stream.indirect.gather [spmem:s3], $0x20, s0, s9, $0xb8;
	[tilespmem:$0x1F000] =	vst v63  }
0x350: {  	s0 =	sld [smem:$0x7CF]  }
0x351: {  	[tilespmem:s26], [sflag:$0x2] =	stream.indirect.gather [spmem:s3], $0x20, s31, s9, $0xb8;
	[tilespmem:$0x1F000] =	vst v63  }
0x352: {  	s31 =	sld [smem:$0x7D0]  }
0x353: {  	[spmem:s2] =	stream.indirect.scatter.add.f32 [tilespmem:s10], [sflag:$0x3], $0x20, s0, s9, $0xb8;
	[tilespmem:$0x1F000] =	vst v63  }
0x354: {  	s0 =	sld [smem:$0x7D1]  }
0x355: {  	[spmem:s2] =	stream.indirect.scatter.add.f32 [tilespmem:s11], [sflag:$0x3], $0x20, s31, s9, $0xb8;
	[tilespmem:$0x1F000] =	vst v63  }
0x356: {  	s31 =	sld [smem:$0x7D2]  }
0x357: {  	[spmem:s2] =	stream.indirect.scatter.add.f32 [tilespmem:s12], [sflag:$0x3], $0x20, s0, s9, $0xb8;
	[tilespmem:$0x1F000] =	vst v63  }
0x358: {  	s0 =	sld [smem:$0x7D3]  }
0x359: {  	[spmem:s2] =	stream.indirect.scatter.add.f32 [tilespmem:s13], [sflag:$0x3], $0x20, s31, s9, $0xb8;
	[tilespmem:$0x1F000] =	vst v63  }
0x35a: {  	s31 =	sld [smem:$0x7D4]  }
0x35b: {  	[spmem:s2] =	stream.indirect.scatter.add.f32 [tilespmem:s14], [sflag:$0x3], $0x20, s0, s9, $0xb8;
	[tilespmem:$0x1F000] =	vst v63  }
0x35c: {  	s0 =	sld [smem:$0x7D5]  }
0x35d: {  	[spmem:s2] =	stream.indirect.scatter.add.f32 [tilespmem:s15], [sflag:$0x3], $0x20, s31, s9, $0xb8;
	[tilespmem:$0x1F000] =	vst v63  }
0x35e: {  	s31 =	sld [smem:$0x7D6]  }
0x35f: {  	[spmem:s2] =	stream.indirect.scatter.add.f32 [tilespmem:s16], [sflag:$0x3], $0x20, s0, s9, $0xb8;
	[tilespmem:$0x1F000] =	vst v63  }
0x360: {  	_ = 	snop  }
0x361: {  	[spmem:s2] =	stream.indirect.scatter.add.f32 [tilespmem:s17], [sflag:$0x3], $0x20, s31, s9, $0xb8;
	[tilespmem:$0x1F000] =	vst v63  }
0x362: {  	_ =	swait.ge [sflag:s28], $0x8000  }
0x363: {  	[sflag:s28] =	ssyncset.done $0x0  }
0x364: {  	[sflag:s28] =	ssyncadd.s32 $0xFFFF8000  }
0x365: {  	_ =	swait.ge [sflag:s29], $0x8000  }
0x366: {  	s0 =	sld [smem:$0x7D7]  }
0x367: {  	[sflag:s29] =	ssyncset.done $0x0  }
0x368: {  	s31 =	sld [smem:$0x7D8];
	[sflag:s29] =	ssyncadd.s32 $0xFFFF8000  }
0x369: {  	[tilespmem:s10], [sflag:$0x1] =	stream.indirect.gather [spmem:s3], $0x20, s0, s9, $0xb8;
	[tilespmem:$0x1F000] =	vst v63  }
0x36a: {  	s0 =	sld [smem:$0x7D9]  }
0x36b: {  	[tilespmem:s11], [sflag:$0x1] =	stream.indirect.gather [spmem:s3], $0x20, s31, s9, $0xb8;
	[tilespmem:$0x1F000] =	vst v63  }
0x36c: {  	s31 =	sld [smem:$0x7DA]  }
0x36d: {  	[tilespmem:s12], [sflag:$0x1] =	stream.indirect.gather [spmem:s3], $0x20, s0, s9, $0xb8;
	[tilespmem:$0x1F000] =	vst v63  }
0x36e: {  	s0 =	sld [smem:$0x7DB]  }
0x36f: {  	[tilespmem:s13], [sflag:$0x1] =	stream.indirect.gather [spmem:s3], $0x20, s31, s9, $0xb8;
	[tilespmem:$0x1F000] =	vst v63  }
0x370: {  	s31 =	sld [smem:$0x7DC]  }
0x371: {  	[tilespmem:s14], [sflag:$0x1] =	stream.indirect.gather [spmem:s3], $0x20, s0, s9, $0xb8;
	[tilespmem:$0x1F000] =	vst v63  }
0x372: {  	s0 =	sld [smem:$0x7DD]  }
0x373: {  	[tilespmem:s15], [sflag:$0x1] =	stream.indirect.gather [spmem:s3], $0x20, s31, s9, $0xb8;
	[tilespmem:$0x1F000] =	vst v63  }
0x374: {  	s31 =	sld [smem:$0x7DE]  }
0x375: {  	[tilespmem:s16], [sflag:$0x1] =	stream.indirect.gather [spmem:s3], $0x20, s0, s9, $0xb8;
	[tilespmem:$0x1F000] =	vst v63  }
0x376: {  	s0 =	sld [smem:$0x7DF]  }
0x377: {  	[tilespmem:s17], [sflag:$0x1] =	stream.indirect.gather [spmem:s3], $0x20, s31, s9, $0xb8;
	[tilespmem:$0x1F000] =	vst v63  }
0x378: {  	s31 =	sld [smem:$0x7E0]  }
0x379: {  	[spmem:s2] =	stream.indirect.scatter.add.f32 [tilespmem:s19], [sflag:$0x4], $0x20, s0, s9, $0xb8;
	[tilespmem:$0x1F000] =	vst v63  }
0x37a: {  	s0 =	sld [smem:$0x7E1]  }
0x37b: {  	[spmem:s2] =	stream.indirect.scatter.add.f32 [tilespmem:s20], [sflag:$0x4], $0x20, s31, s9, $0xb8;
	[tilespmem:$0x1F000] =	vst v63  }
0x37c: {  	s31 =	sld [smem:$0x7E2]  }
0x37d: {  	[spmem:s2] =	stream.indirect.scatter.add.f32 [tilespmem:s21], [sflag:$0x4], $0x20, s0, s9, $0xb8;
	[tilespmem:$0x1F000] =	vst v63  }
0x37e: {  	s0 =	sld [smem:$0x7E3]  }
0x37f: {  	[spmem:s2] =	stream.indirect.scatter.add.f32 [tilespmem:s22], [sflag:$0x4], $0x20, s31, s9, $0xb8;
	[tilespmem:$0x1F000] =	vst v63  }
0x380: {  	s31 =	sld [smem:$0x7E4]  }
0x381: {  	[spmem:s2] =	stream.indirect.scatter.add.f32 [tilespmem:s23], [sflag:$0x4], $0x20, s0, s9, $0xb8;
	[tilespmem:$0x1F000] =	vst v63  }
0x382: {  	s0 =	sld [smem:$0x7E5]  }
0x383: {  	[spmem:s2] =	stream.indirect.scatter.add.f32 [tilespmem:s24], [sflag:$0x4], $0x20, s31, s9, $0xb8;
	[tilespmem:$0x1F000] =	vst v63  }
0x384: {  	s31 =	sld [smem:$0x7E6]  }
0x385: {  	[spmem:s2] =	stream.indirect.scatter.add.f32 [tilespmem:s25], [sflag:$0x4], $0x20, s0, s9, $0xb8;
	[tilespmem:$0x1F000] =	vst v63  }
0x386: {  	_ = 	snop  }
0x387: {  	[spmem:s2] =	stream.indirect.scatter.add.f32 [tilespmem:s26], [sflag:$0x4], $0x20, s31, s9, $0xb8;
	[tilespmem:$0x1F000] =	vst v63  }
0x388: {  	_ =	swait.ge [sflag:s30], $0x8000  }
0x389: {  	[sflag:s30] =	ssyncset.done $0x0  }
0x38a: {  	[sflag:s30] =	ssyncadd.s32 $0xFFFF8000  }
0x38b: {  	_ =	swait.ge [sflag:s18], $0x8000  }
0x38c: {  	s0 =	sld [smem:$0x7E7]  }
0x38d: {  	[sflag:s18] =	ssyncset.done $0x0  }
0x38e: {  	s31 =	sld [smem:$0x7E8];
	[sflag:s18] =	ssyncadd.s32 $0xFFFF8000  }
0x38f: {  	[tilespmem:s19], [sflag:$0x2] =	stream.indirect.gather [spmem:s3], $0x20, s0, s9, $0xb8;
	[tilespmem:$0x1F000] =	vst v63  }
0x390: {  	s0 =	sld [smem:$0x7E9]  }
0x391: {  	[tilespmem:s20], [sflag:$0x2] =	stream.indirect.gather [spmem:s3], $0x20, s31, s9, $0xb8;
	[tilespmem:$0x1F000] =	vst v63  }
0x392: {  	s31 =	sld [smem:$0x7EA]  }
0x393: {  	[tilespmem:s21], [sflag:$0x2] =	stream.indirect.gather [spmem:s3], $0x20, s0, s9, $0xb8;
	[tilespmem:$0x1F000] =	vst v63  }
0x394: {  	s0 =	sld [smem:$0x7EB]  }
0x395: {  	[tilespmem:s22], [sflag:$0x2] =	stream.indirect.gather [spmem:s3], $0x20, s31, s9, $0xb8;
	[tilespmem:$0x1F000] =	vst v63  }
0x396: {  	s31 =	sld [smem:$0x7EC]  }
0x397: {  	[tilespmem:s23], [sflag:$0x2] =	stream.indirect.gather [spmem:s3], $0x20, s0, s9, $0xb8;
	[tilespmem:$0x1F000] =	vst v63  }
0x398: {  	s0 =	sld [smem:$0x7ED]  }
0x399: {  	[tilespmem:s24], [sflag:$0x2] =	stream.indirect.gather [spmem:s3], $0x20, s31, s9, $0xb8;
	[tilespmem:$0x1F000] =	vst v63  }
0x39a: {  	s31 =	sld [smem:$0x7EE]  }
0x39b: {  	[tilespmem:s25], [sflag:$0x2] =	stream.indirect.gather [spmem:s3], $0x20, s0, s9, $0xb8;
	[tilespmem:$0x1F000] =	vst v63  }
0x39c: {  	s0 =	sld [smem:$0x7EF]  }
0x39d: {  	[tilespmem:s26], [sflag:$0x2] =	stream.indirect.gather [spmem:s3], $0x20, s31, s9, $0xb8;
	[tilespmem:$0x1F000] =	vst v63  }
0x39e: {  	s31 =	sld [smem:$0x7F0]  }
0x39f: {  	[spmem:s2] =	stream.indirect.scatter.add.f32 [tilespmem:s10], [sflag:$0x3], $0x20, s0, s9, $0xb8;
	[tilespmem:$0x1F000] =	vst v63  }
0x3a0: {  	s0 =	sld [smem:$0x7F1]  }
0x3a1: {  	[spmem:s2] =	stream.indirect.scatter.add.f32 [tilespmem:s11], [sflag:$0x3], $0x20, s31, s9, $0xb8;
	[tilespmem:$0x1F000] =	vst v63  }
0x3a2: {  	s31 =	sld [smem:$0x7F2]  }
0x3a3: {  	[spmem:s2] =	stream.indirect.scatter.add.f32 [tilespmem:s12], [sflag:$0x3], $0x20, s0, s9, $0xb8;
	[tilespmem:$0x1F000] =	vst v63  }
0x3a4: {  	s0 =	sld [smem:$0x7F3]  }
0x3a5: {  	[spmem:s2] =	stream.indirect.scatter.add.f32 [tilespmem:s13], [sflag:$0x3], $0x20, s31, s9, $0xb8;
	[tilespmem:$0x1F000] =	vst v63  }
0x3a6: {  	s31 =	sld [smem:$0x7F4]  }
0x3a7: {  	[spmem:s2] =	stream.indirect.scatter.add.f32 [tilespmem:s14], [sflag:$0x3], $0x20, s0, s9, $0xb8;
	[tilespmem:$0x1F000] =	vst v63  }
0x3a8: {  	s0 =	sld [smem:$0x7F5]  }
0x3a9: {  	[spmem:s2] =	stream.indirect.scatter.add.f32 [tilespmem:s15], [sflag:$0x3], $0x20, s31, s9, $0xb8;
	[tilespmem:$0x1F000] =	vst v63  }
0x3aa: {  	s31 =	sld [smem:$0x7F6]  }
0x3ab: {  	[spmem:s2] =	stream.indirect.scatter.add.f32 [tilespmem:s16], [sflag:$0x3], $0x20, s0, s9, $0xb8;
	[tilespmem:$0x1F000] =	vst v63  }
0x3ac: {  	_ = 	snop  }
0x3ad: {  	[spmem:s2] =	stream.indirect.scatter.add.f32 [tilespmem:s17], [sflag:$0x3], $0x20, s31, s9, $0xb8;
	[tilespmem:$0x1F000] =	vst v63  }
0x3ae: {  	_ =	swait.ge [sflag:s28], $0x8000  }
0x3af: {  	[sflag:s28] =	ssyncset.done $0x0  }
0x3b0: {  	[sflag:s28] =	ssyncadd.s32 $0xFFFF8000  }
0x3b1: {  	_ =	swait.ge [sflag:s29], $0x8000  }
0x3b2: {  	s0 =	sld [smem:$0x7F7]  }
0x3b3: {  	[sflag:s29] =	ssyncset.done $0x0  }
0x3b4: {  	s31 =	sld [smem:$0x7F8];
	[sflag:s29] =	ssyncadd.s32 $0xFFFF8000  }
0x3b5: {  	[spmem:s2] =	stream.indirect.scatter.add.f32 [tilespmem:s19], [sflag:$0x4], $0x20, s0, s9, $0xb8;
	[tilespmem:$0x1F000] =	vst v63  }
0x3b6: {  	s0 =	sld [smem:$0x7F9]  }
0x3b7: {  	[spmem:s2] =	stream.indirect.scatter.add.f32 [tilespmem:s20], [sflag:$0x4], $0x20, s31, s9, $0xb8;
	[tilespmem:$0x1F000] =	vst v63  }
0x3b8: {  	s31 =	sld [smem:$0x7FA]  }
0x3b9: {  	[spmem:s2] =	stream.indirect.scatter.add.f32 [tilespmem:s21], [sflag:$0x4], $0x20, s0, s9, $0xb8;
	[tilespmem:$0x1F000] =	vst v63  }
0x3ba: {  	s0 =	sld [smem:$0x7FB]  }
0x3bb: {  	[spmem:s2] =	stream.indirect.scatter.add.f32 [tilespmem:s22], [sflag:$0x4], $0x20, s31, s9, $0xb8;
	[tilespmem:$0x1F000] =	vst v63  }
0x3bc: {  	s31 =	sld [smem:$0x7FC]  }
0x3bd: {  	[spmem:s2] =	stream.indirect.scatter.add.f32 [tilespmem:s23], [sflag:$0x4], $0x20, s0, s9, $0xb8;
	[tilespmem:$0x1F000] =	vst v63  }
0x3be: {  	s0 =	sld [smem:$0x7FD]  }
0x3bf: {  	[spmem:s2] =	stream.indirect.scatter.add.f32 [tilespmem:s24], [sflag:$0x4], $0x20, s31, s9, $0xb8;
	[tilespmem:$0x1F000] =	vst v63  }
0x3c0: {  	_ = 	snop  }
0x3c1: {  	[spmem:s2] =	stream.indirect.scatter.add.f32 [tilespmem:s25], [sflag:$0x4], $0x20, s0, s9, $0xb8;
	[tilespmem:$0x1F000] =	vst v63  }
0x3c2: {  	s31 =	simm.s32 $0x4F80  }
0x3c3: {  	[spmem:s2] =	stream.indirect.scatter.add.f32 [tilespmem:s26], [sflag:$0x4], $0x20, s31, s9, $0xb8;
	[tilespmem:$0x1F000] =	vst v63  }
0x3c4: {  	p0 =	sne.s32 s1, $0x1;
	_ =	swait.ge [sflag:s30], $0x8000  }
.Ltmp1:
0x3c5: {  	[sflag:s30] =	ssyncset.done $0x0;
	(pc) =	sbr.rel @p0 .LBB2_1-.Ltmp1, $4  }
0x3c6: {  	[sflag:s30] =	ssyncadd.s32 $0xFFFF8000  }
0x3c7: {  	[bflag:$0x0] =	sbarrier.arrive $0xFFFF  }
0x3c8: {  	s1 =	sadd.s32 $0xFFFFFFFF, s1;
	s31 =	rddreg [dreg:$0x8]  }
0x3c9: {  	[hbm:s31], [sflag:s5] =	dma.local [spmem:s7], $0xA00  }
.LBB2_2:
0x3ca: {  	_ =	swait.ge [sflag:s6], $0xA00  }
0x3cb: {  	[sflag:s6] =	ssyncset.done $0x0  }
0x3cc: {  	[sflag:s6] =	ssyncadd.s32 $0xFFFFF600  }
0x3cd: {  	_ =	sfence.sel $0x180000  }
0x3ce: {  	[bflag:$0x0] =	sbarrier.arrive $0xFFFF  }
0x3cf: {  	_ =	strace $0x9000004A  }
0x3d0: {  	s0 =	stileid.u32;
	[bflag:$0x2] =	sbarrier.arrive $0xFFFF  }
0x3d1: {  	p0 =	sne.s32 s0, $0x0;
	s0 =	rddreg [dreg:$0x3]  }
0x3d2: {  	s0 =	sadd.s32 @!p0 $0x100000, s0  }
0x3d3: {  	[sflag:s0] =	ssyncadd.tile.s32 @!p0 $0x1;
	_ =	shalt  }
.Lfunc_end2:
_tile_overlayer_lowered:
.L_overlay_start_2:
0x3d4: {  	(tag) =	ssettag $0x2  }
0x3d5: {  	s0 =	rddreg [dreg:$0x0];
	s2 =	stileid.u32  }
0x3d6: {  	s1 =	rddreg [dreg:$0x1];
	p0 =	sne.s32 s2, $0x0  }
0x3d7: {  	s3 =	rddreg [dreg:$0x2];
	[bflag:$0x3] =	sbarrier.arrive $0xFFFF;
	s2 =	simm.s32 @!p0 $0x1C05  }
0x3d8: {  	[timem:s3], [sflag:s2] =	dma.local @!p0 [hbm:s0], s1  }
0x3d9: {  	s0 =	simm.s32 @!p0 $0x5  }
0x3da: {  	_ =	swait.ge @!p0 [sflag:s0], s1  }
0x3db: {  	s1 =	ssub.s32 @!p0 $0x0, s1;
	[sflag:s0] =	ssyncset.done @!p0 $0x0  }
0x3dc: {  	[sflag:s0] =	ssyncadd.s32 @!p0 s1  }
0x3dd: {  	[bflag:$0x3] =	sbarrier.arrive $0xFFFF  }
0x3de: {  	_ =	shalt  }

// kernel: kernel.15.cloned.1.call-start
scs
__scs_entry_jumppad:
0x0: {  	(pc) =	sbr.rel $0x88, $3  }
0x1: {  	(tag) =	ssettag $0x0;
	lr =	simm.s32 $0x1  }
0x2: {  	[smem:$0x3F95] =	sst lr;
	_ =	strace $0xD0000000  }
0x3: {  	_ = 	snop  }
0x4: {  	_ = 	snop  }
0x5: {  	_ = 	snop  }
0x6: {  	_ = 	snop  }
0x7: {  	_ = 	snop  }
__scs_overlays_trampoline_lowered:
0x8: {  	[smem:$0x3FA4] =	sst s0  }
0x9: {  	[smem:$0x3FA5] =	sst s1  }
0xa: {  	[smem:$0x3FA6] =	sst s2  }
0xb: {  	[smem:$0x3FA7] =	sst s3  }
0xc: {  	[smem:$0x3FA8] =	sst s4  }
0xd: {  	[smem:$0x3FA9] =	sst s5  }
0xe: {  	[smem:$0x3FAA] =	sst s6  }
0xf: {  	[smem:$0x3FAB] =	sst s7  }
0x10: {  	[smem:$0x3FAC] =	sst s8  }
0x11: {  	[smem:$0x3FAD] =	sst s9;
	s0 =	simm.s32 @!p0 $0x0  }
0x12: {  	s1 =	sld [smem:$0x3F93];
	s0 =	simm.s32 @p0 $0x1  }
0x13: {  	[smem:$0x3FAE] =	sst s0;
	s0 =	simm.s32 @!p1 $0x0  }
0x14: {  	s2 =	sld [smem:$0x3F92];
	s0 =	simm.s32 @p1 $0x1  }
0x15: {  	[smem:$0x3FAF] =	sst s0;
	s0 =	simm.s32 @!p2 $0x0  }
0x16: {  	s3 =	sld [smem:$0x3FDB];
	s0 =	simm.s32 @p2 $0x1  }
0x17: {  	s4 =	simm.s32 $0x1BF5;
	[smem:$0x3FB1] =	sst s0  }
0x18: {  	s0 =	sld [smem:$0x3F94];
	_ =	swait.ge [sflag:s4], $0x0  }
0x19: {  	s7 =	sld [smem:$0x3F95]  }
0x1a: {  	s8 =	sadd.s32 $0xFFFFE003, lr  }
0x1b: {  	s9 =	sadd.s32 $0xFFFFFEF7, lr;
	s5 =	simm.s32 $0xFFFFFFFF;
	p2 =	slt.u32 s8, $0xFFFFF086  }
0x1c: {  	p1 =	slt.u32 s9, $0xF7A;
	s5 =	simm.s32 @!p2 $0x0  }
0x1d: {  	s5 =	simm.s32 @p1 $0x1;
	p0 =	seq.s32 s7, s2  }
0x1e: {  	s7 =	smul.u32 @!p0 $0xF7A, s2;
	p2 =	seq.s32 @!p0 s5, $0x0  }
0x1f: {  	s9 =	smul.u32 $0xF7A, s1;
	s8 =	simm.s32 @!p0 $0x1BF5;
	p2 =	por !p2, p0  }
0x20: {  	[sflag:s8] =	ssyncset.s32 @!p0 $0xFFFFF086;
	s6 =	sadd.s32 @!p0 s3, s7;
	s7 =	simm.s32 @!p0 $0x108  }
0x21: {  	s3 =	sadd.s32 s3, s9;
	s6 =	sadd.s32 @!p0 $0x88, s6;
	s7 =	simm.s32 @p2 $0x1082  }
0x22: {  	[simem:s7], [sflag:s8] =	dma.local @!p0 [hbm:s6], $0xF7A  }
0x23: {  	s9 =	sor.u32 $0xD0000000, s2;
	s6 =	simm.s32 $0x108;
	_ =	swait.ge @!p0 [sflag:s8], $0x0  }
0x24: {  	s3 =	sadd.s32 $0x88, s3;
	s6 =	simm.s32 @!p1 $0x1082;
	[sflag:s4] =	ssyncset.s32 $0xFFFFF086  }
0x25: {  	[simem:s6], [sflag:s4] =	dma.local [hbm:s3], $0xF7A  }
0x26: {  	[smem:$0x3F95] =	sst s1;
	(tag) =	ssettag s2;
	_ =	strace s9  }
0x27: {  	s1 =	sld [smem:$0x3FA5]  }
0x28: {  	s2 =	sld [smem:$0x3FA6]  }
0x29: {  	s4 =	sld [smem:$0x3FA8]  }
0x2a: {  	p0 =	seq.s32 s5, $0x0;
	s5 =	sld [smem:$0x3FA9]  }
0x2b: {  	s6 =	sld [smem:$0x3FAA]  }
0x2c: {  	s7 =	sld [smem:$0x3FAB]  }
0x2d: {  	s3 =	simm.s32 $0x108;
	s8 =	sld [smem:$0x3FAC]  }
0x2e: {  	s3 =	simm.s32 @!p0 $0x1082;
	s9 =	sld [smem:$0x3FAD]  }
0x2f: {  	lr =	sadd.s32 s0, s3;
	s0 =	sld [smem:$0x3FA4]  }
0x30: {  	s3 =	sld [smem:$0x3FA7]  }
0x31: {  	[smem:$0x3FB0] =	sst s10  }
0x32: {  	s10 =	sld [smem:$0x3FAE];
	_ =	sdelay $0x3  }
0x33: {  	p0 =	seq.s32 s10, $0x1;
	s10 =	sld [smem:$0x3FB0];
	_ =	sdelay $0x3  }
0x34: {  	[smem:$0x3FB0] =	sst s10  }
0x35: {  	s10 =	sld [smem:$0x3FAF];
	_ =	sdelay $0x3  }
0x36: {  	p1 =	seq.s32 s10, $0x1;
	s10 =	sld [smem:$0x3FB0];
	_ =	sdelay $0x3  }
0x37: {  	[smem:$0x3FB0] =	sst s10  }
0x38: {  	s10 =	sld [smem:$0x3FB1]  }
0x39: {  	_ = 	snop;
	(pc) =	sbr.ind lr, $3  }
0x3a: {  	_ = 	snop  }
0x3b: {  	_ = 	snop  }
0x3c: {  	p2 =	seq.s32 s10, $0x1;
	s10 =	sld [smem:$0x3FB0]  }
0x3d: {  	_ =	shalt  }
0x3e: {  	_ =	shalt  }
0x3f: {  	_ =	shalt  }
0x40: {  	_ =	shalt  }
0x41: {  	_ =	shalt  }
0x42: {  	_ =	shalt  }
0x43: {  	_ =	shalt  }
0x44: {  	_ =	shalt  }
0x45: {  	_ =	shalt  }
0x46: {  	_ =	shalt  }
0x47: {  	_ =	shalt  }
0x48: {  	_ =	shalt  }
0x49: {  	_ =	shalt  }
0x4a: {  	_ =	shalt  }
0x4b: {  	_ =	shalt  }
0x4c: {  	_ =	shalt  }
0x4d: {  	_ =	shalt  }
0x4e: {  	_ =	shalt  }
0x4f: {  	_ =	shalt  }
0x50: {  	_ =	shalt  }
0x51: {  	_ =	shalt  }
0x52: {  	_ =	shalt  }
0x53: {  	_ =	shalt  }
0x54: {  	_ =	shalt  }
0x55: {  	_ =	shalt  }
0x56: {  	_ =	shalt  }
0x57: {  	_ =	shalt  }
0x58: {  	_ =	shalt  }
0x59: {  	_ =	shalt  }
0x5a: {  	_ =	shalt  }
0x5b: {  	_ =	shalt  }
0x5c: {  	_ =	shalt  }
0x5d: {  	_ =	shalt  }
0x5e: {  	_ =	shalt  }
0x5f: {  	_ =	shalt  }
0x60: {  	_ =	shalt  }
0x61: {  	_ =	shalt  }
0x62: {  	_ =	shalt  }
0x63: {  	_ =	shalt  }
0x64: {  	_ =	shalt  }
0x65: {  	_ =	shalt  }
0x66: {  	_ =	shalt  }
0x67: {  	_ =	shalt  }
0x68: {  	_ =	shalt  }
0x69: {  	_ =	shalt  }
0x6a: {  	_ =	shalt  }
0x6b: {  	_ =	shalt  }
0x6c: {  	_ =	shalt  }
0x6d: {  	_ =	shalt  }
0x6e: {  	_ =	shalt  }
0x6f: {  	_ =	shalt  }
0x70: {  	_ =	shalt  }
0x71: {  	_ =	shalt  }
0x72: {  	_ =	shalt  }
0x73: {  	_ =	shalt  }
0x74: {  	_ =	shalt  }
0x75: {  	_ =	shalt  }
0x76: {  	_ =	shalt  }
0x77: {  	_ =	shalt  }
0x78: {  	_ =	shalt  }
0x79: {  	_ =	shalt  }
0x7a: {  	_ =	shalt  }
0x7b: {  	_ =	shalt  }
0x7c: {  	_ =	shalt  }
0x7d: {  	_ =	shalt  }
0x7e: {  	_ =	shalt  }
0x7f: {  	_ =	shalt  }
0x80: {  	_ =	shalt  }
0x81: {  	_ =	shalt  }
0x82: {  	_ =	shalt  }
0x83: {  	_ =	shalt  }
0x84: {  	_ =	shalt  }
0x85: {  	_ =	shalt  }
0x86: {  	_ =	shalt  }
0x87: {  	_ =	shalt  }
.Lfunc_end0:
.L_simem_size_0:
called_computation.2_lowered:
.L_overlay_start_0:
0x88: {  	s2 =	sld [smem:$0x3FD9]  }
0x89: {  	s3 =	sld [smem:$0x3FFE];
	_ =	sdelay $0x1  }
0x8a: {  	s1 =	srdreg.scid  }
0x8b: {  	s0 =	sand.u32 $0x1, s1  }
0x8c: {  	s16 =	sshll.u32 s0, $0xA;
	s2 =	sadd.s32 s3, s2  }
0x8d: {  	s2 =	sadd.s32 s2, s16  }
0x8e: {  	[smem:$0x3FBC] =	sst s2  }
0x8f: {  	_ = 	snop  }
0x90: {  	(tm) =	ssettm $0x1  }
0x91: {  	s17 =	sld [smem:$0x3FFB];
	_ =	sdelay $0x3  }
0x92: {  	_ =	strace s17  }
0x93: {  	s2 =	sld [smem:$0x3FFC];
	_ =	sdelay $0x3  }
0x94: {  	_ =	strace s2  }
0x95: {  	s2 =	sld [smem:$0x3FFD];
	_ =	sdelay $0x3  }
0x96: {  	_ =	strace s2  }
0x97: {  	_ =	strace $0x8FFFFFFF  }
0x98: {  	s18 =	sld [smem:$0x3FDB];
	_ =	sdelay $0x1  }
0x99: {  	s19 =	simm.s32 $_scs_section_size  }
0x9a: {  	s4 =	simm.s32 $_size__tile_overlayer_lowered;
	s5 =	simm.s32 $_tile_overlayer_lowered  }
0x9b: {  	s22 =	simm.s32 $0x1BFF;
	s21 =	sshll.u32 s5, $0x1;
	s2 =	sadd.s32 s19, s18  }
0x9c: {  	s6 =	simm.s32 $0x0;
	s20 =	sshll.u32 s4, $0x1;
	s4 =	sadd.s32 s21, s2  }
0x9d: {  	[timem:s6], [sflag:s22] =	dma.local [hbm:s4], s20  }
0x9e: {  	_ =	swait.ge [sflag:s22], s20  }
0x9f: {  	s3 =	ssub.s32 $0x0, s20;
	[sflag:s22] =	ssyncset.done $0x0  }
0xa0: {  	[sflag:s22] =	ssyncadd.s32 s3;
	_ =	sdelay $0x1  }
0xa1: {  	s23 =	simm.s32 $0x1B8B  }
0xa2: {  	_ =	swait.ge [sflag:s23], $0x1  }
0xa3: {  	[sflag:s23] =	ssyncset.done $0x0  }
0xa4: {  	s25 =	simm.s32 $0x1B8E;
	s24 =	sld [smem:$0x3FFE];
	[sflag:s23] =	ssyncadd.s32 $0xFFFFFFFF  }
0xa5: {  	s26 =	simm.s32 $execute0_lowered;
	[smem:$0x3FD2] =	sst s25  }
0xa6: {  	s4 =	sshll.u32 s26, $0x1;
	_ =	strace $0x8000004C;
	[dreg:$0x1] =	wrdreg $0xFFFFFFFF  }
0xa7: {  	s28 =	simm.s32 $_size_execute0_lowered;
	s2 =	sadd.s32 s2, s4;
	[dreg:$0x0] =	wrdreg $0x0  }
0xa8: {  	s4 =	sshll.u32 s28, $0x1;
	[dreg:$0x2] =	wrdreg s2  }
0xa9: {  	[dreg:$0x3] =	wrdreg s4  }
0xaa: {  	[dreg:$0x4] =	wrdreg $0xC0  }
0xab: {  	_ =	task [dreg:s6], $0x5FFFF  }
0xac: {  	[dreg:$0x1] =	wrdreg $0xFFFFFFFF  }
0xad: {  	[dreg:$0x0] =	wrdreg $0x60  }
0xae: {  	[dreg:$0x2] =	wrdreg s24  }
0xaf: {  	[dreg:$0x3] =	wrdreg $0x1A0000  }
0xb0: {  	[dreg:$0x4] =	wrdreg $0x150000  }
0xb1: {  	[dreg:$0x5] =	wrdreg $0x9  }
0xb2: {  	_ =	task.clear_ibuf [dreg:s6], $0x6FFFF;
	_ =	strace $0x9000004C  }
0xb3: {  	s29 =	simm.s32 $0x9;
	_ =	strace $0x8000004E  }
0xb4: {  	_ =	swait.ge [sflag:s29], $0x1  }
0xb5: {  	[sflag:s29] =	ssyncadd.s32 $0xFFFFFFFF  }
0xb6: {  	_ =	strace $0x9000004E  }
0xb7: {  	_ =	sfence  }
0xb8: {  	s30 =	sld [smem:$0x0];
	_ =	sdelay $0x2  }
0xb9: {  	s31 =	sshll.u32 s1, $0xD;
	s1 =	sshrl.u32 s1, $0x2  }
0xba: {  	s3 =	sand.u32 $0x4000, s31;
	s1 =	sadd.s32 s1, s30  }
0xbb: {  	s0 =	sor.u32 s3, s0;
	s1 =	sshll.u32 s1, $0x11  }
0xbc: {  	s0 =	sor.u32 s1, s0  }
0xbd: {  	s0 =	sadd.s32 $0x8F2B, s0  }
0xbe: {  	[sflag:s0] =	ssyncadd.remote.s32 $0x1  }
0xbf: {  	_ =	sfence.sel $0xFFFF  }
0xc0: {  	[dreg:$0x0] =	wrdreg $0xFFFFFFFF;
	(pc) =	sbr.abs _section_cstart, $3  }
0xc1: {  	[dreg:$0x1] =	wrdreg $0xFFFFFFFF  }
0xc2: {  	_ =	task.clear_ibuf [dreg:s6], $0x2FFFF;
	_ =	strace $0x9FFFFFFF  }
0xc3: {  	(tm) =	ssettm $0x7FFFFFFF  }
tec
execute0_lowered:
.L_overlay_start_1:
0x0: {  	(tag) =	ssettag $0x1  }
0x1: {  	s6 =	rddreg [dreg:$0x0]  }
0x2: {  	s0 =	stileid.u32;
	s1 =	srdreg.scid  }
0x3: {  	s2 =	rddreg [dreg:$0x1];
	s1 =	sand.u32 $0x1, s1;
	s4 =	sshll.u32 s0, $0x1  }
0x4: {  	s3 =	rddreg [dreg:$0x2];
	s7 =	sor.u32 s1, s4;
	s4 =	simm.s32 $0x0  }
0x5: {  	s12 =	simm.s32 $0x100;
	[smem:$0x7FF] =	sst s4  }
0x6: {  	s13 =	simm.s32 $0x180;
	_ =	strace $0x8000004D;
	[dreg:$0xa] =	wrdreg s12  }
0x7: {  	s14 =	simm.s32 $0x200;
	[dreg:$0xb] =	wrdreg s13  }
0x8: {  	s15 =	simm.s32 $0x280;
	[dreg:$0xc] =	wrdreg s14  }
0x9: {  	s16 =	simm.s32 $0x300;
	[dreg:$0xd] =	wrdreg s15  }
0xa: {  	s17 =	simm.s32 $0x380;
	[dreg:$0xe] =	wrdreg s16  }
0xb: {  	s18 =	simm.s32 $0x400;
	[dreg:$0xf] =	wrdreg s17  }
0xc: {  	s19 =	simm.s32 $0x480;
	[dreg:$0x10] =	wrdreg s18  }
0xd: {  	s20 =	simm.s32 $0x500;
	[dreg:$0x11] =	wrdreg s19  }
0xe: {  	s21 =	simm.s32 $0x580;
	[dreg:$0x12] =	wrdreg s20  }
0xf: {  	s22 =	simm.s32 $0x600;
	[dreg:$0x13] =	wrdreg s21  }
0x10: {  	s23 =	simm.s32 $0x680;
	[dreg:$0x14] =	wrdreg s22  }
0x11: {  	s24 =	simm.s32 $0x700;
	[dreg:$0x15] =	wrdreg s23  }
0x12: {  	s25 =	simm.s32 $0x780;
	[dreg:$0x16] =	wrdreg s24  }
0x13: {  	s26 =	simm.s32 $0x2880;
	[dreg:$0x17] =	wrdreg s25  }
0x14: {  	[dreg:$0x18] =	wrdreg s26;
	s12 =	simm.s32 $0x800  }
0x15: {  	s13 =	simm.s32 $0x880;
	[dreg:$0x1f] =	wrdreg s12  }
0x16: {  	s5 =	smul.u32 $0x5000, s0;
	s14 =	simm.s32 $0x900;
	[smem:$0x778] =	sst s13  }
0x17: {  	s15 =	simm.s32 $0x980;
	[smem:$0x779] =	sst s14  }
0x18: {  	s8 =	sshrl.u32 s5, $0x3;
	s16 =	simm.s32 $0xA00;
	[smem:$0x77A] =	sst s15  }
0x19: {  	s7 =	smul.u32 $0x500, s7;
	s17 =	simm.s32 $0xA80;
	[smem:$0x77B] =	sst s16  }
0x1a: {  	s8 =	sadd.s32 s8, s6;
	s18 =	simm.s32 $0xB00;
	[smem:$0x77C] =	sst s17  }
0x1b: {  	s9 =	smul.u32 $0x50000, s1;
	s10 =	sadd.s32 $0x49C00, s8;
	[smem:$0x77D] =	sst s18  }
0x1c: {  	s7 =	sadd.s32 s7, s6;
	s8 =	sadd.s32 $0x3FC00, s8;
	[dreg:$0x4] =	wrdreg s10  }
0x1d: {  	[dreg:$0x5] =	wrdreg s8;
	s31 =	sadd.s32 $0xDC00, s7  }
0x1e: {  	s9 =	sadd.s32 s5, s9;
	s7 =	sadd.s32 $0x2A00, s7;
	[dreg:$0x6] =	wrdreg s31  }
0x1f: {  	s9 =	sshrl.u32 s9, $0x3;
	s8 =	simm.s32 $0x2A00;
	[dreg:$0x7] =	wrdreg s7  }
0x20: {  	s6 =	sadd.s32 s9, s6;
	s9 =	simm.s32 $0x2A80;
	[dreg:$0x1b] =	wrdreg s8  }
0x21: {  	s10 =	sadd.s32 s5, s3;
	s6 =	sadd.s32 $0x53C00, s6;
	[dreg:$0x1c] =	wrdreg s9  }
0x22: {  	s11 =	sshrl.u32 s10, $0x3;
	[dreg:$0x8] =	wrdreg s6  }
0x23: {  	s31 =	simm.s32 $0x2900;
	[dreg:$0x9] =	wrdreg s11  }
0x24: {  	s7 =	simm.s32 $0x2980;
	[dreg:$0x19] =	wrdreg s31  }
0x25: {  	s10 =	simm.s32 $0x2B00;
	[dreg:$0x1a] =	wrdreg s7  }
0x26: {  	[dreg:$0x1d] =	wrdreg s10;
	s11 =	simm.s32 $0x2B80  }
0x27: {  	s19 =	simm.s32 $0xB80;
	[dreg:$0x1e] =	wrdreg s11  }
0x28: {  	s20 =	simm.s32 $0x2C00;
	[smem:$0x77E] =	sst s19  }
0x29: {  	s21 =	simm.s32 $0x2C80;
	[smem:$0x77F] =	sst s20  }
0x2a: {  	s22 =	simm.s32 $0x2D00;
	[smem:$0x780] =	sst s21  }
0x2b: {  	s23 =	simm.s32 $0x2D80;
	[smem:$0x781] =	sst s22  }
0x2c: {  	s24 =	simm.s32 $0x2E00;
	[smem:$0x782] =	sst s23  }
0x2d: {  	s25 =	simm.s32 $0x2E80;
	[smem:$0x783] =	sst s24  }
0x2e: {  	s26 =	simm.s32 $0x2F00;
	[smem:$0x784] =	sst s25  }
0x2f: {  	s31 =	simm.s32 $0x2F80;
	[smem:$0x785] =	sst s26  }
0x30: {  	s7 =	simm.s32 $0xC00;
	[smem:$0x786] =	sst s31  }
0x31: {  	s8 =	simm.s32 $0xC80;
	[smem:$0x787] =	sst s7  }
0x32: {  	s9 =	simm.s32 $0xD00;
	[smem:$0x788] =	sst s8  }
0x33: {  	s10 =	simm.s32 $0xD80;
	[smem:$0x789] =	sst s9  }
0x34: {  	s12 =	simm.s32 $0xE80;
	[smem:$0x78A] =	sst s10  }
0x35: {  	s13 =	simm.s32 $0xF00;
	[smem:$0x78C] =	sst s12  }
0x36: {  	s14 =	simm.s32 $0xF80;
	[smem:$0x78D] =	sst s13  }
0x37: {  	s15 =	simm.s32 $0x3000;
	[smem:$0x78E] =	sst s14  }
0x38: {  	s16 =	simm.s32 $0x3080;
	[smem:$0x78F] =	sst s15  }
0x39: {  	s17 =	simm.s32 $0x3100;
	[smem:$0x790] =	sst s16  }
0x3a: {  	s18 =	simm.s32 $0x3180;
	[smem:$0x791] =	sst s17  }
0x3b: {  	s11 =	simm.s32 $0xE00;
	[smem:$0x792] =	sst s18  }
0x3c: {  	s19 =	simm.s32 $0x3200;
	[smem:$0x78B] =	sst s11  }
0x3d: {  	s20 =	simm.s32 $0x3280;
	[smem:$0x793] =	sst s19  }
0x3e: {  	s21 =	simm.s32 $0x3300;
	[smem:$0x794] =	sst s20  }
0x3f: {  	s22 =	simm.s32 $0x3380;
	[smem:$0x795] =	sst s21  }
0x40: {  	s23 =	simm.s32 $0x1000;
	[smem:$0x796] =	sst s22  }
0x41: {  	s24 =	simm.s32 $0x1080;
	[smem:$0x797] =	sst s23  }
0x42: {  	s25 =	simm.s32 $0x1100;
	[smem:$0x798] =	sst s24  }
0x43: {  	s26 =	simm.s32 $0x1180;
	[smem:$0x799] =	sst s25  }
0x44: {  	s31 =	simm.s32 $0x1200;
	[smem:$0x79A] =	sst s26  }
0x45: {  	s7 =	simm.s32 $0x1280;
	[smem:$0x79B] =	sst s31  }
0x46: {  	s8 =	simm.s32 $0x1300;
	[smem:$0x79C] =	sst s7  }
0x47: {  	s9 =	simm.s32 $0x1380;
	[smem:$0x79D] =	sst s8  }
0x48: {  	s10 =	simm.s32 $0x3400;
	[smem:$0x79E] =	sst s9  }
0x49: {  	s12 =	simm.s32 $0x3500;
	[smem:$0x79F] =	sst s10  }
0x4a: {  	s13 =	simm.s32 $0x3580;
	[smem:$0x7A1] =	sst s12  }
0x4b: {  	s14 =	simm.s32 $0x3600;
	[smem:$0x7A2] =	sst s13  }
0x4c: {  	s15 =	simm.s32 $0x3680;
	[smem:$0x7A3] =	sst s14  }
0x4d: {  	s16 =	simm.s32 $0x3700;
	[smem:$0x7A4] =	sst s15  }
0x4e: {  	s17 =	simm.s32 $0x3780;
	[smem:$0x7A5] =	sst s16  }
0x4f: {  	s18 =	simm.s32 $0x1400;
	[smem:$0x7A6] =	sst s17  }
0x50: {  	s11 =	simm.s32 $0x3480;
	[smem:$0x7A7] =	sst s18  }
0x51: {  	s19 =	simm.s32 $0x1480;
	[smem:$0x7A0] =	sst s11  }
0x52: {  	s20 =	simm.s32 $0x1500;
	[smem:$0x7A8] =	sst s19  }
0x53: {  	s21 =	simm.s32 $0x1580;
	[smem:$0x7A9] =	sst s20  }
0x54: {  	s22 =	simm.s32 $0x1600;
	[smem:$0x7AA] =	sst s21  }
0x55: {  	s23 =	simm.s32 $0x1680;
	[smem:$0x7AB] =	sst s22  }
0x56: {  	s24 =	simm.s32 $0x1700;
	[smem:$0x7AC] =	sst s23  }
0x57: {  	s25 =	simm.s32 $0x1780;
	[smem:$0x7AD] =	sst s24  }
0x58: {  	s26 =	simm.s32 $0x3800;
	[smem:$0x7AE] =	sst s25  }
0x59: {  	s31 =	simm.s32 $0x3880;
	[smem:$0x7AF] =	sst s26  }
0x5a: {  	s7 =	simm.s32 $0x3900;
	[smem:$0x7B0] =	sst s31  }
0x5b: {  	s8 =	simm.s32 $0x3980;
	[smem:$0x7B1] =	sst s7  }
0x5c: {  	s9 =	simm.s32 $0x3A00;
	[smem:$0x7B2] =	sst s8  }
0x5d: {  	s10 =	simm.s32 $0x3A80;
	[smem:$0x7B3] =	sst s9  }
0x5e: {  	s12 =	simm.s32 $0x3B80;
	[smem:$0x7B4] =	sst s10  }
0x5f: {  	s13 =	simm.s32 $0x1800;
	[smem:$0x7B6] =	sst s12  }
0x60: {  	s14 =	simm.s32 $0x1880;
	[smem:$0x7B7] =	sst s13  }
0x61: {  	s15 =	simm.s32 $0x1900;
	[smem:$0x7B8] =	sst s14  }
0x62: {  	s16 =	simm.s32 $0x1980;
	[smem:$0x7B9] =	sst s15  }
0x63: {  	s17 =	simm.s32 $0x1A00;
	[smem:$0x7BA] =	sst s16  }
0x64: {  	s18 =	simm.s32 $0x1A80;
	[smem:$0x7BB] =	sst s17  }
0x65: {  	s11 =	simm.s32 $0x3B00;
	[smem:$0x7BC] =	sst s18  }
0x66: {  	s19 =	simm.s32 $0x1B00;
	[smem:$0x7B5] =	sst s11  }
0x67: {  	s20 =	simm.s32 $0x1B80;
	[smem:$0x7BD] =	sst s19  }
0x68: {  	s21 =	simm.s32 $0x3C00;
	[smem:$0x7BE] =	sst s20  }
0x69: {  	s22 =	simm.s32 $0x3C80;
	[smem:$0x7BF] =	sst s21  }
0x6a: {  	s23 =	simm.s32 $0x3D00;
	[smem:$0x7C0] =	sst s22  }
0x6b: {  	s24 =	simm.s32 $0x3D80;
	[smem:$0x7C1] =	sst s23  }
0x6c: {  	s25 =	simm.s32 $0x3E00;
	[smem:$0x7C2] =	sst s24  }
0x6d: {  	s26 =	simm.s32 $0x3E80;
	[smem:$0x7C3] =	sst s25  }
0x6e: {  	s31 =	simm.s32 $0x3F00;
	[smem:$0x7C4] =	sst s26  }
0x6f: {  	s7 =	simm.s32 $0x3F80;
	[smem:$0x7C5] =	sst s31  }
0x70: {  	s8 =	simm.s32 $0x1C00;
	[smem:$0x7C6] =	sst s7  }
0x71: {  	s9 =	simm.s32 $0x1C80;
	[smem:$0x7C7] =	sst s8  }
0x72: {  	s10 =	simm.s32 $0x1D00;
	[smem:$0x7C8] =	sst s9  }
0x73: {  	s12 =	simm.s32 $0x1E00;
	[smem:$0x7C9] =	sst s10  }
0x74: {  	s13 =	simm.s32 $0x1E80;
	[smem:$0x7CB] =	sst s12  }
0x75: {  	s14 =	simm.s32 $0x1F00;
	[smem:$0x7CC] =	sst s13  }
0x76: {  	s15 =	simm.s32 $0x1F80;
	[smem:$0x7CD] =	sst s14  }
0x77: {  	s16 =	simm.s32 $0x4000;
	[smem:$0x7CE] =	sst s15  }
0x78: {  	s17 =	simm.s32 $0x4080;
	[smem:$0x7CF] =	sst s16  }
0x79: {  	s18 =	simm.s32 $0x4100;
	[smem:$0x7D0] =	sst s17  }
0x7a: {  	s11 =	simm.s32 $0x1D80;
	[smem:$0x7D1] =	sst s18  }
0x7b: {  	s19 =	simm.s32 $0x4180;
	[smem:$0x7CA] =	sst s11  }
0x7c: {  	s20 =	simm.s32 $0x4200;
	[smem:$0x7D2] =	sst s19  }
0x7d: {  	s21 =	simm.s32 $0x4280;
	[smem:$0x7D3] =	sst s20  }
0x7e: {  	s22 =	simm.s32 $0x4300;
	[smem:$0x7D4] =	sst s21  }
0x7f: {  	s23 =	simm.s32 $0x4380;
	[smem:$0x7D5] =	sst s22  }
0x80: {  	s24 =	simm.s32 $0x2000;
	[smem:$0x7D6] =	sst s23  }
0x81: {  	s25 =	simm.s32 $0x2080;
	[smem:$0x7D7] =	sst s24  }
0x82: {  	s26 =	simm.s32 $0x2100;
	[smem:$0x7D8] =	sst s25  }
0x83: {  	s31 =	simm.s32 $0x2180;
	[smem:$0x7D9] =	sst s26  }
0x84: {  	s7 =	simm.s32 $0x2200;
	[smem:$0x7DA] =	sst s31  }
0x85: {  	s8 =	simm.s32 $0x2280;
	[smem:$0x7DB] =	sst s7  }
0x86: {  	s9 =	simm.s32 $0x2300;
	[smem:$0x7DC] =	sst s8  }
0x87: {  	s10 =	simm.s32 $0x2380;
	[smem:$0x7DD] =	sst s9  }
0x88: {  	s12 =	simm.s32 $0x4480;
	[smem:$0x7DE] =	sst s10  }
0x89: {  	s13 =	simm.s32 $0x4500;
	[smem:$0x7E0] =	sst s12  }
0x8a: {  	s14 =	simm.s32 $0x4580;
	[smem:$0x7E1] =	sst s13  }
0x8b: {  	s15 =	simm.s32 $0x4600;
	[smem:$0x7E2] =	sst s14  }
0x8c: {  	s16 =	simm.s32 $0x4680;
	[smem:$0x7E3] =	sst s15  }
0x8d: {  	s17 =	simm.s32 $0x4700;
	[smem:$0x7E4] =	sst s16  }
0x8e: {  	s18 =	simm.s32 $0x4780;
	[smem:$0x7E5] =	sst s17  }
0x8f: {  	s11 =	simm.s32 $0x4400;
	[smem:$0x7E6] =	sst s18  }
0x90: {  	s19 =	simm.s32 $0x2400;
	[smem:$0x7DF] =	sst s11  }
0x91: {  	s20 =	simm.s32 $0x2480;
	[smem:$0x7E7] =	sst s19  }
0x92: {  	s21 =	simm.s32 $0x2500;
	[smem:$0x7E8] =	sst s20  }
0x93: {  	s22 =	simm.s32 $0x2580;
	[smem:$0x7E9] =	sst s21  }
0x94: {  	s23 =	simm.s32 $0x2600;
	[smem:$0x7EA] =	sst s22  }
0x95: {  	s24 =	simm.s32 $0x2680;
	[smem:$0x7EB] =	sst s23  }
0x96: {  	s25 =	simm.s32 $0x2700;
	[smem:$0x7EC] =	sst s24  }
0x97: {  	s26 =	simm.s32 $0x2780;
	[smem:$0x7ED] =	sst s25  }
0x98: {  	s31 =	simm.s32 $0x4800;
	[smem:$0x7EE] =	sst s26  }
0x99: {  	s7 =	simm.s32 $0x4880;
	[smem:$0x7EF] =	sst s31  }
0x9a: {  	s8 =	simm.s32 $0x4900;
	[smem:$0x7F0] =	sst s7  }
0x9b: {  	s9 =	simm.s32 $0x4980;
	[smem:$0x7F1] =	sst s8  }
0x9c: {  	s10 =	simm.s32 $0x4A00;
	[smem:$0x7F2] =	sst s9  }
0x9d: {  	s12 =	simm.s32 $0x4B00;
	[smem:$0x7F3] =	sst s10  }
0x9e: {  	s13 =	simm.s32 $0x4B80;
	[smem:$0x7F5] =	sst s12  }
0x9f: {  	s14 =	simm.s32 $0x4C00;
	[smem:$0x7F6] =	sst s13  }
0xa0: {  	s15 =	simm.s32 $0x4C80;
	[smem:$0x7F7] =	sst s14  }
0xa1: {  	s16 =	simm.s32 $0x4D00;
	[smem:$0x7F8] =	sst s15  }
0xa2: {  	s17 =	simm.s32 $0x4D80;
	[smem:$0x7F9] =	sst s16  }
0xa3: {  	s18 =	simm.s32 $0x4E00;
	[smem:$0x7FA] =	sst s17  }
0xa4: {  	[smem:$0x7FB] =	sst s18  }
0xa5: {  	s6 =	simm.s32 $0x5;
	s11 =	simm.s32 $0x4A80;
	s22 =	rddreg [dreg:$0x4]  }
0xa6: {  	s19 =	sadd.s32 s5, s2;
	s21 =	simm.s32 $0x4E80;
	[smem:$0x7F4] =	sst s11  }
0xa7: {  	s20 =	sshll.u32 s0, $0x6;
	s23 =	simm.s32 $0x4F00;
	[smem:$0x7FC] =	sst s21  }
0xa8: {  	s5 =	sor.u32 $0x1C05, s20;
	s7 =	sshrl.u32 s19, $0x3;
	[smem:$0x7FD] =	sst s23  }
0xa9: {  	[spmem:s7], [sflag:s5] =	dma.local [hbm:s22], $0xA00  }
0xaa: {  	_ =	swait.ge [sflag:s6], $0xA00  }
0xab: {  	s24 =	rddreg [dreg:$0x5];
	[sflag:s6] =	ssyncset.done $0x0  }
0xac: {  	s25 =	rddreg [dreg:$0x9];
	[sflag:s6] =	ssyncadd.s32 $0xFFFFF600  }
0xad: {  	[spmem:s25], [sflag:s5] =	dma.local [hbm:s24], $0xA00  }
0xae: {  	_ =	swait.ge [sflag:s6], $0xA00  }
0xaf: {  	[sflag:s6] =	ssyncset.done $0x0  }
0xb0: {  	s26 =	rddreg [dreg:$0x6];
	[sflag:s6] =	ssyncadd.s32 $0xFFFFF600  }
0xb1: {  	[tilespmem:s4], [sflag:$0x5] =	stream.linear.gather [hbm4b:s26+s4], $0x2800, $0x38;
	[tilespmem:$0x1F000] =	vst v63  }
0xb2: {  	_ =	swait.ge [sflag:s6], $0x2800  }
0xb3: {  	[sflag:s6] =	ssyncset.done $0x0  }
0xb4: {  	s8 =	simm.s32 $0x2800;
	s31 =	rddreg [dreg:$0x7];
	[sflag:s6] =	ssyncadd.s32 $0xFFFFD800  }
0xb5: {  	[tilespmem:s8], [sflag:$0x5] =	stream.linear.gather [hbm4b:s31+s4], $0x2800, $0x38;
	[tilespmem:$0x1F000] =	vst v63  }
0xb6: {  	_ =	swait.ge [sflag:s6], $0x2800  }
0xb7: {  	[sflag:s6] =	ssyncset.done $0x0  }
0xb8: {  	[sflag:s6] =	ssyncadd.s32 $0xFFFFD800  }
0xb9: {  	s9 =	simm.s32 $0x80;
	s10 =	simm.s32 $0x5000;
	[bflag:$0x0] =	sbarrier.arrive $0xFFFF  }
0xba: {  	[tilespmem:s10], [sflag:$0x1] =	stream.indirect.gather [spmem:s3], $0x20, s4, s9, $0xb8;
	[tilespmem:$0x1F000] =	vst v63  }
0xbb: {  	s11 =	simm.s32 $0x6000  }
0xbc: {  	[tilespmem:s11], [sflag:$0x1] =	stream.indirect.gather [spmem:s3], $0x20, s9, s9, $0xb8;
	[tilespmem:$0x1F000] =	vst v63  }
0xbd: {  	s12 =	simm.s32 $0x7000;
	s13 =	rddreg [dreg:$0xa]  }
0xbe: {  	[tilespmem:s12], [sflag:$0x1] =	stream.indirect.gather [spmem:s3], $0x20, s13, s9, $0xb8;
	[tilespmem:$0x1F000] =	vst v63  }
0xbf: {  	s14 =	rddreg [dreg:$0xb];
	s13 =	simm.s32 $0x8000  }
0xc0: {  	[tilespmem:s13], [sflag:$0x1] =	stream.indirect.gather [spmem:s3], $0x20, s14, s9, $0xb8;
	[tilespmem:$0x1F000] =	vst v63  }
0xc1: {  	s15 =	rddreg [dreg:$0xc];
	s14 =	simm.s32 $0x9000  }
0xc2: {  	[tilespmem:s14], [sflag:$0x1] =	stream.indirect.gather [spmem:s3], $0x20, s15, s9, $0xb8;
	[tilespmem:$0x1F000] =	vst v63  }
0xc3: {  	s16 =	rddreg [dreg:$0xd];
	s15 =	simm.s32 $0xA000  }
0xc4: {  	[tilespmem:s15], [sflag:$0x1] =	stream.indirect.gather [spmem:s3], $0x20, s16, s9, $0xb8;
	[tilespmem:$0x1F000] =	vst v63  }
0xc5: {  	s17 =	rddreg [dreg:$0xe];
	s16 =	simm.s32 $0xB000  }
0xc6: {  	[tilespmem:s16], [sflag:$0x1] =	stream.indirect.gather [spmem:s3], $0x20, s17, s9, $0xb8;
	[tilespmem:$0x1F000] =	vst v63  }
0xc7: {  	s18 =	simm.s32 $0x1;
	s19 =	rddreg [dreg:$0xf];
	s17 =	simm.s32 $0xC000  }
0xc8: {  	[tilespmem:s17], [sflag:$0x1] =	stream.indirect.gather [spmem:s3], $0x20, s19, s9, $0xb8;
	[tilespmem:$0x1F000] =	vst v63  }
0xc9: {  	_ =	swait.ge [sflag:s18], $0x8000  }
0xca: {  	[sflag:s18] =	ssyncset.done $0x0  }
0xcb: {  	s19 =	simm.s32 $0xD000;
	s20 =	rddreg [dreg:$0x10];
	[sflag:s18] =	ssyncadd.s32 $0xFFFF8000  }
0xcc: {  	[tilespmem:s19], [sflag:$0x2] =	stream.indirect.gather [spmem:s3], $0x20, s20, s9, $0xb8;
	[tilespmem:$0x1F000] =	vst v63  }
0xcd: {  	s21 =	rddreg [dreg:$0x11];
	s20 =	simm.s32 $0xE000  }
0xce: {  	[tilespmem:s20], [sflag:$0x2] =	stream.indirect.gather [spmem:s3], $0x20, s21, s9, $0xb8;
	[tilespmem:$0x1F000] =	vst v63  }
0xcf: {  	s22 =	rddreg [dreg:$0x12];
	s21 =	simm.s32 $0xF000  }
0xd0: {  	[tilespmem:s21], [sflag:$0x2] =	stream.indirect.gather [spmem:s3], $0x20, s22, s9, $0xb8;
	[tilespmem:$0x1F000] =	vst v63  }
0xd1: {  	s23 =	rddreg [dreg:$0x13];
	s22 =	simm.s32 $0x10000  }
0xd2: {  	[tilespmem:s22], [sflag:$0x2] =	stream.indirect.gather [spmem:s3], $0x20, s23, s9, $0xb8;
	[tilespmem:$0x1F000] =	vst v63  }
0xd3: {  	s24 =	rddreg [dreg:$0x14];
	s23 =	simm.s32 $0x11000  }
0xd4: {  	[tilespmem:s23], [sflag:$0x2] =	stream.indirect.gather [spmem:s3], $0x20, s24, s9, $0xb8;
	[tilespmem:$0x1F000] =	vst v63  }
0xd5: {  	s25 =	rddreg [dreg:$0x15];
	s24 =	simm.s32 $0x12000  }
0xd6: {  	[tilespmem:s24], [sflag:$0x2] =	stream.indirect.gather [spmem:s3], $0x20, s25, s9, $0xb8;
	[tilespmem:$0x1F000] =	vst v63  }
0xd7: {  	s26 =	rddreg [dreg:$0x16];
	s25 =	simm.s32 $0x13000  }
0xd8: {  	[tilespmem:s25], [sflag:$0x2] =	stream.indirect.gather [spmem:s3], $0x20, s26, s9, $0xb8;
	[tilespmem:$0x1F000] =	vst v63  }
0xd9: {  	s28 =	rddreg [dreg:$0x17];
	s26 =	simm.s32 $0x14000  }
0xda: {  	[tilespmem:s26], [sflag:$0x2] =	stream.indirect.gather [spmem:s3], $0x20, s28, s9, $0xb8;
	[tilespmem:$0x1F000] =	vst v63  }
0xdb: {  	_ = 	snop  }
0xdc: {  	[spmem:s2] =	stream.indirect.scatter.add.f32 [tilespmem:s10], [sflag:$0x3], $0x20, s8, s9, $0xb8;
	[tilespmem:$0x1F000] =	vst v63  }
0xdd: {  	s28 =	rddreg [dreg:$0x18]  }
0xde: {  	[spmem:s2] =	stream.indirect.scatter.add.f32 [tilespmem:s11], [sflag:$0x3], $0x20, s28, s9, $0xb8;
	[tilespmem:$0x1F000] =	vst v63  }
0xdf: {  	s29 =	rddreg [dreg:$0x19]  }
0xe0: {  	[spmem:s2] =	stream.indirect.scatter.add.f32 [tilespmem:s12], [sflag:$0x3], $0x20, s29, s9, $0xb8;
	[tilespmem:$0x1F000] =	vst v63  }
0xe1: {  	s28 =	rddreg [dreg:$0x1a]  }
0xe2: {  	[spmem:s2] =	stream.indirect.scatter.add.f32 [tilespmem:s13], [sflag:$0x3], $0x20, s28, s9, $0xb8;
	[tilespmem:$0x1F000] =	vst v63  }
0xe3: {  	s29 =	rddreg [dreg:$0x1b]  }
0xe4: {  	[spmem:s2] =	stream.indirect.scatter.add.f32 [tilespmem:s14], [sflag:$0x3], $0x20, s29, s9, $0xb8;
	[tilespmem:$0x1F000] =	vst v63  }
0xe5: {  	s28 =	rddreg [dreg:$0x1c]  }
0xe6: {  	[spmem:s2] =	stream.indirect.scatter.add.f32 [tilespmem:s15], [sflag:$0x3], $0x20, s28, s9, $0xb8;
	[tilespmem:$0x1F000] =	vst v63  }
0xe7: {  	s29 =	rddreg [dreg:$0x1d]  }
0xe8: {  	[spmem:s2] =	stream.indirect.scatter.add.f32 [tilespmem:s16], [sflag:$0x3], $0x20, s29, s9, $0xb8;
	[tilespmem:$0x1F000] =	vst v63  }
0xe9: {  	s28 =	rddreg [dreg:$0x1e]  }
0xea: {  	[spmem:s2] =	stream.indirect.scatter.add.f32 [tilespmem:s17], [sflag:$0x3], $0x20, s28, s9, $0xb8;
	[tilespmem:$0x1F000] =	vst v63  }
0xeb: {  	s28 =	simm.s32 $0x2  }
0xec: {  	_ =	swait.ge [sflag:s28], $0x8000  }
0xed: {  	[sflag:s28] =	ssyncset.done $0x0  }
0xee: {  	s29 =	simm.s32 $0x3;
	[sflag:s28] =	ssyncadd.s32 $0xFFFF8000  }
0xef: {  	_ =	swait.ge [sflag:s29], $0x8000  }
0xf0: {  	s30 =	rddreg [dreg:$0x1f];
	[sflag:s29] =	ssyncset.done $0x0  }
0xf1: {  	s31 =	sld [smem:$0x778];
	[sflag:s29] =	ssyncadd.s32 $0xFFFF8000  }
0xf2: {  	[tilespmem:s10], [sflag:$0x1] =	stream.indirect.gather [spmem:s3], $0x20, s30, s9, $0xb8;
	[tilespmem:$0x1F000] =	vst v63  }
0xf3: {  	s30 =	sld [smem:$0x779]  }
0xf4: {  	[tilespmem:s11], [sflag:$0x1] =	stream.indirect.gather [spmem:s3], $0x20, s31, s9, $0xb8;
	[tilespmem:$0x1F000] =	vst v63  }
0xf5: {  	s0 =	sld [smem:$0x77A]  }
0xf6: {  	[tilespmem:s12], [sflag:$0x1] =	stream.indirect.gather [spmem:s3], $0x20, s30, s9, $0xb8;
	[tilespmem:$0x1F000] =	vst v63  }
0xf7: {  	s30 =	sld [smem:$0x77B]  }
0xf8: {  	[tilespmem:s13], [sflag:$0x1] =	stream.indirect.gather [spmem:s3], $0x20, s0, s9, $0xb8;
	[tilespmem:$0x1F000] =	vst v63  }
0xf9: {  	s0 =	sld [smem:$0x77C]  }
0xfa: {  	[tilespmem:s14], [sflag:$0x1] =	stream.indirect.gather [spmem:s3], $0x20, s30, s9, $0xb8;
	[tilespmem:$0x1F000] =	vst v63  }
0xfb: {  	s30 =	sld [smem:$0x77D]  }
0xfc: {  	[tilespmem:s15], [sflag:$0x1] =	stream.indirect.gather [spmem:s3], $0x20, s0, s9, $0xb8;
	[tilespmem:$0x1F000] =	vst v63  }
0xfd: {  	s0 =	sld [smem:$0x77E]  }
0xfe: {  	[tilespmem:s16], [sflag:$0x1] =	stream.indirect.gather [spmem:s3], $0x20, s30, s9, $0xb8;
	[tilespmem:$0x1F000] =	vst v63  }
0xff: {  	s30 =	sld [smem:$0x77F]  }
0x100: {  	[tilespmem:s17], [sflag:$0x1] =	stream.indirect.gather [spmem:s3], $0x20, s0, s9, $0xb8;
	[tilespmem:$0x1F000] =	vst v63  }
0x101: {  	s0 =	sld [smem:$0x780]  }
0x102: {  	[spmem:s2] =	stream.indirect.scatter.add.f32 [tilespmem:s19], [sflag:$0x4], $0x20, s30, s9, $0xb8;
	[tilespmem:$0x1F000] =	vst v63  }
0x103: {  	s30 =	sld [smem:$0x781]  }
0x104: {  	[spmem:s2] =	stream.indirect.scatter.add.f32 [tilespmem:s20], [sflag:$0x4], $0x20, s0, s9, $0xb8;
	[tilespmem:$0x1F000] =	vst v63  }
0x105: {  	s0 =	sld [smem:$0x782]  }
0x106: {  	[spmem:s2] =	stream.indirect.scatter.add.f32 [tilespmem:s21], [sflag:$0x4], $0x20, s30, s9, $0xb8;
	[tilespmem:$0x1F000] =	vst v63  }
0x107: {  	s30 =	sld [smem:$0x783]  }
0x108: {  	[spmem:s2] =	stream.indirect.scatter.add.f32 [tilespmem:s22], [sflag:$0x4], $0x20, s0, s9, $0xb8;
	[tilespmem:$0x1F000] =	vst v63  }
0x109: {  	s0 =	sld [smem:$0x784]  }
0x10a: {  	[spmem:s2] =	stream.indirect.scatter.add.f32 [tilespmem:s23], [sflag:$0x4], $0x20, s30, s9, $0xb8;
	[tilespmem:$0x1F000] =	vst v63  }
0x10b: {  	s30 =	sld [smem:$0x785]  }
0x10c: {  	[spmem:s2] =	stream.indirect.scatter.add.f32 [tilespmem:s24], [sflag:$0x4], $0x20, s0, s9, $0xb8;
	[tilespmem:$0x1F000] =	vst v63  }
0x10d: {  	s0 =	sld [smem:$0x786]  }
0x10e: {  	[spmem:s2] =	stream.indirect.scatter.add.f32 [tilespmem:s25], [sflag:$0x4], $0x20, s30, s9, $0xb8;
	[tilespmem:$0x1F000] =	vst v63  }
0x10f: {  	s30 =	simm.s32 $0x4  }
0x110: {  	[spmem:s2] =	stream.indirect.scatter.add.f32 [tilespmem:s26], [sflag:$0x4], $0x20, s0, s9, $0xb8;
	[tilespmem:$0x1F000] =	vst v63  }
0x111: {  	_ =	swait.ge [sflag:s30], $0x8000  }
0x112: {  	[sflag:s30] =	ssyncset.done $0x0  }
0x113: {  	[sflag:s30] =	ssyncadd.s32 $0xFFFF8000  }
0x114: {  	_ =	swait.ge [sflag:s18], $0x8000  }
0x115: {  	s31 =	sld [smem:$0x787]  }
0x116: {  	[sflag:s18] =	ssyncset.done $0x0  }
0x117: {  	s0 =	sld [smem:$0x788];
	[sflag:s18] =	ssyncadd.s32 $0xFFFF8000  }
0x118: {  	[tilespmem:s19], [sflag:$0x2] =	stream.indirect.gather [spmem:s3], $0x20, s31, s9, $0xb8;
	[tilespmem:$0x1F000] =	vst v63  }
0x119: {  	s31 =	sld [smem:$0x789]  }
0x11a: {  	[tilespmem:s20], [sflag:$0x2] =	stream.indirect.gather [spmem:s3], $0x20, s0, s9, $0xb8;
	[tilespmem:$0x1F000] =	vst v63  }
0x11b: {  	s0 =	sld [smem:$0x78A]  }
0x11c: {  	[tilespmem:s21], [sflag:$0x2] =	stream.indirect.gather [spmem:s3], $0x20, s31, s9, $0xb8;
	[tilespmem:$0x1F000] =	vst v63  }
0x11d: {  	s31 =	sld [smem:$0x78B]  }
0x11e: {  	[tilespmem:s22], [sflag:$0x2] =	stream.indirect.gather [spmem:s3], $0x20, s0, s9, $0xb8;
	[tilespmem:$0x1F000] =	vst v63  }
0x11f: {  	s0 =	sld [smem:$0x78C]  }
0x120: {  	[tilespmem:s23], [sflag:$0x2] =	stream.indirect.gather [spmem:s3], $0x20, s31, s9, $0xb8;
	[tilespmem:$0x1F000] =	vst v63  }
0x121: {  	s31 =	sld [smem:$0x78D]  }
0x122: {  	[tilespmem:s24], [sflag:$0x2] =	stream.indirect.gather [spmem:s3], $0x20, s0, s9, $0xb8;
	[tilespmem:$0x1F000] =	vst v63  }
0x123: {  	s0 =	sld [smem:$0x78E]  }
0x124: {  	[tilespmem:s25], [sflag:$0x2] =	stream.indirect.gather [spmem:s3], $0x20, s31, s9, $0xb8;
	[tilespmem:$0x1F000] =	vst v63  }
0x125: {  	s31 =	sld [smem:$0x78F]  }
0x126: {  	[tilespmem:s26], [sflag:$0x2] =	stream.indirect.gather [spmem:s3], $0x20, s0, s9, $0xb8;
	[tilespmem:$0x1F000] =	vst v63  }
0x127: {  	s0 =	sld [smem:$0x790]  }
0x128: {  	[spmem:s2] =	stream.indirect.scatter.add.f32 [tilespmem:s10], [sflag:$0x3], $0x20, s31, s9, $0xb8;
	[tilespmem:$0x1F000] =	vst v63  }
0x129: {  	s31 =	sld [smem:$0x791]  }
0x12a: {  	[spmem:s2] =	stream.indirect.scatter.add.f32 [tilespmem:s11], [sflag:$0x3], $0x20, s0, s9, $0xb8;
	[tilespmem:$0x1F000] =	vst v63  }
0x12b: {  	s0 =	sld [smem:$0x792]  }
0x12c: {  	[spmem:s2] =	stream.indirect.scatter.add.f32 [tilespmem:s12], [sflag:$0x3], $0x20, s31, s9, $0xb8;
	[tilespmem:$0x1F000] =	vst v63  }
0x12d: {  	s31 =	sld [smem:$0x793]  }
0x12e: {  	[spmem:s2] =	stream.indirect.scatter.add.f32 [tilespmem:s13], [sflag:$0x3], $0x20, s0, s9, $0xb8;
	[tilespmem:$0x1F000] =	vst v63  }
0x12f: {  	s0 =	sld [smem:$0x794]  }
0x130: {  	[spmem:s2] =	stream.indirect.scatter.add.f32 [tilespmem:s14], [sflag:$0x3], $0x20, s31, s9, $0xb8;
	[tilespmem:$0x1F000] =	vst v63  }
0x131: {  	s31 =	sld [smem:$0x795]  }
0x132: {  	[spmem:s2] =	stream.indirect.scatter.add.f32 [tilespmem:s15], [sflag:$0x3], $0x20, s0, s9, $0xb8;
	[tilespmem:$0x1F000] =	vst v63  }
0x133: {  	s0 =	sld [smem:$0x796]  }
0x134: {  	[spmem:s2] =	stream.indirect.scatter.add.f32 [tilespmem:s16], [sflag:$0x3], $0x20, s31, s9, $0xb8;
	[tilespmem:$0x1F000] =	vst v63  }
0x135: {  	_ = 	snop  }
0x136: {  	[spmem:s2] =	stream.indirect.scatter.add.f32 [tilespmem:s17], [sflag:$0x3], $0x20, s0, s9, $0xb8;
	[tilespmem:$0x1F000] =	vst v63  }
0x137: {  	_ =	swait.ge [sflag:s28], $0x8000  }
0x138: {  	[sflag:s28] =	ssyncset.done $0x0  }
0x139: {  	[sflag:s28] =	ssyncadd.s32 $0xFFFF8000  }
0x13a: {  	_ =	swait.ge [sflag:s29], $0x8000  }
0x13b: {  	s0 =	sld [smem:$0x797]  }
0x13c: {  	[sflag:s29] =	ssyncset.done $0x0  }
0x13d: {  	s31 =	sld [smem:$0x798];
	[sflag:s29] =	ssyncadd.s32 $0xFFFF8000  }
0x13e: {  	[tilespmem:s10], [sflag:$0x1] =	stream.indirect.gather [spmem:s3], $0x20, s0, s9, $0xb8;
	[tilespmem:$0x1F000] =	vst v63  }
0x13f: {  	s0 =	sld [smem:$0x799]  }
0x140: {  	[tilespmem:s11], [sflag:$0x1] =	stream.indirect.gather [spmem:s3], $0x20, s31, s9, $0xb8;
	[tilespmem:$0x1F000] =	vst v63  }
0x141: {  	s31 =	sld [smem:$0x79A]  }
0x142: {  	[tilespmem:s12], [sflag:$0x1] =	stream.indirect.gather [spmem:s3], $0x20, s0, s9, $0xb8;
	[tilespmem:$0x1F000] =	vst v63  }
0x143: {  	s0 =	sld [smem:$0x79B]  }
0x144: {  	[tilespmem:s13], [sflag:$0x1] =	stream.indirect.gather [spmem:s3], $0x20, s31, s9, $0xb8;
	[tilespmem:$0x1F000] =	vst v63  }
0x145: {  	s31 =	sld [smem:$0x79C]  }
0x146: {  	[tilespmem:s14], [sflag:$0x1] =	stream.indirect.gather [spmem:s3], $0x20, s0, s9, $0xb8;
	[tilespmem:$0x1F000] =	vst v63  }
0x147: {  	s0 =	sld [smem:$0x79D]  }
0x148: {  	[tilespmem:s15], [sflag:$0x1] =	stream.indirect.gather [spmem:s3], $0x20, s31, s9, $0xb8;
	[tilespmem:$0x1F000] =	vst v63  }
0x149: {  	s31 =	sld [smem:$0x79E]  }
0x14a: {  	[tilespmem:s16], [sflag:$0x1] =	stream.indirect.gather [spmem:s3], $0x20, s0, s9, $0xb8;
	[tilespmem:$0x1F000] =	vst v63  }
0x14b: {  	s0 =	sld [smem:$0x79F]  }
0x14c: {  	[tilespmem:s17], [sflag:$0x1] =	stream.indirect.gather [spmem:s3], $0x20, s31, s9, $0xb8;
	[tilespmem:$0x1F000] =	vst v63  }
0x14d: {  	s31 =	sld [smem:$0x7A0]  }
0x14e: {  	[spmem:s2] =	stream.indirect.scatter.add.f32 [tilespmem:s19], [sflag:$0x4], $0x20, s0, s9, $0xb8;
	[tilespmem:$0x1F000] =	vst v63  }
0x14f: {  	s0 =	sld [smem:$0x7A1]  }
0x150: {  	[spmem:s2] =	stream.indirect.scatter.add.f32 [tilespmem:s20], [sflag:$0x4], $0x20, s31, s9, $0xb8;
	[tilespmem:$0x1F000] =	vst v63  }
0x151: {  	s31 =	sld [smem:$0x7A2]  }
0x152: {  	[spmem:s2] =	stream.indirect.scatter.add.f32 [tilespmem:s21], [sflag:$0x4], $0x20, s0, s9, $0xb8;
	[tilespmem:$0x1F000] =	vst v63  }
0x153: {  	s0 =	sld [smem:$0x7A3]  }
0x154: {  	[spmem:s2] =	stream.indirect.scatter.add.f32 [tilespmem:s22], [sflag:$0x4], $0x20, s31, s9, $0xb8;
	[tilespmem:$0x1F000] =	vst v63  }
0x155: {  	s31 =	sld [smem:$0x7A4]  }
0x156: {  	[spmem:s2] =	stream.indirect.scatter.add.f32 [tilespmem:s23], [sflag:$0x4], $0x20, s0, s9, $0xb8;
	[tilespmem:$0x1F000] =	vst v63  }
0x157: {  	s0 =	sld [smem:$0x7A5]  }
0x158: {  	[spmem:s2] =	stream.indirect.scatter.add.f32 [tilespmem:s24], [sflag:$0x4], $0x20, s31, s9, $0xb8;
	[tilespmem:$0x1F000] =	vst v63  }
0x159: {  	s31 =	sld [smem:$0x7A6]  }
0x15a: {  	[spmem:s2] =	stream.indirect.scatter.add.f32 [tilespmem:s25], [sflag:$0x4], $0x20, s0, s9, $0xb8;
	[tilespmem:$0x1F000] =	vst v63  }
0x15b: {  	_ = 	snop  }
0x15c: {  	[spmem:s2] =	stream.indirect.scatter.add.f32 [tilespmem:s26], [sflag:$0x4], $0x20, s31, s9, $0xb8;
	[tilespmem:$0x1F000] =	vst v63  }
0x15d: {  	_ =	swait.ge [sflag:s30], $0x8000  }
0x15e: {  	[sflag:s30] =	ssyncset.done $0x0  }
0x15f: {  	[sflag:s30] =	ssyncadd.s32 $0xFFFF8000  }
0x160: {  	_ =	swait.ge [sflag:s18], $0x8000  }
0x161: {  	s0 =	sld [smem:$0x7A7]  }
0x162: {  	[sflag:s18] =	ssyncset.done $0x0  }
0x163: {  	s31 =	sld [smem:$0x7A8];
	[sflag:s18] =	ssyncadd.s32 $0xFFFF8000  }
0x164: {  	[tilespmem:s19], [sflag:$0x2] =	stream.indirect.gather [spmem:s3], $0x20, s0, s9, $0xb8;
	[tilespmem:$0x1F000] =	vst v63  }
0x165: {  	s0 =	sld [smem:$0x7A9]  }
0x166: {  	[tilespmem:s20], [sflag:$0x2] =	stream.indirect.gather [spmem:s3], $0x20, s31, s9, $0xb8;
	[tilespmem:$0x1F000] =	vst v63  }
0x167: {  	s31 =	sld [smem:$0x7AA]  }
0x168: {  	[tilespmem:s21], [sflag:$0x2] =	stream.indirect.gather [spmem:s3], $0x20, s0, s9, $0xb8;
	[tilespmem:$0x1F000] =	vst v63  }
0x169: {  	s0 =	sld [smem:$0x7AB]  }
0x16a: {  	[tilespmem:s22], [sflag:$0x2] =	stream.indirect.gather [spmem:s3], $0x20, s31, s9, $0xb8;
	[tilespmem:$0x1F000] =	vst v63  }
0x16b: {  	s31 =	sld [smem:$0x7AC]  }
0x16c: {  	[tilespmem:s23], [sflag:$0x2] =	stream.indirect.gather [spmem:s3], $0x20, s0, s9, $0xb8;
	[tilespmem:$0x1F000] =	vst v63  }
0x16d: {  	s0 =	sld [smem:$0x7AD]  }
0x16e: {  	[tilespmem:s24], [sflag:$0x2] =	stream.indirect.gather [spmem:s3], $0x20, s31, s9, $0xb8;
	[tilespmem:$0x1F000] =	vst v63  }
0x16f: {  	s31 =	sld [smem:$0x7AE]  }
0x170: {  	[tilespmem:s25], [sflag:$0x2] =	stream.indirect.gather [spmem:s3], $0x20, s0, s9, $0xb8;
	[tilespmem:$0x1F000] =	vst v63  }
0x171: {  	s0 =	sld [smem:$0x7AF]  }
0x172: {  	[tilespmem:s26], [sflag:$0x2] =	stream.indirect.gather [spmem:s3], $0x20, s31, s9, $0xb8;
	[tilespmem:$0x1F000] =	vst v63  }
0x173: {  	s31 =	sld [smem:$0x7B0]  }
0x174: {  	[spmem:s2] =	stream.indirect.scatter.add.f32 [tilespmem:s10], [sflag:$0x3], $0x20, s0, s9, $0xb8;
	[tilespmem:$0x1F000] =	vst v63  }
0x175: {  	s0 =	sld [smem:$0x7B1]  }
0x176: {  	[spmem:s2] =	stream.indirect.scatter.add.f32 [tilespmem:s11], [sflag:$0x3], $0x20, s31, s9, $0xb8;
	[tilespmem:$0x1F000] =	vst v63  }
0x177: {  	s31 =	sld [smem:$0x7B2]  }
0x178: {  	[spmem:s2] =	stream.indirect.scatter.add.f32 [tilespmem:s12], [sflag:$0x3], $0x20, s0, s9, $0xb8;
	[tilespmem:$0x1F000] =	vst v63  }
0x179: {  	s0 =	sld [smem:$0x7B3]  }
0x17a: {  	[spmem:s2] =	stream.indirect.scatter.add.f32 [tilespmem:s13], [sflag:$0x3], $0x20, s31, s9, $0xb8;
	[tilespmem:$0x1F000] =	vst v63  }
0x17b: {  	s31 =	sld [smem:$0x7B4]  }
0x17c: {  	[spmem:s2] =	stream.indirect.scatter.add.f32 [tilespmem:s14], [sflag:$0x3], $0x20, s0, s9, $0xb8;
	[tilespmem:$0x1F000] =	vst v63  }
0x17d: {  	s0 =	sld [smem:$0x7B5]  }
0x17e: {  	[spmem:s2] =	stream.indirect.scatter.add.f32 [tilespmem:s15], [sflag:$0x3], $0x20, s31, s9, $0xb8;
	[tilespmem:$0x1F000] =	vst v63  }
0x17f: {  	s31 =	sld [smem:$0x7B6]  }
0x180: {  	[spmem:s2] =	stream.indirect.scatter.add.f32 [tilespmem:s16], [sflag:$0x3], $0x20, s0, s9, $0xb8;
	[tilespmem:$0x1F000] =	vst v63  }
0x181: {  	_ = 	snop  }
0x182: {  	[spmem:s2] =	stream.indirect.scatter.add.f32 [tilespmem:s17], [sflag:$0x3], $0x20, s31, s9, $0xb8;
	[tilespmem:$0x1F000] =	vst v63  }
0x183: {  	_ =	swait.ge [sflag:s28], $0x8000  }
0x184: {  	[sflag:s28] =	ssyncset.done $0x0  }
0x185: {  	[sflag:s28] =	ssyncadd.s32 $0xFFFF8000  }
0x186: {  	_ =	swait.ge [sflag:s29], $0x8000  }
0x187: {  	s0 =	sld [smem:$0x7B7]  }
0x188: {  	[sflag:s29] =	ssyncset.done $0x0  }
0x189: {  	s31 =	sld [smem:$0x7B8];
	[sflag:s29] =	ssyncadd.s32 $0xFFFF8000  }
0x18a: {  	[tilespmem:s10], [sflag:$0x1] =	stream.indirect.gather [spmem:s3], $0x20, s0, s9, $0xb8;
	[tilespmem:$0x1F000] =	vst v63  }
0x18b: {  	s0 =	sld [smem:$0x7B9]  }
0x18c: {  	[tilespmem:s11], [sflag:$0x1] =	stream.indirect.gather [spmem:s3], $0x20, s31, s9, $0xb8;
	[tilespmem:$0x1F000] =	vst v63  }
0x18d: {  	s31 =	sld [smem:$0x7BA]  }
0x18e: {  	[tilespmem:s12], [sflag:$0x1] =	stream.indirect.gather [spmem:s3], $0x20, s0, s9, $0xb8;
	[tilespmem:$0x1F000] =	vst v63  }
0x18f: {  	s0 =	sld [smem:$0x7BB]  }
0x190: {  	[tilespmem:s13], [sflag:$0x1] =	stream.indirect.gather [spmem:s3], $0x20, s31, s9, $0xb8;
	[tilespmem:$0x1F000] =	vst v63  }
0x191: {  	s31 =	sld [smem:$0x7BC]  }
0x192: {  	[tilespmem:s14], [sflag:$0x1] =	stream.indirect.gather [spmem:s3], $0x20, s0, s9, $0xb8;
	[tilespmem:$0x1F000] =	vst v63  }
0x193: {  	s0 =	sld [smem:$0x7BD]  }
0x194: {  	[tilespmem:s15], [sflag:$0x1] =	stream.indirect.gather [spmem:s3], $0x20, s31, s9, $0xb8;
	[tilespmem:$0x1F000] =	vst v63  }
0x195: {  	s31 =	sld [smem:$0x7BE]  }
0x196: {  	[tilespmem:s16], [sflag:$0x1] =	stream.indirect.gather [spmem:s3], $0x20, s0, s9, $0xb8;
	[tilespmem:$0x1F000] =	vst v63  }
0x197: {  	s0 =	sld [smem:$0x7BF]  }
0x198: {  	[tilespmem:s17], [sflag:$0x1] =	stream.indirect.gather [spmem:s3], $0x20, s31, s9, $0xb8;
	[tilespmem:$0x1F000] =	vst v63  }
0x199: {  	s31 =	sld [smem:$0x7C0]  }
0x19a: {  	[spmem:s2] =	stream.indirect.scatter.add.f32 [tilespmem:s19], [sflag:$0x4], $0x20, s0, s9, $0xb8;
	[tilespmem:$0x1F000] =	vst v63  }
0x19b: {  	s0 =	sld [smem:$0x7C1]  }
0x19c: {  	[spmem:s2] =	stream.indirect.scatter.add.f32 [tilespmem:s20], [sflag:$0x4], $0x20, s31, s9, $0xb8;
	[tilespmem:$0x1F000] =	vst v63  }
0x19d: {  	s31 =	sld [smem:$0x7C2]  }
0x19e: {  	[spmem:s2] =	stream.indirect.scatter.add.f32 [tilespmem:s21], [sflag:$0x4], $0x20, s0, s9, $0xb8;
	[tilespmem:$0x1F000] =	vst v63  }
0x19f: {  	s0 =	sld [smem:$0x7C3]  }
0x1a0: {  	[spmem:s2] =	stream.indirect.scatter.add.f32 [tilespmem:s22], [sflag:$0x4], $0x20, s31, s9, $0xb8;
	[tilespmem:$0x1F000] =	vst v63  }
0x1a1: {  	s31 =	sld [smem:$0x7C4]  }
0x1a2: {  	[spmem:s2] =	stream.indirect.scatter.add.f32 [tilespmem:s23], [sflag:$0x4], $0x20, s0, s9, $0xb8;
	[tilespmem:$0x1F000] =	vst v63  }
0x1a3: {  	s0 =	sld [smem:$0x7C5]  }
0x1a4: {  	[spmem:s2] =	stream.indirect.scatter.add.f32 [tilespmem:s24], [sflag:$0x4], $0x20, s31, s9, $0xb8;
	[tilespmem:$0x1F000] =	vst v63  }
0x1a5: {  	s31 =	sld [smem:$0x7C6]  }
0x1a6: {  	[spmem:s2] =	stream.indirect.scatter.add.f32 [tilespmem:s25], [sflag:$0x4], $0x20, s0, s9, $0xb8;
	[tilespmem:$0x1F000] =	vst v63  }
0x1a7: {  	_ = 	snop  }
0x1a8: {  	[spmem:s2] =	stream.indirect.scatter.add.f32 [tilespmem:s26], [sflag:$0x4], $0x20, s31, s9, $0xb8;
	[tilespmem:$0x1F000] =	vst v63  }
0x1a9: {  	_ =	swait.ge [sflag:s30], $0x8000  }
0x1aa: {  	[sflag:s30] =	ssyncset.done $0x0  }
0x1ab: {  	[sflag:s30] =	ssyncadd.s32 $0xFFFF8000  }
0x1ac: {  	_ =	swait.ge [sflag:s18], $0x8000  }
0x1ad: {  	s0 =	sld [smem:$0x7C7]  }
0x1ae: {  	[sflag:s18] =	ssyncset.done $0x0  }
0x1af: {  	s31 =	sld [smem:$0x7C8];
	[sflag:s18] =	ssyncadd.s32 $0xFFFF8000  }
0x1b0: {  	[tilespmem:s19], [sflag:$0x2] =	stream.indirect.gather [spmem:s3], $0x20, s0, s9, $0xb8;
	[tilespmem:$0x1F000] =	vst v63  }
0x1b1: {  	s0 =	sld [smem:$0x7C9]  }
0x1b2: {  	[tilespmem:s20], [sflag:$0x2] =	stream.indirect.gather [spmem:s3], $0x20, s31, s9, $0xb8;
	[tilespmem:$0x1F000] =	vst v63  }
0x1b3: {  	s31 =	sld [smem:$0x7CA]  }
0x1b4: {  	[tilespmem:s21], [sflag:$0x2] =	stream.indirect.gather [spmem:s3], $0x20, s0, s9, $0xb8;
	[tilespmem:$0x1F000] =	vst v63  }
0x1b5: {  	s0 =	sld [smem:$0x7CB]  }
0x1b6: {  	[tilespmem:s22], [sflag:$0x2] =	stream.indirect.gather [spmem:s3], $0x20, s31, s9, $0xb8;
	[tilespmem:$0x1F000] =	vst v63  }
0x1b7: {  	s31 =	sld [smem:$0x7CC]  }
0x1b8: {  	[tilespmem:s23], [sflag:$0x2] =	stream.indirect.gather [spmem:s3], $0x20, s0, s9, $0xb8;
	[tilespmem:$0x1F000] =	vst v63  }
0x1b9: {  	s0 =	sld [smem:$0x7CD]  }
0x1ba: {  	[tilespmem:s24], [sflag:$0x2] =	stream.indirect.gather [spmem:s3], $0x20, s31, s9, $0xb8;
	[tilespmem:$0x1F000] =	vst v63  }
0x1bb: {  	s31 =	sld [smem:$0x7CE]  }
0x1bc: {  	[tilespmem:s25], [sflag:$0x2] =	stream.indirect.gather [spmem:s3], $0x20, s0, s9, $0xb8;
	[tilespmem:$0x1F000] =	vst v63  }
0x1bd: {  	s0 =	sld [smem:$0x7CF]  }
0x1be: {  	[tilespmem:s26], [sflag:$0x2] =	stream.indirect.gather [spmem:s3], $0x20, s31, s9, $0xb8;
	[tilespmem:$0x1F000] =	vst v63  }
0x1bf: {  	s31 =	sld [smem:$0x7D0]  }
0x1c0: {  	[spmem:s2] =	stream.indirect.scatter.add.f32 [tilespmem:s10], [sflag:$0x3], $0x20, s0, s9, $0xb8;
	[tilespmem:$0x1F000] =	vst v63  }
0x1c1: {  	s0 =	sld [smem:$0x7D1]  }
0x1c2: {  	[spmem:s2] =	stream.indirect.scatter.add.f32 [tilespmem:s11], [sflag:$0x3], $0x20, s31, s9, $0xb8;
	[tilespmem:$0x1F000] =	vst v63  }
0x1c3: {  	s31 =	sld [smem:$0x7D2]  }
0x1c4: {  	[spmem:s2] =	stream.indirect.scatter.add.f32 [tilespmem:s12], [sflag:$0x3], $0x20, s0, s9, $0xb8;
	[tilespmem:$0x1F000] =	vst v63  }
0x1c5: {  	s0 =	sld [smem:$0x7D3]  }
0x1c6: {  	[spmem:s2] =	stream.indirect.scatter.add.f32 [tilespmem:s13], [sflag:$0x3], $0x20, s31, s9, $0xb8;
	[tilespmem:$0x1F000] =	vst v63  }
0x1c7: {  	s31 =	sld [smem:$0x7D4]  }
0x1c8: {  	[spmem:s2] =	stream.indirect.scatter.add.f32 [tilespmem:s14], [sflag:$0x3], $0x20, s0, s9, $0xb8;
	[tilespmem:$0x1F000] =	vst v63  }
0x1c9: {  	s0 =	sld [smem:$0x7D5]  }
0x1ca: {  	[spmem:s2] =	stream.indirect.scatter.add.f32 [tilespmem:s15], [sflag:$0x3], $0x20, s31, s9, $0xb8;
	[tilespmem:$0x1F000] =	vst v63  }
0x1cb: {  	s31 =	sld [smem:$0x7D6]  }
0x1cc: {  	[spmem:s2] =	stream.indirect.scatter.add.f32 [tilespmem:s16], [sflag:$0x3], $0x20, s0, s9, $0xb8;
	[tilespmem:$0x1F000] =	vst v63  }
0x1cd: {  	_ = 	snop  }
0x1ce: {  	[spmem:s2] =	stream.indirect.scatter.add.f32 [tilespmem:s17], [sflag:$0x3], $0x20, s31, s9, $0xb8;
	[tilespmem:$0x1F000] =	vst v63  }
0x1cf: {  	_ =	swait.ge [sflag:s28], $0x8000  }
0x1d0: {  	[sflag:s28] =	ssyncset.done $0x0  }
0x1d1: {  	[sflag:s28] =	ssyncadd.s32 $0xFFFF8000  }
0x1d2: {  	_ =	swait.ge [sflag:s29], $0x8000  }
0x1d3: {  	s0 =	sld [smem:$0x7D7]  }
0x1d4: {  	[sflag:s29] =	ssyncset.done $0x0  }
0x1d5: {  	s31 =	sld [smem:$0x7D8];
	[sflag:s29] =	ssyncadd.s32 $0xFFFF8000  }
0x1d6: {  	[tilespmem:s10], [sflag:$0x1] =	stream.indirect.gather [spmem:s3], $0x20, s0, s9, $0xb8;
	[tilespmem:$0x1F000] =	vst v63  }
0x1d7: {  	s0 =	sld [smem:$0x7D9]  }
0x1d8: {  	[tilespmem:s11], [sflag:$0x1] =	stream.indirect.gather [spmem:s3], $0x20, s31, s9, $0xb8;
	[tilespmem:$0x1F000] =	vst v63  }
0x1d9: {  	s31 =	sld [smem:$0x7DA]  }
0x1da: {  	[tilespmem:s12], [sflag:$0x1] =	stream.indirect.gather [spmem:s3], $0x20, s0, s9, $0xb8;
	[tilespmem:$0x1F000] =	vst v63  }
0x1db: {  	s0 =	sld [smem:$0x7DB]  }
0x1dc: {  	[tilespmem:s13], [sflag:$0x1] =	stream.indirect.gather [spmem:s3], $0x20, s31, s9, $0xb8;
	[tilespmem:$0x1F000] =	vst v63  }
0x1dd: {  	s31 =	sld [smem:$0x7DC]  }
0x1de: {  	[tilespmem:s14], [sflag:$0x1] =	stream.indirect.gather [spmem:s3], $0x20, s0, s9, $0xb8;
	[tilespmem:$0x1F000] =	vst v63  }
0x1df: {  	s0 =	sld [smem:$0x7DD]  }
0x1e0: {  	[tilespmem:s15], [sflag:$0x1] =	stream.indirect.gather [spmem:s3], $0x20, s31, s9, $0xb8;
	[tilespmem:$0x1F000] =	vst v63  }
0x1e1: {  	s31 =	sld [smem:$0x7DE]  }
0x1e2: {  	[tilespmem:s16], [sflag:$0x1] =	stream.indirect.gather [spmem:s3], $0x20, s0, s9, $0xb8;
	[tilespmem:$0x1F000] =	vst v63  }
0x1e3: {  	s0 =	sld [smem:$0x7DF]  }
0x1e4: {  	[tilespmem:s17], [sflag:$0x1] =	stream.indirect.gather [spmem:s3], $0x20, s31, s9, $0xb8;
	[tilespmem:$0x1F000] =	vst v63  }
0x1e5: {  	s31 =	sld [smem:$0x7E0]  }
0x1e6: {  	[spmem:s2] =	stream.indirect.scatter.add.f32 [tilespmem:s19], [sflag:$0x4], $0x20, s0, s9, $0xb8;
	[tilespmem:$0x1F000] =	vst v63  }
0x1e7: {  	s0 =	sld [smem:$0x7E1]  }
0x1e8: {  	[spmem:s2] =	stream.indirect.scatter.add.f32 [tilespmem:s20], [sflag:$0x4], $0x20, s31, s9, $0xb8;
	[tilespmem:$0x1F000] =	vst v63  }
0x1e9: {  	s31 =	sld [smem:$0x7E2]  }
0x1ea: {  	[spmem:s2] =	stream.indirect.scatter.add.f32 [tilespmem:s21], [sflag:$0x4], $0x20, s0, s9, $0xb8;
	[tilespmem:$0x1F000] =	vst v63  }
0x1eb: {  	s0 =	sld [smem:$0x7E3]  }
0x1ec: {  	[spmem:s2] =	stream.indirect.scatter.add.f32 [tilespmem:s22], [sflag:$0x4], $0x20, s31, s9, $0xb8;
	[tilespmem:$0x1F000] =	vst v63  }
0x1ed: {  	s31 =	sld [smem:$0x7E4]  }
0x1ee: {  	[spmem:s2] =	stream.indirect.scatter.add.f32 [tilespmem:s23], [sflag:$0x4], $0x20, s0, s9, $0xb8;
	[tilespmem:$0x1F000] =	vst v63  }
0x1ef: {  	s0 =	sld [smem:$0x7E5]  }
0x1f0: {  	[spmem:s2] =	stream.indirect.scatter.add.f32 [tilespmem:s24], [sflag:$0x4], $0x20, s31, s9, $0xb8;
	[tilespmem:$0x1F000] =	vst v63  }
0x1f1: {  	s31 =	sld [smem:$0x7E6]  }
0x1f2: {  	[spmem:s2] =	stream.indirect.scatter.add.f32 [tilespmem:s25], [sflag:$0x4], $0x20, s0, s9, $0xb8;
	[tilespmem:$0x1F000] =	vst v63  }
0x1f3: {  	_ = 	snop  }
0x1f4: {  	[spmem:s2] =	stream.indirect.scatter.add.f32 [tilespmem:s26], [sflag:$0x4], $0x20, s31, s9, $0xb8;
	[tilespmem:$0x1F000] =	vst v63  }
0x1f5: {  	_ =	swait.ge [sflag:s30], $0x8000  }
0x1f6: {  	[sflag:s30] =	ssyncset.done $0x0  }
0x1f7: {  	[sflag:s30] =	ssyncadd.s32 $0xFFFF8000  }
0x1f8: {  	_ =	swait.ge [sflag:s18], $0x8000  }
0x1f9: {  	s0 =	sld [smem:$0x7E7]  }
0x1fa: {  	[sflag:s18] =	ssyncset.done $0x0  }
0x1fb: {  	s31 =	sld [smem:$0x7E8];
	[sflag:s18] =	ssyncadd.s32 $0xFFFF8000  }
0x1fc: {  	[tilespmem:s19], [sflag:$0x2] =	stream.indirect.gather [spmem:s3], $0x20, s0, s9, $0xb8;
	[tilespmem:$0x1F000] =	vst v63  }
0x1fd: {  	s0 =	sld [smem:$0x7E9]  }
0x1fe: {  	[tilespmem:s20], [sflag:$0x2] =	stream.indirect.gather [spmem:s3], $0x20, s31, s9, $0xb8;
	[tilespmem:$0x1F000] =	vst v63  }
0x1ff: {  	s31 =	sld [smem:$0x7EA]  }
0x200: {  	[tilespmem:s21], [sflag:$0x2] =	stream.indirect.gather [spmem:s3], $0x20, s0, s9, $0xb8;
	[tilespmem:$0x1F000] =	vst v63  }
0x201: {  	s0 =	sld [smem:$0x7EB]  }
0x202: {  	[tilespmem:s22], [sflag:$0x2] =	stream.indirect.gather [spmem:s3], $0x20, s31, s9, $0xb8;
	[tilespmem:$0x1F000] =	vst v63  }
0x203: {  	s31 =	sld [smem:$0x7EC]  }
0x204: {  	[tilespmem:s23], [sflag:$0x2] =	stream.indirect.gather [spmem:s3], $0x20, s0, s9, $0xb8;
	[tilespmem:$0x1F000] =	vst v63  }
0x205: {  	s0 =	sld [smem:$0x7ED]  }
0x206: {  	[tilespmem:s24], [sflag:$0x2] =	stream.indirect.gather [spmem:s3], $0x20, s31, s9, $0xb8;
	[tilespmem:$0x1F000] =	vst v63  }
0x207: {  	s31 =	sld [smem:$0x7EE]  }
0x208: {  	[tilespmem:s25], [sflag:$0x2] =	stream.indirect.gather [spmem:s3], $0x20, s0, s9, $0xb8;
	[tilespmem:$0x1F000] =	vst v63  }
0x209: {  	s0 =	sld [smem:$0x7EF]  }
0x20a: {  	[tilespmem:s26], [sflag:$0x2] =	stream.indirect.gather [spmem:s3], $0x20, s31, s9, $0xb8;
	[tilespmem:$0x1F000] =	vst v63  }
0x20b: {  	s31 =	sld [smem:$0x7F0]  }
0x20c: {  	[spmem:s2] =	stream.indirect.scatter.add.f32 [tilespmem:s10], [sflag:$0x3], $0x20, s0, s9, $0xb8;
	[tilespmem:$0x1F000] =	vst v63  }
0x20d: {  	s0 =	sld [smem:$0x7F1]  }
0x20e: {  	[spmem:s2] =	stream.indirect.scatter.add.f32 [tilespmem:s11], [sflag:$0x3], $0x20, s31, s9, $0xb8;
	[tilespmem:$0x1F000] =	vst v63  }
0x20f: {  	s31 =	sld [smem:$0x7F2]  }
0x210: {  	[spmem:s2] =	stream.indirect.scatter.add.f32 [tilespmem:s12], [sflag:$0x3], $0x20, s0, s9, $0xb8;
	[tilespmem:$0x1F000] =	vst v63  }
0x211: {  	s0 =	sld [smem:$0x7F3]  }
0x212: {  	[spmem:s2] =	stream.indirect.scatter.add.f32 [tilespmem:s13], [sflag:$0x3], $0x20, s31, s9, $0xb8;
	[tilespmem:$0x1F000] =	vst v63  }
0x213: {  	s31 =	sld [smem:$0x7F4]  }
0x214: {  	[spmem:s2] =	stream.indirect.scatter.add.f32 [tilespmem:s14], [sflag:$0x3], $0x20, s0, s9, $0xb8;
	[tilespmem:$0x1F000] =	vst v63  }
0x215: {  	s0 =	sld [smem:$0x7F5]  }
0x216: {  	[spmem:s2] =	stream.indirect.scatter.add.f32 [tilespmem:s15], [sflag:$0x3], $0x20, s31, s9, $0xb8;
	[tilespmem:$0x1F000] =	vst v63  }
0x217: {  	s31 =	sld [smem:$0x7F6]  }
0x218: {  	[spmem:s2] =	stream.indirect.scatter.add.f32 [tilespmem:s16], [sflag:$0x3], $0x20, s0, s9, $0xb8;
	[tilespmem:$0x1F000] =	vst v63  }
0x219: {  	_ = 	snop  }
0x21a: {  	[spmem:s2] =	stream.indirect.scatter.add.f32 [tilespmem:s17], [sflag:$0x3], $0x20, s31, s9, $0xb8;
	[tilespmem:$0x1F000] =	vst v63  }
0x21b: {  	_ =	swait.ge [sflag:s28], $0x8000  }
0x21c: {  	[sflag:s28] =	ssyncset.done $0x0  }
0x21d: {  	[sflag:s28] =	ssyncadd.s32 $0xFFFF8000  }
0x21e: {  	_ =	swait.ge [sflag:s29], $0x8000  }
0x21f: {  	s0 =	sld [smem:$0x7F7]  }
0x220: {  	[sflag:s29] =	ssyncset.done $0x0  }
0x221: {  	s31 =	sld [smem:$0x7F8];
	[sflag:s29] =	ssyncadd.s32 $0xFFFF8000  }
0x222: {  	[spmem:s2] =	stream.indirect.scatter.add.f32 [tilespmem:s19], [sflag:$0x4], $0x20, s0, s9, $0xb8;
	[tilespmem:$0x1F000] =	vst v63  }
0x223: {  	s0 =	sld [smem:$0x7F9]  }
0x224: {  	[spmem:s2] =	stream.indirect.scatter.add.f32 [tilespmem:s20], [sflag:$0x4], $0x20, s31, s9, $0xb8;
	[tilespmem:$0x1F000] =	vst v63  }
0x225: {  	s31 =	sld [smem:$0x7FA]  }
0x226: {  	[spmem:s2] =	stream.indirect.scatter.add.f32 [tilespmem:s21], [sflag:$0x4], $0x20, s0, s9, $0xb8;
	[tilespmem:$0x1F000] =	vst v63  }
0x227: {  	s0 =	sld [smem:$0x7FB]  }
0x228: {  	[spmem:s2] =	stream.indirect.scatter.add.f32 [tilespmem:s22], [sflag:$0x4], $0x20, s31, s9, $0xb8;
	[tilespmem:$0x1F000] =	vst v63  }
0x229: {  	s31 =	sld [smem:$0x7FC]  }
0x22a: {  	[spmem:s2] =	stream.indirect.scatter.add.f32 [tilespmem:s23], [sflag:$0x4], $0x20, s0, s9, $0xb8;
	[tilespmem:$0x1F000] =	vst v63  }
0x22b: {  	s0 =	sld [smem:$0x7FD]  }
0x22c: {  	[spmem:s2] =	stream.indirect.scatter.add.f32 [tilespmem:s24], [sflag:$0x4], $0x20, s31, s9, $0xb8;
	[tilespmem:$0x1F000] =	vst v63  }
0x22d: {  	_ = 	snop  }
0x22e: {  	[spmem:s2] =	stream.indirect.scatter.add.f32 [tilespmem:s25], [sflag:$0x4], $0x20, s0, s9, $0xb8;
	[tilespmem:$0x1F000] =	vst v63  }
0x22f: {  	s0 =	ssub.s32 $0x2, s1  }
0x230: {  	s31 =	simm.s32 $0x4F80;
	s1 =	sshrl.u32 s0, $0x1  }
0x231: {  	[spmem:s2] =	stream.indirect.scatter.add.f32 [tilespmem:s26], [sflag:$0x4], $0x20, s31, s9, $0xb8;
	[tilespmem:$0x1F000] =	vst v63  }
0x232: {  	s0 =	ssub.s32 s0, s1  }
0x233: {  	s0 =	smax.u32 s0, $0x1  }
0x234: {  	_ =	swait.ge [sflag:s30], $0x8000;
	p0 =	sne.s32 s0, $0x1  }
.Ltmp0:
0x235: {  	[sflag:s30] =	ssyncset.done $0x0;
	(pc) =	sbr.rel @!p0 .LBB2_2-.Ltmp0, $4  }
0x236: {  	[sflag:s30] =	ssyncadd.s32 $0xFFFF8000  }
0x237: {  	[bflag:$0x0] =	sbarrier.arrive $0xFFFF  }
0x238: {  	s1 =	sadd.s32 $0xFFFFFFFF, s0;
	s31 =	rddreg [dreg:$0x8]  }
0x239: {  	[hbm:s31], [sflag:s5] =	dma.local [spmem:s7], $0xA00  }
.LBB2_1:
0x23a: {  	_ =	swait.ge [sflag:s6], $0xA00  }
0x23b: {  	[sflag:s6] =	ssyncset.done $0x0  }
0x23c: {  	s0 =	rddreg [dreg:$0x4];
	[sflag:s6] =	ssyncadd.s32 $0xFFFFF600  }
0x23d: {  	[spmem:s7], [sflag:s5] =	dma.local [hbm:s0], $0xA00  }
0x23e: {  	_ =	swait.ge [sflag:s6], $0xA00  }
0x23f: {  	[sflag:s6] =	ssyncset.done $0x0;
	s0 =	rddreg [dreg:$0x5]  }
0x240: {  	s31 =	rddreg [dreg:$0x9];
	[sflag:s6] =	ssyncadd.s32 $0xFFFFF600  }
0x241: {  	[spmem:s31], [sflag:s5] =	dma.local [hbm:s0], $0xA00  }
0x242: {  	_ =	swait.ge [sflag:s6], $0xA00  }
0x243: {  	[sflag:s6] =	ssyncset.done $0x0  }
0x244: {  	s31 =	rddreg [dreg:$0x6];
	[sflag:s6] =	ssyncadd.s32 $0xFFFFF600  }
0x245: {  	[tilespmem:s4], [sflag:$0x5] =	stream.linear.gather [hbm4b:s31+s4], $0x2800, $0x38;
	[tilespmem:$0x1F000] =	vst v63  }
0x246: {  	_ =	swait.ge [sflag:s6], $0x2800  }
0x247: {  	[sflag:s6] =	ssyncset.done $0x0  }
0x248: {  	s31 =	rddreg [dreg:$0x7];
	[sflag:s6] =	ssyncadd.s32 $0xFFFFD800  }
0x249: {  	[tilespmem:s8], [sflag:$0x5] =	stream.linear.gather [hbm4b:s31+s4], $0x2800, $0x38;
	[tilespmem:$0x1F000] =	vst v63  }
0x24a: {  	_ =	swait.ge [sflag:s6], $0x2800  }
0x24b: {  	[sflag:s6] =	ssyncset.done $0x0  }
0x24c: {  	[sflag:s6] =	ssyncadd.s32 $0xFFFFD800  }
0x24d: {  	[bflag:$0x0] =	sbarrier.arrive $0xFFFF  }
0x24e: {  	[tilespmem:s10], [sflag:$0x1] =	stream.indirect.gather [spmem:s3], $0x20, s4, s9, $0xb8;
	[tilespmem:$0x1F000] =	vst v63  }
0x24f: {  	_ = 	snop  }
0x250: {  	[tilespmem:s11], [sflag:$0x1] =	stream.indirect.gather [spmem:s3], $0x20, s9, s9, $0xb8;
	[tilespmem:$0x1F000] =	vst v63  }
0x251: {  	s0 =	rddreg [dreg:$0xa]  }
0x252: {  	[tilespmem:s12], [sflag:$0x1] =	stream.indirect.gather [spmem:s3], $0x20, s0, s9, $0xb8;
	[tilespmem:$0x1F000] =	vst v63  }
0x253: {  	s31 =	rddreg [dreg:$0xb]  }
0x254: {  	[tilespmem:s13], [sflag:$0x1] =	stream.indirect.gather [spmem:s3], $0x20, s31, s9, $0xb8;
	[tilespmem:$0x1F000] =	vst v63  }
0x255: {  	s0 =	rddreg [dreg:$0xc]  }
0x256: {  	[tilespmem:s14], [sflag:$0x1] =	stream.indirect.gather [spmem:s3], $0x20, s0, s9, $0xb8;
	[tilespmem:$0x1F000] =	vst v63  }
0x257: {  	s31 =	rddreg [dreg:$0xd]  }
0x258: {  	[tilespmem:s15], [sflag:$0x1] =	stream.indirect.gather [spmem:s3], $0x20, s31, s9, $0xb8;
	[tilespmem:$0x1F000] =	vst v63  }
0x259: {  	s0 =	rddreg [dreg:$0xe]  }
0x25a: {  	[tilespmem:s16], [sflag:$0x1] =	stream.indirect.gather [spmem:s3], $0x20, s0, s9, $0xb8;
	[tilespmem:$0x1F000] =	vst v63  }
0x25b: {  	s31 =	rddreg [dreg:$0xf]  }
0x25c: {  	[tilespmem:s17], [sflag:$0x1] =	stream.indirect.gather [spmem:s3], $0x20, s31, s9, $0xb8;
	[tilespmem:$0x1F000] =	vst v63  }
0x25d: {  	_ =	swait.ge [sflag:s18], $0x8000  }
0x25e: {  	[sflag:s18] =	ssyncset.done $0x0  }
0x25f: {  	s0 =	rddreg [dreg:$0x10];
	[sflag:s18] =	ssyncadd.s32 $0xFFFF8000  }
0x260: {  	[tilespmem:s19], [sflag:$0x2] =	stream.indirect.gather [spmem:s3], $0x20, s0, s9, $0xb8;
	[tilespmem:$0x1F000] =	vst v63  }
0x261: {  	s31 =	rddreg [dreg:$0x11]  }
0x262: {  	[tilespmem:s20], [sflag:$0x2] =	stream.indirect.gather [spmem:s3], $0x20, s31, s9, $0xb8;
	[tilespmem:$0x1F000] =	vst v63  }
0x263: {  	s0 =	rddreg [dreg:$0x12]  }
0x264: {  	[tilespmem:s21], [sflag:$0x2] =	stream.indirect.gather [spmem:s3], $0x20, s0, s9, $0xb8;
	[tilespmem:$0x1F000] =	vst v63  }
0x265: {  	s31 =	rddreg [dreg:$0x13]  }
0x266: {  	[tilespmem:s22], [sflag:$0x2] =	stream.indirect.gather [spmem:s3], $0x20, s31, s9, $0xb8;
	[tilespmem:$0x1F000] =	vst v63  }
0x267: {  	s0 =	rddreg [dreg:$0x14]  }
0x268: {  	[tilespmem:s23], [sflag:$0x2] =	stream.indirect.gather [spmem:s3], $0x20, s0, s9, $0xb8;
	[tilespmem:$0x1F000] =	vst v63  }
0x269: {  	s31 =	rddreg [dreg:$0x15]  }
0x26a: {  	[tilespmem:s24], [sflag:$0x2] =	stream.indirect.gather [spmem:s3], $0x20, s31, s9, $0xb8;
	[tilespmem:$0x1F000] =	vst v63  }
0x26b: {  	s0 =	rddreg [dreg:$0x16]  }
0x26c: {  	[tilespmem:s25], [sflag:$0x2] =	stream.indirect.gather [spmem:s3], $0x20, s0, s9, $0xb8;
	[tilespmem:$0x1F000] =	vst v63  }
0x26d: {  	s31 =	rddreg [dreg:$0x17]  }
0x26e: {  	[tilespmem:s26], [sflag:$0x2] =	stream.indirect.gather [spmem:s3], $0x20, s31, s9, $0xb8;
	[tilespmem:$0x1F000] =	vst v63  }
0x26f: {  	_ = 	snop  }
0x270: {  	[spmem:s2] =	stream.indirect.scatter.add.f32 [tilespmem:s10], [sflag:$0x3], $0x20, s8, s9, $0xb8;
	[tilespmem:$0x1F000] =	vst v63  }
0x271: {  	s0 =	rddreg [dreg:$0x18]  }
0x272: {  	[spmem:s2] =	stream.indirect.scatter.add.f32 [tilespmem:s11], [sflag:$0x3], $0x20, s0, s9, $0xb8;
	[tilespmem:$0x1F000] =	vst v63  }
0x273: {  	s31 =	rddreg [dreg:$0x19]  }
0x274: {  	[spmem:s2] =	stream.indirect.scatter.add.f32 [tilespmem:s12], [sflag:$0x3], $0x20, s31, s9, $0xb8;
	[tilespmem:$0x1F000] =	vst v63  }
0x275: {  	s0 =	rddreg [dreg:$0x1a]  }
0x276: {  	[spmem:s2] =	stream.indirect.scatter.add.f32 [tilespmem:s13], [sflag:$0x3], $0x20, s0, s9, $0xb8;
	[tilespmem:$0x1F000] =	vst v63  }
0x277: {  	s31 =	rddreg [dreg:$0x1b]  }
0x278: {  	[spmem:s2] =	stream.indirect.scatter.add.f32 [tilespmem:s14], [sflag:$0x3], $0x20, s31, s9, $0xb8;
	[tilespmem:$0x1F000] =	vst v63  }
0x279: {  	s0 =	rddreg [dreg:$0x1c]  }
0x27a: {  	[spmem:s2] =	stream.indirect.scatter.add.f32 [tilespmem:s15], [sflag:$0x3], $0x20, s0, s9, $0xb8;
	[tilespmem:$0x1F000] =	vst v63  }
0x27b: {  	s31 =	rddreg [dreg:$0x1d]  }
0x27c: {  	[spmem:s2] =	stream.indirect.scatter.add.f32 [tilespmem:s16], [sflag:$0x3], $0x20, s31, s9, $0xb8;
	[tilespmem:$0x1F000] =	vst v63  }
0x27d: {  	s0 =	rddreg [dreg:$0x1e]  }
0x27e: {  	[spmem:s2] =	stream.indirect.scatter.add.f32 [tilespmem:s17], [sflag:$0x3], $0x20, s0, s9, $0xb8;
	[tilespmem:$0x1F000] =	vst v63  }
0x27f: {  	_ =	swait.ge [sflag:s28], $0x8000  }
0x280: {  	[sflag:s28] =	ssyncset.done $0x0  }
0x281: {  	[sflag:s28] =	ssyncadd.s32 $0xFFFF8000  }
0x282: {  	_ =	swait.ge [sflag:s29], $0x8000  }
0x283: {  	[sflag:s29] =	ssyncset.done $0x0;
	s0 =	rddreg [dreg:$0x1f]  }
0x284: {  	s31 =	sld [smem:$0x778];
	[sflag:s29] =	ssyncadd.s32 $0xFFFF8000  }
0x285: {  	[tilespmem:s10], [sflag:$0x1] =	stream.indirect.gather [spmem:s3], $0x20, s0, s9, $0xb8;
	[tilespmem:$0x1F000] =	vst v63  }
0x286: {  	s0 =	sld [smem:$0x779]  }
0x287: {  	[tilespmem:s11], [sflag:$0x1] =	stream.indirect.gather [spmem:s3], $0x20, s31, s9, $0xb8;
	[tilespmem:$0x1F000] =	vst v63  }
0x288: {  	s31 =	sld [smem:$0x77A]  }
0x289: {  	[tilespmem:s12], [sflag:$0x1] =	stream.indirect.gather [spmem:s3], $0x20, s0, s9, $0xb8;
	[tilespmem:$0x1F000] =	vst v63  }
0x28a: {  	s0 =	sld [smem:$0x77B]  }
0x28b: {  	[tilespmem:s13], [sflag:$0x1] =	stream.indirect.gather [spmem:s3], $0x20, s31, s9, $0xb8;
	[tilespmem:$0x1F000] =	vst v63  }
0x28c: {  	s31 =	sld [smem:$0x77C]  }
0x28d: {  	[tilespmem:s14], [sflag:$0x1] =	stream.indirect.gather [spmem:s3], $0x20, s0, s9, $0xb8;
	[tilespmem:$0x1F000] =	vst v63  }
0x28e: {  	s0 =	sld [smem:$0x77D]  }
0x28f: {  	[tilespmem:s15], [sflag:$0x1] =	stream.indirect.gather [spmem:s3], $0x20, s31, s9, $0xb8;
	[tilespmem:$0x1F000] =	vst v63  }
0x290: {  	s31 =	sld [smem:$0x77E]  }
0x291: {  	[tilespmem:s16], [sflag:$0x1] =	stream.indirect.gather [spmem:s3], $0x20, s0, s9, $0xb8;
	[tilespmem:$0x1F000] =	vst v63  }
0x292: {  	s0 =	sld [smem:$0x77F]  }
0x293: {  	[tilespmem:s17], [sflag:$0x1] =	stream.indirect.gather [spmem:s3], $0x20, s31, s9, $0xb8;
	[tilespmem:$0x1F000] =	vst v63  }
0x294: {  	s31 =	sld [smem:$0x780]  }
0x295: {  	[spmem:s2] =	stream.indirect.scatter.add.f32 [tilespmem:s19], [sflag:$0x4], $0x20, s0, s9, $0xb8;
	[tilespmem:$0x1F000] =	vst v63  }
0x296: {  	s0 =	sld [smem:$0x781]  }
0x297: {  	[spmem:s2] =	stream.indirect.scatter.add.f32 [tilespmem:s20], [sflag:$0x4], $0x20, s31, s9, $0xb8;
	[tilespmem:$0x1F000] =	vst v63  }
0x298: {  	s31 =	sld [smem:$0x782]  }
0x299: {  	[spmem:s2] =	stream.indirect.scatter.add.f32 [tilespmem:s21], [sflag:$0x4], $0x20, s0, s9, $0xb8;
	[tilespmem:$0x1F000] =	vst v63  }
0x29a: {  	s0 =	sld [smem:$0x783]  }
0x29b: {  	[spmem:s2] =	stream.indirect.scatter.add.f32 [tilespmem:s22], [sflag:$0x4], $0x20, s31, s9, $0xb8;
	[tilespmem:$0x1F000] =	vst v63  }
0x29c: {  	s31 =	sld [smem:$0x784]  }
0x29d: {  	[spmem:s2] =	stream.indirect.scatter.add.f32 [tilespmem:s23], [sflag:$0x4], $0x20, s0, s9, $0xb8;
	[tilespmem:$0x1F000] =	vst v63  }
0x29e: {  	s0 =	sld [smem:$0x785]  }
0x29f: {  	[spmem:s2] =	stream.indirect.scatter.add.f32 [tilespmem:s24], [sflag:$0x4], $0x20, s31, s9, $0xb8;
	[tilespmem:$0x1F000] =	vst v63  }
0x2a0: {  	s31 =	sld [smem:$0x786]  }
0x2a1: {  	[spmem:s2] =	stream.indirect.scatter.add.f32 [tilespmem:s25], [sflag:$0x4], $0x20, s0, s9, $0xb8;
	[tilespmem:$0x1F000] =	vst v63  }
0x2a2: {  	_ = 	snop  }
0x2a3: {  	[spmem:s2] =	stream.indirect.scatter.add.f32 [tilespmem:s26], [sflag:$0x4], $0x20, s31, s9, $0xb8;
	[tilespmem:$0x1F000] =	vst v63  }
0x2a4: {  	_ =	swait.ge [sflag:s30], $0x8000  }
0x2a5: {  	[sflag:s30] =	ssyncset.done $0x0  }
0x2a6: {  	[sflag:s30] =	ssyncadd.s32 $0xFFFF8000  }
0x2a7: {  	_ =	swait.ge [sflag:s18], $0x8000  }
0x2a8: {  	s0 =	sld [smem:$0x787]  }
0x2a9: {  	[sflag:s18] =	ssyncset.done $0x0  }
0x2aa: {  	s31 =	sld [smem:$0x788];
	[sflag:s18] =	ssyncadd.s32 $0xFFFF8000  }
0x2ab: {  	[tilespmem:s19], [sflag:$0x2] =	stream.indirect.gather [spmem:s3], $0x20, s0, s9, $0xb8;
	[tilespmem:$0x1F000] =	vst v63  }
0x2ac: {  	s0 =	sld [smem:$0x789]  }
0x2ad: {  	[tilespmem:s20], [sflag:$0x2] =	stream.indirect.gather [spmem:s3], $0x20, s31, s9, $0xb8;
	[tilespmem:$0x1F000] =	vst v63  }
0x2ae: {  	s31 =	sld [smem:$0x78A]  }
0x2af: {  	[tilespmem:s21], [sflag:$0x2] =	stream.indirect.gather [spmem:s3], $0x20, s0, s9, $0xb8;
	[tilespmem:$0x1F000] =	vst v63  }
0x2b0: {  	s0 =	sld [smem:$0x78B]  }
0x2b1: {  	[tilespmem:s22], [sflag:$0x2] =	stream.indirect.gather [spmem:s3], $0x20, s31, s9, $0xb8;
	[tilespmem:$0x1F000] =	vst v63  }
0x2b2: {  	s31 =	sld [smem:$0x78C]  }
0x2b3: {  	[tilespmem:s23], [sflag:$0x2] =	stream.indirect.gather [spmem:s3], $0x20, s0, s9, $0xb8;
	[tilespmem:$0x1F000] =	vst v63  }
0x2b4: {  	s0 =	sld [smem:$0x78D]  }
0x2b5: {  	[tilespmem:s24], [sflag:$0x2] =	stream.indirect.gather [spmem:s3], $0x20, s31, s9, $0xb8;
	[tilespmem:$0x1F000] =	vst v63  }
0x2b6: {  	s31 =	sld [smem:$0x78E]  }
0x2b7: {  	[tilespmem:s25], [sflag:$0x2] =	stream.indirect.gather [spmem:s3], $0x20, s0, s9, $0xb8;
	[tilespmem:$0x1F000] =	vst v63  }
0x2b8: {  	s0 =	sld [smem:$0x78F]  }
0x2b9: {  	[tilespmem:s26], [sflag:$0x2] =	stream.indirect.gather [spmem:s3], $0x20, s31, s9, $0xb8;
	[tilespmem:$0x1F000] =	vst v63  }
0x2ba: {  	s31 =	sld [smem:$0x790]  }
0x2bb: {  	[spmem:s2] =	stream.indirect.scatter.add.f32 [tilespmem:s10], [sflag:$0x3], $0x20, s0, s9, $0xb8;
	[tilespmem:$0x1F000] =	vst v63  }
0x2bc: {  	s0 =	sld [smem:$0x791]  }
0x2bd: {  	[spmem:s2] =	stream.indirect.scatter.add.f32 [tilespmem:s11], [sflag:$0x3], $0x20, s31, s9, $0xb8;
	[tilespmem:$0x1F000] =	vst v63  }
0x2be: {  	s31 =	sld [smem:$0x792]  }
0x2bf: {  	[spmem:s2] =	stream.indirect.scatter.add.f32 [tilespmem:s12], [sflag:$0x3], $0x20, s0, s9, $0xb8;
	[tilespmem:$0x1F000] =	vst v63  }
0x2c0: {  	s0 =	sld [smem:$0x793]  }
0x2c1: {  	[spmem:s2] =	stream.indirect.scatter.add.f32 [tilespmem:s13], [sflag:$0x3], $0x20, s31, s9, $0xb8;
	[tilespmem:$0x1F000] =	vst v63  }
0x2c2: {  	s31 =	sld [smem:$0x794]  }
0x2c3: {  	[spmem:s2] =	stream.indirect.scatter.add.f32 [tilespmem:s14], [sflag:$0x3], $0x20, s0, s9, $0xb8;
	[tilespmem:$0x1F000] =	vst v63  }
0x2c4: {  	s0 =	sld [smem:$0x795]  }
0x2c5: {  	[spmem:s2] =	stream.indirect.scatter.add.f32 [tilespmem:s15], [sflag:$0x3], $0x20, s31, s9, $0xb8;
	[tilespmem:$0x1F000] =	vst v63  }
0x2c6: {  	s31 =	sld [smem:$0x796]  }
0x2c7: {  	[spmem:s2] =	stream.indirect.scatter.add.f32 [tilespmem:s16], [sflag:$0x3], $0x20, s0, s9, $0xb8;
	[tilespmem:$0x1F000] =	vst v63  }
0x2c8: {  	_ = 	snop  }
0x2c9: {  	[spmem:s2] =	stream.indirect.scatter.add.f32 [tilespmem:s17], [sflag:$0x3], $0x20, s31, s9, $0xb8;
	[tilespmem:$0x1F000] =	vst v63  }
0x2ca: {  	_ =	swait.ge [sflag:s28], $0x8000  }
0x2cb: {  	[sflag:s28] =	ssyncset.done $0x0  }
0x2cc: {  	[sflag:s28] =	ssyncadd.s32 $0xFFFF8000  }
0x2cd: {  	_ =	swait.ge [sflag:s29], $0x8000  }
0x2ce: {  	s0 =	sld [smem:$0x797]  }
0x2cf: {  	[sflag:s29] =	ssyncset.done $0x0  }
0x2d0: {  	s31 =	sld [smem:$0x798];
	[sflag:s29] =	ssyncadd.s32 $0xFFFF8000  }
0x2d1: {  	[tilespmem:s10], [sflag:$0x1] =	stream.indirect.gather [spmem:s3], $0x20, s0, s9, $0xb8;
	[tilespmem:$0x1F000] =	vst v63  }
0x2d2: {  	s0 =	sld [smem:$0x799]  }
0x2d3: {  	[tilespmem:s11], [sflag:$0x1] =	stream.indirect.gather [spmem:s3], $0x20, s31, s9, $0xb8;
	[tilespmem:$0x1F000] =	vst v63  }
0x2d4: {  	s31 =	sld [smem:$0x79A]  }
0x2d5: {  	[tilespmem:s12], [sflag:$0x1] =	stream.indirect.gather [spmem:s3], $0x20, s0, s9, $0xb8;
	[tilespmem:$0x1F000] =	vst v63  }
0x2d6: {  	s0 =	sld [smem:$0x79B]  }
0x2d7: {  	[tilespmem:s13], [sflag:$0x1] =	stream.indirect.gather [spmem:s3], $0x20, s31, s9, $0xb8;
	[tilespmem:$0x1F000] =	vst v63  }
0x2d8: {  	s31 =	sld [smem:$0x79C]  }
0x2d9: {  	[tilespmem:s14], [sflag:$0x1] =	stream.indirect.gather [spmem:s3], $0x20, s0, s9, $0xb8;
	[tilespmem:$0x1F000] =	vst v63  }
0x2da: {  	s0 =	sld [smem:$0x79D]  }
0x2db: {  	[tilespmem:s15], [sflag:$0x1] =	stream.indirect.gather [spmem:s3], $0x20, s31, s9, $0xb8;
	[tilespmem:$0x1F000] =	vst v63  }
0x2dc: {  	s31 =	sld [smem:$0x79E]  }
0x2dd: {  	[tilespmem:s16], [sflag:$0x1] =	stream.indirect.gather [spmem:s3], $0x20, s0, s9, $0xb8;
	[tilespmem:$0x1F000] =	vst v63  }
0x2de: {  	s0 =	sld [smem:$0x79F]  }
0x2df: {  	[tilespmem:s17], [sflag:$0x1] =	stream.indirect.gather [spmem:s3], $0x20, s31, s9, $0xb8;
	[tilespmem:$0x1F000] =	vst v63  }
0x2e0: {  	s31 =	sld [smem:$0x7A0]  }
0x2e1: {  	[spmem:s2] =	stream.indirect.scatter.add.f32 [tilespmem:s19], [sflag:$0x4], $0x20, s0, s9, $0xb8;
	[tilespmem:$0x1F000] =	vst v63  }
0x2e2: {  	s0 =	sld [smem:$0x7A1]  }
0x2e3: {  	[spmem:s2] =	stream.indirect.scatter.add.f32 [tilespmem:s20], [sflag:$0x4], $0x20, s31, s9, $0xb8;
	[tilespmem:$0x1F000] =	vst v63  }
0x2e4: {  	s31 =	sld [smem:$0x7A2]  }
0x2e5: {  	[spmem:s2] =	stream.indirect.scatter.add.f32 [tilespmem:s21], [sflag:$0x4], $0x20, s0, s9, $0xb8;
	[tilespmem:$0x1F000] =	vst v63  }
0x2e6: {  	s0 =	sld [smem:$0x7A3]  }
0x2e7: {  	[spmem:s2] =	stream.indirect.scatter.add.f32 [tilespmem:s22], [sflag:$0x4], $0x20, s31, s9, $0xb8;
	[tilespmem:$0x1F000] =	vst v63  }
0x2e8: {  	s31 =	sld [smem:$0x7A4]  }
0x2e9: {  	[spmem:s2] =	stream.indirect.scatter.add.f32 [tilespmem:s23], [sflag:$0x4], $0x20, s0, s9, $0xb8;
	[tilespmem:$0x1F000] =	vst v63  }
0x2ea: {  	s0 =	sld [smem:$0x7A5]  }
0x2eb: {  	[spmem:s2] =	stream.indirect.scatter.add.f32 [tilespmem:s24], [sflag:$0x4], $0x20, s31, s9, $0xb8;
	[tilespmem:$0x1F000] =	vst v63  }
0x2ec: {  	s31 =	sld [smem:$0x7A6]  }
0x2ed: {  	[spmem:s2] =	stream.indirect.scatter.add.f32 [tilespmem:s25], [sflag:$0x4], $0x20, s0, s9, $0xb8;
	[tilespmem:$0x1F000] =	vst v63  }
0x2ee: {  	_ = 	snop  }
0x2ef: {  	[spmem:s2] =	stream.indirect.scatter.add.f32 [tilespmem:s26], [sflag:$0x4], $0x20, s31, s9, $0xb8;
	[tilespmem:$0x1F000] =	vst v63  }
0x2f0: {  	_ =	swait.ge [sflag:s30], $0x8000  }
0x2f1: {  	[sflag:s30] =	ssyncset.done $0x0  }
0x2f2: {  	[sflag:s30] =	ssyncadd.s32 $0xFFFF8000  }
0x2f3: {  	_ =	swait.ge [sflag:s18], $0x8000  }
0x2f4: {  	s0 =	sld [smem:$0x7A7]  }
0x2f5: {  	[sflag:s18] =	ssyncset.done $0x0  }
0x2f6: {  	s31 =	sld [smem:$0x7A8];
	[sflag:s18] =	ssyncadd.s32 $0xFFFF8000  }
0x2f7: {  	[tilespmem:s19], [sflag:$0x2] =	stream.indirect.gather [spmem:s3], $0x20, s0, s9, $0xb8;
	[tilespmem:$0x1F000] =	vst v63  }
0x2f8: {  	s0 =	sld [smem:$0x7A9]  }
0x2f9: {  	[tilespmem:s20], [sflag:$0x2] =	stream.indirect.gather [spmem:s3], $0x20, s31, s9, $0xb8;
	[tilespmem:$0x1F000] =	vst v63  }
0x2fa: {  	s31 =	sld [smem:$0x7AA]  }
0x2fb: {  	[tilespmem:s21], [sflag:$0x2] =	stream.indirect.gather [spmem:s3], $0x20, s0, s9, $0xb8;
	[tilespmem:$0x1F000] =	vst v63  }
0x2fc: {  	s0 =	sld [smem:$0x7AB]  }
0x2fd: {  	[tilespmem:s22], [sflag:$0x2] =	stream.indirect.gather [spmem:s3], $0x20, s31, s9, $0xb8;
	[tilespmem:$0x1F000] =	vst v63  }
0x2fe: {  	s31 =	sld [smem:$0x7AC]  }
0x2ff: {  	[tilespmem:s23], [sflag:$0x2] =	stream.indirect.gather [spmem:s3], $0x20, s0, s9, $0xb8;
	[tilespmem:$0x1F000] =	vst v63  }
0x300: {  	s0 =	sld [smem:$0x7AD]  }
0x301: {  	[tilespmem:s24], [sflag:$0x2] =	stream.indirect.gather [spmem:s3], $0x20, s31, s9, $0xb8;
	[tilespmem:$0x1F000] =	vst v63  }
0x302: {  	s31 =	sld [smem:$0x7AE]  }
0x303: {  	[tilespmem:s25], [sflag:$0x2] =	stream.indirect.gather [spmem:s3], $0x20, s0, s9, $0xb8;
	[tilespmem:$0x1F000] =	vst v63  }
0x304: {  	s0 =	sld [smem:$0x7AF]  }
0x305: {  	[tilespmem:s26], [sflag:$0x2] =	stream.indirect.gather [spmem:s3], $0x20, s31, s9, $0xb8;
	[tilespmem:$0x1F000] =	vst v63  }
0x306: {  	s31 =	sld [smem:$0x7B0]  }
0x307: {  	[spmem:s2] =	stream.indirect.scatter.add.f32 [tilespmem:s10], [sflag:$0x3], $0x20, s0, s9, $0xb8;
	[tilespmem:$0x1F000] =	vst v63  }
0x308: {  	s0 =	sld [smem:$0x7B1]  }
0x309: {  	[spmem:s2] =	stream.indirect.scatter.add.f32 [tilespmem:s11], [sflag:$0x3], $0x20, s31, s9, $0xb8;
	[tilespmem:$0x1F000] =	vst v63  }
0x30a: {  	s31 =	sld [smem:$0x7B2]  }
0x30b: {  	[spmem:s2] =	stream.indirect.scatter.add.f32 [tilespmem:s12], [sflag:$0x3], $0x20, s0, s9, $0xb8;
	[tilespmem:$0x1F000] =	vst v63  }
0x30c: {  	s0 =	sld [smem:$0x7B3]  }
0x30d: {  	[spmem:s2] =	stream.indirect.scatter.add.f32 [tilespmem:s13], [sflag:$0x3], $0x20, s31, s9, $0xb8;
	[tilespmem:$0x1F000] =	vst v63  }
0x30e: {  	s31 =	sld [smem:$0x7B4]  }
0x30f: {  	[spmem:s2] =	stream.indirect.scatter.add.f32 [tilespmem:s14], [sflag:$0x3], $0x20, s0, s9, $0xb8;
	[tilespmem:$0x1F000] =	vst v63  }
0x310: {  	s0 =	sld [smem:$0x7B5]  }
0x311: {  	[spmem:s2] =	stream.indirect.scatter.add.f32 [tilespmem:s15], [sflag:$0x3], $0x20, s31, s9, $0xb8;
	[tilespmem:$0x1F000] =	vst v63  }
0x312: {  	s31 =	sld [smem:$0x7B6]  }
0x313: {  	[spmem:s2] =	stream.indirect.scatter.add.f32 [tilespmem:s16], [sflag:$0x3], $0x20, s0, s9, $0xb8;
	[tilespmem:$0x1F000] =	vst v63  }
0x314: {  	_ = 	snop  }
0x315: {  	[spmem:s2] =	stream.indirect.scatter.add.f32 [tilespmem:s17], [sflag:$0x3], $0x20, s31, s9, $0xb8;
	[tilespmem:$0x1F000] =	vst v63  }
0x316: {  	_ =	swait.ge [sflag:s28], $0x8000  }
0x317: {  	[sflag:s28] =	ssyncset.done $0x0  }
0x318: {  	[sflag:s28] =	ssyncadd.s32 $0xFFFF8000  }
0x319: {  	_ =	swait.ge [sflag:s29], $0x8000  }
0x31a: {  	s0 =	sld [smem:$0x7B7]  }
0x31b: {  	[sflag:s29] =	ssyncset.done $0x0  }
0x31c: {  	s31 =	sld [smem:$0x7B8];
	[sflag:s29] =	ssyncadd.s32 $0xFFFF8000  }
0x31d: {  	[tilespmem:s10], [sflag:$0x1] =	stream.indirect.gather [spmem:s3], $0x20, s0, s9, $0xb8;
	[tilespmem:$0x1F000] =	vst v63  }
0x31e: {  	s0 =	sld [smem:$0x7B9]  }
0x31f: {  	[tilespmem:s11], [sflag:$0x1] =	stream.indirect.gather [spmem:s3], $0x20, s31, s9, $0xb8;
	[tilespmem:$0x1F000] =	vst v63  }
0x320: {  	s31 =	sld [smem:$0x7BA]  }
0x321: {  	[tilespmem:s12], [sflag:$0x1] =	stream.indirect.gather [spmem:s3], $0x20, s0, s9, $0xb8;
	[tilespmem:$0x1F000] =	vst v63  }
0x322: {  	s0 =	sld [smem:$0x7BB]  }
0x323: {  	[tilespmem:s13], [sflag:$0x1] =	stream.indirect.gather [spmem:s3], $0x20, s31, s9, $0xb8;
	[tilespmem:$0x1F000] =	vst v63  }
0x324: {  	s31 =	sld [smem:$0x7BC]  }
0x325: {  	[tilespmem:s14], [sflag:$0x1] =	stream.indirect.gather [spmem:s3], $0x20, s0, s9, $0xb8;
	[tilespmem:$0x1F000] =	vst v63  }
0x326: {  	s0 =	sld [smem:$0x7BD]  }
0x327: {  	[tilespmem:s15], [sflag:$0x1] =	stream.indirect.gather [spmem:s3], $0x20, s31, s9, $0xb8;
	[tilespmem:$0x1F000] =	vst v63  }
0x328: {  	s31 =	sld [smem:$0x7BE]  }
0x329: {  	[tilespmem:s16], [sflag:$0x1] =	stream.indirect.gather [spmem:s3], $0x20, s0, s9, $0xb8;
	[tilespmem:$0x1F000] =	vst v63  }
0x32a: {  	s0 =	sld [smem:$0x7BF]  }
0x32b: {  	[tilespmem:s17], [sflag:$0x1] =	stream.indirect.gather [spmem:s3], $0x20, s31, s9, $0xb8;
	[tilespmem:$0x1F000] =	vst v63  }
0x32c: {  	s31 =	sld [smem:$0x7C0]  }
0x32d: {  	[spmem:s2] =	stream.indirect.scatter.add.f32 [tilespmem:s19], [sflag:$0x4], $0x20, s0, s9, $0xb8;
	[tilespmem:$0x1F000] =	vst v63  }
0x32e: {  	s0 =	sld [smem:$0x7C1]  }
0x32f: {  	[spmem:s2] =	stream.indirect.scatter.add.f32 [tilespmem:s20], [sflag:$0x4], $0x20, s31, s9, $0xb8;
	[tilespmem:$0x1F000] =	vst v63  }
0x330: {  	s31 =	sld [smem:$0x7C2]  }
0x331: {  	[spmem:s2] =	stream.indirect.scatter.add.f32 [tilespmem:s21], [sflag:$0x4], $0x20, s0, s9, $0xb8;
	[tilespmem:$0x1F000] =	vst v63  }
0x332: {  	s0 =	sld [smem:$0x7C3]  }
0x333: {  	[spmem:s2] =	stream.indirect.scatter.add.f32 [tilespmem:s22], [sflag:$0x4], $0x20, s31, s9, $0xb8;
	[tilespmem:$0x1F000] =	vst v63  }
0x334: {  	s31 =	sld [smem:$0x7C4]  }
0x335: {  	[spmem:s2] =	stream.indirect.scatter.add.f32 [tilespmem:s23], [sflag:$0x4], $0x20, s0, s9, $0xb8;
	[tilespmem:$0x1F000] =	vst v63  }
0x336: {  	s0 =	sld [smem:$0x7C5]  }
0x337: {  	[spmem:s2] =	stream.indirect.scatter.add.f32 [tilespmem:s24], [sflag:$0x4], $0x20, s31, s9, $0xb8;
	[tilespmem:$0x1F000] =	vst v63  }
0x338: {  	s31 =	sld [smem:$0x7C6]  }
0x339: {  	[spmem:s2] =	stream.indirect.scatter.add.f32 [tilespmem:s25], [sflag:$0x4], $0x20, s0, s9, $0xb8;
	[tilespmem:$0x1F000] =	vst v63  }
0x33a: {  	_ = 	snop  }
0x33b: {  	[spmem:s2] =	stream.indirect.scatter.add.f32 [tilespmem:s26], [sflag:$0x4], $0x20, s31, s9, $0xb8;
	[tilespmem:$0x1F000] =	vst v63  }
0x33c: {  	_ =	swait.ge [sflag:s30], $0x8000  }
0x33d: {  	[sflag:s30] =	ssyncset.done $0x0  }
0x33e: {  	[sflag:s30] =	ssyncadd.s32 $0xFFFF8000  }
0x33f: {  	_ =	swait.ge [sflag:s18], $0x8000  }
0x340: {  	s0 =	sld [smem:$0x7C7]  }
0x341: {  	[sflag:s18] =	ssyncset.done $0x0  }
0x342: {  	s31 =	sld [smem:$0x7C8];
	[sflag:s18] =	ssyncadd.s32 $0xFFFF8000  }
0x343: {  	[tilespmem:s19], [sflag:$0x2] =	stream.indirect.gather [spmem:s3], $0x20, s0, s9, $0xb8;
	[tilespmem:$0x1F000] =	vst v63  }
0x344: {  	s0 =	sld [smem:$0x7C9]  }
0x345: {  	[tilespmem:s20], [sflag:$0x2] =	stream.indirect.gather [spmem:s3], $0x20, s31, s9, $0xb8;
	[tilespmem:$0x1F000] =	vst v63  }
0x346: {  	s31 =	sld [smem:$0x7CA]  }
0x347: {  	[tilespmem:s21], [sflag:$0x2] =	stream.indirect.gather [spmem:s3], $0x20, s0, s9, $0xb8;
	[tilespmem:$0x1F000] =	vst v63  }
0x348: {  	s0 =	sld [smem:$0x7CB]  }
0x349: {  	[tilespmem:s22], [sflag:$0x2] =	stream.indirect.gather [spmem:s3], $0x20, s31, s9, $0xb8;
	[tilespmem:$0x1F000] =	vst v63  }
0x34a: {  	s31 =	sld [smem:$0x7CC]  }
0x34b: {  	[tilespmem:s23], [sflag:$0x2] =	stream.indirect.gather [spmem:s3], $0x20, s0, s9, $0xb8;
	[tilespmem:$0x1F000] =	vst v63  }
0x34c: {  	s0 =	sld [smem:$0x7CD]  }
0x34d: {  	[tilespmem:s24], [sflag:$0x2] =	stream.indirect.gather [spmem:s3], $0x20, s31, s9, $0xb8;
	[tilespmem:$0x1F000] =	vst v63  }
0x34e: {  	s31 =	sld [smem:$0x7CE]  }
0x34f: {  	[tilespmem:s25], [sflag:$0x2] =	stream.indirect.gather [spmem:s3], $0x20, s0, s9, $0xb8;
	[tilespmem:$0x1F000] =	vst v63  }
0x350: {  	s0 =	sld [smem:$0x7CF]  }
0x351: {  	[tilespmem:s26], [sflag:$0x2] =	stream.indirect.gather [spmem:s3], $0x20, s31, s9, $0xb8;
	[tilespmem:$0x1F000] =	vst v63  }
0x352: {  	s31 =	sld [smem:$0x7D0]  }
0x353: {  	[spmem:s2] =	stream.indirect.scatter.add.f32 [tilespmem:s10], [sflag:$0x3], $0x20, s0, s9, $0xb8;
	[tilespmem:$0x1F000] =	vst v63  }
0x354: {  	s0 =	sld [smem:$0x7D1]  }
0x355: {  	[spmem:s2] =	stream.indirect.scatter.add.f32 [tilespmem:s11], [sflag:$0x3], $0x20, s31, s9, $0xb8;
	[tilespmem:$0x1F000] =	vst v63  }
0x356: {  	s31 =	sld [smem:$0x7D2]  }
0x357: {  	[spmem:s2] =	stream.indirect.scatter.add.f32 [tilespmem:s12], [sflag:$0x3], $0x20, s0, s9, $0xb8;
	[tilespmem:$0x1F000] =	vst v63  }
0x358: {  	s0 =	sld [smem:$0x7D3]  }
0x359: {  	[spmem:s2] =	stream.indirect.scatter.add.f32 [tilespmem:s13], [sflag:$0x3], $0x20, s31, s9, $0xb8;
	[tilespmem:$0x1F000] =	vst v63  }
0x35a: {  	s31 =	sld [smem:$0x7D4]  }
0x35b: {  	[spmem:s2] =	stream.indirect.scatter.add.f32 [tilespmem:s14], [sflag:$0x3], $0x20, s0, s9, $0xb8;
	[tilespmem:$0x1F000] =	vst v63  }
0x35c: {  	s0 =	sld [smem:$0x7D5]  }
0x35d: {  	[spmem:s2] =	stream.indirect.scatter.add.f32 [tilespmem:s15], [sflag:$0x3], $0x20, s31, s9, $0xb8;
	[tilespmem:$0x1F000] =	vst v63  }
0x35e: {  	s31 =	sld [smem:$0x7D6]  }
0x35f: {  	[spmem:s2] =	stream.indirect.scatter.add.f32 [tilespmem:s16], [sflag:$0x3], $0x20, s0, s9, $0xb8;
	[tilespmem:$0x1F000] =	vst v63  }
0x360: {  	_ = 	snop  }
0x361: {  	[spmem:s2] =	stream.indirect.scatter.add.f32 [tilespmem:s17], [sflag:$0x3], $0x20, s31, s9, $0xb8;
	[tilespmem:$0x1F000] =	vst v63  }
0x362: {  	_ =	swait.ge [sflag:s28], $0x8000  }
0x363: {  	[sflag:s28] =	ssyncset.done $0x0  }
0x364: {  	[sflag:s28] =	ssyncadd.s32 $0xFFFF8000  }
0x365: {  	_ =	swait.ge [sflag:s29], $0x8000  }
0x366: {  	s0 =	sld [smem:$0x7D7]  }
0x367: {  	[sflag:s29] =	ssyncset.done $0x0  }
0x368: {  	s31 =	sld [smem:$0x7D8];
	[sflag:s29] =	ssyncadd.s32 $0xFFFF8000  }
0x369: {  	[tilespmem:s10], [sflag:$0x1] =	stream.indirect.gather [spmem:s3], $0x20, s0, s9, $0xb8;
	[tilespmem:$0x1F000] =	vst v63  }
0x36a: {  	s0 =	sld [smem:$0x7D9]  }
0x36b: {  	[tilespmem:s11], [sflag:$0x1] =	stream.indirect.gather [spmem:s3], $0x20, s31, s9, $0xb8;
	[tilespmem:$0x1F000] =	vst v63  }
0x36c: {  	s31 =	sld [smem:$0x7DA]  }
0x36d: {  	[tilespmem:s12], [sflag:$0x1] =	stream.indirect.gather [spmem:s3], $0x20, s0, s9, $0xb8;
	[tilespmem:$0x1F000] =	vst v63  }
0x36e: {  	s0 =	sld [smem:$0x7DB]  }
0x36f: {  	[tilespmem:s13], [sflag:$0x1] =	stream.indirect.gather [spmem:s3], $0x20, s31, s9, $0xb8;
	[tilespmem:$0x1F000] =	vst v63  }
0x370: {  	s31 =	sld [smem:$0x7DC]  }
0x371: {  	[tilespmem:s14], [sflag:$0x1] =	stream.indirect.gather [spmem:s3], $0x20, s0, s9, $0xb8;
	[tilespmem:$0x1F000] =	vst v63  }
0x372: {  	s0 =	sld [smem:$0x7DD]  }
0x373: {  	[tilespmem:s15], [sflag:$0x1] =	stream.indirect.gather [spmem:s3], $0x20, s31, s9, $0xb8;
	[tilespmem:$0x1F000] =	vst v63  }
0x374: {  	s31 =	sld [smem:$0x7DE]  }
0x375: {  	[tilespmem:s16], [sflag:$0x1] =	stream.indirect.gather [spmem:s3], $0x20, s0, s9, $0xb8;
	[tilespmem:$0x1F000] =	vst v63  }
0x376: {  	s0 =	sld [smem:$0x7DF]  }
0x377: {  	[tilespmem:s17], [sflag:$0x1] =	stream.indirect.gather [spmem:s3], $0x20, s31, s9, $0xb8;
	[tilespmem:$0x1F000] =	vst v63  }
0x378: {  	s31 =	sld [smem:$0x7E0]  }
0x379: {  	[spmem:s2] =	stream.indirect.scatter.add.f32 [tilespmem:s19], [sflag:$0x4], $0x20, s0, s9, $0xb8;
	[tilespmem:$0x1F000] =	vst v63  }
0x37a: {  	s0 =	sld [smem:$0x7E1]  }
0x37b: {  	[spmem:s2] =	stream.indirect.scatter.add.f32 [tilespmem:s20], [sflag:$0x4], $0x20, s31, s9, $0xb8;
	[tilespmem:$0x1F000] =	vst v63  }
0x37c: {  	s31 =	sld [smem:$0x7E2]  }
0x37d: {  	[spmem:s2] =	stream.indirect.scatter.add.f32 [tilespmem:s21], [sflag:$0x4], $0x20, s0, s9, $0xb8;
	[tilespmem:$0x1F000] =	vst v63  }
0x37e: {  	s0 =	sld [smem:$0x7E3]  }
0x37f: {  	[spmem:s2] =	stream.indirect.scatter.add.f32 [tilespmem:s22], [sflag:$0x4], $0x20, s31, s9, $0xb8;
	[tilespmem:$0x1F000] =	vst v63  }
0x380: {  	s31 =	sld [smem:$0x7E4]  }
0x381: {  	[spmem:s2] =	stream.indirect.scatter.add.f32 [tilespmem:s23], [sflag:$0x4], $0x20, s0, s9, $0xb8;
	[tilespmem:$0x1F000] =	vst v63  }
0x382: {  	s0 =	sld [smem:$0x7E5]  }
0x383: {  	[spmem:s2] =	stream.indirect.scatter.add.f32 [tilespmem:s24], [sflag:$0x4], $0x20, s31, s9, $0xb8;
	[tilespmem:$0x1F000] =	vst v63  }
0x384: {  	s31 =	sld [smem:$0x7E6]  }
0x385: {  	[spmem:s2] =	stream.indirect.scatter.add.f32 [tilespmem:s25], [sflag:$0x4], $0x20, s0, s9, $0xb8;
	[tilespmem:$0x1F000] =	vst v63  }
0x386: {  	_ = 	snop  }
0x387: {  	[spmem:s2] =	stream.indirect.scatter.add.f32 [tilespmem:s26], [sflag:$0x4], $0x20, s31, s9, $0xb8;
	[tilespmem:$0x1F000] =	vst v63  }
0x388: {  	_ =	swait.ge [sflag:s30], $0x8000  }
0x389: {  	[sflag:s30] =	ssyncset.done $0x0  }
0x38a: {  	[sflag:s30] =	ssyncadd.s32 $0xFFFF8000  }
0x38b: {  	_ =	swait.ge [sflag:s18], $0x8000  }
0x38c: {  	s0 =	sld [smem:$0x7E7]  }
0x38d: {  	[sflag:s18] =	ssyncset.done $0x0  }
0x38e: {  	s31 =	sld [smem:$0x7E8];
	[sflag:s18] =	ssyncadd.s32 $0xFFFF8000  }
0x38f: {  	[tilespmem:s19], [sflag:$0x2] =	stream.indirect.gather [spmem:s3], $0x20, s0, s9, $0xb8;
	[tilespmem:$0x1F000] =	vst v63  }
0x390: {  	s0 =	sld [smem:$0x7E9]  }
0x391: {  	[tilespmem:s20], [sflag:$0x2] =	stream.indirect.gather [spmem:s3], $0x20, s31, s9, $0xb8;
	[tilespmem:$0x1F000] =	vst v63  }
0x392: {  	s31 =	sld [smem:$0x7EA]  }
0x393: {  	[tilespmem:s21], [sflag:$0x2] =	stream.indirect.gather [spmem:s3], $0x20, s0, s9, $0xb8;
	[tilespmem:$0x1F000] =	vst v63  }
0x394: {  	s0 =	sld [smem:$0x7EB]  }
0x395: {  	[tilespmem:s22], [sflag:$0x2] =	stream.indirect.gather [spmem:s3], $0x20, s31, s9, $0xb8;
	[tilespmem:$0x1F000] =	vst v63  }
0x396: {  	s31 =	sld [smem:$0x7EC]  }
0x397: {  	[tilespmem:s23], [sflag:$0x2] =	stream.indirect.gather [spmem:s3], $0x20, s0, s9, $0xb8;
	[tilespmem:$0x1F000] =	vst v63  }
0x398: {  	s0 =	sld [smem:$0x7ED]  }
0x399: {  	[tilespmem:s24], [sflag:$0x2] =	stream.indirect.gather [spmem:s3], $0x20, s31, s9, $0xb8;
	[tilespmem:$0x1F000] =	vst v63  }
0x39a: {  	s31 =	sld [smem:$0x7EE]  }
0x39b: {  	[tilespmem:s25], [sflag:$0x2] =	stream.indirect.gather [spmem:s3], $0x20, s0, s9, $0xb8;
	[tilespmem:$0x1F000] =	vst v63  }
0x39c: {  	s0 =	sld [smem:$0x7EF]  }
0x39d: {  	[tilespmem:s26], [sflag:$0x2] =	stream.indirect.gather [spmem:s3], $0x20, s31, s9, $0xb8;
	[tilespmem:$0x1F000] =	vst v63  }
0x39e: {  	s31 =	sld [smem:$0x7F0]  }
0x39f: {  	[spmem:s2] =	stream.indirect.scatter.add.f32 [tilespmem:s10], [sflag:$0x3], $0x20, s0, s9, $0xb8;
	[tilespmem:$0x1F000] =	vst v63  }
0x3a0: {  	s0 =	sld [smem:$0x7F1]  }
0x3a1: {  	[spmem:s2] =	stream.indirect.scatter.add.f32 [tilespmem:s11], [sflag:$0x3], $0x20, s31, s9, $0xb8;
	[tilespmem:$0x1F000] =	vst v63  }
0x3a2: {  	s31 =	sld [smem:$0x7F2]  }
0x3a3: {  	[spmem:s2] =	stream.indirect.scatter.add.f32 [tilespmem:s12], [sflag:$0x3], $0x20, s0, s9, $0xb8;
	[tilespmem:$0x1F000] =	vst v63  }
0x3a4: {  	s0 =	sld [smem:$0x7F3]  }
0x3a5: {  	[spmem:s2] =	stream.indirect.scatter.add.f32 [tilespmem:s13], [sflag:$0x3], $0x20, s31, s9, $0xb8;
	[tilespmem:$0x1F000] =	vst v63  }
0x3a6: {  	s31 =	sld [smem:$0x7F4]  }
0x3a7: {  	[spmem:s2] =	stream.indirect.scatter.add.f32 [tilespmem:s14], [sflag:$0x3], $0x20, s0, s9, $0xb8;
	[tilespmem:$0x1F000] =	vst v63  }
0x3a8: {  	s0 =	sld [smem:$0x7F5]  }
0x3a9: {  	[spmem:s2] =	stream.indirect.scatter.add.f32 [tilespmem:s15], [sflag:$0x3], $0x20, s31, s9, $0xb8;
	[tilespmem:$0x1F000] =	vst v63  }
0x3aa: {  	s31 =	sld [smem:$0x7F6]  }
0x3ab: {  	[spmem:s2] =	stream.indirect.scatter.add.f32 [tilespmem:s16], [sflag:$0x3], $0x20, s0, s9, $0xb8;
	[tilespmem:$0x1F000] =	vst v63  }
0x3ac: {  	_ = 	snop  }
0x3ad: {  	[spmem:s2] =	stream.indirect.scatter.add.f32 [tilespmem:s17], [sflag:$0x3], $0x20, s31, s9, $0xb8;
	[tilespmem:$0x1F000] =	vst v63  }
0x3ae: {  	_ =	swait.ge [sflag:s28], $0x8000  }
0x3af: {  	[sflag:s28] =	ssyncset.done $0x0  }
0x3b0: {  	[sflag:s28] =	ssyncadd.s32 $0xFFFF8000  }
0x3b1: {  	_ =	swait.ge [sflag:s29], $0x8000  }
0x3b2: {  	s0 =	sld [smem:$0x7F7]  }
0x3b3: {  	[sflag:s29] =	ssyncset.done $0x0  }
0x3b4: {  	s31 =	sld [smem:$0x7F8];
	[sflag:s29] =	ssyncadd.s32 $0xFFFF8000  }
0x3b5: {  	[spmem:s2] =	stream.indirect.scatter.add.f32 [tilespmem:s19], [sflag:$0x4], $0x20, s0, s9, $0xb8;
	[tilespmem:$0x1F000] =	vst v63  }
0x3b6: {  	s0 =	sld [smem:$0x7F9]  }
0x3b7: {  	[spmem:s2] =	stream.indirect.scatter.add.f32 [tilespmem:s20], [sflag:$0x4], $0x20, s31, s9, $0xb8;
	[tilespmem:$0x1F000] =	vst v63  }
0x3b8: {  	s31 =	sld [smem:$0x7FA]  }
0x3b9: {  	[spmem:s2] =	stream.indirect.scatter.add.f32 [tilespmem:s21], [sflag:$0x4], $0x20, s0, s9, $0xb8;
	[tilespmem:$0x1F000] =	vst v63  }
0x3ba: {  	s0 =	sld [smem:$0x7FB]  }
0x3bb: {  	[spmem:s2] =	stream.indirect.scatter.add.f32 [tilespmem:s22], [sflag:$0x4], $0x20, s31, s9, $0xb8;
	[tilespmem:$0x1F000] =	vst v63  }
0x3bc: {  	s31 =	sld [smem:$0x7FC]  }
0x3bd: {  	[spmem:s2] =	stream.indirect.scatter.add.f32 [tilespmem:s23], [sflag:$0x4], $0x20, s0, s9, $0xb8;
	[tilespmem:$0x1F000] =	vst v63  }
0x3be: {  	s0 =	sld [smem:$0x7FD]  }
0x3bf: {  	[spmem:s2] =	stream.indirect.scatter.add.f32 [tilespmem:s24], [sflag:$0x4], $0x20, s31, s9, $0xb8;
	[tilespmem:$0x1F000] =	vst v63  }
0x3c0: {  	_ = 	snop  }
0x3c1: {  	[spmem:s2] =	stream.indirect.scatter.add.f32 [tilespmem:s25], [sflag:$0x4], $0x20, s0, s9, $0xb8;
	[tilespmem:$0x1F000] =	vst v63  }
0x3c2: {  	s31 =	simm.s32 $0x4F80  }
0x3c3: {  	[spmem:s2] =	stream.indirect.scatter.add.f32 [tilespmem:s26], [sflag:$0x4], $0x20, s31, s9, $0xb8;
	[tilespmem:$0x1F000] =	vst v63  }
0x3c4: {  	p0 =	sne.s32 s1, $0x1;
	_ =	swait.ge [sflag:s30], $0x8000  }
.Ltmp1:
0x3c5: {  	[sflag:s30] =	ssyncset.done $0x0;
	(pc) =	sbr.rel @p0 .LBB2_1-.Ltmp1, $4  }
0x3c6: {  	[sflag:s30] =	ssyncadd.s32 $0xFFFF8000  }
0x3c7: {  	[bflag:$0x0] =	sbarrier.arrive $0xFFFF  }
0x3c8: {  	s1 =	sadd.s32 $0xFFFFFFFF, s1;
	s31 =	rddreg [dreg:$0x8]  }
0x3c9: {  	[hbm:s31], [sflag:s5] =	dma.local [spmem:s7], $0xA00  }
.LBB2_2:
0x3ca: {  	_ =	swait.ge [sflag:s6], $0xA00  }
0x3cb: {  	[sflag:s6] =	ssyncset.done $0x0  }
0x3cc: {  	[sflag:s6] =	ssyncadd.s32 $0xFFFFF600  }
0x3cd: {  	_ =	sfence.sel $0x180000  }
0x3ce: {  	[bflag:$0x0] =	sbarrier.arrive $0xFFFF  }
0x3cf: {  	_ =	strace $0x9000004D  }
0x3d0: {  	s0 =	stileid.u32;
	[bflag:$0x2] =	sbarrier.arrive $0xFFFF  }
0x3d1: {  	p0 =	sne.s32 s0, $0x0;
	s0 =	rddreg [dreg:$0x3]  }
0x3d2: {  	s0 =	sadd.s32 @!p0 $0x100000, s0  }
0x3d3: {  	[sflag:s0] =	ssyncadd.tile.s32 @!p0 $0x1;
	_ =	shalt  }
.Lfunc_end2:
_tile_overlayer_lowered:
.L_overlay_start_2:
0x3d4: {  	(tag) =	ssettag $0x2  }
0x3d5: {  	s0 =	rddreg [dreg:$0x0];
	s2 =	stileid.u32  }
0x3d6: {  	s1 =	rddreg [dreg:$0x1];
	p0 =	sne.s32 s2, $0x0  }
0x3d7: {  	s3 =	rddreg [dreg:$0x2];
	[bflag:$0x3] =	sbarrier.arrive $0xFFFF;
	s2 =	simm.s32 @!p0 $0x1C05  }
0x3d8: {  	[timem:s3], [sflag:s2] =	dma.local @!p0 [hbm:s0], s1  }
0x3d9: {  	s0 =	simm.s32 @!p0 $0x5  }
0x3da: {  	_ =	swait.ge @!p0 [sflag:s0], s1  }
0x3db: {  	s1 =	ssub.s32 @!p0 $0x0, s1;
	[sflag:s0] =	ssyncset.done @!p0 $0x0  }
0x3dc: {  	[sflag:s0] =	ssyncadd.s32 @!p0 s1  }
0x3dd: {  	[bflag:$0x3] =	sbarrier.arrive $0xFFFF  }
0x3de: {  	_ =	shalt  }

// kernel: kernel.9.cloned.1.call-start
scs
__scs_entry_jumppad:
0x0: {  	(pc) =	sbr.rel $0x88, $3  }
0x1: {  	(tag) =	ssettag $0x0;
	lr =	simm.s32 $0x1  }
0x2: {  	[smem:$0x3F95] =	sst lr;
	_ =	strace $0xD0000000  }
0x3: {  	_ = 	snop  }
0x4: {  	_ = 	snop  }
0x5: {  	_ = 	snop  }
0x6: {  	_ = 	snop  }
0x7: {  	_ = 	snop  }
__scs_overlays_trampoline_lowered:
0x8: {  	[smem:$0x3FA4] =	sst s0  }
0x9: {  	[smem:$0x3FA5] =	sst s1  }
0xa: {  	[smem:$0x3FA6] =	sst s2  }
0xb: {  	[smem:$0x3FA7] =	sst s3  }
0xc: {  	[smem:$0x3FA8] =	sst s4  }
0xd: {  	[smem:$0x3FA9] =	sst s5  }
0xe: {  	[smem:$0x3FAA] =	sst s6  }
0xf: {  	[smem:$0x3FAB] =	sst s7  }
0x10: {  	[smem:$0x3FAC] =	sst s8  }
0x11: {  	[smem:$0x3FAD] =	sst s9;
	s0 =	simm.s32 @!p0 $0x0  }
0x12: {  	s1 =	sld [smem:$0x3F93];
	s0 =	simm.s32 @p0 $0x1  }
0x13: {  	[smem:$0x3FAE] =	sst s0;
	s0 =	simm.s32 @!p1 $0x0  }
0x14: {  	s2 =	sld [smem:$0x3F92];
	s0 =	simm.s32 @p1 $0x1  }
0x15: {  	[smem:$0x3FAF] =	sst s0;
	s0 =	simm.s32 @!p2 $0x0  }
0x16: {  	s3 =	sld [smem:$0x3FDB];
	s0 =	simm.s32 @p2 $0x1  }
0x17: {  	s4 =	simm.s32 $0x1BF5;
	[smem:$0x3FB1] =	sst s0  }
0x18: {  	s0 =	sld [smem:$0x3F94];
	_ =	swait.ge [sflag:s4], $0x0  }
0x19: {  	s7 =	sld [smem:$0x3F95]  }
0x1a: {  	s8 =	sadd.s32 $0xFFFFE003, lr  }
0x1b: {  	s9 =	sadd.s32 $0xFFFFFEF7, lr;
	s5 =	simm.s32 $0xFFFFFFFF;
	p2 =	slt.u32 s8, $0xFFFFF086  }
0x1c: {  	p1 =	slt.u32 s9, $0xF7A;
	s5 =	simm.s32 @!p2 $0x0  }
0x1d: {  	s5 =	simm.s32 @p1 $0x1;
	p0 =	seq.s32 s7, s2  }
0x1e: {  	s7 =	smul.u32 @!p0 $0xF7A, s2;
	p2 =	seq.s32 @!p0 s5, $0x0  }
0x1f: {  	s9 =	smul.u32 $0xF7A, s1;
	s8 =	simm.s32 @!p0 $0x1BF5;
	p2 =	por !p2, p0  }
0x20: {  	[sflag:s8] =	ssyncset.s32 @!p0 $0xFFFFF086;
	s6 =	sadd.s32 @!p0 s3, s7;
	s7 =	simm.s32 @!p0 $0x108  }
0x21: {  	s3 =	sadd.s32 s3, s9;
	s6 =	sadd.s32 @!p0 $0x88, s6;
	s7 =	simm.s32 @p2 $0x1082  }
0x22: {  	[simem:s7], [sflag:s8] =	dma.local @!p0 [hbm:s6], $0xF7A  }
0x23: {  	s9 =	sor.u32 $0xD0000000, s2;
	s6 =	simm.s32 $0x108;
	_ =	swait.ge @!p0 [sflag:s8], $0x0  }
0x24: {  	s3 =	sadd.s32 $0x88, s3;
	s6 =	simm.s32 @!p1 $0x1082;
	[sflag:s4] =	ssyncset.s32 $0xFFFFF086  }
0x25: {  	[simem:s6], [sflag:s4] =	dma.local [hbm:s3], $0xF7A  }
0x26: {  	[smem:$0x3F95] =	sst s1;
	(tag) =	ssettag s2;
	_ =	strace s9  }
0x27: {  	s1 =	sld [smem:$0x3FA5]  }
0x28: {  	s2 =	sld [smem:$0x3FA6]  }
0x29: {  	s4 =	sld [smem:$0x3FA8]  }
0x2a: {  	p0 =	seq.s32 s5, $0x0;
	s5 =	sld [smem:$0x3FA9]  }
0x2b: {  	s6 =	sld [smem:$0x3FAA]  }
0x2c: {  	s7 =	sld [smem:$0x3FAB]  }
0x2d: {  	s3 =	simm.s32 $0x108;
	s8 =	sld [smem:$0x3FAC]  }
0x2e: {  	s3 =	simm.s32 @!p0 $0x1082;
	s9 =	sld [smem:$0x3FAD]  }
0x2f: {  	lr =	sadd.s32 s0, s3;
	s0 =	sld [smem:$0x3FA4]  }
0x30: {  	s3 =	sld [smem:$0x3FA7]  }
0x31: {  	[smem:$0x3FB0] =	sst s10  }
0x32: {  	s10 =	sld [smem:$0x3FAE];
	_ =	sdelay $0x3  }
0x33: {  	p0 =	seq.s32 s10, $0x1;
	s10 =	sld [smem:$0x3FB0];
	_ =	sdelay $0x3  }
0x34: {  	[smem:$0x3FB0] =	sst s10  }
0x35: {  	s10 =	sld [smem:$0x3FAF];
	_ =	sdelay $0x3  }
0x36: {  	p1 =	seq.s32 s10, $0x1;
	s10 =	sld [smem:$0x3FB0];
	_ =	sdelay $0x3  }
0x37: {  	[smem:$0x3FB0] =	sst s10  }
0x38: {  	s10 =	sld [smem:$0x3FB1]  }
0x39: {  	_ = 	snop;
	(pc) =	sbr.ind lr, $3  }
0x3a: {  	_ = 	snop  }
0x3b: {  	_ = 	snop  }
0x3c: {  	p2 =	seq.s32 s10, $0x1;
	s10 =	sld [smem:$0x3FB0]  }
0x3d: {  	_ =	shalt  }
0x3e: {  	_ =	shalt  }
0x3f: {  	_ =	shalt  }
0x40: {  	_ =	shalt  }
0x41: {  	_ =	shalt  }
0x42: {  	_ =	shalt  }
0x43: {  	_ =	shalt  }
0x44: {  	_ =	shalt  }
0x45: {  	_ =	shalt  }
0x46: {  	_ =	shalt  }
0x47: {  	_ =	shalt  }
0x48: {  	_ =	shalt  }
0x49: {  	_ =	shalt  }
0x4a: {  	_ =	shalt  }
0x4b: {  	_ =	shalt  }
0x4c: {  	_ =	shalt  }
0x4d: {  	_ =	shalt  }
0x4e: {  	_ =	shalt  }
0x4f: {  	_ =	shalt  }
0x50: {  	_ =	shalt  }
0x51: {  	_ =	shalt  }
0x52: {  	_ =	shalt  }
0x53: {  	_ =	shalt  }
0x54: {  	_ =	shalt  }
0x55: {  	_ =	shalt  }
0x56: {  	_ =	shalt  }
0x57: {  	_ =	shalt  }
0x58: {  	_ =	shalt  }
0x59: {  	_ =	shalt  }
0x5a: {  	_ =	shalt  }
0x5b: {  	_ =	shalt  }
0x5c: {  	_ =	shalt  }
0x5d: {  	_ =	shalt  }
0x5e: {  	_ =	shalt  }
0x5f: {  	_ =	shalt  }
0x60: {  	_ =	shalt  }
0x61: {  	_ =	shalt  }
0x62: {  	_ =	shalt  }
0x63: {  	_ =	shalt  }
0x64: {  	_ =	shalt  }
0x65: {  	_ =	shalt  }
0x66: {  	_ =	shalt  }
0x67: {  	_ =	shalt  }
0x68: {  	_ =	shalt  }
0x69: {  	_ =	shalt  }
0x6a: {  	_ =	shalt  }
0x6b: {  	_ =	shalt  }
0x6c: {  	_ =	shalt  }
0x6d: {  	_ =	shalt  }
0x6e: {  	_ =	shalt  }
0x6f: {  	_ =	shalt  }
0x70: {  	_ =	shalt  }
0x71: {  	_ =	shalt  }
0x72: {  	_ =	shalt  }
0x73: {  	_ =	shalt  }
0x74: {  	_ =	shalt  }
0x75: {  	_ =	shalt  }
0x76: {  	_ =	shalt  }
0x77: {  	_ =	shalt  }
0x78: {  	_ =	shalt  }
0x79: {  	_ =	shalt  }
0x7a: {  	_ =	shalt  }
0x7b: {  	_ =	shalt  }
0x7c: {  	_ =	shalt  }
0x7d: {  	_ =	shalt  }
0x7e: {  	_ =	shalt  }
0x7f: {  	_ =	shalt  }
0x80: {  	_ =	shalt  }
0x81: {  	_ =	shalt  }
0x82: {  	_ =	shalt  }
0x83: {  	_ =	shalt  }
0x84: {  	_ =	shalt  }
0x85: {  	_ =	shalt  }
0x86: {  	_ =	shalt  }
0x87: {  	_ =	shalt  }
.Lfunc_end0:
.L_simem_size_0:
called_computation_lowered:
.L_overlay_start_0:
0x88: {  	s2 =	sld [smem:$0x3FD9]  }
0x89: {  	s3 =	sld [smem:$0x3FFE];
	_ =	sdelay $0x1  }
0x8a: {  	s1 =	srdreg.scid  }
0x8b: {  	s0 =	sand.u32 $0x1, s1  }
0x8c: {  	s16 =	sshll.u32 s0, $0xA;
	s2 =	sadd.s32 s3, s2  }
0x8d: {  	s2 =	sadd.s32 s2, s16  }
0x8e: {  	[smem:$0x3FBC] =	sst s2  }
0x8f: {  	_ = 	snop  }
0x90: {  	(tm) =	ssettm $0x1  }
0x91: {  	s17 =	sld [smem:$0x3FFB];
	_ =	sdelay $0x3  }
0x92: {  	_ =	strace s17  }
0x93: {  	s2 =	sld [smem:$0x3FFC];
	_ =	sdelay $0x3  }
0x94: {  	_ =	strace s2  }
0x95: {  	s2 =	sld [smem:$0x3FFD];
	_ =	sdelay $0x3  }
0x96: {  	_ =	strace s2  }
0x97: {  	_ =	strace $0x8FFFFFFF  }
0x98: {  	s18 =	sld [smem:$0x3FDB];
	_ =	sdelay $0x1  }
0x99: {  	s19 =	simm.s32 $_scs_section_size  }
0x9a: {  	s4 =	simm.s32 $_size__tile_overlayer_lowered;
	s5 =	simm.s32 $_tile_overlayer_lowered  }
0x9b: {  	s22 =	simm.s32 $0x1BFF;
	s21 =	sshll.u32 s5, $0x1;
	s2 =	sadd.s32 s19, s18  }
0x9c: {  	s6 =	simm.s32 $0x0;
	s20 =	sshll.u32 s4, $0x1;
	s4 =	sadd.s32 s21, s2  }
0x9d: {  	[timem:s6], [sflag:s22] =	dma.local [hbm:s4], s20  }
0x9e: {  	_ =	swait.ge [sflag:s22], s20  }
0x9f: {  	s3 =	ssub.s32 $0x0, s20;
	[sflag:s22] =	ssyncset.done $0x0  }
0xa0: {  	[sflag:s22] =	ssyncadd.s32 s3;
	_ =	sdelay $0x1  }
0xa1: {  	s23 =	simm.s32 $0x1B8B  }
0xa2: {  	_ =	swait.ge [sflag:s23], $0x1  }
0xa3: {  	[sflag:s23] =	ssyncset.done $0x0  }
0xa4: {  	s25 =	simm.s32 $0x1B8E;
	s24 =	sld [smem:$0x3FFE];
	[sflag:s23] =	ssyncadd.s32 $0xFFFFFFFF  }
0xa5: {  	s26 =	simm.s32 $execute0_lowered;
	[smem:$0x3FD2] =	sst s25  }
0xa6: {  	s4 =	sshll.u32 s26, $0x1;
	_ =	strace $0x80000046;
	[dreg:$0x1] =	wrdreg $0xFFFFFFFF  }
0xa7: {  	s28 =	simm.s32 $_size_execute0_lowered;
	s2 =	sadd.s32 s2, s4;
	[dreg:$0x0] =	wrdreg $0x0  }
0xa8: {  	s4 =	sshll.u32 s28, $0x1;
	[dreg:$0x2] =	wrdreg s2  }
0xa9: {  	[dreg:$0x3] =	wrdreg s4  }
0xaa: {  	[dreg:$0x4] =	wrdreg $0xC0  }
0xab: {  	_ =	task [dreg:s6], $0x5FFFF  }
0xac: {  	[dreg:$0x1] =	wrdreg $0xFFFFFFFF  }
0xad: {  	[dreg:$0x0] =	wrdreg $0x60  }
0xae: {  	[dreg:$0x2] =	wrdreg s24  }
0xaf: {  	[dreg:$0x3] =	wrdreg $0x50800  }
0xb0: {  	[dreg:$0x4] =	wrdreg $0x9  }
0xb1: {  	_ =	task.clear_ibuf [dreg:s6], $0x5FFFF;
	_ =	strace $0x90000046  }
0xb2: {  	s29 =	simm.s32 $0x9;
	_ =	strace $0x80000048  }
0xb3: {  	_ =	swait.ge [sflag:s29], $0x1  }
0xb4: {  	[sflag:s29] =	ssyncadd.s32 $0xFFFFFFFF  }
0xb5: {  	_ =	strace $0x90000048  }
0xb6: {  	_ =	sfence  }
0xb7: {  	s30 =	sld [smem:$0x0];
	_ =	sdelay $0x2  }
0xb8: {  	s31 =	sshll.u32 s1, $0xD;
	s1 =	sshrl.u32 s1, $0x2  }
0xb9: {  	s3 =	sand.u32 $0x4000, s31;
	s1 =	sadd.s32 s1, s30  }
0xba: {  	s0 =	sor.u32 s3, s0;
	s1 =	sshll.u32 s1, $0x11  }
0xbb: {  	s0 =	sor.u32 s1, s0  }
0xbc: {  	s0 =	sadd.s32 $0x8F2B, s0  }
0xbd: {  	[sflag:s0] =	ssyncadd.remote.s32 $0x1  }
0xbe: {  	_ =	sfence.sel $0xFFFF  }
0xbf: {  	[dreg:$0x0] =	wrdreg $0xFFFFFFFF;
	(pc) =	sbr.abs _section_cstart, $3  }
0xc0: {  	[dreg:$0x1] =	wrdreg $0xFFFFFFFF  }
0xc1: {  	_ =	task.clear_ibuf [dreg:s6], $0x2FFFF;
	_ =	strace $0x9FFFFFFF  }
0xc2: {  	(tm) =	ssettm $0x7FFFFFFF  }
0xc3: {  	_ =	shalt  }
tec
execute0_lowered:
.L_overlay_start_1:
0x0: {  	(tag) =	ssettag $0x1  }
0x1: {  	s1 =	srdreg.scid  }
0x2: {  	s0 =	stileid.u32;
	s13 =	rddreg [dreg:$0x0]  }
0x3: {  	s2 =	rddreg [dreg:$0x1];
	s3 =	simm.s32 $0x0;
	s14 =	simm.s32 $0x2800  }
0x4: {  	s15 =	simm.s32 $0x1;
	s18 =	simm.s32 $0x5000;
	s19 =	simm.s32 $0x80  }
0x5: {  	s20 =	simm.s32 $0x3000;
	s21 =	simm.s32 $0x3800;
	s22 =	simm.s32 $0x4000  }
0x6: {  	s23 =	simm.s32 $0x4800;
	s24 =	simm.s32 $0x0;
	s5 =	sand.u32 $0x1, s1  }
0x7: {  	s30 =	sshll.u32 s0, $0x1;
	s6 =	smul.u32 $0x280, s0;
	[smem:$0x7FF] =	sst s3  }
0x8: {  	s12 =	sadd.s32 $0xD030, s13;
	s16 =	sshll.u32 s0, $0x6;
	s1 =	sor.u32 s5, s30  }
0x9: {  	s7 =	smul.u32 $0x2800, s5;
	s9 =	ssub.s32 $0x2, s5;
	s5 =	sadd.s32 $0xCA00, s13  }
0xa: {  	s16 =	sor.u32 $0x1C01, s16;
	s4 =	smul.u32 $0x500, s1;
	s1 =	rddreg [dreg:$0x2]  }
0xb: {  	_ =	strace $0x80000047;
	s10 =	sshrl.u32 s9, $0x1;
	s31 =	sshrl.u32 s6, $0x3  }
0xc: {  	s17 =	sadd.s32 s6, s2;
	s7 =	sadd.s32 s6, s7;
	s9 =	ssub.s32 s9, s10  }
0xd: {  	s6 =	sadd.s32 s5, s31;
	s10 =	sadd.s32 $0xD010, s13;
	s17 =	sshrl.u32 s17, $0x3  }
0xe: {  	s8 =	sadd.s32 s4, s13;
	s4 =	sadd.s32 $0xD000, s13;
	s7 =	sshrl.u32 s7, $0x3  }
0xf: {  	s9 =	smax.u32 s9, $0x1;
	s11 =	sadd.s32 s7, s13;
	s7 =	sadd.s32 $0x2A00, s8  }
0x10: {  	v0 =	vimm.f32 $1.000000000e+00;
	s8 =	sadd.s32 $0xD200, s11;
	s11 =	sadd.s32 $0xD020, s13;
	s13 =	sadd.s32 $0xD040, s13  }
.LBB2_1:
0x11: {  	[tilespmem:s14], [sflag:$0x1] =	stream.linear.gather [hbm4b:s5+s3], $0x2800, $0x38;
	[tilespmem:$0x5300] =	vst v63  }
0x12: {  	_ =	swait.ge [sflag:s15], $0x2800  }
0x13: {  	[sflag:s15] =	ssyncset.done $0x0  }
0x14: {  	[sflag:s15] =	ssyncadd.s32 $0xFFFFD800  }
0x15: {  	[spmem:s17], [sflag:s16] =	dma.local [hbm:s6], $0x50  }
0x16: {  	_ =	swait.ge [sflag:s15], $0x50  }
0x17: {  	[sflag:s15] =	ssyncset.done $0x0  }
0x18: {  	[sflag:s15] =	ssyncadd.s32 $0xFFFFFFB0  }
0x19: {  	[tilespmem:s3], [sflag:$0x1] =	stream.linear.gather [hbm4b:s7+s3], $0x2800, $0x38;
	[tilespmem:$0x5300] =	vst v63  }
0x1a: {  	_ =	swait.ge [sflag:s15], $0x2800  }
0x1b: {  	[sflag:s15] =	ssyncset.done $0x0  }
0x1c: {  	[sflag:s15] =	ssyncadd.s32 $0xFFFFD800  }
0x1d: {  	s26 =	simm.s32 $0x0;
	s25 =	simm.s32 $0x40;
	[bflag:$0x0] =	sbarrier.arrive $0xFFFF  }
.LBB2_2:
0x1e: {  	p0 =	sne.s32 s25, $0x9FC0;
	v1 =	vld [tilespmem:s26+$0x0];
	_ =	sdelay $0x3  }
.Ltmp0:
0x1f: {  	(pc) =	sbr.rel @p0 .LBB2_2-.Ltmp0, $2  }
0x20: {  	_ =	sdelay $0x2  }
0x21: {  	s26 =	sshra.s32 s25, $0x2;
	s25 =	sadd.s32 $0x40, s25;
	[tilespmem:v1+s14+$0x0] =	vst.idx.add.f32.msk $0xffff, v0  }
0x22: {  	v1 =	vld [tilespmem:s26+$0x0];
	_ =	sdelay $0x7  }
0x23: {  	[tilespmem:v1+s14+$0x0] =	vst.idx.add.f32.msk $0xffff, v0  }
0x24: {  	[tilespmem:s18], [sflag:$0x1] =	stream.linear.gather [hbm4b:s4+s3], $0x80, $0x38;
	[tilespmem:$0x5300] =	vst v63  }
0x25: {  	_ =	swait.ge [sflag:s15], $0x80  }
0x26: {  	[sflag:s15] =	ssyncset.done $0x0  }
0x27: {  	[sflag:s15] =	ssyncadd.s32 $0xFFFFFF80  }
0x28: {  	[spmem:s2] =	stream.indirect.scatter.add.f32 [tilespmem:s14], [sflag:$0x1], $0x10, s18, s19, $0xb8;
	[tilespmem:$0x5300] =	vst v63  }
0x29: {  	_ =	swait.ge [sflag:s15], $0x800  }
0x2a: {  	[sflag:s15] =	ssyncset.done $0x0  }
0x2b: {  	[sflag:s15] =	ssyncadd.s32 $0xFFFFF800  }
0x2c: {  	[tilespmem:s18], [sflag:$0x1] =	stream.linear.gather [hbm4b:s10+s3], $0x80, $0x38;
	[tilespmem:$0x5300] =	vst v63  }
0x2d: {  	_ =	swait.ge [sflag:s15], $0x80  }
0x2e: {  	[sflag:s15] =	ssyncset.done $0x0  }
0x2f: {  	[sflag:s15] =	ssyncadd.s32 $0xFFFFFF80  }
0x30: {  	[spmem:s2] =	stream.indirect.scatter.add.f32 [tilespmem:s20], [sflag:$0x1], $0x10, s18, s19, $0xb8;
	[tilespmem:$0x5300] =	vst v63  }
0x31: {  	_ =	swait.ge [sflag:s15], $0x800  }
0x32: {  	[sflag:s15] =	ssyncset.done $0x0  }
0x33: {  	[sflag:s15] =	ssyncadd.s32 $0xFFFFF800  }
0x34: {  	[tilespmem:s18], [sflag:$0x1] =	stream.linear.gather [hbm4b:s11+s3], $0x80, $0x38;
	[tilespmem:$0x5300] =	vst v63  }
0x35: {  	_ =	swait.ge [sflag:s15], $0x80  }
0x36: {  	[sflag:s15] =	ssyncset.done $0x0  }
0x37: {  	[sflag:s15] =	ssyncadd.s32 $0xFFFFFF80  }
0x38: {  	[spmem:s2] =	stream.indirect.scatter.add.f32 [tilespmem:s21], [sflag:$0x1], $0x10, s18, s19, $0xb8;
	[tilespmem:$0x5300] =	vst v63  }
0x39: {  	_ =	swait.ge [sflag:s15], $0x800  }
0x3a: {  	[sflag:s15] =	ssyncset.done $0x0  }
0x3b: {  	[sflag:s15] =	ssyncadd.s32 $0xFFFFF800  }
0x3c: {  	[tilespmem:s18], [sflag:$0x1] =	stream.linear.gather [hbm4b:s12+s3], $0x80, $0x38;
	[tilespmem:$0x5300] =	vst v63  }
0x3d: {  	_ =	swait.ge [sflag:s15], $0x80  }
0x3e: {  	[sflag:s15] =	ssyncset.done $0x0  }
0x3f: {  	[sflag:s15] =	ssyncadd.s32 $0xFFFFFF80  }
0x40: {  	[spmem:s2] =	stream.indirect.scatter.add.f32 [tilespmem:s22], [sflag:$0x1], $0x10, s18, s19, $0xb8;
	[tilespmem:$0x5300] =	vst v63  }
0x41: {  	_ =	swait.ge [sflag:s15], $0x800  }
0x42: {  	[sflag:s15] =	ssyncset.done $0x0  }
0x43: {  	[sflag:s15] =	ssyncadd.s32 $0xFFFFF800  }
0x44: {  	[tilespmem:s18], [sflag:$0x1] =	stream.linear.gather [hbm4b:s13+s3], $0x80, $0x38;
	[tilespmem:$0x5300] =	vst v63  }
0x45: {  	_ =	swait.ge [sflag:s15], $0x80  }
0x46: {  	[sflag:s15] =	ssyncset.done $0x0  }
0x47: {  	[sflag:s15] =	ssyncadd.s32 $0xFFFFFF80  }
0x48: {  	[spmem:s2] =	stream.indirect.scatter.add.f32 [tilespmem:s23], [sflag:$0x1], $0x10, s18, s19, $0xb8;
	[tilespmem:$0x5300] =	vst v63  }
0x49: {  	_ =	swait.ge [sflag:s15], $0x800  }
0x4a: {  	s24 =	sadd.s32 $0x1, s24;
	[sflag:s15] =	ssyncset.done $0x0  }
0x4b: {  	p0 =	sne.s32 s24, s9;
	[sflag:s15] =	ssyncadd.s32 $0xFFFFF800  }
.Ltmp1:
0x4c: {  	[bflag:$0x0] =	sbarrier.arrive $0xFFFF;
	(pc) =	sbr.rel @p0 .LBB2_1-.Ltmp1, $4  }
0x4d: {  	[hbm:s8], [sflag:s16] =	dma.local [spmem:s17], $0x50  }
0x4e: {  	_ =	swait.ge [sflag:s15], $0x50  }
0x4f: {  	[sflag:s15] =	ssyncset.done $0x0  }
0x50: {  	[sflag:s15] =	ssyncadd.s32 $0xFFFFFFB0  }
0x51: {  	_ =	sfence.sel $0x180000  }
0x52: {  	[bflag:$0x0] =	sbarrier.arrive $0xFFFF  }
0x53: {  	p0 =	sne.s32 s0, $0x0;
	_ =	strace $0x90000047  }
0x54: {  	s0 =	sadd.s32 @!p0 $0x100000, s1;
	[bflag:$0x2] =	sbarrier.arrive $0xFFFF  }
0x55: {  	[sflag:s0] =	ssyncadd.tile.s32 @!p0 $0x1;
	_ =	shalt  }
.Lfunc_end2:
_tile_overlayer_lowered:
.L_overlay_start_2:
0x56: {  	(tag) =	ssettag $0x2  }
0x57: {  	s0 =	rddreg [dreg:$0x0];
	s2 =	stileid.u32  }
0x58: {  	s1 =	rddreg [dreg:$0x1];
	p0 =	sne.s32 s2, $0x0  }
0x59: {  	s3 =	rddreg [dreg:$0x2];
	[bflag:$0x3] =	sbarrier.arrive $0xFFFF;
	s2 =	simm.s32 @!p0 $0x1C01  }
0x5a: {  	[timem:s3], [sflag:s2] =	dma.local @!p0 [hbm:s0], s1  }
0x5b: {  	s0 =	simm.s32 @!p0 $0x1  }
0x5c: {  	_ =	swait.ge @!p0 [sflag:s0], s1  }
0x5d: {  	s1 =	ssub.s32 @!p0 $0x0, s1;
	[sflag:s0] =	ssyncset.done @!p0 $0x0  }
0x5e: {  	[sflag:s0] =	ssyncadd.s32 @!p0 s1  }
0x5f: {  	[bflag:$0x3] =	sbarrier.arrive $0xFFFF  }
0x60: {  	_ =	shalt  }

</sc_bundles>
